<compile_context>
chip_gen: v7x
topology: tpu7x:2x2x1
jax: 0.10.2.dev20260603
libtpu: 0.0.44.dev20260713+nightly
codegen_flags: <defaults>
</compile_context>

<pallas_src>
import functools

import jax
import jax.numpy as jnp
from jax import lax
from jax.experimental import pallas as pl
from jax.experimental.pallas import tpu as pltpu
from jax.experimental.pallas import tpu_sc as plsc

B = 2
N = 10000
E = 160000
D_IN = 128
D_H = 64
F = 4 * D_H

NC = 2
NS = 16
NT = NC * NS
K = 64
NBUF = 5
G0 = 125
G1 = 35
GD = 80
E0 = NS * G0 * K
E1 = NS * G1 * K
E_PAD = E0 + E1
E_PAD_D = NT * GD * K
ACC_ROWS = 10112
ZERO_ROWS = ACC_ROWS // NS
NBLK = 1000
CHUNKS = 4

@functools.lru_cache(maxsize=1)
def _sc_kernels():
    mesh = plsc.VectorSubcoreMesh(core_axis_name="c", subcore_axis_name="s",
                                  num_cores=NC, num_subcores=NS)

    @functools.partial(
        pl.kernel,
        out_type=jax.ShapeDtypeStruct((NC, ACC_ROWS, 128), jnp.float32),
        mesh=mesh,
        scratch_types=[
            pltpu.VMEM((GD, K), jnp.int32),
            pltpu.VMEM((K, 128), jnp.float32),
            pltpu.VMEM_SHARED((ACC_ROWS, 128), jnp.float32),
        ],
    )
    def deg_kernel(dst_hbm, ones_hbm, zeros_hbm, out_hbm, dst_idx, ones_v, acc):
        c = lax.axis_index("c")
        s = lax.axis_index("s")
        eb = c * NS + s
        pltpu.sync_copy(dst_hbm.at[eb], dst_idx)
        pltpu.sync_copy(ones_hbm, ones_v)
        pltpu.sync_copy(zeros_hbm, acc.at[pl.ds(s * ZERO_ROWS, ZERO_ROWS)])
        plsc.subcore_barrier()
        for g in range(GD):
            pltpu.sync_copy(ones_v, acc.at[dst_idx.at[g]], add=True)
        plsc.subcore_barrier()
        pltpu.sync_copy(acc.at[pl.ds(s * ZERO_ROWS, ZERO_ROWS)],
                        out_hbm.at[c, pl.ds(s * ZERO_ROWS, ZERO_ROWS)])

    @functools.partial(
        pl.kernel,
        out_type=jax.ShapeDtypeStruct((NC, CHUNKS, ACC_ROWS, 128), jnp.float32),
        mesh=mesh,
        scratch_types=[
            pltpu.VMEM((G0 * K,), jnp.int32),
            pltpu.VMEM((NBUF, K), jnp.int32),
        ] + [pltpu.VMEM((K, 128), jnp.float32) for _ in range(NBUF)]
          + [pltpu.VMEM_SHARED((ACC_ROWS, 128), jnp.float32)]
          + [pltpu.SemaphoreType.DMA for _ in range(2 * NBUF)],
    )
    def mp_kernel(table_hbm, src_hbm, dst_hbm, zeros_hbm, out_hbm,
                  src_idx, dring, *rest):
        bufs = rest[:NBUF]
        acc = rest[NBUF]
        sems = rest[NBUF + 1:NBUF + 1 + NBUF]
        dsems = rest[NBUF + 1 + NBUF:]
        c = lax.axis_index("c")
        s = lax.axis_index("s")
        eb = c * NS + s
        ng = jnp.where(c == 0, G0, G1)

        @pl.loop(0, CHUNKS)
        def _(ch):
            pltpu.sync_copy(zeros_hbm, bufs[0])
            for j in range(ZERO_ROWS // K):
                pltpu.sync_copy(bufs[0],
                                acc.at[pl.ds(s * ZERO_ROWS + j * K, K)])
            rem = ZERO_ROWS - (ZERO_ROWS // K) * K
            if rem:
                pltpu.sync_copy(
                    bufs[0].at[pl.ds(0, rem)],
                    acc.at[pl.ds(s * ZERO_ROWS + ZERO_ROWS - rem, rem)])
            pltpu.sync_copy(src_hbm.at[eb, ch], src_idx)
            plsc.subcore_barrier()

            for b in range(NBUF):
                pltpu.async_copy(table_hbm.at[src_idx.at[pl.ds(b * K, K)]],
                                 bufs[b], sems[b])
                pltpu.async_copy(dst_hbm.at[eb, b], dring.at[b], dsems[b])

            @pl.loop(0, ng - NBUF, step=NBUF)
            def _(g):
                for b in range(NBUF):
                    pltpu.make_async_copy(table_hbm.at[src_idx.at[pl.ds(0, K)]],
                                          bufs[b], sems[b]).wait()
                    pltpu.make_async_copy(dst_hbm.at[eb, 0],
                                          dring.at[b], dsems[b]).wait()
                    pltpu.sync_copy(bufs[b], acc.at[dring.at[b]], add=True)
                    pltpu.async_copy(
                        table_hbm.at[src_idx.at[pl.ds((g + NBUF + b) * K, K)]],
                        bufs[b], sems[b])
                    pltpu.async_copy(dst_hbm.at[eb, g + NBUF + b],
                                     dring.at[b], dsems[b])

            for b in range(NBUF):
                pltpu.make_async_copy(table_hbm.at[src_idx.at[pl.ds(0, K)]],
                                      bufs[b], sems[b]).wait()
                pltpu.make_async_copy(dst_hbm.at[eb, 0],
                                      dring.at[b], dsems[b]).wait()
                pltpu.sync_copy(bufs[b], acc.at[dring.at[b]], add=True)

            plsc.subcore_barrier()
            pltpu.sync_copy(acc.at[pl.ds(s * ZERO_ROWS, ZERO_ROWS)],
                            out_hbm.at[c, ch, pl.ds(s * ZERO_ROWS, ZERO_ROWS)])
            plsc.subcore_barrier()

    return deg_kernel, mp_kernel



def _tc1_body(x_ref, h_ref, w_ref, dp_ref, out_ref):
    xb = x_ref[0]
    hb = h_ref[0]
    xw = (jnp.dot(xb, w_ref[0:D_IN, :], preferred_element_type=jnp.float32)
          + jnp.dot(hb, w_ref[D_IN:, :], preferred_element_type=jnp.float32))
    deg = dp_ref[0, :, 0] + dp_ref[1, :, 0] + 1.0
    dinv = lax.rsqrt(deg)
    scaled = xw * dinv[:, None]
    out_ref[0] = scaled[:, 0:128]
    out_ref[1] = scaled[:, 128:256]


def _tc1(x, h_cur, w, deg_parts):
    return pl.pallas_call(
        _tc1_body,
        grid=(B, N // NBLK),
        in_specs=[
            pl.BlockSpec((1, NBLK, D_IN), lambda b, n: (b, n, 0)),
            pl.BlockSpec((1, NBLK, D_H), lambda b, n: (b, n, 0)),
            pl.BlockSpec((D_IN + D_H, F), lambda b, n: (0, 0)),
            pl.BlockSpec((NC, NBLK, 128), lambda b, n: (0, n, 0)),
        ],
        out_specs=pl.BlockSpec((2, NBLK, 128), lambda b, n: (b, n, 0)),
        out_shape=jax.ShapeDtypeStruct((CHUNKS, N, 128), jnp.float32),
    )(x, h_cur, w, deg_parts)



def _tc2_body(parts_ref, table_ref, dp_ref, c_ref, bias_ref, h_out, c_out):
    s0 = parts_ref[0, 0] + parts_ref[1, 0] + table_ref[0]
    s1 = parts_ref[0, 1] + parts_ref[1, 1] + table_ref[1]
    deg = dp_ref[0, :, 0] + dp_ref[1, :, 0] + 1.0
    dinv = lax.rsqrt(deg)
    a0 = s0 * dinv[:, None] + bias_ref[0:1, :]
    a1 = s1 * dinv[:, None] + bias_ref[1:2, :]
    gi = jax.nn.sigmoid(a0[:, 0:D_H])
    gf = jax.nn.sigmoid(a0[:, D_H:2 * D_H])
    go = jax.nn.sigmoid(a1[:, 0:D_H])
    gg = jnp.tanh(a1[:, D_H:2 * D_H])
    cn = gf * c_ref[0] + gi * gg
    c_out[0] = cn
    h_out[0] = go * jnp.tanh(cn)


def _tc2(parts, table, deg_parts, c_cur, bias2):
    return pl.pallas_call(
        _tc2_body,
        grid=(B, N // NBLK),
        in_specs=[
            pl.BlockSpec((NC, 2, NBLK, 128), lambda b, n: (0, b, n, 0)),
            pl.BlockSpec((2, NBLK, 128), lambda b, n: (b, n, 0)),
            pl.BlockSpec((NC, NBLK, 128), lambda b, n: (0, n, 0)),
            pl.BlockSpec((1, NBLK, D_H), lambda b, n: (b, n, 0)),
            pl.BlockSpec((2, 128), lambda b, n: (0, 0)),
        ],
        out_specs=[
            pl.BlockSpec((1, NBLK, D_H), lambda b, n: (b, n, 0)),
            pl.BlockSpec((1, NBLK, D_H), lambda b, n: (b, n, 0)),
        ],
        out_shape=[
            jax.ShapeDtypeStruct((B, N, D_H), jnp.float32),
            jax.ShapeDtypeStruct((B, N, D_H), jnp.float32),
        ],
    )(parts, table, deg_parts, c_cur, bias2)



def kernel(x, h_cur, c_cur, edge_index, W, bias):
    src = edge_index[0]
    dst = edge_index[1]
    npad = E_PAD - E
    src_p = jnp.concatenate([src, jnp.zeros((npad,), jnp.int32)])
    dst_p = jnp.concatenate([dst, jnp.full((npad,), N, jnp.int32)])
    src_t = jnp.concatenate([
        src_p[:E0].reshape(NS, G0 * K),
        jnp.pad(src_p[E0:].reshape(NS, G1 * K),
                ((0, 0), (0, (G0 - G1) * K))),
    ], axis=0)
    dst_t = jnp.concatenate([
        dst_p[:E0].reshape(NS, G0, K),
        jnp.pad(dst_p[E0:].reshape(NS, G1, K),
                ((0, 0), (0, G0 - G1), (0, 0)), constant_values=N),
    ], axis=0)
    offs = jnp.arange(CHUNKS, dtype=jnp.int32) * N
    src4 = src_t[:, None, :] + offs[None, :, None]
    dst_d = jnp.concatenate(
        [dst, jnp.full((E_PAD_D - E,), N, jnp.int32)]).reshape(NT, GD, K)

    ones128 = jnp.ones((K, 128), jnp.float32)
    zeros128 = jnp.zeros((ZERO_ROWS, 128), jnp.float32)
    zeros64 = jnp.zeros((K, 128), jnp.float32)

    deg_kernel, mp_kernel = _sc_kernels()
    deg_parts = deg_kernel(dst_d, ones128, zeros128)
    table = _tc1(x, h_cur, W, deg_parts)
    parts = mp_kernel(table.reshape(CHUNKS * N, 128), src4, dst_t, zeros64)
    h_next, c_next = _tc2(parts, table, deg_parts, c_cur, bias.reshape(2, 128))
    return (h_next, c_next)

# --- scband reference (transcript-rebuilt; emitter-appended) ---
"""Pipeline reference for scband-gcnlstmcell-70686571758223 (READ-ONLY COPY).

The authoritative reference and input builder live on the scoring server;
editing this copy changes nothing except your own understanding.
"""

import jax, jax.numpy as jnp
import numpy as np

B = 2
N = 10000
E = 160000
D_IN = 128
D_H = 64

def setup_inputs(seed: int = 0) -> dict:
    key = jax.random.key(seed)
    k1, k2, k3, k4, k5, k6 = jax.random.split(key, 6)
    x = jax.random.normal(k1, (B, N, D_IN), dtype=jnp.float32)
    h_cur = jax.random.normal(k2, (B, N, D_H), dtype=jnp.float32) * 0.1
    c_cur = jax.random.normal(k3, (B, N, D_H), dtype=jnp.float32) * 0.1
    edge_index = jax.random.randint(k4, (2, E), 0, N, dtype=jnp.int32)
    # GCNConv weight: (in_channels, out_channels) = (D_IN + D_H, 4*D_H)
    fan_in = D_IN + D_H
    W = jax.random.normal(k5, (fan_in, 4 * D_H), dtype=jnp.float32) * (1.0 / np.sqrt(fan_in))
    bias = jax.random.normal(k6, (4 * D_H,), dtype=jnp.float32) * 0.01
    return {"x": x, "h_cur": h_cur, "c_cur": c_cur, "edge_index": edge_index, "W": W, "bias": bias}


def reference(x, h_cur, c_cur, edge_index, W, bias):
    # GCNLSTMCell.forward: combined = cat([input, h], dim=2); gconv = GCNConv(D_IN+D_H -> 4*D_H)
    # GCNConv: out = D^{-1/2} (A + I) D^{-1/2} (X W) + b, batched over B identical graphs.
    n = x.shape[1]
    combined = jnp.concatenate([x, h_cur], axis=2)  # (B, N, D_IN+D_H)
    xw = combined @ W  # (B, N, 4*D_H)
    # add self loops
    loop = jnp.arange(n, dtype=edge_index.dtype)
    src = jnp.concatenate([edge_index[0], loop])
    dst = jnp.concatenate([edge_index[1], loop])
    # symmetric normalization
    deg = jnp.zeros((n,), dtype=jnp.float32).at[dst].add(1.0)
    deg_inv_sqrt = jnp.where(deg > 0, 1.0 / jnp.sqrt(deg), 0.0)
    norm = deg_inv_sqrt[src] * deg_inv_sqrt[dst]  # (E+N,)
    # gather messages from source nodes, scatter-add to destination nodes
    msgs = xw[:, src, :] * norm[None, :, None]  # (B, E+N, 4*D_H)
    agg = jnp.zeros_like(xw).at[:, dst, :].add(msgs)  # (B, N, 4*D_H)
    combined_conv = agg + bias
    cc_i, cc_f, cc_o, cc_g = jnp.split(combined_conv, 4, axis=2)
    i = jax.nn.sigmoid(cc_i)
    f = jax.nn.sigmoid(cc_f)
    o = jax.nn.sigmoid(cc_o)
    g = jnp.tanh(cc_g)
    c_next = f * c_cur + i * g
    h_next = o * jnp.tanh(c_next)
    return (h_next, c_next)

if __name__ == "__main__":
    import jax
    _d = setup_inputs()
    print(jax.jit(kernel)(*tuple(_d.values())))

</pallas_src>

<mosaic_0001>
#map = affine_map<(d0, d1) -> (0, 0, 0)>
#map1 = affine_map<(d0, d1) -> (0, 0)>
module attributes {stable_mosaic.version = 14 : i64} {
  func.func @deg_kernel(%arg0: i32, %arg1: i32, %arg2: memref<32x80x64xi32, #tpu.memory_space<hbm>>, %arg3: memref<64x128xf32, #tpu.memory_space<hbm>>, %arg4: memref<632x128xf32, #tpu.memory_space<hbm>>, %arg5: memref<2x10112x128xf32, #tpu.memory_space<hbm>>, %arg6: memref<80x64xi32, #tpu.memory_space<vmem>>, %arg7: memref<64x128xf32, #tpu.memory_space<vmem>>, %arg8: memref<10112x128xf32, #tpu.memory_space<vmem_shared>>) attributes {dimension_semantics = [#tpu.dimension_semantics<core_parallel>, #tpu.dimension_semantics<subcore_parallel>], iteration_bounds = array<i64: 2, 16>, scalar_prefetch = 0 : i64, scratch_operands = 3 : i64, tpu.core_type = #tpu.core_type<sc_vector_subcore>, window_params = [{transform_indices = #map}, {transform_indices = #map1}, {transform_indices = #map1}, {transform_indices = #map}]} {
    %mul3A = arith.constant 16 : i32
    %mul3A_0 = arith.muli %arg0, %mul3A : i32
    %add3A = arith.addi %mul3A_0, %arg1 : i32
    "tpu.region"() ({
      %run_scoped3A_87 = tpu.sem_alloc : memref<!tpu.dma_semaphore, #tpu.memory_space<semaphore_mem>>
      %dma_start3A = arith.constant 0 : i32
      %dma_start3A_88 = arith.constant 0 : i32
      %dma_start3A_89 = tpu.memref_slice %arg2[%add3A, %dma_start3A, %dma_start3A_88] : memref<32x80x64xi32, #tpu.memory_space<hbm>> -> memref<1x80x64xi32, #tpu.memory_space<hbm>>
      %dma_start3A_90 = tpu.memref_squeeze %dma_start3A_89 : memref<1x80x64xi32, #tpu.memory_space<hbm>> -> memref<80x64xi32, #tpu.memory_space<hbm>>
      %dma_start3A_91 = arith.constant 0 : i32
      %dma_start3A_92 = arith.constant 0 : i32
      %dma_start3A_93 = tpu.memref_slice %arg2[%add3A, %dma_start3A_91, %dma_start3A_92] : memref<32x80x64xi32, #tpu.memory_space<hbm>> -> memref<1x80x64xi32, #tpu.memory_space<hbm>>
      %dma_start3A_94 = tpu.memref_squeeze %dma_start3A_93 : memref<1x80x64xi32, #tpu.memory_space<hbm>> -> memref<80x64xi32, #tpu.memory_space<hbm>>
      tpu.enqueue_dma source(%dma_start3A_94 : memref<80x64xi32, #tpu.memory_space<hbm>>) target(%arg6 : memref<80x64xi32, #tpu.memory_space<vmem>>) target_semaphore(%run_scoped3A_87 : memref<!tpu.dma_semaphore, #tpu.memory_space<semaphore_mem>>)
      %dma_wait3A = arith.constant 0 : i32
      %dma_wait3A_95 = arith.constant 0 : i32
      %dma_wait3A_96 = tpu.memref_slice %arg2[%add3A, %dma_wait3A, %dma_wait3A_95] : memref<32x80x64xi32, #tpu.memory_space<hbm>> -> memref<1x80x64xi32, #tpu.memory_space<hbm>>
      %dma_wait3A_97 = tpu.memref_squeeze %dma_wait3A_96 : memref<1x80x64xi32, #tpu.memory_space<hbm>> -> memref<80x64xi32, #tpu.memory_space<hbm>>
      %dma_wait3A_98 = arith.constant 0 : i32
      %dma_wait3A_99 = arith.constant 0 : i32
      %dma_wait3A_100 = tpu.memref_slice %arg2[%add3A, %dma_wait3A_98, %dma_wait3A_99] : memref<32x80x64xi32, #tpu.memory_space<hbm>> -> memref<1x80x64xi32, #tpu.memory_space<hbm>>
      %dma_wait3A_101 = tpu.memref_squeeze %dma_wait3A_100 : memref<1x80x64xi32, #tpu.memory_space<hbm>> -> memref<80x64xi32, #tpu.memory_space<hbm>>
      tpu.wait_dma2 semaphore(%run_scoped3A_87 : memref<!tpu.dma_semaphore, #tpu.memory_space<semaphore_mem>>) src(%dma_wait3A_101 : memref<80x64xi32, #tpu.memory_space<hbm>>) dst(%arg6 : memref<80x64xi32, #tpu.memory_space<vmem>>)
      tpu.yield
    }) : () -> ()
    "tpu.region"() ({
      %run_scoped3A_87 = tpu.sem_alloc : memref<!tpu.dma_semaphore, #tpu.memory_space<semaphore_mem>>
      tpu.enqueue_dma source(%arg3 : memref<64x128xf32, #tpu.memory_space<hbm>>) target(%arg7 : memref<64x128xf32, #tpu.memory_space<vmem>>) target_semaphore(%run_scoped3A_87 : memref<!tpu.dma_semaphore, #tpu.memory_space<semaphore_mem>>)
      tpu.wait_dma2 semaphore(%run_scoped3A_87 : memref<!tpu.dma_semaphore, #tpu.memory_space<semaphore_mem>>) src(%arg3 : memref<64x128xf32, #tpu.memory_space<hbm>>) dst(%arg7 : memref<64x128xf32, #tpu.memory_space<vmem>>)
      tpu.yield
    }) : () -> ()
    %mul3A_1 = arith.constant 632 : i32
    %mul3A_2 = arith.muli %arg1, %mul3A_1 : i32
    "tpu.region"() ({
      %run_scoped3A_87 = tpu.sem_alloc : memref<!tpu.dma_semaphore, #tpu.memory_space<semaphore_mem>>
      %dma_start3A = arith.constant 0 : i32
      %dma_start3A_88 = tpu.memref_slice %arg8[%mul3A_2, %dma_start3A] : memref<10112x128xf32, #tpu.memory_space<vmem_shared>> -> memref<632x128xf32, #tpu.memory_space<vmem_shared>>
      tpu.enqueue_dma source(%arg4 : memref<632x128xf32, #tpu.memory_space<hbm>>) target(%dma_start3A_88 : memref<632x128xf32, #tpu.memory_space<vmem_shared>>) target_semaphore(%run_scoped3A_87 : memref<!tpu.dma_semaphore, #tpu.memory_space<semaphore_mem>>)
      %dma_wait3A = arith.constant 0 : i32
      %dma_wait3A_89 = tpu.memref_slice %arg8[%mul3A_2, %dma_wait3A] : memref<10112x128xf32, #tpu.memory_space<vmem_shared>> -> memref<632x128xf32, #tpu.memory_space<vmem_shared>>
      tpu.wait_dma2 semaphore(%run_scoped3A_87 : memref<!tpu.dma_semaphore, #tpu.memory_space<semaphore_mem>>) src(%arg4 : memref<632x128xf32, #tpu.memory_space<hbm>>) dst(%dma_wait3A_89 : memref<632x128xf32, #tpu.memory_space<vmem_shared>>)
      tpu.yield
    }) : () -> ()
    %barrier3A = arith.constant 0 : index
    tpu.barrier barrier_id(%barrier3A)
    %run_scoped3A = arith.constant 0 : i32
    "tpu.region"() ({
      %run_scoped3A_87 = tpu.sem_alloc : memref<!tpu.dma_semaphore, #tpu.memory_space<semaphore_mem>>
      %dma_start3A = arith.constant 0 : i32
      %dma_start3A_88 = tpu.memref_slice %arg6[%run_scoped3A, %dma_start3A] : memref<80x64xi32, #tpu.memory_space<vmem>> -> memref<1x64xi32, #tpu.memory_space<vmem>>
      %dma_start3A_89 = tpu.memref_squeeze %dma_start3A_88 : memref<1x64xi32, #tpu.memory_space<vmem>> -> memref<64xi32, #tpu.memory_space<vmem>>
      %dma_start3A_90 = arith.constant 0 : i32
      %dma_start3A_91 = arith.constant 0 : i32
      %dma_start3A_92 = tpu.memref_slice %arg8[%dma_start3A_90, %dma_start3A_91] : memref<10112x128xf32, #tpu.memory_space<vmem_shared>> -> memref<10112x128xf32, #tpu.memory_space<vmem_shared>>
      tpu.enqueue_indirect_dma source(%arg7 : memref<64x128xf32, #tpu.memory_space<vmem>>) target(%dma_start3A_92 : memref<10112x128xf32, #tpu.memory_space<vmem_shared>>) offsets(%dma_start3A_89 : memref<64xi32, #tpu.memory_space<vmem>>) semaphore(%run_scoped3A_87 : memref<!tpu.dma_semaphore, #tpu.memory_space<semaphore_mem>>) {add = true}
      %dma_wait3A = arith.constant 0 : i32
      %dma_wait3A_93 = tpu.memref_slice %arg6[%run_scoped3A, %dma_wait3A] : memref<80x64xi32, #tpu.memory_space<vmem>> -> memref<1x64xi32, #tpu.memory_space<vmem>>
      %dma_wait3A_94 = tpu.memref_squeeze %dma_wait3A_93 : memref<1x64xi32, #tpu.memory_space<vmem>> -> memref<64xi32, #tpu.memory_space<vmem>>
      %dma_wait3A_95 = arith.constant 0 : i32
      %dma_wait3A_96 = arith.constant 0 : i32
      %dma_wait3A_97 = tpu.memref_slice %arg8[%dma_wait3A_95, %dma_wait3A_96] : memref<10112x128xf32, #tpu.memory_space<vmem_shared>> -> memref<10112x128xf32, #tpu.memory_space<vmem_shared>>
      tpu.wait_indirect_dma semaphore(%run_scoped3A_87 : memref<!tpu.dma_semaphore, #tpu.memory_space<semaphore_mem>>) src(%arg7 : memref<64x128xf32, #tpu.memory_space<vmem>>) dst(%dma_wait3A_97 : memref<10112x128xf32, #tpu.memory_space<vmem_shared>>)
      tpu.yield
    }) : () -> ()
    %run_scoped3A_3 = arith.constant 1 : i32
    "tpu.region"() ({
      %run_scoped3A_87 = tpu.sem_alloc : memref<!tpu.dma_semaphore, #tpu.memory_space<semaphore_mem>>
      %dma_start3A = arith.constant 0 : i32
      %dma_start3A_88 = tpu.memref_slice %arg6[%run_scoped3A_3, %dma_start3A] : memref<80x64xi32, #tpu.memory_space<vmem>> -> memref<1x64xi32, #tpu.memory_space<vmem>>
      %dma_start3A_89 = tpu.memref_squeeze %dma_start3A_88 : memref<1x64xi32, #tpu.memory_space<vmem>> -> memref<64xi32, #tpu.memory_space<vmem>>
      %dma_start3A_90 = arith.constant 0 : i32
      %dma_start3A_91 = arith.constant 0 : i32
      %dma_start3A_92 = tpu.memref_slice %arg8[%dma_start3A_90, %dma_start3A_91] : memref<10112x128xf32, #tpu.memory_space<vmem_shared>> -> memref<10112x128xf32, #tpu.memory_space<vmem_shared>>
      tpu.enqueue_indirect_dma source(%arg7 : memref<64x128xf32, #tpu.memory_space<vmem>>) target(%dma_start3A_92 : memref<10112x128xf32, #tpu.memory_space<vmem_shared>>) offsets(%dma_start3A_89 : memref<64xi32, #tpu.memory_space<vmem>>) semaphore(%run_scoped3A_87 : memref<!tpu.dma_semaphore, #tpu.memory_space<semaphore_mem>>) {add = true}
      %dma_wait3A = arith.constant 0 : i32
      %dma_wait3A_93 = tpu.memref_slice %arg6[%run_scoped3A_3, %dma_wait3A] : memref<80x64xi32, #tpu.memory_space<vmem>> -> memref<1x64xi32, #tpu.memory_space<vmem>>
      %dma_wait3A_94 = tpu.memref_squeeze %dma_wait3A_93 : memref<1x64xi32, #tpu.memory_space<vmem>> -> memref<64xi32, #tpu.memory_space<vmem>>
      %dma_wait3A_95 = arith.constant 0 : i32
      %dma_wait3A_96 = arith.constant 0 : i32
      %dma_wait3A_97 = tpu.memref_slice %arg8[%dma_wait3A_95, %dma_wait3A_96] : memref<10112x128xf32, #tpu.memory_space<vmem_shared>> -> memref<10112x128xf32, #tpu.memory_space<vmem_shared>>
      tpu.wait_indirect_dma semaphore(%run_scoped3A_87 : memref<!tpu.dma_semaphore, #tpu.memory_space<semaphore_mem>>) src(%arg7 : memref<64x128xf32, #tpu.memory_space<vmem>>) dst(%dma_wait3A_97 : memref<10112x128xf32, #tpu.memory_space<vmem_shared>>)
      tpu.yield
    }) : () -> ()
    %run_scoped3A_4 = arith.constant 2 : i32
    "tpu.region"() ({
      %run_scoped3A_87 = tpu.sem_alloc : memref<!tpu.dma_semaphore, #tpu.memory_space<semaphore_mem>>
      %dma_start3A = arith.constant 0 : i32
      %dma_start3A_88 = tpu.memref_slice %arg6[%run_scoped3A_4, %dma_start3A] : memref<80x64xi32, #tpu.memory_space<vmem>> -> memref<1x64xi32, #tpu.memory_space<vmem>>
      %dma_start3A_89 = tpu.memref_squeeze %dma_start3A_88 : memref<1x64xi32, #tpu.memory_space<vmem>> -> memref<64xi32, #tpu.memory_space<vmem>>
      %dma_start3A_90 = arith.constant 0 : i32
      %dma_start3A_91 = arith.constant 0 : i32
      %dma_start3A_92 = tpu.memref_slice %arg8[%dma_start3A_90, %dma_start3A_91] : memref<10112x128xf32, #tpu.memory_space<vmem_shared>> -> memref<10112x128xf32, #tpu.memory_space<vmem_shared>>
      tpu.enqueue_indirect_dma source(%arg7 : memref<64x128xf32, #tpu.memory_space<vmem>>) target(%dma_start3A_92 : memref<10112x128xf32, #tpu.memory_space<vmem_shared>>) offsets(%dma_start3A_89 : memref<64xi32, #tpu.memory_space<vmem>>) semaphore(%run_scoped3A_87 : memref<!tpu.dma_semaphore, #tpu.memory_space<semaphore_mem>>) {add = true}
      %dma_wait3A = arith.constant 0 : i32
      %dma_wait3A_93 = tpu.memref_slice %arg6[%run_scoped3A_4, %dma_wait3A] : memref<80x64xi32, #tpu.memory_space<vmem>> -> memref<1x64xi32, #tpu.memory_space<vmem>>
      %dma_wait3A_94 = tpu.memref_squeeze %dma_wait3A_93 : memref<1x64xi32, #tpu.memory_space<vmem>> -> memref<64xi32, #tpu.memory_space<vmem>>
      %dma_wait3A_95 = arith.constant 0 : i32
      %dma_wait3A_96 = arith.constant 0 : i32
      %dma_wait3A_97 = tpu.memref_slice %arg8[%dma_wait3A_95, %dma_wait3A_96] : memref<10112x128xf32, #tpu.memory_space<vmem_shared>> -> memref<10112x128xf32, #tpu.memory_space<vmem_shared>>
      tpu.wait_indirect_dma semaphore(%run_scoped3A_87 : memref<!tpu.dma_semaphore, #tpu.memory_space<semaphore_mem>>) src(%arg7 : memref<64x128xf32, #tpu.memory_space<vmem>>) dst(%dma_wait3A_97 : memref<10112x128xf32, #tpu.memory_space<vmem_shared>>)
      tpu.yield
    }) : () -> ()
    %run_scoped3A_5 = arith.constant 3 : i32
    "tpu.region"() ({
      %run_scoped3A_87 = tpu.sem_alloc : memref<!tpu.dma_semaphore, #tpu.memory_space<semaphore_mem>>
      %dma_start3A = arith.constant 0 : i32
      %dma_start3A_88 = tpu.memref_slice %arg6[%run_scoped3A_5, %dma_start3A] : memref<80x64xi32, #tpu.memory_space<vmem>> -> memref<1x64xi32, #tpu.memory_space<vmem>>
      %dma_start3A_89 = tpu.memref_squeeze %dma_start3A_88 : memref<1x64xi32, #tpu.memory_space<vmem>> -> memref<64xi32, #tpu.memory_space<vmem>>
      %dma_start3A_90 = arith.constant 0 : i32
      %dma_start3A_91 = arith.constant 0 : i32
      %dma_start3A_92 = tpu.memref_slice %arg8[%dma_start3A_90, %dma_start3A_91] : memref<10112x128xf32, #tpu.memory_space<vmem_shared>> -> memref<10112x128xf32, #tpu.memory_space<vmem_shared>>
      tpu.enqueue_indirect_dma source(%arg7 : memref<64x128xf32, #tpu.memory_space<vmem>>) target(%dma_start3A_92 : memref<10112x128xf32, #tpu.memory_space<vmem_shared>>) offsets(%dma_start3A_89 : memref<64xi32, #tpu.memory_space<vmem>>) semaphore(%run_scoped3A_87 : memref<!tpu.dma_semaphore, #tpu.memory_space<semaphore_mem>>) {add = true}
      %dma_wait3A = arith.constant 0 : i32
      %dma_wait3A_93 = tpu.memref_slice %arg6[%run_scoped3A_5, %dma_wait3A] : memref<80x64xi32, #tpu.memory_space<vmem>> -> memref<1x64xi32, #tpu.memory_space<vmem>>
      %dma_wait3A_94 = tpu.memref_squeeze %dma_wait3A_93 : memref<1x64xi32, #tpu.memory_space<vmem>> -> memref<64xi32, #tpu.memory_space<vmem>>
      %dma_wait3A_95 = arith.constant 0 : i32
      %dma_wait3A_96 = arith.constant 0 : i32
      %dma_wait3A_97 = tpu.memref_slice %arg8[%dma_wait3A_95, %dma_wait3A_96] : memref<10112x128xf32, #tpu.memory_space<vmem_shared>> -> memref<10112x128xf32, #tpu.memory_space<vmem_shared>>
      tpu.wait_indirect_dma semaphore(%run_scoped3A_87 : memref<!tpu.dma_semaphore, #tpu.memory_space<semaphore_mem>>) src(%arg7 : memref<64x128xf32, #tpu.memory_space<vmem>>) dst(%dma_wait3A_97 : memref<10112x128xf32, #tpu.memory_space<vmem_shared>>)
      tpu.yield
    }) : () -> ()
    %run_scoped3A_6 = arith.constant 4 : i32
    "tpu.region"() ({
      %run_scoped3A_87 = tpu.sem_alloc : memref<!tpu.dma_semaphore, #tpu.memory_space<semaphore_mem>>
      %dma_start3A = arith.constant 0 : i32
      %dma_start3A_88 = tpu.memref_slice %arg6[%run_scoped3A_6, %dma_start3A] : memref<80x64xi32, #tpu.memory_space<vmem>> -> memref<1x64xi32, #tpu.memory_space<vmem>>
      %dma_start3A_89 = tpu.memref_squeeze %dma_start3A_88 : memref<1x64xi32, #tpu.memory_space<vmem>> -> memref<64xi32, #tpu.memory_space<vmem>>
      %dma_start3A_90 = arith.constant 0 : i32
      %dma_start3A_91 = arith.constant 0 : i32
      %dma_start3A_92 = tpu.memref_slice %arg8[%dma_start3A_90, %dma_start3A_91] : memref<10112x128xf32, #tpu.memory_space<vmem_shared>> -> memref<10112x128xf32, #tpu.memory_space<vmem_shared>>
      tpu.enqueue_indirect_dma source(%arg7 : memref<64x128xf32, #tpu.memory_space<vmem>>) target(%dma_start3A_92 : memref<10112x128xf32, #tpu.memory_space<vmem_shared>>) offsets(%dma_start3A_89 : memref<64xi32, #tpu.memory_space<vmem>>) semaphore(%run_scoped3A_87 : memref<!tpu.dma_semaphore, #tpu.memory_space<semaphore_mem>>) {add = true}
      %dma_wait3A = arith.constant 0 : i32
      %dma_wait3A_93 = tpu.memref_slice %arg6[%run_scoped3A_6, %dma_wait3A] : memref<80x64xi32, #tpu.memory_space<vmem>> -> memref<1x64xi32, #tpu.memory_space<vmem>>
      %dma_wait3A_94 = tpu.memref_squeeze %dma_wait3A_93 : memref<1x64xi32, #tpu.memory_space<vmem>> -> memref<64xi32, #tpu.memory_space<vmem>>
      %dma_wait3A_95 = arith.constant 0 : i32
      %dma_wait3A_96 = arith.constant 0 : i32
      %dma_wait3A_97 = tpu.memref_slice %arg8[%dma_wait3A_95, %dma_wait3A_96] : memref<10112x128xf32, #tpu.memory_space<vmem_shared>> -> memref<10112x128xf32, #tpu.memory_space<vmem_shared>>
      tpu.wait_indirect_dma semaphore(%run_scoped3A_87 : memref<!tpu.dma_semaphore, #tpu.memory_space<semaphore_mem>>) src(%arg7 : memref<64x128xf32, #tpu.memory_space<vmem>>) dst(%dma_wait3A_97 : memref<10112x128xf32, #tpu.memory_space<vmem_shared>>)
      tpu.yield
    }) : () -> ()
    %run_scoped3A_7 = arith.constant 5 : i32
    "tpu.region"() ({
      %run_scoped3A_87 = tpu.sem_alloc : memref<!tpu.dma_semaphore, #tpu.memory_space<semaphore_mem>>
      %dma_start3A = arith.constant 0 : i32
      %dma_start3A_88 = tpu.memref_slice %arg6[%run_scoped3A_7, %dma_start3A] : memref<80x64xi32, #tpu.memory_space<vmem>> -> memref<1x64xi32, #tpu.memory_space<vmem>>
      %dma_start3A_89 = tpu.memref_squeeze %dma_start3A_88 : memref<1x64xi32, #tpu.memory_space<vmem>> -> memref<64xi32, #tpu.memory_space<vmem>>
      %dma_start3A_90 = arith.constant 0 : i32
      %dma_start3A_91 = arith.constant 0 : i32
      %dma_start3A_92 = tpu.memref_slice %arg8[%dma_start3A_90, %dma_start3A_91] : memref<10112x128xf32, #tpu.memory_space<vmem_shared>> -> memref<10112x128xf32, #tpu.memory_space<vmem_shared>>
      tpu.enqueue_indirect_dma source(%arg7 : memref<64x128xf32, #tpu.memory_space<vmem>>) target(%dma_start3A_92 : memref<10112x128xf32, #tpu.memory_space<vmem_shared>>) offsets(%dma_start3A_89 : memref<64xi32, #tpu.memory_space<vmem>>) semaphore(%run_scoped3A_87 : memref<!tpu.dma_semaphore, #tpu.memory_space<semaphore_mem>>) {add = true}
      %dma_wait3A = arith.constant 0 : i32
      %dma_wait3A_93 = tpu.memref_slice %arg6[%run_scoped3A_7, %dma_wait3A] : memref<80x64xi32, #tpu.memory_space<vmem>> -> memref<1x64xi32, #tpu.memory_space<vmem>>
      %dma_wait3A_94 = tpu.memref_squeeze %dma_wait3A_93 : memref<1x64xi32, #tpu.memory_space<vmem>> -> memref<64xi32, #tpu.memory_space<vmem>>
      %dma_wait3A_95 = arith.constant 0 : i32
      %dma_wait3A_96 = arith.constant 0 : i32
      %dma_wait3A_97 = tpu.memref_slice %arg8[%dma_wait3A_95, %dma_wait3A_96] : memref<10112x128xf32, #tpu.memory_space<vmem_shared>> -> memref<10112x128xf32, #tpu.memory_space<vmem_shared>>
      tpu.wait_indirect_dma semaphore(%run_scoped3A_87 : memref<!tpu.dma_semaphore, #tpu.memory_space<semaphore_mem>>) src(%arg7 : memref<64x128xf32, #tpu.memory_space<vmem>>) dst(%dma_wait3A_97 : memref<10112x128xf32, #tpu.memory_space<vmem_shared>>)
      tpu.yield
    }) : () -> ()
    %run_scoped3A_8 = arith.constant 6 : i32
    "tpu.region"() ({
      %run_scoped3A_87 = tpu.sem_alloc : memref<!tpu.dma_semaphore, #tpu.memory_space<semaphore_mem>>
      %dma_start3A = arith.constant 0 : i32
      %dma_start3A_88 = tpu.memref_slice %arg6[%run_scoped3A_8, %dma_start3A] : memref<80x64xi32, #tpu.memory_space<vmem>> -> memref<1x64xi32, #tpu.memory_space<vmem>>
      %dma_start3A_89 = tpu.memref_squeeze %dma_start3A_88 : memref<1x64xi32, #tpu.memory_space<vmem>> -> memref<64xi32, #tpu.memory_space<vmem>>
      %dma_start3A_90 = arith.constant 0 : i32
      %dma_start3A_91 = arith.constant 0 : i32
      %dma_start3A_92 = tpu.memref_slice %arg8[%dma_start3A_90, %dma_start3A_91] : memref<10112x128xf32, #tpu.memory_space<vmem_shared>> -> memref<10112x128xf32, #tpu.memory_space<vmem_shared>>
      tpu.enqueue_indirect_dma source(%arg7 : memref<64x128xf32, #tpu.memory_space<vmem>>) target(%dma_start3A_92 : memref<10112x128xf32, #tpu.memory_space<vmem_shared>>) offsets(%dma_start3A_89 : memref<64xi32, #tpu.memory_space<vmem>>) semaphore(%run_scoped3A_87 : memref<!tpu.dma_semaphore, #tpu.memory_space<semaphore_mem>>) {add = true}
      %dma_wait3A = arith.constant 0 : i32
      %dma_wait3A_93 = tpu.memref_slice %arg6[%run_scoped3A_8, %dma_wait3A] : memref<80x64xi32, #tpu.memory_space<vmem>> -> memref<1x64xi32, #tpu.memory_space<vmem>>
      %dma_wait3A_94 = tpu.memref_squeeze %dma_wait3A_93 : memref<1x64xi32, #tpu.memory_space<vmem>> -> memref<64xi32, #tpu.memory_space<vmem>>
      %dma_wait3A_95 = arith.constant 0 : i32
      %dma_wait3A_96 = arith.constant 0 : i32
      %dma_wait3A_97 = tpu.memref_slice %arg8[%dma_wait3A_95, %dma_wait3A_96] : memref<10112x128xf32, #tpu.memory_space<vmem_shared>> -> memref<10112x128xf32, #tpu.memory_space<vmem_shared>>
      tpu.wait_indirect_dma semaphore(%run_scoped3A_87 : memref<!tpu.dma_semaphore, #tpu.memory_space<semaphore_mem>>) src(%arg7 : memref<64x128xf32, #tpu.memory_space<vmem>>) dst(%dma_wait3A_97 : memref<10112x128xf32, #tpu.memory_space<vmem_shared>>)
      tpu.yield
    }) : () -> ()
    %run_scoped3A_9 = arith.constant 7 : i32
    "tpu.region"() ({
      %run_scoped3A_87 = tpu.sem_alloc : memref<!tpu.dma_semaphore, #tpu.memory_space<semaphore_mem>>
      %dma_start3A = arith.constant 0 : i32
      %dma_start3A_88 = tpu.memref_slice %arg6[%run_scoped3A_9, %dma_start3A] : memref<80x64xi32, #tpu.memory_space<vmem>> -> memref<1x64xi32, #tpu.memory_space<vmem>>
      %dma_start3A_89 = tpu.memref_squeeze %dma_start3A_88 : memref<1x64xi32, #tpu.memory_space<vmem>> -> memref<64xi32, #tpu.memory_space<vmem>>
      %dma_start3A_90 = arith.constant 0 : i32
      %dma_start3A_91 = arith.constant 0 : i32
      %dma_start3A_92 = tpu.memref_slice %arg8[%dma_start3A_90, %dma_start3A_91] : memref<10112x128xf32, #tpu.memory_space<vmem_shared>> -> memref<10112x128xf32, #tpu.memory_space<vmem_shared>>
      tpu.enqueue_indirect_dma source(%arg7 : memref<64x128xf32, #tpu.memory_space<vmem>>) target(%dma_start3A_92 : memref<10112x128xf32, #tpu.memory_space<vmem_shared>>) offsets(%dma_start3A_89 : memref<64xi32, #tpu.memory_space<vmem>>) semaphore(%run_scoped3A_87 : memref<!tpu.dma_semaphore, #tpu.memory_space<semaphore_mem>>) {add = true}
      %dma_wait3A = arith.constant 0 : i32
      %dma_wait3A_93 = tpu.memref_slice %arg6[%run_scoped3A_9, %dma_wait3A] : memref<80x64xi32, #tpu.memory_space<vmem>> -> memref<1x64xi32, #tpu.memory_space<vmem>>
      %dma_wait3A_94 = tpu.memref_squeeze %dma_wait3A_93 : memref<1x64xi32, #tpu.memory_space<vmem>> -> memref<64xi32, #tpu.memory_space<vmem>>
      %dma_wait3A_95 = arith.constant 0 : i32
      %dma_wait3A_96 = arith.constant 0 : i32
      %dma_wait3A_97 = tpu.memref_slice %arg8[%dma_wait3A_95, %dma_wait3A_96] : memref<10112x128xf32, #tpu.memory_space<vmem_shared>> -> memref<10112x128xf32, #tpu.memory_space<vmem_shared>>
      tpu.wait_indirect_dma semaphore(%run_scoped3A_87 : memref<!tpu.dma_semaphore, #tpu.memory_space<semaphore_mem>>) src(%arg7 : memref<64x128xf32, #tpu.memory_space<vmem>>) dst(%dma_wait3A_97 : memref<10112x128xf32, #tpu.memory_space<vmem_shared>>)
      tpu.yield
    }) : () -> ()
    %run_scoped3A_10 = arith.constant 8 : i32
    "tpu.region"() ({
      %run_scoped3A_87 = tpu.sem_alloc : memref<!tpu.dma_semaphore, #tpu.memory_space<semaphore_mem>>
      %dma_start3A = arith.constant 0 : i32
      %dma_start3A_88 = tpu.memref_slice %arg6[%run_scoped3A_10, %dma_start3A] : memref<80x64xi32, #tpu.memory_space<vmem>> -> memref<1x64xi32, #tpu.memory_space<vmem>>
      %dma_start3A_89 = tpu.memref_squeeze %dma_start3A_88 : memref<1x64xi32, #tpu.memory_space<vmem>> -> memref<64xi32, #tpu.memory_space<vmem>>
      %dma_start3A_90 = arith.constant 0 : i32
      %dma_start3A_91 = arith.constant 0 : i32
      %dma_start3A_92 = tpu.memref_slice %arg8[%dma_start3A_90, %dma_start3A_91] : memref<10112x128xf32, #tpu.memory_space<vmem_shared>> -> memref<10112x128xf32, #tpu.memory_space<vmem_shared>>
      tpu.enqueue_indirect_dma source(%arg7 : memref<64x128xf32, #tpu.memory_space<vmem>>) target(%dma_start3A_92 : memref<10112x128xf32, #tpu.memory_space<vmem_shared>>) offsets(%dma_start3A_89 : memref<64xi32, #tpu.memory_space<vmem>>) semaphore(%run_scoped3A_87 : memref<!tpu.dma_semaphore, #tpu.memory_space<semaphore_mem>>) {add = true}
      %dma_wait3A = arith.constant 0 : i32
      %dma_wait3A_93 = tpu.memref_slice %arg6[%run_scoped3A_10, %dma_wait3A] : memref<80x64xi32, #tpu.memory_space<vmem>> -> memref<1x64xi32, #tpu.memory_space<vmem>>
      %dma_wait3A_94 = tpu.memref_squeeze %dma_wait3A_93 : memref<1x64xi32, #tpu.memory_space<vmem>> -> memref<64xi32, #tpu.memory_space<vmem>>
      %dma_wait3A_95 = arith.constant 0 : i32
      %dma_wait3A_96 = arith.constant 0 : i32
      %dma_wait3A_97 = tpu.memref_slice %arg8[%dma_wait3A_95, %dma_wait3A_96] : memref<10112x128xf32, #tpu.memory_space<vmem_shared>> -> memref<10112x128xf32, #tpu.memory_space<vmem_shared>>
      tpu.wait_indirect_dma semaphore(%run_scoped3A_87 : memref<!tpu.dma_semaphore, #tpu.memory_space<semaphore_mem>>) src(%arg7 : memref<64x128xf32, #tpu.memory_space<vmem>>) dst(%dma_wait3A_97 : memref<10112x128xf32, #tpu.memory_space<vmem_shared>>)
      tpu.yield
    }) : () -> ()
    %run_scoped3A_11 = arith.constant 9 : i32
    "tpu.region"() ({
      %run_scoped3A_87 = tpu.sem_alloc : memref<!tpu.dma_semaphore, #tpu.memory_space<semaphore_mem>>
      %dma_start3A = arith.constant 0 : i32
      %dma_start3A_88 = tpu.memref_slice %arg6[%run_scoped3A_11, %dma_start3A] : memref<80x64xi32, #tpu.memory_space<vmem>> -> memref<1x64xi32, #tpu.memory_space<vmem>>
      %dma_start3A_89 = tpu.memref_squeeze %dma_start3A_88 : memref<1x64xi32, #tpu.memory_space<vmem>> -> memref<64xi32, #tpu.memory_space<vmem>>
      %dma_start3A_90 = arith.constant 0 : i32
      %dma_start3A_91 = arith.constant 0 : i32
      %dma_start3A_92 = tpu.memref_slice %arg8[%dma_start3A_90, %dma_start3A_91] : memref<10112x128xf32, #tpu.memory_space<vmem_shared>> -> memref<10112x128xf32, #tpu.memory_space<vmem_shared>>
      tpu.enqueue_indirect_dma source(%arg7 : memref<64x128xf32, #tpu.memory_space<vmem>>) target(%dma_start3A_92 : memref<10112x128xf32, #tpu.memory_space<vmem_shared>>) offsets(%dma_start3A_89 : memref<64xi32, #tpu.memory_space<vmem>>) semaphore(%run_scoped3A_87 : memref<!tpu.dma_semaphore, #tpu.memory_space<semaphore_mem>>) {add = true}
      %dma_wait3A = arith.constant 0 : i32
      %dma_wait3A_93 = tpu.memref_slice %arg6[%run_scoped3A_11, %dma_wait3A] : memref<80x64xi32, #tpu.memory_space<vmem>> -> memref<1x64xi32, #tpu.memory_space<vmem>>
      %dma_wait3A_94 = tpu.memref_squeeze %dma_wait3A_93 : memref<1x64xi32, #tpu.memory_space<vmem>> -> memref<64xi32, #tpu.memory_space<vmem>>
      %dma_wait3A_95 = arith.constant 0 : i32
      %dma_wait3A_96 = arith.constant 0 : i32
      %dma_wait3A_97 = tpu.memref_slice %arg8[%dma_wait3A_95, %dma_wait3A_96] : memref<10112x128xf32, #tpu.memory_space<vmem_shared>> -> memref<10112x128xf32, #tpu.memory_space<vmem_shared>>
      tpu.wait_indirect_dma semaphore(%run_scoped3A_87 : memref<!tpu.dma_semaphore, #tpu.memory_space<semaphore_mem>>) src(%arg7 : memref<64x128xf32, #tpu.memory_space<vmem>>) dst(%dma_wait3A_97 : memref<10112x128xf32, #tpu.memory_space<vmem_shared>>)
      tpu.yield
    }) : () -> ()
    %run_scoped3A_12 = arith.constant 10 : i32
    "tpu.region"() ({
      %run_scoped3A_87 = tpu.sem_alloc : memref<!tpu.dma_semaphore, #tpu.memory_space<semaphore_mem>>
      %dma_start3A = arith.constant 0 : i32
      %dma_start3A_88 = tpu.memref_slice %arg6[%run_scoped3A_12, %dma_start3A] : memref<80x64xi32, #tpu.memory_space<vmem>> -> memref<1x64xi32, #tpu.memory_space<vmem>>
      %dma_start3A_89 = tpu.memref_squeeze %dma_start3A_88 : memref<1x64xi32, #tpu.memory_space<vmem>> -> memref<64xi32, #tpu.memory_space<vmem>>
      %dma_start3A_90 = arith.constant 0 : i32
      %dma_start3A_91 = arith.constant 0 : i32
      %dma_start3A_92 = tpu.memref_slice %arg8[%dma_start3A_90, %dma_start3A_91] : memref<10112x128xf32, #tpu.memory_space<vmem_shared>> -> memref<10112x128xf32, #tpu.memory_space<vmem_shared>>
      tpu.enqueue_indirect_dma source(%arg7 : memref<64x128xf32, #tpu.memory_space<vmem>>) target(%dma_start3A_92 : memref<10112x128xf32, #tpu.memory_space<vmem_shared>>) offsets(%dma_start3A_89 : memref<64xi32, #tpu.memory_space<vmem>>) semaphore(%run_scoped3A_87 : memref<!tpu.dma_semaphore, #tpu.memory_space<semaphore_mem>>) {add = true}
      %dma_wait3A = arith.constant 0 : i32
      %dma_wait3A_93 = tpu.memref_slice %arg6[%run_scoped3A_12, %dma_wait3A] : memref<80x64xi32, #tpu.memory_space<vmem>> -> memref<1x64xi32, #tpu.memory_space<vmem>>
      %dma_wait3A_94 = tpu.memref_squeeze %dma_wait3A_93 : memref<1x64xi32, #tpu.memory_space<vmem>> -> memref<64xi32, #tpu.memory_space<vmem>>
      %dma_wait3A_95 = arith.constant 0 : i32
      %dma_wait3A_96 = arith.constant 0 : i32
      %dma_wait3A_97 = tpu.memref_slice %arg8[%dma_wait3A_95, %dma_wait3A_96] : memref<10112x128xf32, #tpu.memory_space<vmem_shared>> -> memref<10112x128xf32, #tpu.memory_space<vmem_shared>>
      tpu.wait_indirect_dma semaphore(%run_scoped3A_87 : memref<!tpu.dma_semaphore, #tpu.memory_space<semaphore_mem>>) src(%arg7 : memref<64x128xf32, #tpu.memory_space<vmem>>) dst(%dma_wait3A_97 : memref<10112x128xf32, #tpu.memory_space<vmem_shared>>)
      tpu.yield
    }) : () -> ()
    %run_scoped3A_13 = arith.constant 11 : i32
    "tpu.region"() ({
      %run_scoped3A_87 = tpu.sem_alloc : memref<!tpu.dma_semaphore, #tpu.memory_space<semaphore_mem>>
      %dma_start3A = arith.constant 0 : i32
      %dma_start3A_88 = tpu.memref_slice %arg6[%run_scoped3A_13, %dma_start3A] : memref<80x64xi32, #tpu.memory_space<vmem>> -> memref<1x64xi32, #tpu.memory_space<vmem>>
      %dma_start3A_89 = tpu.memref_squeeze %dma_start3A_88 : memref<1x64xi32, #tpu.memory_space<vmem>> -> memref<64xi32, #tpu.memory_space<vmem>>
      %dma_start3A_90 = arith.constant 0 : i32
      %dma_start3A_91 = arith.constant 0 : i32
      %dma_start3A_92 = tpu.memref_slice %arg8[%dma_start3A_90, %dma_start3A_91] : memref<10112x128xf32, #tpu.memory_space<vmem_shared>> -> memref<10112x128xf32, #tpu.memory_space<vmem_shared>>
      tpu.enqueue_indirect_dma source(%arg7 : memref<64x128xf32, #tpu.memory_space<vmem>>) target(%dma_start3A_92 : memref<10112x128xf32, #tpu.memory_space<vmem_shared>>) offsets(%dma_start3A_89 : memref<64xi32, #tpu.memory_space<vmem>>) semaphore(%run_scoped3A_87 : memref<!tpu.dma_semaphore, #tpu.memory_space<semaphore_mem>>) {add = true}
      %dma_wait3A = arith.constant 0 : i32
      %dma_wait3A_93 = tpu.memref_slice %arg6[%run_scoped3A_13, %dma_wait3A] : memref<80x64xi32, #tpu.memory_space<vmem>> -> memref<1x64xi32, #tpu.memory_space<vmem>>
      %dma_wait3A_94 = tpu.memref_squeeze %dma_wait3A_93 : memref<1x64xi32, #tpu.memory_space<vmem>> -> memref<64xi32, #tpu.memory_space<vmem>>
      %dma_wait3A_95 = arith.constant 0 : i32
      %dma_wait3A_96 = arith.constant 0 : i32
      %dma_wait3A_97 = tpu.memref_slice %arg8[%dma_wait3A_95, %dma_wait3A_96] : memref<10112x128xf32, #tpu.memory_space<vmem_shared>> -> memref<10112x128xf32, #tpu.memory_space<vmem_shared>>
      tpu.wait_indirect_dma semaphore(%run_scoped3A_87 : memref<!tpu.dma_semaphore, #tpu.memory_space<semaphore_mem>>) src(%arg7 : memref<64x128xf32, #tpu.memory_space<vmem>>) dst(%dma_wait3A_97 : memref<10112x128xf32, #tpu.memory_space<vmem_shared>>)
      tpu.yield
    }) : () -> ()
    %run_scoped3A_14 = arith.constant 12 : i32
    "tpu.region"() ({
      %run_scoped3A_87 = tpu.sem_alloc : memref<!tpu.dma_semaphore, #tpu.memory_space<semaphore_mem>>
      %dma_start3A = arith.constant 0 : i32
      %dma_start3A_88 = tpu.memref_slice %arg6[%run_scoped3A_14, %dma_start3A] : memref<80x64xi32, #tpu.memory_space<vmem>> -> memref<1x64xi32, #tpu.memory_space<vmem>>
      %dma_start3A_89 = tpu.memref_squeeze %dma_start3A_88 : memref<1x64xi32, #tpu.memory_space<vmem>> -> memref<64xi32, #tpu.memory_space<vmem>>
      %dma_start3A_90 = arith.constant 0 : i32
      %dma_start3A_91 = arith.constant 0 : i32
      %dma_start3A_92 = tpu.memref_slice %arg8[%dma_start3A_90, %dma_start3A_91] : memref<10112x128xf32, #tpu.memory_space<vmem_shared>> -> memref<10112x128xf32, #tpu.memory_space<vmem_shared>>
      tpu.enqueue_indirect_dma source(%arg7 : memref<64x128xf32, #tpu.memory_space<vmem>>) target(%dma_start3A_92 : memref<10112x128xf32, #tpu.memory_space<vmem_shared>>) offsets(%dma_start3A_89 : memref<64xi32, #tpu.memory_space<vmem>>) semaphore(%run_scoped3A_87 : memref<!tpu.dma_semaphore, #tpu.memory_space<semaphore_mem>>) {add = true}
      %dma_wait3A = arith.constant 0 : i32
      %dma_wait3A_93 = tpu.memref_slice %arg6[%run_scoped3A_14, %dma_wait3A] : memref<80x64xi32, #tpu.memory_space<vmem>> -> memref<1x64xi32, #tpu.memory_space<vmem>>
      %dma_wait3A_94 = tpu.memref_squeeze %dma_wait3A_93 : memref<1x64xi32, #tpu.memory_space<vmem>> -> memref<64xi32, #tpu.memory_space<vmem>>
      %dma_wait3A_95 = arith.constant 0 : i32
      %dma_wait3A_96 = arith.constant 0 : i32
      %dma_wait3A_97 = tpu.memref_slice %arg8[%dma_wait3A_95, %dma_wait3A_96] : memref<10112x128xf32, #tpu.memory_space<vmem_shared>> -> memref<10112x128xf32, #tpu.memory_space<vmem_shared>>
      tpu.wait_indirect_dma semaphore(%run_scoped3A_87 : memref<!tpu.dma_semaphore, #tpu.memory_space<semaphore_mem>>) src(%arg7 : memref<64x128xf32, #tpu.memory_space<vmem>>) dst(%dma_wait3A_97 : memref<10112x128xf32, #tpu.memory_space<vmem_shared>>)
      tpu.yield
    }) : () -> ()
    %run_scoped3A_15 = arith.constant 13 : i32
    "tpu.region"() ({
      %run_scoped3A_87 = tpu.sem_alloc : memref<!tpu.dma_semaphore, #tpu.memory_space<semaphore_mem>>
      %dma_start3A = arith.constant 0 : i32
      %dma_start3A_88 = tpu.memref_slice %arg6[%run_scoped3A_15, %dma_start3A] : memref<80x64xi32, #tpu.memory_space<vmem>> -> memref<1x64xi32, #tpu.memory_space<vmem>>
      %dma_start3A_89 = tpu.memref_squeeze %dma_start3A_88 : memref<1x64xi32, #tpu.memory_space<vmem>> -> memref<64xi32, #tpu.memory_space<vmem>>
      %dma_start3A_90 = arith.constant 0 : i32
      %dma_start3A_91 = arith.constant 0 : i32
      %dma_start3A_92 = tpu.memref_slice %arg8[%dma_start3A_90, %dma_start3A_91] : memref<10112x128xf32, #tpu.memory_space<vmem_shared>> -> memref<10112x128xf32, #tpu.memory_space<vmem_shared>>
      tpu.enqueue_indirect_dma source(%arg7 : memref<64x128xf32, #tpu.memory_space<vmem>>) target(%dma_start3A_92 : memref<10112x128xf32, #tpu.memory_space<vmem_shared>>) offsets(%dma_start3A_89 : memref<64xi32, #tpu.memory_space<vmem>>) semaphore(%run_scoped3A_87 : memref<!tpu.dma_semaphore, #tpu.memory_space<semaphore_mem>>) {add = true}
      %dma_wait3A = arith.constant 0 : i32
      %dma_wait3A_93 = tpu.memref_slice %arg6[%run_scoped3A_15, %dma_wait3A] : memref<80x64xi32, #tpu.memory_space<vmem>> -> memref<1x64xi32, #tpu.memory_space<vmem>>
      %dma_wait3A_94 = tpu.memref_squeeze %dma_wait3A_93 : memref<1x64xi32, #tpu.memory_space<vmem>> -> memref<64xi32, #tpu.memory_space<vmem>>
      %dma_wait3A_95 = arith.constant 0 : i32
      %dma_wait3A_96 = arith.constant 0 : i32
      %dma_wait3A_97 = tpu.memref_slice %arg8[%dma_wait3A_95, %dma_wait3A_96] : memref<10112x128xf32, #tpu.memory_space<vmem_shared>> -> memref<10112x128xf32, #tpu.memory_space<vmem_shared>>
      tpu.wait_indirect_dma semaphore(%run_scoped3A_87 : memref<!tpu.dma_semaphore, #tpu.memory_space<semaphore_mem>>) src(%arg7 : memref<64x128xf32, #tpu.memory_space<vmem>>) dst(%dma_wait3A_97 : memref<10112x128xf32, #tpu.memory_space<vmem_shared>>)
      tpu.yield
    }) : () -> ()
    %run_scoped3A_16 = arith.constant 14 : i32
    "tpu.region"() ({
      %run_scoped3A_87 = tpu.sem_alloc : memref<!tpu.dma_semaphore, #tpu.memory_space<semaphore_mem>>
      %dma_start3A = arith.constant 0 : i32
      %dma_start3A_88 = tpu.memref_slice %arg6[%run_scoped3A_16, %dma_start3A] : memref<80x64xi32, #tpu.memory_space<vmem>> -> memref<1x64xi32, #tpu.memory_space<vmem>>
      %dma_start3A_89 = tpu.memref_squeeze %dma_start3A_88 : memref<1x64xi32, #tpu.memory_space<vmem>> -> memref<64xi32, #tpu.memory_space<vmem>>
      %dma_start3A_90 = arith.constant 0 : i32
      %dma_start3A_91 = arith.constant 0 : i32
      %dma_start3A_92 = tpu.memref_slice %arg8[%dma_start3A_90, %dma_start3A_91] : memref<10112x128xf32, #tpu.memory_space<vmem_shared>> -> memref<10112x128xf32, #tpu.memory_space<vmem_shared>>
      tpu.enqueue_indirect_dma source(%arg7 : memref<64x128xf32, #tpu.memory_space<vmem>>) target(%dma_start3A_92 : memref<10112x128xf32, #tpu.memory_space<vmem_shared>>) offsets(%dma_start3A_89 : memref<64xi32, #tpu.memory_space<vmem>>) semaphore(%run_scoped3A_87 : memref<!tpu.dma_semaphore, #tpu.memory_space<semaphore_mem>>) {add = true}
      %dma_wait3A = arith.constant 0 : i32
      %dma_wait3A_93 = tpu.memref_slice %arg6[%run_scoped3A_16, %dma_wait3A] : memref<80x64xi32, #tpu.memory_space<vmem>> -> memref<1x64xi32, #tpu.memory_space<vmem>>
      %dma_wait3A_94 = tpu.memref_squeeze %dma_wait3A_93 : memref<1x64xi32, #tpu.memory_space<vmem>> -> memref<64xi32, #tpu.memory_space<vmem>>
      %dma_wait3A_95 = arith.constant 0 : i32
      %dma_wait3A_96 = arith.constant 0 : i32
      %dma_wait3A_97 = tpu.memref_slice %arg8[%dma_wait3A_95, %dma_wait3A_96] : memref<10112x128xf32, #tpu.memory_space<vmem_shared>> -> memref<10112x128xf32, #tpu.memory_space<vmem_shared>>
      tpu.wait_indirect_dma semaphore(%run_scoped3A_87 : memref<!tpu.dma_semaphore, #tpu.memory_space<semaphore_mem>>) src(%arg7 : memref<64x128xf32, #tpu.memory_space<vmem>>) dst(%dma_wait3A_97 : memref<10112x128xf32, #tpu.memory_space<vmem_shared>>)
      tpu.yield
    }) : () -> ()
    %run_scoped3A_17 = arith.constant 15 : i32
    "tpu.region"() ({
      %run_scoped3A_87 = tpu.sem_alloc : memref<!tpu.dma_semaphore, #tpu.memory_space<semaphore_mem>>
      %dma_start3A = arith.constant 0 : i32
      %dma_start3A_88 = tpu.memref_slice %arg6[%run_scoped3A_17, %dma_start3A] : memref<80x64xi32, #tpu.memory_space<vmem>> -> memref<1x64xi32, #tpu.memory_space<vmem>>
      %dma_start3A_89 = tpu.memref_squeeze %dma_start3A_88 : memref<1x64xi32, #tpu.memory_space<vmem>> -> memref<64xi32, #tpu.memory_space<vmem>>
      %dma_start3A_90 = arith.constant 0 : i32
      %dma_start3A_91 = arith.constant 0 : i32
      %dma_start3A_92 = tpu.memref_slice %arg8[%dma_start3A_90, %dma_start3A_91] : memref<10112x128xf32, #tpu.memory_space<vmem_shared>> -> memref<10112x128xf32, #tpu.memory_space<vmem_shared>>
      tpu.enqueue_indirect_dma source(%arg7 : memref<64x128xf32, #tpu.memory_space<vmem>>) target(%dma_start3A_92 : memref<10112x128xf32, #tpu.memory_space<vmem_shared>>) offsets(%dma_start3A_89 : memref<64xi32, #tpu.memory_space<vmem>>) semaphore(%run_scoped3A_87 : memref<!tpu.dma_semaphore, #tpu.memory_space<semaphore_mem>>) {add = true}
      %dma_wait3A = arith.constant 0 : i32
      %dma_wait3A_93 = tpu.memref_slice %arg6[%run_scoped3A_17, %dma_wait3A] : memref<80x64xi32, #tpu.memory_space<vmem>> -> memref<1x64xi32, #tpu.memory_space<vmem>>
      %dma_wait3A_94 = tpu.memref_squeeze %dma_wait3A_93 : memref<1x64xi32, #tpu.memory_space<vmem>> -> memref<64xi32, #tpu.memory_space<vmem>>
      %dma_wait3A_95 = arith.constant 0 : i32
      %dma_wait3A_96 = arith.constant 0 : i32
      %dma_wait3A_97 = tpu.memref_slice %arg8[%dma_wait3A_95, %dma_wait3A_96] : memref<10112x128xf32, #tpu.memory_space<vmem_shared>> -> memref<10112x128xf32, #tpu.memory_space<vmem_shared>>
      tpu.wait_indirect_dma semaphore(%run_scoped3A_87 : memref<!tpu.dma_semaphore, #tpu.memory_space<semaphore_mem>>) src(%arg7 : memref<64x128xf32, #tpu.memory_space<vmem>>) dst(%dma_wait3A_97 : memref<10112x128xf32, #tpu.memory_space<vmem_shared>>)
      tpu.yield
    }) : () -> ()
    %run_scoped3A_18 = arith.constant 16 : i32
    "tpu.region"() ({
      %run_scoped3A_87 = tpu.sem_alloc : memref<!tpu.dma_semaphore, #tpu.memory_space<semaphore_mem>>
      %dma_start3A = arith.constant 0 : i32
      %dma_start3A_88 = tpu.memref_slice %arg6[%run_scoped3A_18, %dma_start3A] : memref<80x64xi32, #tpu.memory_space<vmem>> -> memref<1x64xi32, #tpu.memory_space<vmem>>
      %dma_start3A_89 = tpu.memref_squeeze %dma_start3A_88 : memref<1x64xi32, #tpu.memory_space<vmem>> -> memref<64xi32, #tpu.memory_space<vmem>>
      %dma_start3A_90 = arith.constant 0 : i32
      %dma_start3A_91 = arith.constant 0 : i32
      %dma_start3A_92 = tpu.memref_slice %arg8[%dma_start3A_90, %dma_start3A_91] : memref<10112x128xf32, #tpu.memory_space<vmem_shared>> -> memref<10112x128xf32, #tpu.memory_space<vmem_shared>>
      tpu.enqueue_indirect_dma source(%arg7 : memref<64x128xf32, #tpu.memory_space<vmem>>) target(%dma_start3A_92 : memref<10112x128xf32, #tpu.memory_space<vmem_shared>>) offsets(%dma_start3A_89 : memref<64xi32, #tpu.memory_space<vmem>>) semaphore(%run_scoped3A_87 : memref<!tpu.dma_semaphore, #tpu.memory_space<semaphore_mem>>) {add = true}
      %dma_wait3A = arith.constant 0 : i32
      %dma_wait3A_93 = tpu.memref_slice %arg6[%run_scoped3A_18, %dma_wait3A] : memref<80x64xi32, #tpu.memory_space<vmem>> -> memref<1x64xi32, #tpu.memory_space<vmem>>
      %dma_wait3A_94 = tpu.memref_squeeze %dma_wait3A_93 : memref<1x64xi32, #tpu.memory_space<vmem>> -> memref<64xi32, #tpu.memory_space<vmem>>
      %dma_wait3A_95 = arith.constant 0 : i32
      %dma_wait3A_96 = arith.constant 0 : i32
      %dma_wait3A_97 = tpu.memref_slice %arg8[%dma_wait3A_95, %dma_wait3A_96] : memref<10112x128xf32, #tpu.memory_space<vmem_shared>> -> memref<10112x128xf32, #tpu.memory_space<vmem_shared>>
      tpu.wait_indirect_dma semaphore(%run_scoped3A_87 : memref<!tpu.dma_semaphore, #tpu.memory_space<semaphore_mem>>) src(%arg7 : memref<64x128xf32, #tpu.memory_space<vmem>>) dst(%dma_wait3A_97 : memref<10112x128xf32, #tpu.memory_space<vmem_shared>>)
      tpu.yield
    }) : () -> ()
    %run_scoped3A_19 = arith.constant 17 : i32
    "tpu.region"() ({
      %run_scoped3A_87 = tpu.sem_alloc : memref<!tpu.dma_semaphore, #tpu.memory_space<semaphore_mem>>
      %dma_start3A = arith.constant 0 : i32
      %dma_start3A_88 = tpu.memref_slice %arg6[%run_scoped3A_19, %dma_start3A] : memref<80x64xi32, #tpu.memory_space<vmem>> -> memref<1x64xi32, #tpu.memory_space<vmem>>
      %dma_start3A_89 = tpu.memref_squeeze %dma_start3A_88 : memref<1x64xi32, #tpu.memory_space<vmem>> -> memref<64xi32, #tpu.memory_space<vmem>>
      %dma_start3A_90 = arith.constant 0 : i32
      %dma_start3A_91 = arith.constant 0 : i32
      %dma_start3A_92 = tpu.memref_slice %arg8[%dma_start3A_90, %dma_start3A_91] : memref<10112x128xf32, #tpu.memory_space<vmem_shared>> -> memref<10112x128xf32, #tpu.memory_space<vmem_shared>>
      tpu.enqueue_indirect_dma source(%arg7 : memref<64x128xf32, #tpu.memory_space<vmem>>) target(%dma_start3A_92 : memref<10112x128xf32, #tpu.memory_space<vmem_shared>>) offsets(%dma_start3A_89 : memref<64xi32, #tpu.memory_space<vmem>>) semaphore(%run_scoped3A_87 : memref<!tpu.dma_semaphore, #tpu.memory_space<semaphore_mem>>) {add = true}
      %dma_wait3A = arith.constant 0 : i32
      %dma_wait3A_93 = tpu.memref_slice %arg6[%run_scoped3A_19, %dma_wait3A] : memref<80x64xi32, #tpu.memory_space<vmem>> -> memref<1x64xi32, #tpu.memory_space<vmem>>
      %dma_wait3A_94 = tpu.memref_squeeze %dma_wait3A_93 : memref<1x64xi32, #tpu.memory_space<vmem>> -> memref<64xi32, #tpu.memory_space<vmem>>
      %dma_wait3A_95 = arith.constant 0 : i32
      %dma_wait3A_96 = arith.constant 0 : i32
      %dma_wait3A_97 = tpu.memref_slice %arg8[%dma_wait3A_95, %dma_wait3A_96] : memref<10112x128xf32, #tpu.memory_space<vmem_shared>> -> memref<10112x128xf32, #tpu.memory_space<vmem_shared>>
      tpu.wait_indirect_dma semaphore(%run_scoped3A_87 : memref<!tpu.dma_semaphore, #tpu.memory_space<semaphore_mem>>) src(%arg7 : memref<64x128xf32, #tpu.memory_space<vmem>>) dst(%dma_wait3A_97 : memref<10112x128xf32, #tpu.memory_space<vmem_shared>>)
      tpu.yield
    }) : () -> ()
    %run_scoped3A_20 = arith.constant 18 : i32
    "tpu.region"() ({
      %run_scoped3A_87 = tpu.sem_alloc : memref<!tpu.dma_semaphore, #tpu.memory_space<semaphore_mem>>
      %dma_start3A = arith.constant 0 : i32
      %dma_start3A_88 = tpu.memref_slice %arg6[%run_scoped3A_20, %dma_start3A] : memref<80x64xi32, #tpu.memory_space<vmem>> -> memref<1x64xi32, #tpu.memory_space<vmem>>
      %dma_start3A_89 = tpu.memref_squeeze %dma_start3A_88 : memref<1x64xi32, #tpu.memory_space<vmem>> -> memref<64xi32, #tpu.memory_space<vmem>>
      %dma_start3A_90 = arith.constant 0 : i32
      %dma_start3A_91 = arith.constant 0 : i32
      %dma_start3A_92 = tpu.memref_slice %arg8[%dma_start3A_90, %dma_start3A_91] : memref<10112x128xf32, #tpu.memory_space<vmem_shared>> -> memref<10112x128xf32, #tpu.memory_space<vmem_shared>>
      tpu.enqueue_indirect_dma source(%arg7 : memref<64x128xf32, #tpu.memory_space<vmem>>) target(%dma_start3A_92 : memref<10112x128xf32, #tpu.memory_space<vmem_shared>>) offsets(%dma_start3A_89 : memref<64xi32, #tpu.memory_space<vmem>>) semaphore(%run_scoped3A_87 : memref<!tpu.dma_semaphore, #tpu.memory_space<semaphore_mem>>) {add = true}
      %dma_wait3A = arith.constant 0 : i32
      %dma_wait3A_93 = tpu.memref_slice %arg6[%run_scoped3A_20, %dma_wait3A] : memref<80x64xi32, #tpu.memory_space<vmem>> -> memref<1x64xi32, #tpu.memory_space<vmem>>
      %dma_wait3A_94 = tpu.memref_squeeze %dma_wait3A_93 : memref<1x64xi32, #tpu.memory_space<vmem>> -> memref<64xi32, #tpu.memory_space<vmem>>
      %dma_wait3A_95 = arith.constant 0 : i32
      %dma_wait3A_96 = arith.constant 0 : i32
      %dma_wait3A_97 = tpu.memref_slice %arg8[%dma_wait3A_95, %dma_wait3A_96] : memref<10112x128xf32, #tpu.memory_space<vmem_shared>> -> memref<10112x128xf32, #tpu.memory_space<vmem_shared>>
      tpu.wait_indirect_dma semaphore(%run_scoped3A_87 : memref<!tpu.dma_semaphore, #tpu.memory_space<semaphore_mem>>) src(%arg7 : memref<64x128xf32, #tpu.memory_space<vmem>>) dst(%dma_wait3A_97 : memref<10112x128xf32, #tpu.memory_space<vmem_shared>>)
      tpu.yield
    }) : () -> ()
    %run_scoped3A_21 = arith.constant 19 : i32
    "tpu.region"() ({
      %run_scoped3A_87 = tpu.sem_alloc : memref<!tpu.dma_semaphore, #tpu.memory_space<semaphore_mem>>
      %dma_start3A = arith.constant 0 : i32
      %dma_start3A_88 = tpu.memref_slice %arg6[%run_scoped3A_21, %dma_start3A] : memref<80x64xi32, #tpu.memory_space<vmem>> -> memref<1x64xi32, #tpu.memory_space<vmem>>
      %dma_start3A_89 = tpu.memref_squeeze %dma_start3A_88 : memref<1x64xi32, #tpu.memory_space<vmem>> -> memref<64xi32, #tpu.memory_space<vmem>>
      %dma_start3A_90 = arith.constant 0 : i32
      %dma_start3A_91 = arith.constant 0 : i32
      %dma_start3A_92 = tpu.memref_slice %arg8[%dma_start3A_90, %dma_start3A_91] : memref<10112x128xf32, #tpu.memory_space<vmem_shared>> -> memref<10112x128xf32, #tpu.memory_space<vmem_shared>>
      tpu.enqueue_indirect_dma source(%arg7 : memref<64x128xf32, #tpu.memory_space<vmem>>) target(%dma_start3A_92 : memref<10112x128xf32, #tpu.memory_space<vmem_shared>>) offsets(%dma_start3A_89 : memref<64xi32, #tpu.memory_space<vmem>>) semaphore(%run_scoped3A_87 : memref<!tpu.dma_semaphore, #tpu.memory_space<semaphore_mem>>) {add = true}
      %dma_wait3A = arith.constant 0 : i32
      %dma_wait3A_93 = tpu.memref_slice %arg6[%run_scoped3A_21, %dma_wait3A] : memref<80x64xi32, #tpu.memory_space<vmem>> -> memref<1x64xi32, #tpu.memory_space<vmem>>
      %dma_wait3A_94 = tpu.memref_squeeze %dma_wait3A_93 : memref<1x64xi32, #tpu.memory_space<vmem>> -> memref<64xi32, #tpu.memory_space<vmem>>
      %dma_wait3A_95 = arith.constant 0 : i32
      %dma_wait3A_96 = arith.constant 0 : i32
      %dma_wait3A_97 = tpu.memref_slice %arg8[%dma_wait3A_95, %dma_wait3A_96] : memref<10112x128xf32, #tpu.memory_space<vmem_shared>> -> memref<10112x128xf32, #tpu.memory_space<vmem_shared>>
      tpu.wait_indirect_dma semaphore(%run_scoped3A_87 : memref<!tpu.dma_semaphore, #tpu.memory_space<semaphore_mem>>) src(%arg7 : memref<64x128xf32, #tpu.memory_space<vmem>>) dst(%dma_wait3A_97 : memref<10112x128xf32, #tpu.memory_space<vmem_shared>>)
      tpu.yield
    }) : () -> ()
    %run_scoped3A_22 = arith.constant 20 : i32
    "tpu.region"() ({
      %run_scoped3A_87 = tpu.sem_alloc : memref<!tpu.dma_semaphore, #tpu.memory_space<semaphore_mem>>
      %dma_start3A = arith.constant 0 : i32
      %dma_start3A_88 = tpu.memref_slice %arg6[%run_scoped3A_22, %dma_start3A] : memref<80x64xi32, #tpu.memory_space<vmem>> -> memref<1x64xi32, #tpu.memory_space<vmem>>
      %dma_start3A_89 = tpu.memref_squeeze %dma_start3A_88 : memref<1x64xi32, #tpu.memory_space<vmem>> -> memref<64xi32, #tpu.memory_space<vmem>>
      %dma_start3A_90 = arith.constant 0 : i32
      %dma_start3A_91 = arith.constant 0 : i32
      %dma_start3A_92 = tpu.memref_slice %arg8[%dma_start3A_90, %dma_start3A_91] : memref<10112x128xf32, #tpu.memory_space<vmem_shared>> -> memref<10112x128xf32, #tpu.memory_space<vmem_shared>>
      tpu.enqueue_indirect_dma source(%arg7 : memref<64x128xf32, #tpu.memory_space<vmem>>) target(%dma_start3A_92 : memref<10112x128xf32, #tpu.memory_space<vmem_shared>>) offsets(%dma_start3A_89 : memref<64xi32, #tpu.memory_space<vmem>>) semaphore(%run_scoped3A_87 : memref<!tpu.dma_semaphore, #tpu.memory_space<semaphore_mem>>) {add = true}
      %dma_wait3A = arith.constant 0 : i32
      %dma_wait3A_93 = tpu.memref_slice %arg6[%run_scoped3A_22, %dma_wait3A] : memref<80x64xi32, #tpu.memory_space<vmem>> -> memref<1x64xi32, #tpu.memory_space<vmem>>
      %dma_wait3A_94 = tpu.memref_squeeze %dma_wait3A_93 : memref<1x64xi32, #tpu.memory_space<vmem>> -> memref<64xi32, #tpu.memory_space<vmem>>
      %dma_wait3A_95 = arith.constant 0 : i32
      %dma_wait3A_96 = arith.constant 0 : i32
      %dma_wait3A_97 = tpu.memref_slice %arg8[%dma_wait3A_95, %dma_wait3A_96] : memref<10112x128xf32, #tpu.memory_space<vmem_shared>> -> memref<10112x128xf32, #tpu.memory_space<vmem_shared>>
      tpu.wait_indirect_dma semaphore(%run_scoped3A_87 : memref<!tpu.dma_semaphore, #tpu.memory_space<semaphore_mem>>) src(%arg7 : memref<64x128xf32, #tpu.memory_space<vmem>>) dst(%dma_wait3A_97 : memref<10112x128xf32, #tpu.memory_space<vmem_shared>>)
      tpu.yield
    }) : () -> ()
    %run_scoped3A_23 = arith.constant 21 : i32
    "tpu.region"() ({
      %run_scoped3A_87 = tpu.sem_alloc : memref<!tpu.dma_semaphore, #tpu.memory_space<semaphore_mem>>
      %dma_start3A = arith.constant 0 : i32
      %dma_start3A_88 = tpu.memref_slice %arg6[%run_scoped3A_23, %dma_start3A] : memref<80x64xi32, #tpu.memory_space<vmem>> -> memref<1x64xi32, #tpu.memory_space<vmem>>
      %dma_start3A_89 = tpu.memref_squeeze %dma_start3A_88 : memref<1x64xi32, #tpu.memory_space<vmem>> -> memref<64xi32, #tpu.memory_space<vmem>>
      %dma_start3A_90 = arith.constant 0 : i32
      %dma_start3A_91 = arith.constant 0 : i32
      %dma_start3A_92 = tpu.memref_slice %arg8[%dma_start3A_90, %dma_start3A_91] : memref<10112x128xf32, #tpu.memory_space<vmem_shared>> -> memref<10112x128xf32, #tpu.memory_space<vmem_shared>>
      tpu.enqueue_indirect_dma source(%arg7 : memref<64x128xf32, #tpu.memory_space<vmem>>) target(%dma_start3A_92 : memref<10112x128xf32, #tpu.memory_space<vmem_shared>>) offsets(%dma_start3A_89 : memref<64xi32, #tpu.memory_space<vmem>>) semaphore(%run_scoped3A_87 : memref<!tpu.dma_semaphore, #tpu.memory_space<semaphore_mem>>) {add = true}
      %dma_wait3A = arith.constant 0 : i32
      %dma_wait3A_93 = tpu.memref_slice %arg6[%run_scoped3A_23, %dma_wait3A] : memref<80x64xi32, #tpu.memory_space<vmem>> -> memref<1x64xi32, #tpu.memory_space<vmem>>
      %dma_wait3A_94 = tpu.memref_squeeze %dma_wait3A_93 : memref<1x64xi32, #tpu.memory_space<vmem>> -> memref<64xi32, #tpu.memory_space<vmem>>
      %dma_wait3A_95 = arith.constant 0 : i32
      %dma_wait3A_96 = arith.constant 0 : i32
      %dma_wait3A_97 = tpu.memref_slice %arg8[%dma_wait3A_95, %dma_wait3A_96] : memref<10112x128xf32, #tpu.memory_space<vmem_shared>> -> memref<10112x128xf32, #tpu.memory_space<vmem_shared>>
      tpu.wait_indirect_dma semaphore(%run_scoped3A_87 : memref<!tpu.dma_semaphore, #tpu.memory_space<semaphore_mem>>) src(%arg7 : memref<64x128xf32, #tpu.memory_space<vmem>>) dst(%dma_wait3A_97 : memref<10112x128xf32, #tpu.memory_space<vmem_shared>>)
      tpu.yield
    }) : () -> ()
    %run_scoped3A_24 = arith.constant 22 : i32
    "tpu.region"() ({
      %run_scoped3A_87 = tpu.sem_alloc : memref<!tpu.dma_semaphore, #tpu.memory_space<semaphore_mem>>
      %dma_start3A = arith.constant 0 : i32
      %dma_start3A_88 = tpu.memref_slice %arg6[%run_scoped3A_24, %dma_start3A] : memref<80x64xi32, #tpu.memory_space<vmem>> -> memref<1x64xi32, #tpu.memory_space<vmem>>
      %dma_start3A_89 = tpu.memref_squeeze %dma_start3A_88 : memref<1x64xi32, #tpu.memory_space<vmem>> -> memref<64xi32, #tpu.memory_space<vmem>>
      %dma_start3A_90 = arith.constant 0 : i32
      %dma_start3A_91 = arith.constant 0 : i32
      %dma_start3A_92 = tpu.memref_slice %arg8[%dma_start3A_90, %dma_start3A_91] : memref<10112x128xf32, #tpu.memory_space<vmem_shared>> -> memref<10112x128xf32, #tpu.memory_space<vmem_shared>>
      tpu.enqueue_indirect_dma source(%arg7 : memref<64x128xf32, #tpu.memory_space<vmem>>) target(%dma_start3A_92 : memref<10112x128xf32, #tpu.memory_space<vmem_shared>>) offsets(%dma_start3A_89 : memref<64xi32, #tpu.memory_space<vmem>>) semaphore(%run_scoped3A_87 : memref<!tpu.dma_semaphore, #tpu.memory_space<semaphore_mem>>) {add = true}
      %dma_wait3A = arith.constant 0 : i32
      %dma_wait3A_93 = tpu.memref_slice %arg6[%run_scoped3A_24, %dma_wait3A] : memref<80x64xi32, #tpu.memory_space<vmem>> -> memref<1x64xi32, #tpu.memory_space<vmem>>
      %dma_wait3A_94 = tpu.memref_squeeze %dma_wait3A_93 : memref<1x64xi32, #tpu.memory_space<vmem>> -> memref<64xi32, #tpu.memory_space<vmem>>
      %dma_wait3A_95 = arith.constant 0 : i32
      %dma_wait3A_96 = arith.constant 0 : i32
      %dma_wait3A_97 = tpu.memref_slice %arg8[%dma_wait3A_95, %dma_wait3A_96] : memref<10112x128xf32, #tpu.memory_space<vmem_shared>> -> memref<10112x128xf32, #tpu.memory_space<vmem_shared>>
      tpu.wait_indirect_dma semaphore(%run_scoped3A_87 : memref<!tpu.dma_semaphore, #tpu.memory_space<semaphore_mem>>) src(%arg7 : memref<64x128xf32, #tpu.memory_space<vmem>>) dst(%dma_wait3A_97 : memref<10112x128xf32, #tpu.memory_space<vmem_shared>>)
      tpu.yield
    }) : () -> ()
    %run_scoped3A_25 = arith.constant 23 : i32
    "tpu.region"() ({
      %run_scoped3A_87 = tpu.sem_alloc : memref<!tpu.dma_semaphore, #tpu.memory_space<semaphore_mem>>
      %dma_start3A = arith.constant 0 : i32
      %dma_start3A_88 = tpu.memref_slice %arg6[%run_scoped3A_25, %dma_start3A] : memref<80x64xi32, #tpu.memory_space<vmem>> -> memref<1x64xi32, #tpu.memory_space<vmem>>
      %dma_start3A_89 = tpu.memref_squeeze %dma_start3A_88 : memref<1x64xi32, #tpu.memory_space<vmem>> -> memref<64xi32, #tpu.memory_space<vmem>>
      %dma_start3A_90 = arith.constant 0 : i32
      %dma_start3A_91 = arith.constant 0 : i32
      %dma_start3A_92 = tpu.memref_slice %arg8[%dma_start3A_90, %dma_start3A_91] : memref<10112x128xf32, #tpu.memory_space<vmem_shared>> -> memref<10112x128xf32, #tpu.memory_space<vmem_shared>>
      tpu.enqueue_indirect_dma source(%arg7 : memref<64x128xf32, #tpu.memory_space<vmem>>) target(%dma_start3A_92 : memref<10112x128xf32, #tpu.memory_space<vmem_shared>>) offsets(%dma_start3A_89 : memref<64xi32, #tpu.memory_space<vmem>>) semaphore(%run_scoped3A_87 : memref<!tpu.dma_semaphore, #tpu.memory_space<semaphore_mem>>) {add = true}
      %dma_wait3A = arith.constant 0 : i32
      %dma_wait3A_93 = tpu.memref_slice %arg6[%run_scoped3A_25, %dma_wait3A] : memref<80x64xi32, #tpu.memory_space<vmem>> -> memref<1x64xi32, #tpu.memory_space<vmem>>
      %dma_wait3A_94 = tpu.memref_squeeze %dma_wait3A_93 : memref<1x64xi32, #tpu.memory_space<vmem>> -> memref<64xi32, #tpu.memory_space<vmem>>
      %dma_wait3A_95 = arith.constant 0 : i32
      %dma_wait3A_96 = arith.constant 0 : i32
      %dma_wait3A_97 = tpu.memref_slice %arg8[%dma_wait3A_95, %dma_wait3A_96] : memref<10112x128xf32, #tpu.memory_space<vmem_shared>> -> memref<10112x128xf32, #tpu.memory_space<vmem_shared>>
      tpu.wait_indirect_dma semaphore(%run_scoped3A_87 : memref<!tpu.dma_semaphore, #tpu.memory_space<semaphore_mem>>) src(%arg7 : memref<64x128xf32, #tpu.memory_space<vmem>>) dst(%dma_wait3A_97 : memref<10112x128xf32, #tpu.memory_space<vmem_shared>>)
      tpu.yield
    }) : () -> ()
    %run_scoped3A_26 = arith.constant 24 : i32
    "tpu.region"() ({
      %run_scoped3A_87 = tpu.sem_alloc : memref<!tpu.dma_semaphore, #tpu.memory_space<semaphore_mem>>
      %dma_start3A = arith.constant 0 : i32
      %dma_start3A_88 = tpu.memref_slice %arg6[%run_scoped3A_26, %dma_start3A] : memref<80x64xi32, #tpu.memory_space<vmem>> -> memref<1x64xi32, #tpu.memory_space<vmem>>
      %dma_start3A_89 = tpu.memref_squeeze %dma_start3A_88 : memref<1x64xi32, #tpu.memory_space<vmem>> -> memref<64xi32, #tpu.memory_space<vmem>>
      %dma_start3A_90 = arith.constant 0 : i32
      %dma_start3A_91 = arith.constant 0 : i32
      %dma_start3A_92 = tpu.memref_slice %arg8[%dma_start3A_90, %dma_start3A_91] : memref<10112x128xf32, #tpu.memory_space<vmem_shared>> -> memref<10112x128xf32, #tpu.memory_space<vmem_shared>>
      tpu.enqueue_indirect_dma source(%arg7 : memref<64x128xf32, #tpu.memory_space<vmem>>) target(%dma_start3A_92 : memref<10112x128xf32, #tpu.memory_space<vmem_shared>>) offsets(%dma_start3A_89 : memref<64xi32, #tpu.memory_space<vmem>>) semaphore(%run_scoped3A_87 : memref<!tpu.dma_semaphore, #tpu.memory_space<semaphore_mem>>) {add = true}
      %dma_wait3A = arith.constant 0 : i32
      %dma_wait3A_93 = tpu.memref_slice %arg6[%run_scoped3A_26, %dma_wait3A] : memref<80x64xi32, #tpu.memory_space<vmem>> -> memref<1x64xi32, #tpu.memory_space<vmem>>
      %dma_wait3A_94 = tpu.memref_squeeze %dma_wait3A_93 : memref<1x64xi32, #tpu.memory_space<vmem>> -> memref<64xi32, #tpu.memory_space<vmem>>
      %dma_wait3A_95 = arith.constant 0 : i32
      %dma_wait3A_96 = arith.constant 0 : i32
      %dma_wait3A_97 = tpu.memref_slice %arg8[%dma_wait3A_95, %dma_wait3A_96] : memref<10112x128xf32, #tpu.memory_space<vmem_shared>> -> memref<10112x128xf32, #tpu.memory_space<vmem_shared>>
      tpu.wait_indirect_dma semaphore(%run_scoped3A_87 : memref<!tpu.dma_semaphore, #tpu.memory_space<semaphore_mem>>) src(%arg7 : memref<64x128xf32, #tpu.memory_space<vmem>>) dst(%dma_wait3A_97 : memref<10112x128xf32, #tpu.memory_space<vmem_shared>>)
      tpu.yield
    }) : () -> ()
    %run_scoped3A_27 = arith.constant 25 : i32
    "tpu.region"() ({
      %run_scoped3A_87 = tpu.sem_alloc : memref<!tpu.dma_semaphore, #tpu.memory_space<semaphore_mem>>
      %dma_start3A = arith.constant 0 : i32
      %dma_start3A_88 = tpu.memref_slice %arg6[%run_scoped3A_27, %dma_start3A] : memref<80x64xi32, #tpu.memory_space<vmem>> -> memref<1x64xi32, #tpu.memory_space<vmem>>
      %dma_start3A_89 = tpu.memref_squeeze %dma_start3A_88 : memref<1x64xi32, #tpu.memory_space<vmem>> -> memref<64xi32, #tpu.memory_space<vmem>>
      %dma_start3A_90 = arith.constant 0 : i32
      %dma_start3A_91 = arith.constant 0 : i32
      %dma_start3A_92 = tpu.memref_slice %arg8[%dma_start3A_90, %dma_start3A_91] : memref<10112x128xf32, #tpu.memory_space<vmem_shared>> -> memref<10112x128xf32, #tpu.memory_space<vmem_shared>>
      tpu.enqueue_indirect_dma source(%arg7 : memref<64x128xf32, #tpu.memory_space<vmem>>) target(%dma_start3A_92 : memref<10112x128xf32, #tpu.memory_space<vmem_shared>>) offsets(%dma_start3A_89 : memref<64xi32, #tpu.memory_space<vmem>>) semaphore(%run_scoped3A_87 : memref<!tpu.dma_semaphore, #tpu.memory_space<semaphore_mem>>) {add = true}
      %dma_wait3A = arith.constant 0 : i32
      %dma_wait3A_93 = tpu.memref_slice %arg6[%run_scoped3A_27, %dma_wait3A] : memref<80x64xi32, #tpu.memory_space<vmem>> -> memref<1x64xi32, #tpu.memory_space<vmem>>
      %dma_wait3A_94 = tpu.memref_squeeze %dma_wait3A_93 : memref<1x64xi32, #tpu.memory_space<vmem>> -> memref<64xi32, #tpu.memory_space<vmem>>
      %dma_wait3A_95 = arith.constant 0 : i32
      %dma_wait3A_96 = arith.constant 0 : i32
      %dma_wait3A_97 = tpu.memref_slice %arg8[%dma_wait3A_95, %dma_wait3A_96] : memref<10112x128xf32, #tpu.memory_space<vmem_shared>> -> memref<10112x128xf32, #tpu.memory_space<vmem_shared>>
      tpu.wait_indirect_dma semaphore(%run_scoped3A_87 : memref<!tpu.dma_semaphore, #tpu.memory_space<semaphore_mem>>) src(%arg7 : memref<64x128xf32, #tpu.memory_space<vmem>>) dst(%dma_wait3A_97 : memref<10112x128xf32, #tpu.memory_space<vmem_shared>>)
      tpu.yield
    }) : () -> ()
    %run_scoped3A_28 = arith.constant 26 : i32
    "tpu.region"() ({
      %run_scoped3A_87 = tpu.sem_alloc : memref<!tpu.dma_semaphore, #tpu.memory_space<semaphore_mem>>
      %dma_start3A = arith.constant 0 : i32
      %dma_start3A_88 = tpu.memref_slice %arg6[%run_scoped3A_28, %dma_start3A] : memref<80x64xi32, #tpu.memory_space<vmem>> -> memref<1x64xi32, #tpu.memory_space<vmem>>
      %dma_start3A_89 = tpu.memref_squeeze %dma_start3A_88 : memref<1x64xi32, #tpu.memory_space<vmem>> -> memref<64xi32, #tpu.memory_space<vmem>>
      %dma_start3A_90 = arith.constant 0 : i32
      %dma_start3A_91 = arith.constant 0 : i32
      %dma_start3A_92 = tpu.memref_slice %arg8[%dma_start3A_90, %dma_start3A_91] : memref<10112x128xf32, #tpu.memory_space<vmem_shared>> -> memref<10112x128xf32, #tpu.memory_space<vmem_shared>>
      tpu.enqueue_indirect_dma source(%arg7 : memref<64x128xf32, #tpu.memory_space<vmem>>) target(%dma_start3A_92 : memref<10112x128xf32, #tpu.memory_space<vmem_shared>>) offsets(%dma_start3A_89 : memref<64xi32, #tpu.memory_space<vmem>>) semaphore(%run_scoped3A_87 : memref<!tpu.dma_semaphore, #tpu.memory_space<semaphore_mem>>) {add = true}
      %dma_wait3A = arith.constant 0 : i32
      %dma_wait3A_93 = tpu.memref_slice %arg6[%run_scoped3A_28, %dma_wait3A] : memref<80x64xi32, #tpu.memory_space<vmem>> -> memref<1x64xi32, #tpu.memory_space<vmem>>
      %dma_wait3A_94 = tpu.memref_squeeze %dma_wait3A_93 : memref<1x64xi32, #tpu.memory_space<vmem>> -> memref<64xi32, #tpu.memory_space<vmem>>
      %dma_wait3A_95 = arith.constant 0 : i32
      %dma_wait3A_96 = arith.constant 0 : i32
      %dma_wait3A_97 = tpu.memref_slice %arg8[%dma_wait3A_95, %dma_wait3A_96] : memref<10112x128xf32, #tpu.memory_space<vmem_shared>> -> memref<10112x128xf32, #tpu.memory_space<vmem_shared>>
      tpu.wait_indirect_dma semaphore(%run_scoped3A_87 : memref<!tpu.dma_semaphore, #tpu.memory_space<semaphore_mem>>) src(%arg7 : memref<64x128xf32, #tpu.memory_space<vmem>>) dst(%dma_wait3A_97 : memref<10112x128xf32, #tpu.memory_space<vmem_shared>>)
      tpu.yield
    }) : () -> ()
    %run_scoped3A_29 = arith.constant 27 : i32
    "tpu.region"() ({
      %run_scoped3A_87 = tpu.sem_alloc : memref<!tpu.dma_semaphore, #tpu.memory_space<semaphore_mem>>
      %dma_start3A = arith.constant 0 : i32
      %dma_start3A_88 = tpu.memref_slice %arg6[%run_scoped3A_29, %dma_start3A] : memref<80x64xi32, #tpu.memory_space<vmem>> -> memref<1x64xi32, #tpu.memory_space<vmem>>
      %dma_start3A_89 = tpu.memref_squeeze %dma_start3A_88 : memref<1x64xi32, #tpu.memory_space<vmem>> -> memref<64xi32, #tpu.memory_space<vmem>>
      %dma_start3A_90 = arith.constant 0 : i32
      %dma_start3A_91 = arith.constant 0 : i32
      %dma_start3A_92 = tpu.memref_slice %arg8[%dma_start3A_90, %dma_start3A_91] : memref<10112x128xf32, #tpu.memory_space<vmem_shared>> -> memref<10112x128xf32, #tpu.memory_space<vmem_shared>>
      tpu.enqueue_indirect_dma source(%arg7 : memref<64x128xf32, #tpu.memory_space<vmem>>) target(%dma_start3A_92 : memref<10112x128xf32, #tpu.memory_space<vmem_shared>>) offsets(%dma_start3A_89 : memref<64xi32, #tpu.memory_space<vmem>>) semaphore(%run_scoped3A_87 : memref<!tpu.dma_semaphore, #tpu.memory_space<semaphore_mem>>) {add = true}
      %dma_wait3A = arith.constant 0 : i32
      %dma_wait3A_93 = tpu.memref_slice %arg6[%run_scoped3A_29, %dma_wait3A] : memref<80x64xi32, #tpu.memory_space<vmem>> -> memref<1x64xi32, #tpu.memory_space<vmem>>
      %dma_wait3A_94 = tpu.memref_squeeze %dma_wait3A_93 : memref<1x64xi32, #tpu.memory_space<vmem>> -> memref<64xi32, #tpu.memory_space<vmem>>
      %dma_wait3A_95 = arith.constant 0 : i32
      %dma_wait3A_96 = arith.constant 0 : i32
      %dma_wait3A_97 = tpu.memref_slice %arg8[%dma_wait3A_95, %dma_wait3A_96] : memref<10112x128xf32, #tpu.memory_space<vmem_shared>> -> memref<10112x128xf32, #tpu.memory_space<vmem_shared>>
      tpu.wait_indirect_dma semaphore(%run_scoped3A_87 : memref<!tpu.dma_semaphore, #tpu.memory_space<semaphore_mem>>) src(%arg7 : memref<64x128xf32, #tpu.memory_space<vmem>>) dst(%dma_wait3A_97 : memref<10112x128xf32, #tpu.memory_space<vmem_shared>>)
      tpu.yield
    }) : () -> ()
    %run_scoped3A_30 = arith.constant 28 : i32
    "tpu.region"() ({
      %run_scoped3A_87 = tpu.sem_alloc : memref<!tpu.dma_semaphore, #tpu.memory_space<semaphore_mem>>
      %dma_start3A = arith.constant 0 : i32
      %dma_start3A_88 = tpu.memref_slice %arg6[%run_scoped3A_30, %dma_start3A] : memref<80x64xi32, #tpu.memory_space<vmem>> -> memref<1x64xi32, #tpu.memory_space<vmem>>
      %dma_start3A_89 = tpu.memref_squeeze %dma_start3A_88 : memref<1x64xi32, #tpu.memory_space<vmem>> -> memref<64xi32, #tpu.memory_space<vmem>>
      %dma_start3A_90 = arith.constant 0 : i32
      %dma_start3A_91 = arith.constant 0 : i32
      %dma_start3A_92 = tpu.memref_slice %arg8[%dma_start3A_90, %dma_start3A_91] : memref<10112x128xf32, #tpu.memory_space<vmem_shared>> -> memref<10112x128xf32, #tpu.memory_space<vmem_shared>>
      tpu.enqueue_indirect_dma source(%arg7 : memref<64x128xf32, #tpu.memory_space<vmem>>) target(%dma_start3A_92 : memref<10112x128xf32, #tpu.memory_space<vmem_shared>>) offsets(%dma_start3A_89 : memref<64xi32, #tpu.memory_space<vmem>>) semaphore(%run_scoped3A_87 : memref<!tpu.dma_semaphore, #tpu.memory_space<semaphore_mem>>) {add = true}
      %dma_wait3A = arith.constant 0 : i32
      %dma_wait3A_93 = tpu.memref_slice %arg6[%run_scoped3A_30, %dma_wait3A] : memref<80x64xi32, #tpu.memory_space<vmem>> -> memref<1x64xi32, #tpu.memory_space<vmem>>
      %dma_wait3A_94 = tpu.memref_squeeze %dma_wait3A_93 : memref<1x64xi32, #tpu.memory_space<vmem>> -> memref<64xi32, #tpu.memory_space<vmem>>
      %dma_wait3A_95 = arith.constant 0 : i32
      %dma_wait3A_96 = arith.constant 0 : i32
      %dma_wait3A_97 = tpu.memref_slice %arg8[%dma_wait3A_95, %dma_wait3A_96] : memref<10112x128xf32, #tpu.memory_space<vmem_shared>> -> memref<10112x128xf32, #tpu.memory_space<vmem_shared>>
      tpu.wait_indirect_dma semaphore(%run_scoped3A_87 : memref<!tpu.dma_semaphore, #tpu.memory_space<semaphore_mem>>) src(%arg7 : memref<64x128xf32, #tpu.memory_space<vmem>>) dst(%dma_wait3A_97 : memref<10112x128xf32, #tpu.memory_space<vmem_shared>>)
      tpu.yield
    }) : () -> ()
    %run_scoped3A_31 = arith.constant 29 : i32
    "tpu.region"() ({
      %run_scoped3A_87 = tpu.sem_alloc : memref<!tpu.dma_semaphore, #tpu.memory_space<semaphore_mem>>
      %dma_start3A = arith.constant 0 : i32
      %dma_start3A_88 = tpu.memref_slice %arg6[%run_scoped3A_31, %dma_start3A] : memref<80x64xi32, #tpu.memory_space<vmem>> -> memref<1x64xi32, #tpu.memory_space<vmem>>
      %dma_start3A_89 = tpu.memref_squeeze %dma_start3A_88 : memref<1x64xi32, #tpu.memory_space<vmem>> -> memref<64xi32, #tpu.memory_space<vmem>>
      %dma_start3A_90 = arith.constant 0 : i32
      %dma_start3A_91 = arith.constant 0 : i32
      %dma_start3A_92 = tpu.memref_slice %arg8[%dma_start3A_90, %dma_start3A_91] : memref<10112x128xf32, #tpu.memory_space<vmem_shared>> -> memref<10112x128xf32, #tpu.memory_space<vmem_shared>>
      tpu.enqueue_indirect_dma source(%arg7 : memref<64x128xf32, #tpu.memory_space<vmem>>) target(%dma_start3A_92 : memref<10112x128xf32, #tpu.memory_space<vmem_shared>>) offsets(%dma_start3A_89 : memref<64xi32, #tpu.memory_space<vmem>>) semaphore(%run_scoped3A_87 : memref<!tpu.dma_semaphore, #tpu.memory_space<semaphore_mem>>) {add = true}
      %dma_wait3A = arith.constant 0 : i32
      %dma_wait3A_93 = tpu.memref_slice %arg6[%run_scoped3A_31, %dma_wait3A] : memref<80x64xi32, #tpu.memory_space<vmem>> -> memref<1x64xi32, #tpu.memory_space<vmem>>
      %dma_wait3A_94 = tpu.memref_squeeze %dma_wait3A_93 : memref<1x64xi32, #tpu.memory_space<vmem>> -> memref<64xi32, #tpu.memory_space<vmem>>
      %dma_wait3A_95 = arith.constant 0 : i32
      %dma_wait3A_96 = arith.constant 0 : i32
      %dma_wait3A_97 = tpu.memref_slice %arg8[%dma_wait3A_95, %dma_wait3A_96] : memref<10112x128xf32, #tpu.memory_space<vmem_shared>> -> memref<10112x128xf32, #tpu.memory_space<vmem_shared>>
      tpu.wait_indirect_dma semaphore(%run_scoped3A_87 : memref<!tpu.dma_semaphore, #tpu.memory_space<semaphore_mem>>) src(%arg7 : memref<64x128xf32, #tpu.memory_space<vmem>>) dst(%dma_wait3A_97 : memref<10112x128xf32, #tpu.memory_space<vmem_shared>>)
      tpu.yield
    }) : () -> ()
    %run_scoped3A_32 = arith.constant 30 : i32
    "tpu.region"() ({
      %run_scoped3A_87 = tpu.sem_alloc : memref<!tpu.dma_semaphore, #tpu.memory_space<semaphore_mem>>
      %dma_start3A = arith.constant 0 : i32
      %dma_start3A_88 = tpu.memref_slice %arg6[%run_scoped3A_32, %dma_start3A] : memref<80x64xi32, #tpu.memory_space<vmem>> -> memref<1x64xi32, #tpu.memory_space<vmem>>
      %dma_start3A_89 = tpu.memref_squeeze %dma_start3A_88 : memref<1x64xi32, #tpu.memory_space<vmem>> -> memref<64xi32, #tpu.memory_space<vmem>>
      %dma_start3A_90 = arith.constant 0 : i32
      %dma_start3A_91 = arith.constant 0 : i32
      %dma_start3A_92 = tpu.memref_slice %arg8[%dma_start3A_90, %dma_start3A_91] : memref<10112x128xf32, #tpu.memory_space<vmem_shared>> -> memref<10112x128xf32, #tpu.memory_space<vmem_shared>>
      tpu.enqueue_indirect_dma source(%arg7 : memref<64x128xf32, #tpu.memory_space<vmem>>) target(%dma_start3A_92 : memref<10112x128xf32, #tpu.memory_space<vmem_shared>>) offsets(%dma_start3A_89 : memref<64xi32, #tpu.memory_space<vmem>>) semaphore(%run_scoped3A_87 : memref<!tpu.dma_semaphore, #tpu.memory_space<semaphore_mem>>) {add = true}
      %dma_wait3A = arith.constant 0 : i32
      %dma_wait3A_93 = tpu.memref_slice %arg6[%run_scoped3A_32, %dma_wait3A] : memref<80x64xi32, #tpu.memory_space<vmem>> -> memref<1x64xi32, #tpu.memory_space<vmem>>
      %dma_wait3A_94 = tpu.memref_squeeze %dma_wait3A_93 : memref<1x64xi32, #tpu.memory_space<vmem>> -> memref<64xi32, #tpu.memory_space<vmem>>
      %dma_wait3A_95 = arith.constant 0 : i32
      %dma_wait3A_96 = arith.constant 0 : i32
      %dma_wait3A_97 = tpu.memref_slice %arg8[%dma_wait3A_95, %dma_wait3A_96] : memref<10112x128xf32, #tpu.memory_space<vmem_shared>> -> memref<10112x128xf32, #tpu.memory_space<vmem_shared>>
      tpu.wait_indirect_dma semaphore(%run_scoped3A_87 : memref<!tpu.dma_semaphore, #tpu.memory_space<semaphore_mem>>) src(%arg7 : memref<64x128xf32, #tpu.memory_space<vmem>>) dst(%dma_wait3A_97 : memref<10112x128xf32, #tpu.memory_space<vmem_shared>>)
      tpu.yield
    }) : () -> ()
    %run_scoped3A_33 = arith.constant 31 : i32
    "tpu.region"() ({
      %run_scoped3A_87 = tpu.sem_alloc : memref<!tpu.dma_semaphore, #tpu.memory_space<semaphore_mem>>
      %dma_start3A = arith.constant 0 : i32
      %dma_start3A_88 = tpu.memref_slice %arg6[%run_scoped3A_33, %dma_start3A] : memref<80x64xi32, #tpu.memory_space<vmem>> -> memref<1x64xi32, #tpu.memory_space<vmem>>
      %dma_start3A_89 = tpu.memref_squeeze %dma_start3A_88 : memref<1x64xi32, #tpu.memory_space<vmem>> -> memref<64xi32, #tpu.memory_space<vmem>>
      %dma_start3A_90 = arith.constant 0 : i32
      %dma_start3A_91 = arith.constant 0 : i32
      %dma_start3A_92 = tpu.memref_slice %arg8[%dma_start3A_90, %dma_start3A_91] : memref<10112x128xf32, #tpu.memory_space<vmem_shared>> -> memref<10112x128xf32, #tpu.memory_space<vmem_shared>>
      tpu.enqueue_indirect_dma source(%arg7 : memref<64x128xf32, #tpu.memory_space<vmem>>) target(%dma_start3A_92 : memref<10112x128xf32, #tpu.memory_space<vmem_shared>>) offsets(%dma_start3A_89 : memref<64xi32, #tpu.memory_space<vmem>>) semaphore(%run_scoped3A_87 : memref<!tpu.dma_semaphore, #tpu.memory_space<semaphore_mem>>) {add = true}
      %dma_wait3A = arith.constant 0 : i32
      %dma_wait3A_93 = tpu.memref_slice %arg6[%run_scoped3A_33, %dma_wait3A] : memref<80x64xi32, #tpu.memory_space<vmem>> -> memref<1x64xi32, #tpu.memory_space<vmem>>
      %dma_wait3A_94 = tpu.memref_squeeze %dma_wait3A_93 : memref<1x64xi32, #tpu.memory_space<vmem>> -> memref<64xi32, #tpu.memory_space<vmem>>
      %dma_wait3A_95 = arith.constant 0 : i32
      %dma_wait3A_96 = arith.constant 0 : i32
      %dma_wait3A_97 = tpu.memref_slice %arg8[%dma_wait3A_95, %dma_wait3A_96] : memref<10112x128xf32, #tpu.memory_space<vmem_shared>> -> memref<10112x128xf32, #tpu.memory_space<vmem_shared>>
      tpu.wait_indirect_dma semaphore(%run_scoped3A_87 : memref<!tpu.dma_semaphore, #tpu.memory_space<semaphore_mem>>) src(%arg7 : memref<64x128xf32, #tpu.memory_space<vmem>>) dst(%dma_wait3A_97 : memref<10112x128xf32, #tpu.memory_space<vmem_shared>>)
      tpu.yield
    }) : () -> ()
    %run_scoped3A_34 = arith.constant 32 : i32
    "tpu.region"() ({
      %run_scoped3A_87 = tpu.sem_alloc : memref<!tpu.dma_semaphore, #tpu.memory_space<semaphore_mem>>
      %dma_start3A = arith.constant 0 : i32
      %dma_start3A_88 = tpu.memref_slice %arg6[%run_scoped3A_34, %dma_start3A] : memref<80x64xi32, #tpu.memory_space<vmem>> -> memref<1x64xi32, #tpu.memory_space<vmem>>
      %dma_start3A_89 = tpu.memref_squeeze %dma_start3A_88 : memref<1x64xi32, #tpu.memory_space<vmem>> -> memref<64xi32, #tpu.memory_space<vmem>>
      %dma_start3A_90 = arith.constant 0 : i32
      %dma_start3A_91 = arith.constant 0 : i32
      %dma_start3A_92 = tpu.memref_slice %arg8[%dma_start3A_90, %dma_start3A_91] : memref<10112x128xf32, #tpu.memory_space<vmem_shared>> -> memref<10112x128xf32, #tpu.memory_space<vmem_shared>>
      tpu.enqueue_indirect_dma source(%arg7 : memref<64x128xf32, #tpu.memory_space<vmem>>) target(%dma_start3A_92 : memref<10112x128xf32, #tpu.memory_space<vmem_shared>>) offsets(%dma_start3A_89 : memref<64xi32, #tpu.memory_space<vmem>>) semaphore(%run_scoped3A_87 : memref<!tpu.dma_semaphore, #tpu.memory_space<semaphore_mem>>) {add = true}
      %dma_wait3A = arith.constant 0 : i32
      %dma_wait3A_93 = tpu.memref_slice %arg6[%run_scoped3A_34, %dma_wait3A] : memref<80x64xi32, #tpu.memory_space<vmem>> -> memref<1x64xi32, #tpu.memory_space<vmem>>
      %dma_wait3A_94 = tpu.memref_squeeze %dma_wait3A_93 : memref<1x64xi32, #tpu.memory_space<vmem>> -> memref<64xi32, #tpu.memory_space<vmem>>
      %dma_wait3A_95 = arith.constant 0 : i32
      %dma_wait3A_96 = arith.constant 0 : i32
      %dma_wait3A_97 = tpu.memref_slice %arg8[%dma_wait3A_95, %dma_wait3A_96] : memref<10112x128xf32, #tpu.memory_space<vmem_shared>> -> memref<10112x128xf32, #tpu.memory_space<vmem_shared>>
      tpu.wait_indirect_dma semaphore(%run_scoped3A_87 : memref<!tpu.dma_semaphore, #tpu.memory_space<semaphore_mem>>) src(%arg7 : memref<64x128xf32, #tpu.memory_space<vmem>>) dst(%dma_wait3A_97 : memref<10112x128xf32, #tpu.memory_space<vmem_shared>>)
      tpu.yield
    }) : () -> ()
    %run_scoped3A_35 = arith.constant 33 : i32
    "tpu.region"() ({
      %run_scoped3A_87 = tpu.sem_alloc : memref<!tpu.dma_semaphore, #tpu.memory_space<semaphore_mem>>
      %dma_start3A = arith.constant 0 : i32
      %dma_start3A_88 = tpu.memref_slice %arg6[%run_scoped3A_35, %dma_start3A] : memref<80x64xi32, #tpu.memory_space<vmem>> -> memref<1x64xi32, #tpu.memory_space<vmem>>
      %dma_start3A_89 = tpu.memref_squeeze %dma_start3A_88 : memref<1x64xi32, #tpu.memory_space<vmem>> -> memref<64xi32, #tpu.memory_space<vmem>>
      %dma_start3A_90 = arith.constant 0 : i32
      %dma_start3A_91 = arith.constant 0 : i32
      %dma_start3A_92 = tpu.memref_slice %arg8[%dma_start3A_90, %dma_start3A_91] : memref<10112x128xf32, #tpu.memory_space<vmem_shared>> -> memref<10112x128xf32, #tpu.memory_space<vmem_shared>>
      tpu.enqueue_indirect_dma source(%arg7 : memref<64x128xf32, #tpu.memory_space<vmem>>) target(%dma_start3A_92 : memref<10112x128xf32, #tpu.memory_space<vmem_shared>>) offsets(%dma_start3A_89 : memref<64xi32, #tpu.memory_space<vmem>>) semaphore(%run_scoped3A_87 : memref<!tpu.dma_semaphore, #tpu.memory_space<semaphore_mem>>) {add = true}
      %dma_wait3A = arith.constant 0 : i32
      %dma_wait3A_93 = tpu.memref_slice %arg6[%run_scoped3A_35, %dma_wait3A] : memref<80x64xi32, #tpu.memory_space<vmem>> -> memref<1x64xi32, #tpu.memory_space<vmem>>
      %dma_wait3A_94 = tpu.memref_squeeze %dma_wait3A_93 : memref<1x64xi32, #tpu.memory_space<vmem>> -> memref<64xi32, #tpu.memory_space<vmem>>
      %dma_wait3A_95 = arith.constant 0 : i32
      %dma_wait3A_96 = arith.constant 0 : i32
      %dma_wait3A_97 = tpu.memref_slice %arg8[%dma_wait3A_95, %dma_wait3A_96] : memref<10112x128xf32, #tpu.memory_space<vmem_shared>> -> memref<10112x128xf32, #tpu.memory_space<vmem_shared>>
      tpu.wait_indirect_dma semaphore(%run_scoped3A_87 : memref<!tpu.dma_semaphore, #tpu.memory_space<semaphore_mem>>) src(%arg7 : memref<64x128xf32, #tpu.memory_space<vmem>>) dst(%dma_wait3A_97 : memref<10112x128xf32, #tpu.memory_space<vmem_shared>>)
      tpu.yield
    }) : () -> ()
    %run_scoped3A_36 = arith.constant 34 : i32
    "tpu.region"() ({
      %run_scoped3A_87 = tpu.sem_alloc : memref<!tpu.dma_semaphore, #tpu.memory_space<semaphore_mem>>
      %dma_start3A = arith.constant 0 : i32
      %dma_start3A_88 = tpu.memref_slice %arg6[%run_scoped3A_36, %dma_start3A] : memref<80x64xi32, #tpu.memory_space<vmem>> -> memref<1x64xi32, #tpu.memory_space<vmem>>
      %dma_start3A_89 = tpu.memref_squeeze %dma_start3A_88 : memref<1x64xi32, #tpu.memory_space<vmem>> -> memref<64xi32, #tpu.memory_space<vmem>>
      %dma_start3A_90 = arith.constant 0 : i32
      %dma_start3A_91 = arith.constant 0 : i32
      %dma_start3A_92 = tpu.memref_slice %arg8[%dma_start3A_90, %dma_start3A_91] : memref<10112x128xf32, #tpu.memory_space<vmem_shared>> -> memref<10112x128xf32, #tpu.memory_space<vmem_shared>>
      tpu.enqueue_indirect_dma source(%arg7 : memref<64x128xf32, #tpu.memory_space<vmem>>) target(%dma_start3A_92 : memref<10112x128xf32, #tpu.memory_space<vmem_shared>>) offsets(%dma_start3A_89 : memref<64xi32, #tpu.memory_space<vmem>>) semaphore(%run_scoped3A_87 : memref<!tpu.dma_semaphore, #tpu.memory_space<semaphore_mem>>) {add = true}
      %dma_wait3A = arith.constant 0 : i32
      %dma_wait3A_93 = tpu.memref_slice %arg6[%run_scoped3A_36, %dma_wait3A] : memref<80x64xi32, #tpu.memory_space<vmem>> -> memref<1x64xi32, #tpu.memory_space<vmem>>
      %dma_wait3A_94 = tpu.memref_squeeze %dma_wait3A_93 : memref<1x64xi32, #tpu.memory_space<vmem>> -> memref<64xi32, #tpu.memory_space<vmem>>
      %dma_wait3A_95 = arith.constant 0 : i32
      %dma_wait3A_96 = arith.constant 0 : i32
      %dma_wait3A_97 = tpu.memref_slice %arg8[%dma_wait3A_95, %dma_wait3A_96] : memref<10112x128xf32, #tpu.memory_space<vmem_shared>> -> memref<10112x128xf32, #tpu.memory_space<vmem_shared>>
      tpu.wait_indirect_dma semaphore(%run_scoped3A_87 : memref<!tpu.dma_semaphore, #tpu.memory_space<semaphore_mem>>) src(%arg7 : memref<64x128xf32, #tpu.memory_space<vmem>>) dst(%dma_wait3A_97 : memref<10112x128xf32, #tpu.memory_space<vmem_shared>>)
      tpu.yield
    }) : () -> ()
    %run_scoped3A_37 = arith.constant 35 : i32
    "tpu.region"() ({
      %run_scoped3A_87 = tpu.sem_alloc : memref<!tpu.dma_semaphore, #tpu.memory_space<semaphore_mem>>
      %dma_start3A = arith.constant 0 : i32
      %dma_start3A_88 = tpu.memref_slice %arg6[%run_scoped3A_37, %dma_start3A] : memref<80x64xi32, #tpu.memory_space<vmem>> -> memref<1x64xi32, #tpu.memory_space<vmem>>
      %dma_start3A_89 = tpu.memref_squeeze %dma_start3A_88 : memref<1x64xi32, #tpu.memory_space<vmem>> -> memref<64xi32, #tpu.memory_space<vmem>>
      %dma_start3A_90 = arith.constant 0 : i32
      %dma_start3A_91 = arith.constant 0 : i32
      %dma_start3A_92 = tpu.memref_slice %arg8[%dma_start3A_90, %dma_start3A_91] : memref<10112x128xf32, #tpu.memory_space<vmem_shared>> -> memref<10112x128xf32, #tpu.memory_space<vmem_shared>>
      tpu.enqueue_indirect_dma source(%arg7 : memref<64x128xf32, #tpu.memory_space<vmem>>) target(%dma_start3A_92 : memref<10112x128xf32, #tpu.memory_space<vmem_shared>>) offsets(%dma_start3A_89 : memref<64xi32, #tpu.memory_space<vmem>>) semaphore(%run_scoped3A_87 : memref<!tpu.dma_semaphore, #tpu.memory_space<semaphore_mem>>) {add = true}
      %dma_wait3A = arith.constant 0 : i32
      %dma_wait3A_93 = tpu.memref_slice %arg6[%run_scoped3A_37, %dma_wait3A] : memref<80x64xi32, #tpu.memory_space<vmem>> -> memref<1x64xi32, #tpu.memory_space<vmem>>
      %dma_wait3A_94 = tpu.memref_squeeze %dma_wait3A_93 : memref<1x64xi32, #tpu.memory_space<vmem>> -> memref<64xi32, #tpu.memory_space<vmem>>
      %dma_wait3A_95 = arith.constant 0 : i32
      %dma_wait3A_96 = arith.constant 0 : i32
      %dma_wait3A_97 = tpu.memref_slice %arg8[%dma_wait3A_95, %dma_wait3A_96] : memref<10112x128xf32, #tpu.memory_space<vmem_shared>> -> memref<10112x128xf32, #tpu.memory_space<vmem_shared>>
      tpu.wait_indirect_dma semaphore(%run_scoped3A_87 : memref<!tpu.dma_semaphore, #tpu.memory_space<semaphore_mem>>) src(%arg7 : memref<64x128xf32, #tpu.memory_space<vmem>>) dst(%dma_wait3A_97 : memref<10112x128xf32, #tpu.memory_space<vmem_shared>>)
      tpu.yield
    }) : () -> ()
    %run_scoped3A_38 = arith.constant 36 : i32
    "tpu.region"() ({
      %run_scoped3A_87 = tpu.sem_alloc : memref<!tpu.dma_semaphore, #tpu.memory_space<semaphore_mem>>
      %dma_start3A = arith.constant 0 : i32
      %dma_start3A_88 = tpu.memref_slice %arg6[%run_scoped3A_38, %dma_start3A] : memref<80x64xi32, #tpu.memory_space<vmem>> -> memref<1x64xi32, #tpu.memory_space<vmem>>
      %dma_start3A_89 = tpu.memref_squeeze %dma_start3A_88 : memref<1x64xi32, #tpu.memory_space<vmem>> -> memref<64xi32, #tpu.memory_space<vmem>>
      %dma_start3A_90 = arith.constant 0 : i32
      %dma_start3A_91 = arith.constant 0 : i32
      %dma_start3A_92 = tpu.memref_slice %arg8[%dma_start3A_90, %dma_start3A_91] : memref<10112x128xf32, #tpu.memory_space<vmem_shared>> -> memref<10112x128xf32, #tpu.memory_space<vmem_shared>>
      tpu.enqueue_indirect_dma source(%arg7 : memref<64x128xf32, #tpu.memory_space<vmem>>) target(%dma_start3A_92 : memref<10112x128xf32, #tpu.memory_space<vmem_shared>>) offsets(%dma_start3A_89 : memref<64xi32, #tpu.memory_space<vmem>>) semaphore(%run_scoped3A_87 : memref<!tpu.dma_semaphore, #tpu.memory_space<semaphore_mem>>) {add = true}
      %dma_wait3A = arith.constant 0 : i32
      %dma_wait3A_93 = tpu.memref_slice %arg6[%run_scoped3A_38, %dma_wait3A] : memref<80x64xi32, #tpu.memory_space<vmem>> -> memref<1x64xi32, #tpu.memory_space<vmem>>
      %dma_wait3A_94 = tpu.memref_squeeze %dma_wait3A_93 : memref<1x64xi32, #tpu.memory_space<vmem>> -> memref<64xi32, #tpu.memory_space<vmem>>
      %dma_wait3A_95 = arith.constant 0 : i32
      %dma_wait3A_96 = arith.constant 0 : i32
      %dma_wait3A_97 = tpu.memref_slice %arg8[%dma_wait3A_95, %dma_wait3A_96] : memref<10112x128xf32, #tpu.memory_space<vmem_shared>> -> memref<10112x128xf32, #tpu.memory_space<vmem_shared>>
      tpu.wait_indirect_dma semaphore(%run_scoped3A_87 : memref<!tpu.dma_semaphore, #tpu.memory_space<semaphore_mem>>) src(%arg7 : memref<64x128xf32, #tpu.memory_space<vmem>>) dst(%dma_wait3A_97 : memref<10112x128xf32, #tpu.memory_space<vmem_shared>>)
      tpu.yield
    }) : () -> ()
    %run_scoped3A_39 = arith.constant 37 : i32
    "tpu.region"() ({
      %run_scoped3A_87 = tpu.sem_alloc : memref<!tpu.dma_semaphore, #tpu.memory_space<semaphore_mem>>
      %dma_start3A = arith.constant 0 : i32
      %dma_start3A_88 = tpu.memref_slice %arg6[%run_scoped3A_39, %dma_start3A] : memref<80x64xi32, #tpu.memory_space<vmem>> -> memref<1x64xi32, #tpu.memory_space<vmem>>
      %dma_start3A_89 = tpu.memref_squeeze %dma_start3A_88 : memref<1x64xi32, #tpu.memory_space<vmem>> -> memref<64xi32, #tpu.memory_space<vmem>>
      %dma_start3A_90 = arith.constant 0 : i32
      %dma_start3A_91 = arith.constant 0 : i32
      %dma_start3A_92 = tpu.memref_slice %arg8[%dma_start3A_90, %dma_start3A_91] : memref<10112x128xf32, #tpu.memory_space<vmem_shared>> -> memref<10112x128xf32, #tpu.memory_space<vmem_shared>>
      tpu.enqueue_indirect_dma source(%arg7 : memref<64x128xf32, #tpu.memory_space<vmem>>) target(%dma_start3A_92 : memref<10112x128xf32, #tpu.memory_space<vmem_shared>>) offsets(%dma_start3A_89 : memref<64xi32, #tpu.memory_space<vmem>>) semaphore(%run_scoped3A_87 : memref<!tpu.dma_semaphore, #tpu.memory_space<semaphore_mem>>) {add = true}
      %dma_wait3A = arith.constant 0 : i32
      %dma_wait3A_93 = tpu.memref_slice %arg6[%run_scoped3A_39, %dma_wait3A] : memref<80x64xi32, #tpu.memory_space<vmem>> -> memref<1x64xi32, #tpu.memory_space<vmem>>
      %dma_wait3A_94 = tpu.memref_squeeze %dma_wait3A_93 : memref<1x64xi32, #tpu.memory_space<vmem>> -> memref<64xi32, #tpu.memory_space<vmem>>
      %dma_wait3A_95 = arith.constant 0 : i32
      %dma_wait3A_96 = arith.constant 0 : i32
      %dma_wait3A_97 = tpu.memref_slice %arg8[%dma_wait3A_95, %dma_wait3A_96] : memref<10112x128xf32, #tpu.memory_space<vmem_shared>> -> memref<10112x128xf32, #tpu.memory_space<vmem_shared>>
      tpu.wait_indirect_dma semaphore(%run_scoped3A_87 : memref<!tpu.dma_semaphore, #tpu.memory_space<semaphore_mem>>) src(%arg7 : memref<64x128xf32, #tpu.memory_space<vmem>>) dst(%dma_wait3A_97 : memref<10112x128xf32, #tpu.memory_space<vmem_shared>>)
      tpu.yield
    }) : () -> ()
    %run_scoped3A_40 = arith.constant 38 : i32
    "tpu.region"() ({
      %run_scoped3A_87 = tpu.sem_alloc : memref<!tpu.dma_semaphore, #tpu.memory_space<semaphore_mem>>
      %dma_start3A = arith.constant 0 : i32
      %dma_start3A_88 = tpu.memref_slice %arg6[%run_scoped3A_40, %dma_start3A] : memref<80x64xi32, #tpu.memory_space<vmem>> -> memref<1x64xi32, #tpu.memory_space<vmem>>
      %dma_start3A_89 = tpu.memref_squeeze %dma_start3A_88 : memref<1x64xi32, #tpu.memory_space<vmem>> -> memref<64xi32, #tpu.memory_space<vmem>>
      %dma_start3A_90 = arith.constant 0 : i32
      %dma_start3A_91 = arith.constant 0 : i32
      %dma_start3A_92 = tpu.memref_slice %arg8[%dma_start3A_90, %dma_start3A_91] : memref<10112x128xf32, #tpu.memory_space<vmem_shared>> -> memref<10112x128xf32, #tpu.memory_space<vmem_shared>>
      tpu.enqueue_indirect_dma source(%arg7 : memref<64x128xf32, #tpu.memory_space<vmem>>) target(%dma_start3A_92 : memref<10112x128xf32, #tpu.memory_space<vmem_shared>>) offsets(%dma_start3A_89 : memref<64xi32, #tpu.memory_space<vmem>>) semaphore(%run_scoped3A_87 : memref<!tpu.dma_semaphore, #tpu.memory_space<semaphore_mem>>) {add = true}
      %dma_wait3A = arith.constant 0 : i32
      %dma_wait3A_93 = tpu.memref_slice %arg6[%run_scoped3A_40, %dma_wait3A] : memref<80x64xi32, #tpu.memory_space<vmem>> -> memref<1x64xi32, #tpu.memory_space<vmem>>
      %dma_wait3A_94 = tpu.memref_squeeze %dma_wait3A_93 : memref<1x64xi32, #tpu.memory_space<vmem>> -> memref<64xi32, #tpu.memory_space<vmem>>
      %dma_wait3A_95 = arith.constant 0 : i32
      %dma_wait3A_96 = arith.constant 0 : i32
      %dma_wait3A_97 = tpu.memref_slice %arg8[%dma_wait3A_95, %dma_wait3A_96] : memref<10112x128xf32, #tpu.memory_space<vmem_shared>> -> memref<10112x128xf32, #tpu.memory_space<vmem_shared>>
      tpu.wait_indirect_dma semaphore(%run_scoped3A_87 : memref<!tpu.dma_semaphore, #tpu.memory_space<semaphore_mem>>) src(%arg7 : memref<64x128xf32, #tpu.memory_space<vmem>>) dst(%dma_wait3A_97 : memref<10112x128xf32, #tpu.memory_space<vmem_shared>>)
      tpu.yield
    }) : () -> ()
    %run_scoped3A_41 = arith.constant 39 : i32
    "tpu.region"() ({
      %run_scoped3A_87 = tpu.sem_alloc : memref<!tpu.dma_semaphore, #tpu.memory_space<semaphore_mem>>
      %dma_start3A = arith.constant 0 : i32
      %dma_start3A_88 = tpu.memref_slice %arg6[%run_scoped3A_41, %dma_start3A] : memref<80x64xi32, #tpu.memory_space<vmem>> -> memref<1x64xi32, #tpu.memory_space<vmem>>
      %dma_start3A_89 = tpu.memref_squeeze %dma_start3A_88 : memref<1x64xi32, #tpu.memory_space<vmem>> -> memref<64xi32, #tpu.memory_space<vmem>>
      %dma_start3A_90 = arith.constant 0 : i32
      %dma_start3A_91 = arith.constant 0 : i32
      %dma_start3A_92 = tpu.memref_slice %arg8[%dma_start3A_90, %dma_start3A_91] : memref<10112x128xf32, #tpu.memory_space<vmem_shared>> -> memref<10112x128xf32, #tpu.memory_space<vmem_shared>>
      tpu.enqueue_indirect_dma source(%arg7 : memref<64x128xf32, #tpu.memory_space<vmem>>) target(%dma_start3A_92 : memref<10112x128xf32, #tpu.memory_space<vmem_shared>>) offsets(%dma_start3A_89 : memref<64xi32, #tpu.memory_space<vmem>>) semaphore(%run_scoped3A_87 : memref<!tpu.dma_semaphore, #tpu.memory_space<semaphore_mem>>) {add = true}
      %dma_wait3A = arith.constant 0 : i32
      %dma_wait3A_93 = tpu.memref_slice %arg6[%run_scoped3A_41, %dma_wait3A] : memref<80x64xi32, #tpu.memory_space<vmem>> -> memref<1x64xi32, #tpu.memory_space<vmem>>
      %dma_wait3A_94 = tpu.memref_squeeze %dma_wait3A_93 : memref<1x64xi32, #tpu.memory_space<vmem>> -> memref<64xi32, #tpu.memory_space<vmem>>
      %dma_wait3A_95 = arith.constant 0 : i32
      %dma_wait3A_96 = arith.constant 0 : i32
      %dma_wait3A_97 = tpu.memref_slice %arg8[%dma_wait3A_95, %dma_wait3A_96] : memref<10112x128xf32, #tpu.memory_space<vmem_shared>> -> memref<10112x128xf32, #tpu.memory_space<vmem_shared>>
      tpu.wait_indirect_dma semaphore(%run_scoped3A_87 : memref<!tpu.dma_semaphore, #tpu.memory_space<semaphore_mem>>) src(%arg7 : memref<64x128xf32, #tpu.memory_space<vmem>>) dst(%dma_wait3A_97 : memref<10112x128xf32, #tpu.memory_space<vmem_shared>>)
      tpu.yield
    }) : () -> ()
    %run_scoped3A_42 = arith.constant 40 : i32
    "tpu.region"() ({
      %run_scoped3A_87 = tpu.sem_alloc : memref<!tpu.dma_semaphore, #tpu.memory_space<semaphore_mem>>
      %dma_start3A = arith.constant 0 : i32
      %dma_start3A_88 = tpu.memref_slice %arg6[%run_scoped3A_42, %dma_start3A] : memref<80x64xi32, #tpu.memory_space<vmem>> -> memref<1x64xi32, #tpu.memory_space<vmem>>
      %dma_start3A_89 = tpu.memref_squeeze %dma_start3A_88 : memref<1x64xi32, #tpu.memory_space<vmem>> -> memref<64xi32, #tpu.memory_space<vmem>>
      %dma_start3A_90 = arith.constant 0 : i32
      %dma_start3A_91 = arith.constant 0 : i32
      %dma_start3A_92 = tpu.memref_slice %arg8[%dma_start3A_90, %dma_start3A_91] : memref<10112x128xf32, #tpu.memory_space<vmem_shared>> -> memref<10112x128xf32, #tpu.memory_space<vmem_shared>>
      tpu.enqueue_indirect_dma source(%arg7 : memref<64x128xf32, #tpu.memory_space<vmem>>) target(%dma_start3A_92 : memref<10112x128xf32, #tpu.memory_space<vmem_shared>>) offsets(%dma_start3A_89 : memref<64xi32, #tpu.memory_space<vmem>>) semaphore(%run_scoped3A_87 : memref<!tpu.dma_semaphore, #tpu.memory_space<semaphore_mem>>) {add = true}
      %dma_wait3A = arith.constant 0 : i32
      %dma_wait3A_93 = tpu.memref_slice %arg6[%run_scoped3A_42, %dma_wait3A] : memref<80x64xi32, #tpu.memory_space<vmem>> -> memref<1x64xi32, #tpu.memory_space<vmem>>
      %dma_wait3A_94 = tpu.memref_squeeze %dma_wait3A_93 : memref<1x64xi32, #tpu.memory_space<vmem>> -> memref<64xi32, #tpu.memory_space<vmem>>
      %dma_wait3A_95 = arith.constant 0 : i32
      %dma_wait3A_96 = arith.constant 0 : i32
      %dma_wait3A_97 = tpu.memref_slice %arg8[%dma_wait3A_95, %dma_wait3A_96] : memref<10112x128xf32, #tpu.memory_space<vmem_shared>> -> memref<10112x128xf32, #tpu.memory_space<vmem_shared>>
      tpu.wait_indirect_dma semaphore(%run_scoped3A_87 : memref<!tpu.dma_semaphore, #tpu.memory_space<semaphore_mem>>) src(%arg7 : memref<64x128xf32, #tpu.memory_space<vmem>>) dst(%dma_wait3A_97 : memref<10112x128xf32, #tpu.memory_space<vmem_shared>>)
      tpu.yield
    }) : () -> ()
    %run_scoped3A_43 = arith.constant 41 : i32
    "tpu.region"() ({
      %run_scoped3A_87 = tpu.sem_alloc : memref<!tpu.dma_semaphore, #tpu.memory_space<semaphore_mem>>
      %dma_start3A = arith.constant 0 : i32
      %dma_start3A_88 = tpu.memref_slice %arg6[%run_scoped3A_43, %dma_start3A] : memref<80x64xi32, #tpu.memory_space<vmem>> -> memref<1x64xi32, #tpu.memory_space<vmem>>
      %dma_start3A_89 = tpu.memref_squeeze %dma_start3A_88 : memref<1x64xi32, #tpu.memory_space<vmem>> -> memref<64xi32, #tpu.memory_space<vmem>>
      %dma_start3A_90 = arith.constant 0 : i32
      %dma_start3A_91 = arith.constant 0 : i32
      %dma_start3A_92 = tpu.memref_slice %arg8[%dma_start3A_90, %dma_start3A_91] : memref<10112x128xf32, #tpu.memory_space<vmem_shared>> -> memref<10112x128xf32, #tpu.memory_space<vmem_shared>>
      tpu.enqueue_indirect_dma source(%arg7 : memref<64x128xf32, #tpu.memory_space<vmem>>) target(%dma_start3A_92 : memref<10112x128xf32, #tpu.memory_space<vmem_shared>>) offsets(%dma_start3A_89 : memref<64xi32, #tpu.memory_space<vmem>>) semaphore(%run_scoped3A_87 : memref<!tpu.dma_semaphore, #tpu.memory_space<semaphore_mem>>) {add = true}
      %dma_wait3A = arith.constant 0 : i32
      %dma_wait3A_93 = tpu.memref_slice %arg6[%run_scoped3A_43, %dma_wait3A] : memref<80x64xi32, #tpu.memory_space<vmem>> -> memref<1x64xi32, #tpu.memory_space<vmem>>
      %dma_wait3A_94 = tpu.memref_squeeze %dma_wait3A_93 : memref<1x64xi32, #tpu.memory_space<vmem>> -> memref<64xi32, #tpu.memory_space<vmem>>
      %dma_wait3A_95 = arith.constant 0 : i32
      %dma_wait3A_96 = arith.constant 0 : i32
      %dma_wait3A_97 = tpu.memref_slice %arg8[%dma_wait3A_95, %dma_wait3A_96] : memref<10112x128xf32, #tpu.memory_space<vmem_shared>> -> memref<10112x128xf32, #tpu.memory_space<vmem_shared>>
      tpu.wait_indirect_dma semaphore(%run_scoped3A_87 : memref<!tpu.dma_semaphore, #tpu.memory_space<semaphore_mem>>) src(%arg7 : memref<64x128xf32, #tpu.memory_space<vmem>>) dst(%dma_wait3A_97 : memref<10112x128xf32, #tpu.memory_space<vmem_shared>>)
      tpu.yield
    }) : () -> ()
    %run_scoped3A_44 = arith.constant 42 : i32
    "tpu.region"() ({
      %run_scoped3A_87 = tpu.sem_alloc : memref<!tpu.dma_semaphore, #tpu.memory_space<semaphore_mem>>
      %dma_start3A = arith.constant 0 : i32
      %dma_start3A_88 = tpu.memref_slice %arg6[%run_scoped3A_44, %dma_start3A] : memref<80x64xi32, #tpu.memory_space<vmem>> -> memref<1x64xi32, #tpu.memory_space<vmem>>
      %dma_start3A_89 = tpu.memref_squeeze %dma_start3A_88 : memref<1x64xi32, #tpu.memory_space<vmem>> -> memref<64xi32, #tpu.memory_space<vmem>>
      %dma_start3A_90 = arith.constant 0 : i32
      %dma_start3A_91 = arith.constant 0 : i32
      %dma_start3A_92 = tpu.memref_slice %arg8[%dma_start3A_90, %dma_start3A_91] : memref<10112x128xf32, #tpu.memory_space<vmem_shared>> -> memref<10112x128xf32, #tpu.memory_space<vmem_shared>>
      tpu.enqueue_indirect_dma source(%arg7 : memref<64x128xf32, #tpu.memory_space<vmem>>) target(%dma_start3A_92 : memref<10112x128xf32, #tpu.memory_space<vmem_shared>>) offsets(%dma_start3A_89 : memref<64xi32, #tpu.memory_space<vmem>>) semaphore(%run_scoped3A_87 : memref<!tpu.dma_semaphore, #tpu.memory_space<semaphore_mem>>) {add = true}
      %dma_wait3A = arith.constant 0 : i32
      %dma_wait3A_93 = tpu.memref_slice %arg6[%run_scoped3A_44, %dma_wait3A] : memref<80x64xi32, #tpu.memory_space<vmem>> -> memref<1x64xi32, #tpu.memory_space<vmem>>
      %dma_wait3A_94 = tpu.memref_squeeze %dma_wait3A_93 : memref<1x64xi32, #tpu.memory_space<vmem>> -> memref<64xi32, #tpu.memory_space<vmem>>
      %dma_wait3A_95 = arith.constant 0 : i32
      %dma_wait3A_96 = arith.constant 0 : i32
      %dma_wait3A_97 = tpu.memref_slice %arg8[%dma_wait3A_95, %dma_wait3A_96] : memref<10112x128xf32, #tpu.memory_space<vmem_shared>> -> memref<10112x128xf32, #tpu.memory_space<vmem_shared>>
      tpu.wait_indirect_dma semaphore(%run_scoped3A_87 : memref<!tpu.dma_semaphore, #tpu.memory_space<semaphore_mem>>) src(%arg7 : memref<64x128xf32, #tpu.memory_space<vmem>>) dst(%dma_wait3A_97 : memref<10112x128xf32, #tpu.memory_space<vmem_shared>>)
      tpu.yield
    }) : () -> ()
    %run_scoped3A_45 = arith.constant 43 : i32
    "tpu.region"() ({
      %run_scoped3A_87 = tpu.sem_alloc : memref<!tpu.dma_semaphore, #tpu.memory_space<semaphore_mem>>
      %dma_start3A = arith.constant 0 : i32
      %dma_start3A_88 = tpu.memref_slice %arg6[%run_scoped3A_45, %dma_start3A] : memref<80x64xi32, #tpu.memory_space<vmem>> -> memref<1x64xi32, #tpu.memory_space<vmem>>
      %dma_start3A_89 = tpu.memref_squeeze %dma_start3A_88 : memref<1x64xi32, #tpu.memory_space<vmem>> -> memref<64xi32, #tpu.memory_space<vmem>>
      %dma_start3A_90 = arith.constant 0 : i32
      %dma_start3A_91 = arith.constant 0 : i32
      %dma_start3A_92 = tpu.memref_slice %arg8[%dma_start3A_90, %dma_start3A_91] : memref<10112x128xf32, #tpu.memory_space<vmem_shared>> -> memref<10112x128xf32, #tpu.memory_space<vmem_shared>>
      tpu.enqueue_indirect_dma source(%arg7 : memref<64x128xf32, #tpu.memory_space<vmem>>) target(%dma_start3A_92 : memref<10112x128xf32, #tpu.memory_space<vmem_shared>>) offsets(%dma_start3A_89 : memref<64xi32, #tpu.memory_space<vmem>>) semaphore(%run_scoped3A_87 : memref<!tpu.dma_semaphore, #tpu.memory_space<semaphore_mem>>) {add = true}
      %dma_wait3A = arith.constant 0 : i32
      %dma_wait3A_93 = tpu.memref_slice %arg6[%run_scoped3A_45, %dma_wait3A] : memref<80x64xi32, #tpu.memory_space<vmem>> -> memref<1x64xi32, #tpu.memory_space<vmem>>
      %dma_wait3A_94 = tpu.memref_squeeze %dma_wait3A_93 : memref<1x64xi32, #tpu.memory_space<vmem>> -> memref<64xi32, #tpu.memory_space<vmem>>
      %dma_wait3A_95 = arith.constant 0 : i32
      %dma_wait3A_96 = arith.constant 0 : i32
      %dma_wait3A_97 = tpu.memref_slice %arg8[%dma_wait3A_95, %dma_wait3A_96] : memref<10112x128xf32, #tpu.memory_space<vmem_shared>> -> memref<10112x128xf32, #tpu.memory_space<vmem_shared>>
      tpu.wait_indirect_dma semaphore(%run_scoped3A_87 : memref<!tpu.dma_semaphore, #tpu.memory_space<semaphore_mem>>) src(%arg7 : memref<64x128xf32, #tpu.memory_space<vmem>>) dst(%dma_wait3A_97 : memref<10112x128xf32, #tpu.memory_space<vmem_shared>>)
      tpu.yield
    }) : () -> ()
    %run_scoped3A_46 = arith.constant 44 : i32
    "tpu.region"() ({
      %run_scoped3A_87 = tpu.sem_alloc : memref<!tpu.dma_semaphore, #tpu.memory_space<semaphore_mem>>
      %dma_start3A = arith.constant 0 : i32
      %dma_start3A_88 = tpu.memref_slice %arg6[%run_scoped3A_46, %dma_start3A] : memref<80x64xi32, #tpu.memory_space<vmem>> -> memref<1x64xi32, #tpu.memory_space<vmem>>
      %dma_start3A_89 = tpu.memref_squeeze %dma_start3A_88 : memref<1x64xi32, #tpu.memory_space<vmem>> -> memref<64xi32, #tpu.memory_space<vmem>>
      %dma_start3A_90 = arith.constant 0 : i32
      %dma_start3A_91 = arith.constant 0 : i32
      %dma_start3A_92 = tpu.memref_slice %arg8[%dma_start3A_90, %dma_start3A_91] : memref<10112x128xf32, #tpu.memory_space<vmem_shared>> -> memref<10112x128xf32, #tpu.memory_space<vmem_shared>>
      tpu.enqueue_indirect_dma source(%arg7 : memref<64x128xf32, #tpu.memory_space<vmem>>) target(%dma_start3A_92 : memref<10112x128xf32, #tpu.memory_space<vmem_shared>>) offsets(%dma_start3A_89 : memref<64xi32, #tpu.memory_space<vmem>>) semaphore(%run_scoped3A_87 : memref<!tpu.dma_semaphore, #tpu.memory_space<semaphore_mem>>) {add = true}
      %dma_wait3A = arith.constant 0 : i32
      %dma_wait3A_93 = tpu.memref_slice %arg6[%run_scoped3A_46, %dma_wait3A] : memref<80x64xi32, #tpu.memory_space<vmem>> -> memref<1x64xi32, #tpu.memory_space<vmem>>
      %dma_wait3A_94 = tpu.memref_squeeze %dma_wait3A_93 : memref<1x64xi32, #tpu.memory_space<vmem>> -> memref<64xi32, #tpu.memory_space<vmem>>
      %dma_wait3A_95 = arith.constant 0 : i32
      %dma_wait3A_96 = arith.constant 0 : i32
      %dma_wait3A_97 = tpu.memref_slice %arg8[%dma_wait3A_95, %dma_wait3A_96] : memref<10112x128xf32, #tpu.memory_space<vmem_shared>> -> memref<10112x128xf32, #tpu.memory_space<vmem_shared>>
      tpu.wait_indirect_dma semaphore(%run_scoped3A_87 : memref<!tpu.dma_semaphore, #tpu.memory_space<semaphore_mem>>) src(%arg7 : memref<64x128xf32, #tpu.memory_space<vmem>>) dst(%dma_wait3A_97 : memref<10112x128xf32, #tpu.memory_space<vmem_shared>>)
      tpu.yield
    }) : () -> ()
    %run_scoped3A_47 = arith.constant 45 : i32
    "tpu.region"() ({
      %run_scoped3A_87 = tpu.sem_alloc : memref<!tpu.dma_semaphore, #tpu.memory_space<semaphore_mem>>
      %dma_start3A = arith.constant 0 : i32
      %dma_start3A_88 = tpu.memref_slice %arg6[%run_scoped3A_47, %dma_start3A] : memref<80x64xi32, #tpu.memory_space<vmem>> -> memref<1x64xi32, #tpu.memory_space<vmem>>
      %dma_start3A_89 = tpu.memref_squeeze %dma_start3A_88 : memref<1x64xi32, #tpu.memory_space<vmem>> -> memref<64xi32, #tpu.memory_space<vmem>>
      %dma_start3A_90 = arith.constant 0 : i32
      %dma_start3A_91 = arith.constant 0 : i32
      %dma_start3A_92 = tpu.memref_slice %arg8[%dma_start3A_90, %dma_start3A_91] : memref<10112x128xf32, #tpu.memory_space<vmem_shared>> -> memref<10112x128xf32, #tpu.memory_space<vmem_shared>>
      tpu.enqueue_indirect_dma source(%arg7 : memref<64x128xf32, #tpu.memory_space<vmem>>) target(%dma_start3A_92 : memref<10112x128xf32, #tpu.memory_space<vmem_shared>>) offsets(%dma_start3A_89 : memref<64xi32, #tpu.memory_space<vmem>>) semaphore(%run_scoped3A_87 : memref<!tpu.dma_semaphore, #tpu.memory_space<semaphore_mem>>) {add = true}
      %dma_wait3A = arith.constant 0 : i32
      %dma_wait3A_93 = tpu.memref_slice %arg6[%run_scoped3A_47, %dma_wait3A] : memref<80x64xi32, #tpu.memory_space<vmem>> -> memref<1x64xi32, #tpu.memory_space<vmem>>
      %dma_wait3A_94 = tpu.memref_squeeze %dma_wait3A_93 : memref<1x64xi32, #tpu.memory_space<vmem>> -> memref<64xi32, #tpu.memory_space<vmem>>
      %dma_wait3A_95 = arith.constant 0 : i32
      %dma_wait3A_96 = arith.constant 0 : i32
      %dma_wait3A_97 = tpu.memref_slice %arg8[%dma_wait3A_95, %dma_wait3A_96] : memref<10112x128xf32, #tpu.memory_space<vmem_shared>> -> memref<10112x128xf32, #tpu.memory_space<vmem_shared>>
      tpu.wait_indirect_dma semaphore(%run_scoped3A_87 : memref<!tpu.dma_semaphore, #tpu.memory_space<semaphore_mem>>) src(%arg7 : memref<64x128xf32, #tpu.memory_space<vmem>>) dst(%dma_wait3A_97 : memref<10112x128xf32, #tpu.memory_space<vmem_shared>>)
      tpu.yield
    }) : () -> ()
    %run_scoped3A_48 = arith.constant 46 : i32
    "tpu.region"() ({
      %run_scoped3A_87 = tpu.sem_alloc : memref<!tpu.dma_semaphore, #tpu.memory_space<semaphore_mem>>
      %dma_start3A = arith.constant 0 : i32
      %dma_start3A_88 = tpu.memref_slice %arg6[%run_scoped3A_48, %dma_start3A] : memref<80x64xi32, #tpu.memory_space<vmem>> -> memref<1x64xi32, #tpu.memory_space<vmem>>
      %dma_start3A_89 = tpu.memref_squeeze %dma_start3A_88 : memref<1x64xi32, #tpu.memory_space<vmem>> -> memref<64xi32, #tpu.memory_space<vmem>>
      %dma_start3A_90 = arith.constant 0 : i32
      %dma_start3A_91 = arith.constant 0 : i32
      %dma_start3A_92 = tpu.memref_slice %arg8[%dma_start3A_90, %dma_start3A_91] : memref<10112x128xf32, #tpu.memory_space<vmem_shared>> -> memref<10112x128xf32, #tpu.memory_space<vmem_shared>>
      tpu.enqueue_indirect_dma source(%arg7 : memref<64x128xf32, #tpu.memory_space<vmem>>) target(%dma_start3A_92 : memref<10112x128xf32, #tpu.memory_space<vmem_shared>>) offsets(%dma_start3A_89 : memref<64xi32, #tpu.memory_space<vmem>>) semaphore(%run_scoped3A_87 : memref<!tpu.dma_semaphore, #tpu.memory_space<semaphore_mem>>) {add = true}
      %dma_wait3A = arith.constant 0 : i32
      %dma_wait3A_93 = tpu.memref_slice %arg6[%run_scoped3A_48, %dma_wait3A] : memref<80x64xi32, #tpu.memory_space<vmem>> -> memref<1x64xi32, #tpu.memory_space<vmem>>
      %dma_wait3A_94 = tpu.memref_squeeze %dma_wait3A_93 : memref<1x64xi32, #tpu.memory_space<vmem>> -> memref<64xi32, #tpu.memory_space<vmem>>
      %dma_wait3A_95 = arith.constant 0 : i32
      %dma_wait3A_96 = arith.constant 0 : i32
      %dma_wait3A_97 = tpu.memref_slice %arg8[%dma_wait3A_95, %dma_wait3A_96] : memref<10112x128xf32, #tpu.memory_space<vmem_shared>> -> memref<10112x128xf32, #tpu.memory_space<vmem_shared>>
      tpu.wait_indirect_dma semaphore(%run_scoped3A_87 : memref<!tpu.dma_semaphore, #tpu.memory_space<semaphore_mem>>) src(%arg7 : memref<64x128xf32, #tpu.memory_space<vmem>>) dst(%dma_wait3A_97 : memref<10112x128xf32, #tpu.memory_space<vmem_shared>>)
      tpu.yield
    }) : () -> ()
    %run_scoped3A_49 = arith.constant 47 : i32
    "tpu.region"() ({
      %run_scoped3A_87 = tpu.sem_alloc : memref<!tpu.dma_semaphore, #tpu.memory_space<semaphore_mem>>
      %dma_start3A = arith.constant 0 : i32
      %dma_start3A_88 = tpu.memref_slice %arg6[%run_scoped3A_49, %dma_start3A] : memref<80x64xi32, #tpu.memory_space<vmem>> -> memref<1x64xi32, #tpu.memory_space<vmem>>
      %dma_start3A_89 = tpu.memref_squeeze %dma_start3A_88 : memref<1x64xi32, #tpu.memory_space<vmem>> -> memref<64xi32, #tpu.memory_space<vmem>>
      %dma_start3A_90 = arith.constant 0 : i32
      %dma_start3A_91 = arith.constant 0 : i32
      %dma_start3A_92 = tpu.memref_slice %arg8[%dma_start3A_90, %dma_start3A_91] : memref<10112x128xf32, #tpu.memory_space<vmem_shared>> -> memref<10112x128xf32, #tpu.memory_space<vmem_shared>>
      tpu.enqueue_indirect_dma source(%arg7 : memref<64x128xf32, #tpu.memory_space<vmem>>) target(%dma_start3A_92 : memref<10112x128xf32, #tpu.memory_space<vmem_shared>>) offsets(%dma_start3A_89 : memref<64xi32, #tpu.memory_space<vmem>>) semaphore(%run_scoped3A_87 : memref<!tpu.dma_semaphore, #tpu.memory_space<semaphore_mem>>) {add = true}
      %dma_wait3A = arith.constant 0 : i32
      %dma_wait3A_93 = tpu.memref_slice %arg6[%run_scoped3A_49, %dma_wait3A] : memref<80x64xi32, #tpu.memory_space<vmem>> -> memref<1x64xi32, #tpu.memory_space<vmem>>
      %dma_wait3A_94 = tpu.memref_squeeze %dma_wait3A_93 : memref<1x64xi32, #tpu.memory_space<vmem>> -> memref<64xi32, #tpu.memory_space<vmem>>
      %dma_wait3A_95 = arith.constant 0 : i32
      %dma_wait3A_96 = arith.constant 0 : i32
      %dma_wait3A_97 = tpu.memref_slice %arg8[%dma_wait3A_95, %dma_wait3A_96] : memref<10112x128xf32, #tpu.memory_space<vmem_shared>> -> memref<10112x128xf32, #tpu.memory_space<vmem_shared>>
      tpu.wait_indirect_dma semaphore(%run_scoped3A_87 : memref<!tpu.dma_semaphore, #tpu.memory_space<semaphore_mem>>) src(%arg7 : memref<64x128xf32, #tpu.memory_space<vmem>>) dst(%dma_wait3A_97 : memref<10112x128xf32, #tpu.memory_space<vmem_shared>>)
      tpu.yield
    }) : () -> ()
    %run_scoped3A_50 = arith.constant 48 : i32
    "tpu.region"() ({
      %run_scoped3A_87 = tpu.sem_alloc : memref<!tpu.dma_semaphore, #tpu.memory_space<semaphore_mem>>
      %dma_start3A = arith.constant 0 : i32
      %dma_start3A_88 = tpu.memref_slice %arg6[%run_scoped3A_50, %dma_start3A] : memref<80x64xi32, #tpu.memory_space<vmem>> -> memref<1x64xi32, #tpu.memory_space<vmem>>
      %dma_start3A_89 = tpu.memref_squeeze %dma_start3A_88 : memref<1x64xi32, #tpu.memory_space<vmem>> -> memref<64xi32, #tpu.memory_space<vmem>>
      %dma_start3A_90 = arith.constant 0 : i32
      %dma_start3A_91 = arith.constant 0 : i32
      %dma_start3A_92 = tpu.memref_slice %arg8[%dma_start3A_90, %dma_start3A_91] : memref<10112x128xf32, #tpu.memory_space<vmem_shared>> -> memref<10112x128xf32, #tpu.memory_space<vmem_shared>>
      tpu.enqueue_indirect_dma source(%arg7 : memref<64x128xf32, #tpu.memory_space<vmem>>) target(%dma_start3A_92 : memref<10112x128xf32, #tpu.memory_space<vmem_shared>>) offsets(%dma_start3A_89 : memref<64xi32, #tpu.memory_space<vmem>>) semaphore(%run_scoped3A_87 : memref<!tpu.dma_semaphore, #tpu.memory_space<semaphore_mem>>) {add = true}
      %dma_wait3A = arith.constant 0 : i32
      %dma_wait3A_93 = tpu.memref_slice %arg6[%run_scoped3A_50, %dma_wait3A] : memref<80x64xi32, #tpu.memory_space<vmem>> -> memref<1x64xi32, #tpu.memory_space<vmem>>
      %dma_wait3A_94 = tpu.memref_squeeze %dma_wait3A_93 : memref<1x64xi32, #tpu.memory_space<vmem>> -> memref<64xi32, #tpu.memory_space<vmem>>
      %dma_wait3A_95 = arith.constant 0 : i32
      %dma_wait3A_96 = arith.constant 0 : i32
      %dma_wait3A_97 = tpu.memref_slice %arg8[%dma_wait3A_95, %dma_wait3A_96] : memref<10112x128xf32, #tpu.memory_space<vmem_shared>> -> memref<10112x128xf32, #tpu.memory_space<vmem_shared>>
      tpu.wait_indirect_dma semaphore(%run_scoped3A_87 : memref<!tpu.dma_semaphore, #tpu.memory_space<semaphore_mem>>) src(%arg7 : memref<64x128xf32, #tpu.memory_space<vmem>>) dst(%dma_wait3A_97 : memref<10112x128xf32, #tpu.memory_space<vmem_shared>>)
      tpu.yield
    }) : () -> ()
    %run_scoped3A_51 = arith.constant 49 : i32
    "tpu.region"() ({
      %run_scoped3A_87 = tpu.sem_alloc : memref<!tpu.dma_semaphore, #tpu.memory_space<semaphore_mem>>
      %dma_start3A = arith.constant 0 : i32
      %dma_start3A_88 = tpu.memref_slice %arg6[%run_scoped3A_51, %dma_start3A] : memref<80x64xi32, #tpu.memory_space<vmem>> -> memref<1x64xi32, #tpu.memory_space<vmem>>
      %dma_start3A_89 = tpu.memref_squeeze %dma_start3A_88 : memref<1x64xi32, #tpu.memory_space<vmem>> -> memref<64xi32, #tpu.memory_space<vmem>>
      %dma_start3A_90 = arith.constant 0 : i32
      %dma_start3A_91 = arith.constant 0 : i32
      %dma_start3A_92 = tpu.memref_slice %arg8[%dma_start3A_90, %dma_start3A_91] : memref<10112x128xf32, #tpu.memory_space<vmem_shared>> -> memref<10112x128xf32, #tpu.memory_space<vmem_shared>>
      tpu.enqueue_indirect_dma source(%arg7 : memref<64x128xf32, #tpu.memory_space<vmem>>) target(%dma_start3A_92 : memref<10112x128xf32, #tpu.memory_space<vmem_shared>>) offsets(%dma_start3A_89 : memref<64xi32, #tpu.memory_space<vmem>>) semaphore(%run_scoped3A_87 : memref<!tpu.dma_semaphore, #tpu.memory_space<semaphore_mem>>) {add = true}
      %dma_wait3A = arith.constant 0 : i32
      %dma_wait3A_93 = tpu.memref_slice %arg6[%run_scoped3A_51, %dma_wait3A] : memref<80x64xi32, #tpu.memory_space<vmem>> -> memref<1x64xi32, #tpu.memory_space<vmem>>
      %dma_wait3A_94 = tpu.memref_squeeze %dma_wait3A_93 : memref<1x64xi32, #tpu.memory_space<vmem>> -> memref<64xi32, #tpu.memory_space<vmem>>
      %dma_wait3A_95 = arith.constant 0 : i32
      %dma_wait3A_96 = arith.constant 0 : i32
      %dma_wait3A_97 = tpu.memref_slice %arg8[%dma_wait3A_95, %dma_wait3A_96] : memref<10112x128xf32, #tpu.memory_space<vmem_shared>> -> memref<10112x128xf32, #tpu.memory_space<vmem_shared>>
      tpu.wait_indirect_dma semaphore(%run_scoped3A_87 : memref<!tpu.dma_semaphore, #tpu.memory_space<semaphore_mem>>) src(%arg7 : memref<64x128xf32, #tpu.memory_space<vmem>>) dst(%dma_wait3A_97 : memref<10112x128xf32, #tpu.memory_space<vmem_shared>>)
      tpu.yield
    }) : () -> ()
    %run_scoped3A_52 = arith.constant 50 : i32
    "tpu.region"() ({
      %run_scoped3A_87 = tpu.sem_alloc : memref<!tpu.dma_semaphore, #tpu.memory_space<semaphore_mem>>
      %dma_start3A = arith.constant 0 : i32
      %dma_start3A_88 = tpu.memref_slice %arg6[%run_scoped3A_52, %dma_start3A] : memref<80x64xi32, #tpu.memory_space<vmem>> -> memref<1x64xi32, #tpu.memory_space<vmem>>
      %dma_start3A_89 = tpu.memref_squeeze %dma_start3A_88 : memref<1x64xi32, #tpu.memory_space<vmem>> -> memref<64xi32, #tpu.memory_space<vmem>>
      %dma_start3A_90 = arith.constant 0 : i32
      %dma_start3A_91 = arith.constant 0 : i32
      %dma_start3A_92 = tpu.memref_slice %arg8[%dma_start3A_90, %dma_start3A_91] : memref<10112x128xf32, #tpu.memory_space<vmem_shared>> -> memref<10112x128xf32, #tpu.memory_space<vmem_shared>>
      tpu.enqueue_indirect_dma source(%arg7 : memref<64x128xf32, #tpu.memory_space<vmem>>) target(%dma_start3A_92 : memref<10112x128xf32, #tpu.memory_space<vmem_shared>>) offsets(%dma_start3A_89 : memref<64xi32, #tpu.memory_space<vmem>>) semaphore(%run_scoped3A_87 : memref<!tpu.dma_semaphore, #tpu.memory_space<semaphore_mem>>) {add = true}
      %dma_wait3A = arith.constant 0 : i32
      %dma_wait3A_93 = tpu.memref_slice %arg6[%run_scoped3A_52, %dma_wait3A] : memref<80x64xi32, #tpu.memory_space<vmem>> -> memref<1x64xi32, #tpu.memory_space<vmem>>
      %dma_wait3A_94 = tpu.memref_squeeze %dma_wait3A_93 : memref<1x64xi32, #tpu.memory_space<vmem>> -> memref<64xi32, #tpu.memory_space<vmem>>
      %dma_wait3A_95 = arith.constant 0 : i32
      %dma_wait3A_96 = arith.constant 0 : i32
      %dma_wait3A_97 = tpu.memref_slice %arg8[%dma_wait3A_95, %dma_wait3A_96] : memref<10112x128xf32, #tpu.memory_space<vmem_shared>> -> memref<10112x128xf32, #tpu.memory_space<vmem_shared>>
      tpu.wait_indirect_dma semaphore(%run_scoped3A_87 : memref<!tpu.dma_semaphore, #tpu.memory_space<semaphore_mem>>) src(%arg7 : memref<64x128xf32, #tpu.memory_space<vmem>>) dst(%dma_wait3A_97 : memref<10112x128xf32, #tpu.memory_space<vmem_shared>>)
      tpu.yield
    }) : () -> ()
    %run_scoped3A_53 = arith.constant 51 : i32
    "tpu.region"() ({
      %run_scoped3A_87 = tpu.sem_alloc : memref<!tpu.dma_semaphore, #tpu.memory_space<semaphore_mem>>
      %dma_start3A = arith.constant 0 : i32
      %dma_start3A_88 = tpu.memref_slice %arg6[%run_scoped3A_53, %dma_start3A] : memref<80x64xi32, #tpu.memory_space<vmem>> -> memref<1x64xi32, #tpu.memory_space<vmem>>
      %dma_start3A_89 = tpu.memref_squeeze %dma_start3A_88 : memref<1x64xi32, #tpu.memory_space<vmem>> -> memref<64xi32, #tpu.memory_space<vmem>>
      %dma_start3A_90 = arith.constant 0 : i32
      %dma_start3A_91 = arith.constant 0 : i32
      %dma_start3A_92 = tpu.memref_slice %arg8[%dma_start3A_90, %dma_start3A_91] : memref<10112x128xf32, #tpu.memory_space<vmem_shared>> -> memref<10112x128xf32, #tpu.memory_space<vmem_shared>>
      tpu.enqueue_indirect_dma source(%arg7 : memref<64x128xf32, #tpu.memory_space<vmem>>) target(%dma_start3A_92 : memref<10112x128xf32, #tpu.memory_space<vmem_shared>>) offsets(%dma_start3A_89 : memref<64xi32, #tpu.memory_space<vmem>>) semaphore(%run_scoped3A_87 : memref<!tpu.dma_semaphore, #tpu.memory_space<semaphore_mem>>) {add = true}
      %dma_wait3A = arith.constant 0 : i32
      %dma_wait3A_93 = tpu.memref_slice %arg6[%run_scoped3A_53, %dma_wait3A] : memref<80x64xi32, #tpu.memory_space<vmem>> -> memref<1x64xi32, #tpu.memory_space<vmem>>
      %dma_wait3A_94 = tpu.memref_squeeze %dma_wait3A_93 : memref<1x64xi32, #tpu.memory_space<vmem>> -> memref<64xi32, #tpu.memory_space<vmem>>
      %dma_wait3A_95 = arith.constant 0 : i32
      %dma_wait3A_96 = arith.constant 0 : i32
      %dma_wait3A_97 = tpu.memref_slice %arg8[%dma_wait3A_95, %dma_wait3A_96] : memref<10112x128xf32, #tpu.memory_space<vmem_shared>> -> memref<10112x128xf32, #tpu.memory_space<vmem_shared>>
      tpu.wait_indirect_dma semaphore(%run_scoped3A_87 : memref<!tpu.dma_semaphore, #tpu.memory_space<semaphore_mem>>) src(%arg7 : memref<64x128xf32, #tpu.memory_space<vmem>>) dst(%dma_wait3A_97 : memref<10112x128xf32, #tpu.memory_space<vmem_shared>>)
      tpu.yield
    }) : () -> ()
    %run_scoped3A_54 = arith.constant 52 : i32
    "tpu.region"() ({
      %run_scoped3A_87 = tpu.sem_alloc : memref<!tpu.dma_semaphore, #tpu.memory_space<semaphore_mem>>
      %dma_start3A = arith.constant 0 : i32
      %dma_start3A_88 = tpu.memref_slice %arg6[%run_scoped3A_54, %dma_start3A] : memref<80x64xi32, #tpu.memory_space<vmem>> -> memref<1x64xi32, #tpu.memory_space<vmem>>
      %dma_start3A_89 = tpu.memref_squeeze %dma_start3A_88 : memref<1x64xi32, #tpu.memory_space<vmem>> -> memref<64xi32, #tpu.memory_space<vmem>>
      %dma_start3A_90 = arith.constant 0 : i32
      %dma_start3A_91 = arith.constant 0 : i32
      %dma_start3A_92 = tpu.memref_slice %arg8[%dma_start3A_90, %dma_start3A_91] : memref<10112x128xf32, #tpu.memory_space<vmem_shared>> -> memref<10112x128xf32, #tpu.memory_space<vmem_shared>>
      tpu.enqueue_indirect_dma source(%arg7 : memref<64x128xf32, #tpu.memory_space<vmem>>) target(%dma_start3A_92 : memref<10112x128xf32, #tpu.memory_space<vmem_shared>>) offsets(%dma_start3A_89 : memref<64xi32, #tpu.memory_space<vmem>>) semaphore(%run_scoped3A_87 : memref<!tpu.dma_semaphore, #tpu.memory_space<semaphore_mem>>) {add = true}
      %dma_wait3A = arith.constant 0 : i32
      %dma_wait3A_93 = tpu.memref_slice %arg6[%run_scoped3A_54, %dma_wait3A] : memref<80x64xi32, #tpu.memory_space<vmem>> -> memref<1x64xi32, #tpu.memory_space<vmem>>
      %dma_wait3A_94 = tpu.memref_squeeze %dma_wait3A_93 : memref<1x64xi32, #tpu.memory_space<vmem>> -> memref<64xi32, #tpu.memory_space<vmem>>
      %dma_wait3A_95 = arith.constant 0 : i32
      %dma_wait3A_96 = arith.constant 0 : i32
      %dma_wait3A_97 = tpu.memref_slice %arg8[%dma_wait3A_95, %dma_wait3A_96] : memref<10112x128xf32, #tpu.memory_space<vmem_shared>> -> memref<10112x128xf32, #tpu.memory_space<vmem_shared>>
      tpu.wait_indirect_dma semaphore(%run_scoped3A_87 : memref<!tpu.dma_semaphore, #tpu.memory_space<semaphore_mem>>) src(%arg7 : memref<64x128xf32, #tpu.memory_space<vmem>>) dst(%dma_wait3A_97 : memref<10112x128xf32, #tpu.memory_space<vmem_shared>>)
      tpu.yield
    }) : () -> ()
    %run_scoped3A_55 = arith.constant 53 : i32
    "tpu.region"() ({
      %run_scoped3A_87 = tpu.sem_alloc : memref<!tpu.dma_semaphore, #tpu.memory_space<semaphore_mem>>
      %dma_start3A = arith.constant 0 : i32
      %dma_start3A_88 = tpu.memref_slice %arg6[%run_scoped3A_55, %dma_start3A] : memref<80x64xi32, #tpu.memory_space<vmem>> -> memref<1x64xi32, #tpu.memory_space<vmem>>
      %dma_start3A_89 = tpu.memref_squeeze %dma_start3A_88 : memref<1x64xi32, #tpu.memory_space<vmem>> -> memref<64xi32, #tpu.memory_space<vmem>>
      %dma_start3A_90 = arith.constant 0 : i32
      %dma_start3A_91 = arith.constant 0 : i32
      %dma_start3A_92 = tpu.memref_slice %arg8[%dma_start3A_90, %dma_start3A_91] : memref<10112x128xf32, #tpu.memory_space<vmem_shared>> -> memref<10112x128xf32, #tpu.memory_space<vmem_shared>>
      tpu.enqueue_indirect_dma source(%arg7 : memref<64x128xf32, #tpu.memory_space<vmem>>) target(%dma_start3A_92 : memref<10112x128xf32, #tpu.memory_space<vmem_shared>>) offsets(%dma_start3A_89 : memref<64xi32, #tpu.memory_space<vmem>>) semaphore(%run_scoped3A_87 : memref<!tpu.dma_semaphore, #tpu.memory_space<semaphore_mem>>) {add = true}
      %dma_wait3A = arith.constant 0 : i32
      %dma_wait3A_93 = tpu.memref_slice %arg6[%run_scoped3A_55, %dma_wait3A] : memref<80x64xi32, #tpu.memory_space<vmem>> -> memref<1x64xi32, #tpu.memory_space<vmem>>
      %dma_wait3A_94 = tpu.memref_squeeze %dma_wait3A_93 : memref<1x64xi32, #tpu.memory_space<vmem>> -> memref<64xi32, #tpu.memory_space<vmem>>
      %dma_wait3A_95 = arith.constant 0 : i32
      %dma_wait3A_96 = arith.constant 0 : i32
      %dma_wait3A_97 = tpu.memref_slice %arg8[%dma_wait3A_95, %dma_wait3A_96] : memref<10112x128xf32, #tpu.memory_space<vmem_shared>> -> memref<10112x128xf32, #tpu.memory_space<vmem_shared>>
      tpu.wait_indirect_dma semaphore(%run_scoped3A_87 : memref<!tpu.dma_semaphore, #tpu.memory_space<semaphore_mem>>) src(%arg7 : memref<64x128xf32, #tpu.memory_space<vmem>>) dst(%dma_wait3A_97 : memref<10112x128xf32, #tpu.memory_space<vmem_shared>>)
      tpu.yield
    }) : () -> ()
    %run_scoped3A_56 = arith.constant 54 : i32
    "tpu.region"() ({
      %run_scoped3A_87 = tpu.sem_alloc : memref<!tpu.dma_semaphore, #tpu.memory_space<semaphore_mem>>
      %dma_start3A = arith.constant 0 : i32
      %dma_start3A_88 = tpu.memref_slice %arg6[%run_scoped3A_56, %dma_start3A] : memref<80x64xi32, #tpu.memory_space<vmem>> -> memref<1x64xi32, #tpu.memory_space<vmem>>
      %dma_start3A_89 = tpu.memref_squeeze %dma_start3A_88 : memref<1x64xi32, #tpu.memory_space<vmem>> -> memref<64xi32, #tpu.memory_space<vmem>>
      %dma_start3A_90 = arith.constant 0 : i32
      %dma_start3A_91 = arith.constant 0 : i32
      %dma_start3A_92 = tpu.memref_slice %arg8[%dma_start3A_90, %dma_start3A_91] : memref<10112x128xf32, #tpu.memory_space<vmem_shared>> -> memref<10112x128xf32, #tpu.memory_space<vmem_shared>>
      tpu.enqueue_indirect_dma source(%arg7 : memref<64x128xf32, #tpu.memory_space<vmem>>) target(%dma_start3A_92 : memref<10112x128xf32, #tpu.memory_space<vmem_shared>>) offsets(%dma_start3A_89 : memref<64xi32, #tpu.memory_space<vmem>>) semaphore(%run_scoped3A_87 : memref<!tpu.dma_semaphore, #tpu.memory_space<semaphore_mem>>) {add = true}
      %dma_wait3A = arith.constant 0 : i32
      %dma_wait3A_93 = tpu.memref_slice %arg6[%run_scoped3A_56, %dma_wait3A] : memref<80x64xi32, #tpu.memory_space<vmem>> -> memref<1x64xi32, #tpu.memory_space<vmem>>
      %dma_wait3A_94 = tpu.memref_squeeze %dma_wait3A_93 : memref<1x64xi32, #tpu.memory_space<vmem>> -> memref<64xi32, #tpu.memory_space<vmem>>
      %dma_wait3A_95 = arith.constant 0 : i32
      %dma_wait3A_96 = arith.constant 0 : i32
      %dma_wait3A_97 = tpu.memref_slice %arg8[%dma_wait3A_95, %dma_wait3A_96] : memref<10112x128xf32, #tpu.memory_space<vmem_shared>> -> memref<10112x128xf32, #tpu.memory_space<vmem_shared>>
      tpu.wait_indirect_dma semaphore(%run_scoped3A_87 : memref<!tpu.dma_semaphore, #tpu.memory_space<semaphore_mem>>) src(%arg7 : memref<64x128xf32, #tpu.memory_space<vmem>>) dst(%dma_wait3A_97 : memref<10112x128xf32, #tpu.memory_space<vmem_shared>>)
      tpu.yield
    }) : () -> ()
    %run_scoped3A_57 = arith.constant 55 : i32
    "tpu.region"() ({
      %run_scoped3A_87 = tpu.sem_alloc : memref<!tpu.dma_semaphore, #tpu.memory_space<semaphore_mem>>
      %dma_start3A = arith.constant 0 : i32
      %dma_start3A_88 = tpu.memref_slice %arg6[%run_scoped3A_57, %dma_start3A] : memref<80x64xi32, #tpu.memory_space<vmem>> -> memref<1x64xi32, #tpu.memory_space<vmem>>
      %dma_start3A_89 = tpu.memref_squeeze %dma_start3A_88 : memref<1x64xi32, #tpu.memory_space<vmem>> -> memref<64xi32, #tpu.memory_space<vmem>>
      %dma_start3A_90 = arith.constant 0 : i32
      %dma_start3A_91 = arith.constant 0 : i32
      %dma_start3A_92 = tpu.memref_slice %arg8[%dma_start3A_90, %dma_start3A_91] : memref<10112x128xf32, #tpu.memory_space<vmem_shared>> -> memref<10112x128xf32, #tpu.memory_space<vmem_shared>>
      tpu.enqueue_indirect_dma source(%arg7 : memref<64x128xf32, #tpu.memory_space<vmem>>) target(%dma_start3A_92 : memref<10112x128xf32, #tpu.memory_space<vmem_shared>>) offsets(%dma_start3A_89 : memref<64xi32, #tpu.memory_space<vmem>>) semaphore(%run_scoped3A_87 : memref<!tpu.dma_semaphore, #tpu.memory_space<semaphore_mem>>) {add = true}
      %dma_wait3A = arith.constant 0 : i32
      %dma_wait3A_93 = tpu.memref_slice %arg6[%run_scoped3A_57, %dma_wait3A] : memref<80x64xi32, #tpu.memory_space<vmem>> -> memref<1x64xi32, #tpu.memory_space<vmem>>
      %dma_wait3A_94 = tpu.memref_squeeze %dma_wait3A_93 : memref<1x64xi32, #tpu.memory_space<vmem>> -> memref<64xi32, #tpu.memory_space<vmem>>
      %dma_wait3A_95 = arith.constant 0 : i32
      %dma_wait3A_96 = arith.constant 0 : i32
      %dma_wait3A_97 = tpu.memref_slice %arg8[%dma_wait3A_95, %dma_wait3A_96] : memref<10112x128xf32, #tpu.memory_space<vmem_shared>> -> memref<10112x128xf32, #tpu.memory_space<vmem_shared>>
      tpu.wait_indirect_dma semaphore(%run_scoped3A_87 : memref<!tpu.dma_semaphore, #tpu.memory_space<semaphore_mem>>) src(%arg7 : memref<64x128xf32, #tpu.memory_space<vmem>>) dst(%dma_wait3A_97 : memref<10112x128xf32, #tpu.memory_space<vmem_shared>>)
      tpu.yield
    }) : () -> ()
    %run_scoped3A_58 = arith.constant 56 : i32
    "tpu.region"() ({
      %run_scoped3A_87 = tpu.sem_alloc : memref<!tpu.dma_semaphore, #tpu.memory_space<semaphore_mem>>
      %dma_start3A = arith.constant 0 : i32
      %dma_start3A_88 = tpu.memref_slice %arg6[%run_scoped3A_58, %dma_start3A] : memref<80x64xi32, #tpu.memory_space<vmem>> -> memref<1x64xi32, #tpu.memory_space<vmem>>
      %dma_start3A_89 = tpu.memref_squeeze %dma_start3A_88 : memref<1x64xi32, #tpu.memory_space<vmem>> -> memref<64xi32, #tpu.memory_space<vmem>>
      %dma_start3A_90 = arith.constant 0 : i32
      %dma_start3A_91 = arith.constant 0 : i32
      %dma_start3A_92 = tpu.memref_slice %arg8[%dma_start3A_90, %dma_start3A_91] : memref<10112x128xf32, #tpu.memory_space<vmem_shared>> -> memref<10112x128xf32, #tpu.memory_space<vmem_shared>>
      tpu.enqueue_indirect_dma source(%arg7 : memref<64x128xf32, #tpu.memory_space<vmem>>) target(%dma_start3A_92 : memref<10112x128xf32, #tpu.memory_space<vmem_shared>>) offsets(%dma_start3A_89 : memref<64xi32, #tpu.memory_space<vmem>>) semaphore(%run_scoped3A_87 : memref<!tpu.dma_semaphore, #tpu.memory_space<semaphore_mem>>) {add = true}
      %dma_wait3A = arith.constant 0 : i32
      %dma_wait3A_93 = tpu.memref_slice %arg6[%run_scoped3A_58, %dma_wait3A] : memref<80x64xi32, #tpu.memory_space<vmem>> -> memref<1x64xi32, #tpu.memory_space<vmem>>
      %dma_wait3A_94 = tpu.memref_squeeze %dma_wait3A_93 : memref<1x64xi32, #tpu.memory_space<vmem>> -> memref<64xi32, #tpu.memory_space<vmem>>
      %dma_wait3A_95 = arith.constant 0 : i32
      %dma_wait3A_96 = arith.constant 0 : i32
      %dma_wait3A_97 = tpu.memref_slice %arg8[%dma_wait3A_95, %dma_wait3A_96] : memref<10112x128xf32, #tpu.memory_space<vmem_shared>> -> memref<10112x128xf32, #tpu.memory_space<vmem_shared>>
      tpu.wait_indirect_dma semaphore(%run_scoped3A_87 : memref<!tpu.dma_semaphore, #tpu.memory_space<semaphore_mem>>) src(%arg7 : memref<64x128xf32, #tpu.memory_space<vmem>>) dst(%dma_wait3A_97 : memref<10112x128xf32, #tpu.memory_space<vmem_shared>>)
      tpu.yield
    }) : () -> ()
    %run_scoped3A_59 = arith.constant 57 : i32
    "tpu.region"() ({
      %run_scoped3A_87 = tpu.sem_alloc : memref<!tpu.dma_semaphore, #tpu.memory_space<semaphore_mem>>
      %dma_start3A = arith.constant 0 : i32
      %dma_start3A_88 = tpu.memref_slice %arg6[%run_scoped3A_59, %dma_start3A] : memref<80x64xi32, #tpu.memory_space<vmem>> -> memref<1x64xi32, #tpu.memory_space<vmem>>
      %dma_start3A_89 = tpu.memref_squeeze %dma_start3A_88 : memref<1x64xi32, #tpu.memory_space<vmem>> -> memref<64xi32, #tpu.memory_space<vmem>>
      %dma_start3A_90 = arith.constant 0 : i32
      %dma_start3A_91 = arith.constant 0 : i32
      %dma_start3A_92 = tpu.memref_slice %arg8[%dma_start3A_90, %dma_start3A_91] : memref<10112x128xf32, #tpu.memory_space<vmem_shared>> -> memref<10112x128xf32, #tpu.memory_space<vmem_shared>>
      tpu.enqueue_indirect_dma source(%arg7 : memref<64x128xf32, #tpu.memory_space<vmem>>) target(%dma_start3A_92 : memref<10112x128xf32, #tpu.memory_space<vmem_shared>>) offsets(%dma_start3A_89 : memref<64xi32, #tpu.memory_space<vmem>>) semaphore(%run_scoped3A_87 : memref<!tpu.dma_semaphore, #tpu.memory_space<semaphore_mem>>) {add = true}
      %dma_wait3A = arith.constant 0 : i32
      %dma_wait3A_93 = tpu.memref_slice %arg6[%run_scoped3A_59, %dma_wait3A] : memref<80x64xi32, #tpu.memory_space<vmem>> -> memref<1x64xi32, #tpu.memory_space<vmem>>
      %dma_wait3A_94 = tpu.memref_squeeze %dma_wait3A_93 : memref<1x64xi32, #tpu.memory_space<vmem>> -> memref<64xi32, #tpu.memory_space<vmem>>
      %dma_wait3A_95 = arith.constant 0 : i32
      %dma_wait3A_96 = arith.constant 0 : i32
      %dma_wait3A_97 = tpu.memref_slice %arg8[%dma_wait3A_95, %dma_wait3A_96] : memref<10112x128xf32, #tpu.memory_space<vmem_shared>> -> memref<10112x128xf32, #tpu.memory_space<vmem_shared>>
      tpu.wait_indirect_dma semaphore(%run_scoped3A_87 : memref<!tpu.dma_semaphore, #tpu.memory_space<semaphore_mem>>) src(%arg7 : memref<64x128xf32, #tpu.memory_space<vmem>>) dst(%dma_wait3A_97 : memref<10112x128xf32, #tpu.memory_space<vmem_shared>>)
      tpu.yield
    }) : () -> ()
    %run_scoped3A_60 = arith.constant 58 : i32
    "tpu.region"() ({
      %run_scoped3A_87 = tpu.sem_alloc : memref<!tpu.dma_semaphore, #tpu.memory_space<semaphore_mem>>
      %dma_start3A = arith.constant 0 : i32
      %dma_start3A_88 = tpu.memref_slice %arg6[%run_scoped3A_60, %dma_start3A] : memref<80x64xi32, #tpu.memory_space<vmem>> -> memref<1x64xi32, #tpu.memory_space<vmem>>
      %dma_start3A_89 = tpu.memref_squeeze %dma_start3A_88 : memref<1x64xi32, #tpu.memory_space<vmem>> -> memref<64xi32, #tpu.memory_space<vmem>>
      %dma_start3A_90 = arith.constant 0 : i32
      %dma_start3A_91 = arith.constant 0 : i32
      %dma_start3A_92 = tpu.memref_slice %arg8[%dma_start3A_90, %dma_start3A_91] : memref<10112x128xf32, #tpu.memory_space<vmem_shared>> -> memref<10112x128xf32, #tpu.memory_space<vmem_shared>>
      tpu.enqueue_indirect_dma source(%arg7 : memref<64x128xf32, #tpu.memory_space<vmem>>) target(%dma_start3A_92 : memref<10112x128xf32, #tpu.memory_space<vmem_shared>>) offsets(%dma_start3A_89 : memref<64xi32, #tpu.memory_space<vmem>>) semaphore(%run_scoped3A_87 : memref<!tpu.dma_semaphore, #tpu.memory_space<semaphore_mem>>) {add = true}
      %dma_wait3A = arith.constant 0 : i32
      %dma_wait3A_93 = tpu.memref_slice %arg6[%run_scoped3A_60, %dma_wait3A] : memref<80x64xi32, #tpu.memory_space<vmem>> -> memref<1x64xi32, #tpu.memory_space<vmem>>
      %dma_wait3A_94 = tpu.memref_squeeze %dma_wait3A_93 : memref<1x64xi32, #tpu.memory_space<vmem>> -> memref<64xi32, #tpu.memory_space<vmem>>
      %dma_wait3A_95 = arith.constant 0 : i32
      %dma_wait3A_96 = arith.constant 0 : i32
      %dma_wait3A_97 = tpu.memref_slice %arg8[%dma_wait3A_95, %dma_wait3A_96] : memref<10112x128xf32, #tpu.memory_space<vmem_shared>> -> memref<10112x128xf32, #tpu.memory_space<vmem_shared>>
      tpu.wait_indirect_dma semaphore(%run_scoped3A_87 : memref<!tpu.dma_semaphore, #tpu.memory_space<semaphore_mem>>) src(%arg7 : memref<64x128xf32, #tpu.memory_space<vmem>>) dst(%dma_wait3A_97 : memref<10112x128xf32, #tpu.memory_space<vmem_shared>>)
      tpu.yield
    }) : () -> ()
    %run_scoped3A_61 = arith.constant 59 : i32
    "tpu.region"() ({
      %run_scoped3A_87 = tpu.sem_alloc : memref<!tpu.dma_semaphore, #tpu.memory_space<semaphore_mem>>
      %dma_start3A = arith.constant 0 : i32
      %dma_start3A_88 = tpu.memref_slice %arg6[%run_scoped3A_61, %dma_start3A] : memref<80x64xi32, #tpu.memory_space<vmem>> -> memref<1x64xi32, #tpu.memory_space<vmem>>
      %dma_start3A_89 = tpu.memref_squeeze %dma_start3A_88 : memref<1x64xi32, #tpu.memory_space<vmem>> -> memref<64xi32, #tpu.memory_space<vmem>>
      %dma_start3A_90 = arith.constant 0 : i32
      %dma_start3A_91 = arith.constant 0 : i32
      %dma_start3A_92 = tpu.memref_slice %arg8[%dma_start3A_90, %dma_start3A_91] : memref<10112x128xf32, #tpu.memory_space<vmem_shared>> -> memref<10112x128xf32, #tpu.memory_space<vmem_shared>>
      tpu.enqueue_indirect_dma source(%arg7 : memref<64x128xf32, #tpu.memory_space<vmem>>) target(%dma_start3A_92 : memref<10112x128xf32, #tpu.memory_space<vmem_shared>>) offsets(%dma_start3A_89 : memref<64xi32, #tpu.memory_space<vmem>>) semaphore(%run_scoped3A_87 : memref<!tpu.dma_semaphore, #tpu.memory_space<semaphore_mem>>) {add = true}
      %dma_wait3A = arith.constant 0 : i32
      %dma_wait3A_93 = tpu.memref_slice %arg6[%run_scoped3A_61, %dma_wait3A] : memref<80x64xi32, #tpu.memory_space<vmem>> -> memref<1x64xi32, #tpu.memory_space<vmem>>
      %dma_wait3A_94 = tpu.memref_squeeze %dma_wait3A_93 : memref<1x64xi32, #tpu.memory_space<vmem>> -> memref<64xi32, #tpu.memory_space<vmem>>
      %dma_wait3A_95 = arith.constant 0 : i32
      %dma_wait3A_96 = arith.constant 0 : i32
      %dma_wait3A_97 = tpu.memref_slice %arg8[%dma_wait3A_95, %dma_wait3A_96] : memref<10112x128xf32, #tpu.memory_space<vmem_shared>> -> memref<10112x128xf32, #tpu.memory_space<vmem_shared>>
      tpu.wait_indirect_dma semaphore(%run_scoped3A_87 : memref<!tpu.dma_semaphore, #tpu.memory_space<semaphore_mem>>) src(%arg7 : memref<64x128xf32, #tpu.memory_space<vmem>>) dst(%dma_wait3A_97 : memref<10112x128xf32, #tpu.memory_space<vmem_shared>>)
      tpu.yield
    }) : () -> ()
    %run_scoped3A_62 = arith.constant 60 : i32
    "tpu.region"() ({
      %run_scoped3A_87 = tpu.sem_alloc : memref<!tpu.dma_semaphore, #tpu.memory_space<semaphore_mem>>
      %dma_start3A = arith.constant 0 : i32
      %dma_start3A_88 = tpu.memref_slice %arg6[%run_scoped3A_62, %dma_start3A] : memref<80x64xi32, #tpu.memory_space<vmem>> -> memref<1x64xi32, #tpu.memory_space<vmem>>
      %dma_start3A_89 = tpu.memref_squeeze %dma_start3A_88 : memref<1x64xi32, #tpu.memory_space<vmem>> -> memref<64xi32, #tpu.memory_space<vmem>>
      %dma_start3A_90 = arith.constant 0 : i32
      %dma_start3A_91 = arith.constant 0 : i32
      %dma_start3A_92 = tpu.memref_slice %arg8[%dma_start3A_90, %dma_start3A_91] : memref<10112x128xf32, #tpu.memory_space<vmem_shared>> -> memref<10112x128xf32, #tpu.memory_space<vmem_shared>>
      tpu.enqueue_indirect_dma source(%arg7 : memref<64x128xf32, #tpu.memory_space<vmem>>) target(%dma_start3A_92 : memref<10112x128xf32, #tpu.memory_space<vmem_shared>>) offsets(%dma_start3A_89 : memref<64xi32, #tpu.memory_space<vmem>>) semaphore(%run_scoped3A_87 : memref<!tpu.dma_semaphore, #tpu.memory_space<semaphore_mem>>) {add = true}
      %dma_wait3A = arith.constant 0 : i32
      %dma_wait3A_93 = tpu.memref_slice %arg6[%run_scoped3A_62, %dma_wait3A] : memref<80x64xi32, #tpu.memory_space<vmem>> -> memref<1x64xi32, #tpu.memory_space<vmem>>
      %dma_wait3A_94 = tpu.memref_squeeze %dma_wait3A_93 : memref<1x64xi32, #tpu.memory_space<vmem>> -> memref<64xi32, #tpu.memory_space<vmem>>
      %dma_wait3A_95 = arith.constant 0 : i32
      %dma_wait3A_96 = arith.constant 0 : i32
      %dma_wait3A_97 = tpu.memref_slice %arg8[%dma_wait3A_95, %dma_wait3A_96] : memref<10112x128xf32, #tpu.memory_space<vmem_shared>> -> memref<10112x128xf32, #tpu.memory_space<vmem_shared>>
      tpu.wait_indirect_dma semaphore(%run_scoped3A_87 : memref<!tpu.dma_semaphore, #tpu.memory_space<semaphore_mem>>) src(%arg7 : memref<64x128xf32, #tpu.memory_space<vmem>>) dst(%dma_wait3A_97 : memref<10112x128xf32, #tpu.memory_space<vmem_shared>>)
      tpu.yield
    }) : () -> ()
    %run_scoped3A_63 = arith.constant 61 : i32
    "tpu.region"() ({
      %run_scoped3A_87 = tpu.sem_alloc : memref<!tpu.dma_semaphore, #tpu.memory_space<semaphore_mem>>
      %dma_start3A = arith.constant 0 : i32
      %dma_start3A_88 = tpu.memref_slice %arg6[%run_scoped3A_63, %dma_start3A] : memref<80x64xi32, #tpu.memory_space<vmem>> -> memref<1x64xi32, #tpu.memory_space<vmem>>
      %dma_start3A_89 = tpu.memref_squeeze %dma_start3A_88 : memref<1x64xi32, #tpu.memory_space<vmem>> -> memref<64xi32, #tpu.memory_space<vmem>>
      %dma_start3A_90 = arith.constant 0 : i32
      %dma_start3A_91 = arith.constant 0 : i32
      %dma_start3A_92 = tpu.memref_slice %arg8[%dma_start3A_90, %dma_start3A_91] : memref<10112x128xf32, #tpu.memory_space<vmem_shared>> -> memref<10112x128xf32, #tpu.memory_space<vmem_shared>>
      tpu.enqueue_indirect_dma source(%arg7 : memref<64x128xf32, #tpu.memory_space<vmem>>) target(%dma_start3A_92 : memref<10112x128xf32, #tpu.memory_space<vmem_shared>>) offsets(%dma_start3A_89 : memref<64xi32, #tpu.memory_space<vmem>>) semaphore(%run_scoped3A_87 : memref<!tpu.dma_semaphore, #tpu.memory_space<semaphore_mem>>) {add = true}
      %dma_wait3A = arith.constant 0 : i32
      %dma_wait3A_93 = tpu.memref_slice %arg6[%run_scoped3A_63, %dma_wait3A] : memref<80x64xi32, #tpu.memory_space<vmem>> -> memref<1x64xi32, #tpu.memory_space<vmem>>
      %dma_wait3A_94 = tpu.memref_squeeze %dma_wait3A_93 : memref<1x64xi32, #tpu.memory_space<vmem>> -> memref<64xi32, #tpu.memory_space<vmem>>
      %dma_wait3A_95 = arith.constant 0 : i32
      %dma_wait3A_96 = arith.constant 0 : i32
      %dma_wait3A_97 = tpu.memref_slice %arg8[%dma_wait3A_95, %dma_wait3A_96] : memref<10112x128xf32, #tpu.memory_space<vmem_shared>> -> memref<10112x128xf32, #tpu.memory_space<vmem_shared>>
      tpu.wait_indirect_dma semaphore(%run_scoped3A_87 : memref<!tpu.dma_semaphore, #tpu.memory_space<semaphore_mem>>) src(%arg7 : memref<64x128xf32, #tpu.memory_space<vmem>>) dst(%dma_wait3A_97 : memref<10112x128xf32, #tpu.memory_space<vmem_shared>>)
      tpu.yield
    }) : () -> ()
    %run_scoped3A_64 = arith.constant 62 : i32
    "tpu.region"() ({
      %run_scoped3A_87 = tpu.sem_alloc : memref<!tpu.dma_semaphore, #tpu.memory_space<semaphore_mem>>
      %dma_start3A = arith.constant 0 : i32
      %dma_start3A_88 = tpu.memref_slice %arg6[%run_scoped3A_64, %dma_start3A] : memref<80x64xi32, #tpu.memory_space<vmem>> -> memref<1x64xi32, #tpu.memory_space<vmem>>
      %dma_start3A_89 = tpu.memref_squeeze %dma_start3A_88 : memref<1x64xi32, #tpu.memory_space<vmem>> -> memref<64xi32, #tpu.memory_space<vmem>>
      %dma_start3A_90 = arith.constant 0 : i32
      %dma_start3A_91 = arith.constant 0 : i32
      %dma_start3A_92 = tpu.memref_slice %arg8[%dma_start3A_90, %dma_start3A_91] : memref<10112x128xf32, #tpu.memory_space<vmem_shared>> -> memref<10112x128xf32, #tpu.memory_space<vmem_shared>>
      tpu.enqueue_indirect_dma source(%arg7 : memref<64x128xf32, #tpu.memory_space<vmem>>) target(%dma_start3A_92 : memref<10112x128xf32, #tpu.memory_space<vmem_shared>>) offsets(%dma_start3A_89 : memref<64xi32, #tpu.memory_space<vmem>>) semaphore(%run_scoped3A_87 : memref<!tpu.dma_semaphore, #tpu.memory_space<semaphore_mem>>) {add = true}
      %dma_wait3A = arith.constant 0 : i32
      %dma_wait3A_93 = tpu.memref_slice %arg6[%run_scoped3A_64, %dma_wait3A] : memref<80x64xi32, #tpu.memory_space<vmem>> -> memref<1x64xi32, #tpu.memory_space<vmem>>
      %dma_wait3A_94 = tpu.memref_squeeze %dma_wait3A_93 : memref<1x64xi32, #tpu.memory_space<vmem>> -> memref<64xi32, #tpu.memory_space<vmem>>
      %dma_wait3A_95 = arith.constant 0 : i32
      %dma_wait3A_96 = arith.constant 0 : i32
      %dma_wait3A_97 = tpu.memref_slice %arg8[%dma_wait3A_95, %dma_wait3A_96] : memref<10112x128xf32, #tpu.memory_space<vmem_shared>> -> memref<10112x128xf32, #tpu.memory_space<vmem_shared>>
      tpu.wait_indirect_dma semaphore(%run_scoped3A_87 : memref<!tpu.dma_semaphore, #tpu.memory_space<semaphore_mem>>) src(%arg7 : memref<64x128xf32, #tpu.memory_space<vmem>>) dst(%dma_wait3A_97 : memref<10112x128xf32, #tpu.memory_space<vmem_shared>>)
      tpu.yield
    }) : () -> ()
    %run_scoped3A_65 = arith.constant 63 : i32
    "tpu.region"() ({
      %run_scoped3A_87 = tpu.sem_alloc : memref<!tpu.dma_semaphore, #tpu.memory_space<semaphore_mem>>
      %dma_start3A = arith.constant 0 : i32
      %dma_start3A_88 = tpu.memref_slice %arg6[%run_scoped3A_65, %dma_start3A] : memref<80x64xi32, #tpu.memory_space<vmem>> -> memref<1x64xi32, #tpu.memory_space<vmem>>
      %dma_start3A_89 = tpu.memref_squeeze %dma_start3A_88 : memref<1x64xi32, #tpu.memory_space<vmem>> -> memref<64xi32, #tpu.memory_space<vmem>>
      %dma_start3A_90 = arith.constant 0 : i32
      %dma_start3A_91 = arith.constant 0 : i32
      %dma_start3A_92 = tpu.memref_slice %arg8[%dma_start3A_90, %dma_start3A_91] : memref<10112x128xf32, #tpu.memory_space<vmem_shared>> -> memref<10112x128xf32, #tpu.memory_space<vmem_shared>>
      tpu.enqueue_indirect_dma source(%arg7 : memref<64x128xf32, #tpu.memory_space<vmem>>) target(%dma_start3A_92 : memref<10112x128xf32, #tpu.memory_space<vmem_shared>>) offsets(%dma_start3A_89 : memref<64xi32, #tpu.memory_space<vmem>>) semaphore(%run_scoped3A_87 : memref<!tpu.dma_semaphore, #tpu.memory_space<semaphore_mem>>) {add = true}
      %dma_wait3A = arith.constant 0 : i32
      %dma_wait3A_93 = tpu.memref_slice %arg6[%run_scoped3A_65, %dma_wait3A] : memref<80x64xi32, #tpu.memory_space<vmem>> -> memref<1x64xi32, #tpu.memory_space<vmem>>
      %dma_wait3A_94 = tpu.memref_squeeze %dma_wait3A_93 : memref<1x64xi32, #tpu.memory_space<vmem>> -> memref<64xi32, #tpu.memory_space<vmem>>
      %dma_wait3A_95 = arith.constant 0 : i32
      %dma_wait3A_96 = arith.constant 0 : i32
      %dma_wait3A_97 = tpu.memref_slice %arg8[%dma_wait3A_95, %dma_wait3A_96] : memref<10112x128xf32, #tpu.memory_space<vmem_shared>> -> memref<10112x128xf32, #tpu.memory_space<vmem_shared>>
      tpu.wait_indirect_dma semaphore(%run_scoped3A_87 : memref<!tpu.dma_semaphore, #tpu.memory_space<semaphore_mem>>) src(%arg7 : memref<64x128xf32, #tpu.memory_space<vmem>>) dst(%dma_wait3A_97 : memref<10112x128xf32, #tpu.memory_space<vmem_shared>>)
      tpu.yield
    }) : () -> ()
    %run_scoped3A_66 = arith.constant 64 : i32
    "tpu.region"() ({
      %run_scoped3A_87 = tpu.sem_alloc : memref<!tpu.dma_semaphore, #tpu.memory_space<semaphore_mem>>
      %dma_start3A = arith.constant 0 : i32
      %dma_start3A_88 = tpu.memref_slice %arg6[%run_scoped3A_66, %dma_start3A] : memref<80x64xi32, #tpu.memory_space<vmem>> -> memref<1x64xi32, #tpu.memory_space<vmem>>
      %dma_start3A_89 = tpu.memref_squeeze %dma_start3A_88 : memref<1x64xi32, #tpu.memory_space<vmem>> -> memref<64xi32, #tpu.memory_space<vmem>>
      %dma_start3A_90 = arith.constant 0 : i32
      %dma_start3A_91 = arith.constant 0 : i32
      %dma_start3A_92 = tpu.memref_slice %arg8[%dma_start3A_90, %dma_start3A_91] : memref<10112x128xf32, #tpu.memory_space<vmem_shared>> -> memref<10112x128xf32, #tpu.memory_space<vmem_shared>>
      tpu.enqueue_indirect_dma source(%arg7 : memref<64x128xf32, #tpu.memory_space<vmem>>) target(%dma_start3A_92 : memref<10112x128xf32, #tpu.memory_space<vmem_shared>>) offsets(%dma_start3A_89 : memref<64xi32, #tpu.memory_space<vmem>>) semaphore(%run_scoped3A_87 : memref<!tpu.dma_semaphore, #tpu.memory_space<semaphore_mem>>) {add = true}
      %dma_wait3A = arith.constant 0 : i32
      %dma_wait3A_93 = tpu.memref_slice %arg6[%run_scoped3A_66, %dma_wait3A] : memref<80x64xi32, #tpu.memory_space<vmem>> -> memref<1x64xi32, #tpu.memory_space<vmem>>
      %dma_wait3A_94 = tpu.memref_squeeze %dma_wait3A_93 : memref<1x64xi32, #tpu.memory_space<vmem>> -> memref<64xi32, #tpu.memory_space<vmem>>
      %dma_wait3A_95 = arith.constant 0 : i32
      %dma_wait3A_96 = arith.constant 0 : i32
      %dma_wait3A_97 = tpu.memref_slice %arg8[%dma_wait3A_95, %dma_wait3A_96] : memref<10112x128xf32, #tpu.memory_space<vmem_shared>> -> memref<10112x128xf32, #tpu.memory_space<vmem_shared>>
      tpu.wait_indirect_dma semaphore(%run_scoped3A_87 : memref<!tpu.dma_semaphore, #tpu.memory_space<semaphore_mem>>) src(%arg7 : memref<64x128xf32, #tpu.memory_space<vmem>>) dst(%dma_wait3A_97 : memref<10112x128xf32, #tpu.memory_space<vmem_shared>>)
      tpu.yield
    }) : () -> ()
    %run_scoped3A_67 = arith.constant 65 : i32
    "tpu.region"() ({
      %run_scoped3A_87 = tpu.sem_alloc : memref<!tpu.dma_semaphore, #tpu.memory_space<semaphore_mem>>
      %dma_start3A = arith.constant 0 : i32
      %dma_start3A_88 = tpu.memref_slice %arg6[%run_scoped3A_67, %dma_start3A] : memref<80x64xi32, #tpu.memory_space<vmem>> -> memref<1x64xi32, #tpu.memory_space<vmem>>
      %dma_start3A_89 = tpu.memref_squeeze %dma_start3A_88 : memref<1x64xi32, #tpu.memory_space<vmem>> -> memref<64xi32, #tpu.memory_space<vmem>>
      %dma_start3A_90 = arith.constant 0 : i32
      %dma_start3A_91 = arith.constant 0 : i32
      %dma_start3A_92 = tpu.memref_slice %arg8[%dma_start3A_90, %dma_start3A_91] : memref<10112x128xf32, #tpu.memory_space<vmem_shared>> -> memref<10112x128xf32, #tpu.memory_space<vmem_shared>>
      tpu.enqueue_indirect_dma source(%arg7 : memref<64x128xf32, #tpu.memory_space<vmem>>) target(%dma_start3A_92 : memref<10112x128xf32, #tpu.memory_space<vmem_shared>>) offsets(%dma_start3A_89 : memref<64xi32, #tpu.memory_space<vmem>>) semaphore(%run_scoped3A_87 : memref<!tpu.dma_semaphore, #tpu.memory_space<semaphore_mem>>) {add = true}
      %dma_wait3A = arith.constant 0 : i32
      %dma_wait3A_93 = tpu.memref_slice %arg6[%run_scoped3A_67, %dma_wait3A] : memref<80x64xi32, #tpu.memory_space<vmem>> -> memref<1x64xi32, #tpu.memory_space<vmem>>
      %dma_wait3A_94 = tpu.memref_squeeze %dma_wait3A_93 : memref<1x64xi32, #tpu.memory_space<vmem>> -> memref<64xi32, #tpu.memory_space<vmem>>
      %dma_wait3A_95 = arith.constant 0 : i32
      %dma_wait3A_96 = arith.constant 0 : i32
      %dma_wait3A_97 = tpu.memref_slice %arg8[%dma_wait3A_95, %dma_wait3A_96] : memref<10112x128xf32, #tpu.memory_space<vmem_shared>> -> memref<10112x128xf32, #tpu.memory_space<vmem_shared>>
      tpu.wait_indirect_dma semaphore(%run_scoped3A_87 : memref<!tpu.dma_semaphore, #tpu.memory_space<semaphore_mem>>) src(%arg7 : memref<64x128xf32, #tpu.memory_space<vmem>>) dst(%dma_wait3A_97 : memref<10112x128xf32, #tpu.memory_space<vmem_shared>>)
      tpu.yield
    }) : () -> ()
    %run_scoped3A_68 = arith.constant 66 : i32
    "tpu.region"() ({
      %run_scoped3A_87 = tpu.sem_alloc : memref<!tpu.dma_semaphore, #tpu.memory_space<semaphore_mem>>
      %dma_start3A = arith.constant 0 : i32
      %dma_start3A_88 = tpu.memref_slice %arg6[%run_scoped3A_68, %dma_start3A] : memref<80x64xi32, #tpu.memory_space<vmem>> -> memref<1x64xi32, #tpu.memory_space<vmem>>
      %dma_start3A_89 = tpu.memref_squeeze %dma_start3A_88 : memref<1x64xi32, #tpu.memory_space<vmem>> -> memref<64xi32, #tpu.memory_space<vmem>>
      %dma_start3A_90 = arith.constant 0 : i32
      %dma_start3A_91 = arith.constant 0 : i32
      %dma_start3A_92 = tpu.memref_slice %arg8[%dma_start3A_90, %dma_start3A_91] : memref<10112x128xf32, #tpu.memory_space<vmem_shared>> -> memref<10112x128xf32, #tpu.memory_space<vmem_shared>>
      tpu.enqueue_indirect_dma source(%arg7 : memref<64x128xf32, #tpu.memory_space<vmem>>) target(%dma_start3A_92 : memref<10112x128xf32, #tpu.memory_space<vmem_shared>>) offsets(%dma_start3A_89 : memref<64xi32, #tpu.memory_space<vmem>>) semaphore(%run_scoped3A_87 : memref<!tpu.dma_semaphore, #tpu.memory_space<semaphore_mem>>) {add = true}
      %dma_wait3A = arith.constant 0 : i32
      %dma_wait3A_93 = tpu.memref_slice %arg6[%run_scoped3A_68, %dma_wait3A] : memref<80x64xi32, #tpu.memory_space<vmem>> -> memref<1x64xi32, #tpu.memory_space<vmem>>
      %dma_wait3A_94 = tpu.memref_squeeze %dma_wait3A_93 : memref<1x64xi32, #tpu.memory_space<vmem>> -> memref<64xi32, #tpu.memory_space<vmem>>
      %dma_wait3A_95 = arith.constant 0 : i32
      %dma_wait3A_96 = arith.constant 0 : i32
      %dma_wait3A_97 = tpu.memref_slice %arg8[%dma_wait3A_95, %dma_wait3A_96] : memref<10112x128xf32, #tpu.memory_space<vmem_shared>> -> memref<10112x128xf32, #tpu.memory_space<vmem_shared>>
      tpu.wait_indirect_dma semaphore(%run_scoped3A_87 : memref<!tpu.dma_semaphore, #tpu.memory_space<semaphore_mem>>) src(%arg7 : memref<64x128xf32, #tpu.memory_space<vmem>>) dst(%dma_wait3A_97 : memref<10112x128xf32, #tpu.memory_space<vmem_shared>>)
      tpu.yield
    }) : () -> ()
    %run_scoped3A_69 = arith.constant 67 : i32
    "tpu.region"() ({
      %run_scoped3A_87 = tpu.sem_alloc : memref<!tpu.dma_semaphore, #tpu.memory_space<semaphore_mem>>
      %dma_start3A = arith.constant 0 : i32
      %dma_start3A_88 = tpu.memref_slice %arg6[%run_scoped3A_69, %dma_start3A] : memref<80x64xi32, #tpu.memory_space<vmem>> -> memref<1x64xi32, #tpu.memory_space<vmem>>
      %dma_start3A_89 = tpu.memref_squeeze %dma_start3A_88 : memref<1x64xi32, #tpu.memory_space<vmem>> -> memref<64xi32, #tpu.memory_space<vmem>>
      %dma_start3A_90 = arith.constant 0 : i32
      %dma_start3A_91 = arith.constant 0 : i32
      %dma_start3A_92 = tpu.memref_slice %arg8[%dma_start3A_90, %dma_start3A_91] : memref<10112x128xf32, #tpu.memory_space<vmem_shared>> -> memref<10112x128xf32, #tpu.memory_space<vmem_shared>>
      tpu.enqueue_indirect_dma source(%arg7 : memref<64x128xf32, #tpu.memory_space<vmem>>) target(%dma_start3A_92 : memref<10112x128xf32, #tpu.memory_space<vmem_shared>>) offsets(%dma_start3A_89 : memref<64xi32, #tpu.memory_space<vmem>>) semaphore(%run_scoped3A_87 : memref<!tpu.dma_semaphore, #tpu.memory_space<semaphore_mem>>) {add = true}
      %dma_wait3A = arith.constant 0 : i32
      %dma_wait3A_93 = tpu.memref_slice %arg6[%run_scoped3A_69, %dma_wait3A] : memref<80x64xi32, #tpu.memory_space<vmem>> -> memref<1x64xi32, #tpu.memory_space<vmem>>
      %dma_wait3A_94 = tpu.memref_squeeze %dma_wait3A_93 : memref<1x64xi32, #tpu.memory_space<vmem>> -> memref<64xi32, #tpu.memory_space<vmem>>
      %dma_wait3A_95 = arith.constant 0 : i32
      %dma_wait3A_96 = arith.constant 0 : i32
      %dma_wait3A_97 = tpu.memref_slice %arg8[%dma_wait3A_95, %dma_wait3A_96] : memref<10112x128xf32, #tpu.memory_space<vmem_shared>> -> memref<10112x128xf32, #tpu.memory_space<vmem_shared>>
      tpu.wait_indirect_dma semaphore(%run_scoped3A_87 : memref<!tpu.dma_semaphore, #tpu.memory_space<semaphore_mem>>) src(%arg7 : memref<64x128xf32, #tpu.memory_space<vmem>>) dst(%dma_wait3A_97 : memref<10112x128xf32, #tpu.memory_space<vmem_shared>>)
      tpu.yield
    }) : () -> ()
    %run_scoped3A_70 = arith.constant 68 : i32
    "tpu.region"() ({
      %run_scoped3A_87 = tpu.sem_alloc : memref<!tpu.dma_semaphore, #tpu.memory_space<semaphore_mem>>
      %dma_start3A = arith.constant 0 : i32
      %dma_start3A_88 = tpu.memref_slice %arg6[%run_scoped3A_70, %dma_start3A] : memref<80x64xi32, #tpu.memory_space<vmem>> -> memref<1x64xi32, #tpu.memory_space<vmem>>
      %dma_start3A_89 = tpu.memref_squeeze %dma_start3A_88 : memref<1x64xi32, #tpu.memory_space<vmem>> -> memref<64xi32, #tpu.memory_space<vmem>>
      %dma_start3A_90 = arith.constant 0 : i32
      %dma_start3A_91 = arith.constant 0 : i32
      %dma_start3A_92 = tpu.memref_slice %arg8[%dma_start3A_90, %dma_start3A_91] : memref<10112x128xf32, #tpu.memory_space<vmem_shared>> -> memref<10112x128xf32, #tpu.memory_space<vmem_shared>>
      tpu.enqueue_indirect_dma source(%arg7 : memref<64x128xf32, #tpu.memory_space<vmem>>) target(%dma_start3A_92 : memref<10112x128xf32, #tpu.memory_space<vmem_shared>>) offsets(%dma_start3A_89 : memref<64xi32, #tpu.memory_space<vmem>>) semaphore(%run_scoped3A_87 : memref<!tpu.dma_semaphore, #tpu.memory_space<semaphore_mem>>) {add = true}
      %dma_wait3A = arith.constant 0 : i32
      %dma_wait3A_93 = tpu.memref_slice %arg6[%run_scoped3A_70, %dma_wait3A] : memref<80x64xi32, #tpu.memory_space<vmem>> -> memref<1x64xi32, #tpu.memory_space<vmem>>
      %dma_wait3A_94 = tpu.memref_squeeze %dma_wait3A_93 : memref<1x64xi32, #tpu.memory_space<vmem>> -> memref<64xi32, #tpu.memory_space<vmem>>
      %dma_wait3A_95 = arith.constant 0 : i32
      %dma_wait3A_96 = arith.constant 0 : i32
      %dma_wait3A_97 = tpu.memref_slice %arg8[%dma_wait3A_95, %dma_wait3A_96] : memref<10112x128xf32, #tpu.memory_space<vmem_shared>> -> memref<10112x128xf32, #tpu.memory_space<vmem_shared>>
      tpu.wait_indirect_dma semaphore(%run_scoped3A_87 : memref<!tpu.dma_semaphore, #tpu.memory_space<semaphore_mem>>) src(%arg7 : memref<64x128xf32, #tpu.memory_space<vmem>>) dst(%dma_wait3A_97 : memref<10112x128xf32, #tpu.memory_space<vmem_shared>>)
      tpu.yield
    }) : () -> ()
    %run_scoped3A_71 = arith.constant 69 : i32
    "tpu.region"() ({
      %run_scoped3A_87 = tpu.sem_alloc : memref<!tpu.dma_semaphore, #tpu.memory_space<semaphore_mem>>
      %dma_start3A = arith.constant 0 : i32
      %dma_start3A_88 = tpu.memref_slice %arg6[%run_scoped3A_71, %dma_start3A] : memref<80x64xi32, #tpu.memory_space<vmem>> -> memref<1x64xi32, #tpu.memory_space<vmem>>
      %dma_start3A_89 = tpu.memref_squeeze %dma_start3A_88 : memref<1x64xi32, #tpu.memory_space<vmem>> -> memref<64xi32, #tpu.memory_space<vmem>>
      %dma_start3A_90 = arith.constant 0 : i32
      %dma_start3A_91 = arith.constant 0 : i32
      %dma_start3A_92 = tpu.memref_slice %arg8[%dma_start3A_90, %dma_start3A_91] : memref<10112x128xf32, #tpu.memory_space<vmem_shared>> -> memref<10112x128xf32, #tpu.memory_space<vmem_shared>>
      tpu.enqueue_indirect_dma source(%arg7 : memref<64x128xf32, #tpu.memory_space<vmem>>) target(%dma_start3A_92 : memref<10112x128xf32, #tpu.memory_space<vmem_shared>>) offsets(%dma_start3A_89 : memref<64xi32, #tpu.memory_space<vmem>>) semaphore(%run_scoped3A_87 : memref<!tpu.dma_semaphore, #tpu.memory_space<semaphore_mem>>) {add = true}
      %dma_wait3A = arith.constant 0 : i32
      %dma_wait3A_93 = tpu.memref_slice %arg6[%run_scoped3A_71, %dma_wait3A] : memref<80x64xi32, #tpu.memory_space<vmem>> -> memref<1x64xi32, #tpu.memory_space<vmem>>
      %dma_wait3A_94 = tpu.memref_squeeze %dma_wait3A_93 : memref<1x64xi32, #tpu.memory_space<vmem>> -> memref<64xi32, #tpu.memory_space<vmem>>
      %dma_wait3A_95 = arith.constant 0 : i32
      %dma_wait3A_96 = arith.constant 0 : i32
      %dma_wait3A_97 = tpu.memref_slice %arg8[%dma_wait3A_95, %dma_wait3A_96] : memref<10112x128xf32, #tpu.memory_space<vmem_shared>> -> memref<10112x128xf32, #tpu.memory_space<vmem_shared>>
      tpu.wait_indirect_dma semaphore(%run_scoped3A_87 : memref<!tpu.dma_semaphore, #tpu.memory_space<semaphore_mem>>) src(%arg7 : memref<64x128xf32, #tpu.memory_space<vmem>>) dst(%dma_wait3A_97 : memref<10112x128xf32, #tpu.memory_space<vmem_shared>>)
      tpu.yield
    }) : () -> ()
    %run_scoped3A_72 = arith.constant 70 : i32
    "tpu.region"() ({
      %run_scoped3A_87 = tpu.sem_alloc : memref<!tpu.dma_semaphore, #tpu.memory_space<semaphore_mem>>
      %dma_start3A = arith.constant 0 : i32
      %dma_start3A_88 = tpu.memref_slice %arg6[%run_scoped3A_72, %dma_start3A] : memref<80x64xi32, #tpu.memory_space<vmem>> -> memref<1x64xi32, #tpu.memory_space<vmem>>
      %dma_start3A_89 = tpu.memref_squeeze %dma_start3A_88 : memref<1x64xi32, #tpu.memory_space<vmem>> -> memref<64xi32, #tpu.memory_space<vmem>>
      %dma_start3A_90 = arith.constant 0 : i32
      %dma_start3A_91 = arith.constant 0 : i32
      %dma_start3A_92 = tpu.memref_slice %arg8[%dma_start3A_90, %dma_start3A_91] : memref<10112x128xf32, #tpu.memory_space<vmem_shared>> -> memref<10112x128xf32, #tpu.memory_space<vmem_shared>>
      tpu.enqueue_indirect_dma source(%arg7 : memref<64x128xf32, #tpu.memory_space<vmem>>) target(%dma_start3A_92 : memref<10112x128xf32, #tpu.memory_space<vmem_shared>>) offsets(%dma_start3A_89 : memref<64xi32, #tpu.memory_space<vmem>>) semaphore(%run_scoped3A_87 : memref<!tpu.dma_semaphore, #tpu.memory_space<semaphore_mem>>) {add = true}
      %dma_wait3A = arith.constant 0 : i32
      %dma_wait3A_93 = tpu.memref_slice %arg6[%run_scoped3A_72, %dma_wait3A] : memref<80x64xi32, #tpu.memory_space<vmem>> -> memref<1x64xi32, #tpu.memory_space<vmem>>
      %dma_wait3A_94 = tpu.memref_squeeze %dma_wait3A_93 : memref<1x64xi32, #tpu.memory_space<vmem>> -> memref<64xi32, #tpu.memory_space<vmem>>
      %dma_wait3A_95 = arith.constant 0 : i32
      %dma_wait3A_96 = arith.constant 0 : i32
      %dma_wait3A_97 = tpu.memref_slice %arg8[%dma_wait3A_95, %dma_wait3A_96] : memref<10112x128xf32, #tpu.memory_space<vmem_shared>> -> memref<10112x128xf32, #tpu.memory_space<vmem_shared>>
      tpu.wait_indirect_dma semaphore(%run_scoped3A_87 : memref<!tpu.dma_semaphore, #tpu.memory_space<semaphore_mem>>) src(%arg7 : memref<64x128xf32, #tpu.memory_space<vmem>>) dst(%dma_wait3A_97 : memref<10112x128xf32, #tpu.memory_space<vmem_shared>>)
      tpu.yield
    }) : () -> ()
    %run_scoped3A_73 = arith.constant 71 : i32
    "tpu.region"() ({
      %run_scoped3A_87 = tpu.sem_alloc : memref<!tpu.dma_semaphore, #tpu.memory_space<semaphore_mem>>
      %dma_start3A = arith.constant 0 : i32
      %dma_start3A_88 = tpu.memref_slice %arg6[%run_scoped3A_73, %dma_start3A] : memref<80x64xi32, #tpu.memory_space<vmem>> -> memref<1x64xi32, #tpu.memory_space<vmem>>
      %dma_start3A_89 = tpu.memref_squeeze %dma_start3A_88 : memref<1x64xi32, #tpu.memory_space<vmem>> -> memref<64xi32, #tpu.memory_space<vmem>>
      %dma_start3A_90 = arith.constant 0 : i32
      %dma_start3A_91 = arith.constant 0 : i32
      %dma_start3A_92 = tpu.memref_slice %arg8[%dma_start3A_90, %dma_start3A_91] : memref<10112x128xf32, #tpu.memory_space<vmem_shared>> -> memref<10112x128xf32, #tpu.memory_space<vmem_shared>>
      tpu.enqueue_indirect_dma source(%arg7 : memref<64x128xf32, #tpu.memory_space<vmem>>) target(%dma_start3A_92 : memref<10112x128xf32, #tpu.memory_space<vmem_shared>>) offsets(%dma_start3A_89 : memref<64xi32, #tpu.memory_space<vmem>>) semaphore(%run_scoped3A_87 : memref<!tpu.dma_semaphore, #tpu.memory_space<semaphore_mem>>) {add = true}
      %dma_wait3A = arith.constant 0 : i32
      %dma_wait3A_93 = tpu.memref_slice %arg6[%run_scoped3A_73, %dma_wait3A] : memref<80x64xi32, #tpu.memory_space<vmem>> -> memref<1x64xi32, #tpu.memory_space<vmem>>
      %dma_wait3A_94 = tpu.memref_squeeze %dma_wait3A_93 : memref<1x64xi32, #tpu.memory_space<vmem>> -> memref<64xi32, #tpu.memory_space<vmem>>
      %dma_wait3A_95 = arith.constant 0 : i32
      %dma_wait3A_96 = arith.constant 0 : i32
      %dma_wait3A_97 = tpu.memref_slice %arg8[%dma_wait3A_95, %dma_wait3A_96] : memref<10112x128xf32, #tpu.memory_space<vmem_shared>> -> memref<10112x128xf32, #tpu.memory_space<vmem_shared>>
      tpu.wait_indirect_dma semaphore(%run_scoped3A_87 : memref<!tpu.dma_semaphore, #tpu.memory_space<semaphore_mem>>) src(%arg7 : memref<64x128xf32, #tpu.memory_space<vmem>>) dst(%dma_wait3A_97 : memref<10112x128xf32, #tpu.memory_space<vmem_shared>>)
      tpu.yield
    }) : () -> ()
    %run_scoped3A_74 = arith.constant 72 : i32
    "tpu.region"() ({
      %run_scoped3A_87 = tpu.sem_alloc : memref<!tpu.dma_semaphore, #tpu.memory_space<semaphore_mem>>
      %dma_start3A = arith.constant 0 : i32
      %dma_start3A_88 = tpu.memref_slice %arg6[%run_scoped3A_74, %dma_start3A] : memref<80x64xi32, #tpu.memory_space<vmem>> -> memref<1x64xi32, #tpu.memory_space<vmem>>
      %dma_start3A_89 = tpu.memref_squeeze %dma_start3A_88 : memref<1x64xi32, #tpu.memory_space<vmem>> -> memref<64xi32, #tpu.memory_space<vmem>>
      %dma_start3A_90 = arith.constant 0 : i32
      %dma_start3A_91 = arith.constant 0 : i32
      %dma_start3A_92 = tpu.memref_slice %arg8[%dma_start3A_90, %dma_start3A_91] : memref<10112x128xf32, #tpu.memory_space<vmem_shared>> -> memref<10112x128xf32, #tpu.memory_space<vmem_shared>>
      tpu.enqueue_indirect_dma source(%arg7 : memref<64x128xf32, #tpu.memory_space<vmem>>) target(%dma_start3A_92 : memref<10112x128xf32, #tpu.memory_space<vmem_shared>>) offsets(%dma_start3A_89 : memref<64xi32, #tpu.memory_space<vmem>>) semaphore(%run_scoped3A_87 : memref<!tpu.dma_semaphore, #tpu.memory_space<semaphore_mem>>) {add = true}
      %dma_wait3A = arith.constant 0 : i32
      %dma_wait3A_93 = tpu.memref_slice %arg6[%run_scoped3A_74, %dma_wait3A] : memref<80x64xi32, #tpu.memory_space<vmem>> -> memref<1x64xi32, #tpu.memory_space<vmem>>
      %dma_wait3A_94 = tpu.memref_squeeze %dma_wait3A_93 : memref<1x64xi32, #tpu.memory_space<vmem>> -> memref<64xi32, #tpu.memory_space<vmem>>
      %dma_wait3A_95 = arith.constant 0 : i32
      %dma_wait3A_96 = arith.constant 0 : i32
      %dma_wait3A_97 = tpu.memref_slice %arg8[%dma_wait3A_95, %dma_wait3A_96] : memref<10112x128xf32, #tpu.memory_space<vmem_shared>> -> memref<10112x128xf32, #tpu.memory_space<vmem_shared>>
      tpu.wait_indirect_dma semaphore(%run_scoped3A_87 : memref<!tpu.dma_semaphore, #tpu.memory_space<semaphore_mem>>) src(%arg7 : memref<64x128xf32, #tpu.memory_space<vmem>>) dst(%dma_wait3A_97 : memref<10112x128xf32, #tpu.memory_space<vmem_shared>>)
      tpu.yield
    }) : () -> ()
    %run_scoped3A_75 = arith.constant 73 : i32
    "tpu.region"() ({
      %run_scoped3A_87 = tpu.sem_alloc : memref<!tpu.dma_semaphore, #tpu.memory_space<semaphore_mem>>
      %dma_start3A = arith.constant 0 : i32
      %dma_start3A_88 = tpu.memref_slice %arg6[%run_scoped3A_75, %dma_start3A] : memref<80x64xi32, #tpu.memory_space<vmem>> -> memref<1x64xi32, #tpu.memory_space<vmem>>
      %dma_start3A_89 = tpu.memref_squeeze %dma_start3A_88 : memref<1x64xi32, #tpu.memory_space<vmem>> -> memref<64xi32, #tpu.memory_space<vmem>>
      %dma_start3A_90 = arith.constant 0 : i32
      %dma_start3A_91 = arith.constant 0 : i32
      %dma_start3A_92 = tpu.memref_slice %arg8[%dma_start3A_90, %dma_start3A_91] : memref<10112x128xf32, #tpu.memory_space<vmem_shared>> -> memref<10112x128xf32, #tpu.memory_space<vmem_shared>>
      tpu.enqueue_indirect_dma source(%arg7 : memref<64x128xf32, #tpu.memory_space<vmem>>) target(%dma_start3A_92 : memref<10112x128xf32, #tpu.memory_space<vmem_shared>>) offsets(%dma_start3A_89 : memref<64xi32, #tpu.memory_space<vmem>>) semaphore(%run_scoped3A_87 : memref<!tpu.dma_semaphore, #tpu.memory_space<semaphore_mem>>) {add = true}
      %dma_wait3A = arith.constant 0 : i32
      %dma_wait3A_93 = tpu.memref_slice %arg6[%run_scoped3A_75, %dma_wait3A] : memref<80x64xi32, #tpu.memory_space<vmem>> -> memref<1x64xi32, #tpu.memory_space<vmem>>
      %dma_wait3A_94 = tpu.memref_squeeze %dma_wait3A_93 : memref<1x64xi32, #tpu.memory_space<vmem>> -> memref<64xi32, #tpu.memory_space<vmem>>
      %dma_wait3A_95 = arith.constant 0 : i32
      %dma_wait3A_96 = arith.constant 0 : i32
      %dma_wait3A_97 = tpu.memref_slice %arg8[%dma_wait3A_95, %dma_wait3A_96] : memref<10112x128xf32, #tpu.memory_space<vmem_shared>> -> memref<10112x128xf32, #tpu.memory_space<vmem_shared>>
      tpu.wait_indirect_dma semaphore(%run_scoped3A_87 : memref<!tpu.dma_semaphore, #tpu.memory_space<semaphore_mem>>) src(%arg7 : memref<64x128xf32, #tpu.memory_space<vmem>>) dst(%dma_wait3A_97 : memref<10112x128xf32, #tpu.memory_space<vmem_shared>>)
      tpu.yield
    }) : () -> ()
    %run_scoped3A_76 = arith.constant 74 : i32
    "tpu.region"() ({
      %run_scoped3A_87 = tpu.sem_alloc : memref<!tpu.dma_semaphore, #tpu.memory_space<semaphore_mem>>
      %dma_start3A = arith.constant 0 : i32
      %dma_start3A_88 = tpu.memref_slice %arg6[%run_scoped3A_76, %dma_start3A] : memref<80x64xi32, #tpu.memory_space<vmem>> -> memref<1x64xi32, #tpu.memory_space<vmem>>
      %dma_start3A_89 = tpu.memref_squeeze %dma_start3A_88 : memref<1x64xi32, #tpu.memory_space<vmem>> -> memref<64xi32, #tpu.memory_space<vmem>>
      %dma_start3A_90 = arith.constant 0 : i32
      %dma_start3A_91 = arith.constant 0 : i32
      %dma_start3A_92 = tpu.memref_slice %arg8[%dma_start3A_90, %dma_start3A_91] : memref<10112x128xf32, #tpu.memory_space<vmem_shared>> -> memref<10112x128xf32, #tpu.memory_space<vmem_shared>>
      tpu.enqueue_indirect_dma source(%arg7 : memref<64x128xf32, #tpu.memory_space<vmem>>) target(%dma_start3A_92 : memref<10112x128xf32, #tpu.memory_space<vmem_shared>>) offsets(%dma_start3A_89 : memref<64xi32, #tpu.memory_space<vmem>>) semaphore(%run_scoped3A_87 : memref<!tpu.dma_semaphore, #tpu.memory_space<semaphore_mem>>) {add = true}
      %dma_wait3A = arith.constant 0 : i32
      %dma_wait3A_93 = tpu.memref_slice %arg6[%run_scoped3A_76, %dma_wait3A] : memref<80x64xi32, #tpu.memory_space<vmem>> -> memref<1x64xi32, #tpu.memory_space<vmem>>
      %dma_wait3A_94 = tpu.memref_squeeze %dma_wait3A_93 : memref<1x64xi32, #tpu.memory_space<vmem>> -> memref<64xi32, #tpu.memory_space<vmem>>
      %dma_wait3A_95 = arith.constant 0 : i32
      %dma_wait3A_96 = arith.constant 0 : i32
      %dma_wait3A_97 = tpu.memref_slice %arg8[%dma_wait3A_95, %dma_wait3A_96] : memref<10112x128xf32, #tpu.memory_space<vmem_shared>> -> memref<10112x128xf32, #tpu.memory_space<vmem_shared>>
      tpu.wait_indirect_dma semaphore(%run_scoped3A_87 : memref<!tpu.dma_semaphore, #tpu.memory_space<semaphore_mem>>) src(%arg7 : memref<64x128xf32, #tpu.memory_space<vmem>>) dst(%dma_wait3A_97 : memref<10112x128xf32, #tpu.memory_space<vmem_shared>>)
      tpu.yield
    }) : () -> ()
    %run_scoped3A_77 = arith.constant 75 : i32
    "tpu.region"() ({
      %run_scoped3A_87 = tpu.sem_alloc : memref<!tpu.dma_semaphore, #tpu.memory_space<semaphore_mem>>
      %dma_start3A = arith.constant 0 : i32
      %dma_start3A_88 = tpu.memref_slice %arg6[%run_scoped3A_77, %dma_start3A] : memref<80x64xi32, #tpu.memory_space<vmem>> -> memref<1x64xi32, #tpu.memory_space<vmem>>
      %dma_start3A_89 = tpu.memref_squeeze %dma_start3A_88 : memref<1x64xi32, #tpu.memory_space<vmem>> -> memref<64xi32, #tpu.memory_space<vmem>>
      %dma_start3A_90 = arith.constant 0 : i32
      %dma_start3A_91 = arith.constant 0 : i32
      %dma_start3A_92 = tpu.memref_slice %arg8[%dma_start3A_90, %dma_start3A_91] : memref<10112x128xf32, #tpu.memory_space<vmem_shared>> -> memref<10112x128xf32, #tpu.memory_space<vmem_shared>>
      tpu.enqueue_indirect_dma source(%arg7 : memref<64x128xf32, #tpu.memory_space<vmem>>) target(%dma_start3A_92 : memref<10112x128xf32, #tpu.memory_space<vmem_shared>>) offsets(%dma_start3A_89 : memref<64xi32, #tpu.memory_space<vmem>>) semaphore(%run_scoped3A_87 : memref<!tpu.dma_semaphore, #tpu.memory_space<semaphore_mem>>) {add = true}
      %dma_wait3A = arith.constant 0 : i32
      %dma_wait3A_93 = tpu.memref_slice %arg6[%run_scoped3A_77, %dma_wait3A] : memref<80x64xi32, #tpu.memory_space<vmem>> -> memref<1x64xi32, #tpu.memory_space<vmem>>
      %dma_wait3A_94 = tpu.memref_squeeze %dma_wait3A_93 : memref<1x64xi32, #tpu.memory_space<vmem>> -> memref<64xi32, #tpu.memory_space<vmem>>
      %dma_wait3A_95 = arith.constant 0 : i32
      %dma_wait3A_96 = arith.constant 0 : i32
      %dma_wait3A_97 = tpu.memref_slice %arg8[%dma_wait3A_95, %dma_wait3A_96] : memref<10112x128xf32, #tpu.memory_space<vmem_shared>> -> memref<10112x128xf32, #tpu.memory_space<vmem_shared>>
      tpu.wait_indirect_dma semaphore(%run_scoped3A_87 : memref<!tpu.dma_semaphore, #tpu.memory_space<semaphore_mem>>) src(%arg7 : memref<64x128xf32, #tpu.memory_space<vmem>>) dst(%dma_wait3A_97 : memref<10112x128xf32, #tpu.memory_space<vmem_shared>>)
      tpu.yield
    }) : () -> ()
    %run_scoped3A_78 = arith.constant 76 : i32
    "tpu.region"() ({
      %run_scoped3A_87 = tpu.sem_alloc : memref<!tpu.dma_semaphore, #tpu.memory_space<semaphore_mem>>
      %dma_start3A = arith.constant 0 : i32
      %dma_start3A_88 = tpu.memref_slice %arg6[%run_scoped3A_78, %dma_start3A] : memref<80x64xi32, #tpu.memory_space<vmem>> -> memref<1x64xi32, #tpu.memory_space<vmem>>
      %dma_start3A_89 = tpu.memref_squeeze %dma_start3A_88 : memref<1x64xi32, #tpu.memory_space<vmem>> -> memref<64xi32, #tpu.memory_space<vmem>>
      %dma_start3A_90 = arith.constant 0 : i32
      %dma_start3A_91 = arith.constant 0 : i32
      %dma_start3A_92 = tpu.memref_slice %arg8[%dma_start3A_90, %dma_start3A_91] : memref<10112x128xf32, #tpu.memory_space<vmem_shared>> -> memref<10112x128xf32, #tpu.memory_space<vmem_shared>>
      tpu.enqueue_indirect_dma source(%arg7 : memref<64x128xf32, #tpu.memory_space<vmem>>) target(%dma_start3A_92 : memref<10112x128xf32, #tpu.memory_space<vmem_shared>>) offsets(%dma_start3A_89 : memref<64xi32, #tpu.memory_space<vmem>>) semaphore(%run_scoped3A_87 : memref<!tpu.dma_semaphore, #tpu.memory_space<semaphore_mem>>) {add = true}
      %dma_wait3A = arith.constant 0 : i32
      %dma_wait3A_93 = tpu.memref_slice %arg6[%run_scoped3A_78, %dma_wait3A] : memref<80x64xi32, #tpu.memory_space<vmem>> -> memref<1x64xi32, #tpu.memory_space<vmem>>
      %dma_wait3A_94 = tpu.memref_squeeze %dma_wait3A_93 : memref<1x64xi32, #tpu.memory_space<vmem>> -> memref<64xi32, #tpu.memory_space<vmem>>
      %dma_wait3A_95 = arith.constant 0 : i32
      %dma_wait3A_96 = arith.constant 0 : i32
      %dma_wait3A_97 = tpu.memref_slice %arg8[%dma_wait3A_95, %dma_wait3A_96] : memref<10112x128xf32, #tpu.memory_space<vmem_shared>> -> memref<10112x128xf32, #tpu.memory_space<vmem_shared>>
      tpu.wait_indirect_dma semaphore(%run_scoped3A_87 : memref<!tpu.dma_semaphore, #tpu.memory_space<semaphore_mem>>) src(%arg7 : memref<64x128xf32, #tpu.memory_space<vmem>>) dst(%dma_wait3A_97 : memref<10112x128xf32, #tpu.memory_space<vmem_shared>>)
      tpu.yield
    }) : () -> ()
    %run_scoped3A_79 = arith.constant 77 : i32
    "tpu.region"() ({
      %run_scoped3A_87 = tpu.sem_alloc : memref<!tpu.dma_semaphore, #tpu.memory_space<semaphore_mem>>
      %dma_start3A = arith.constant 0 : i32
      %dma_start3A_88 = tpu.memref_slice %arg6[%run_scoped3A_79, %dma_start3A] : memref<80x64xi32, #tpu.memory_space<vmem>> -> memref<1x64xi32, #tpu.memory_space<vmem>>
      %dma_start3A_89 = tpu.memref_squeeze %dma_start3A_88 : memref<1x64xi32, #tpu.memory_space<vmem>> -> memref<64xi32, #tpu.memory_space<vmem>>
      %dma_start3A_90 = arith.constant 0 : i32
      %dma_start3A_91 = arith.constant 0 : i32
      %dma_start3A_92 = tpu.memref_slice %arg8[%dma_start3A_90, %dma_start3A_91] : memref<10112x128xf32, #tpu.memory_space<vmem_shared>> -> memref<10112x128xf32, #tpu.memory_space<vmem_shared>>
      tpu.enqueue_indirect_dma source(%arg7 : memref<64x128xf32, #tpu.memory_space<vmem>>) target(%dma_start3A_92 : memref<10112x128xf32, #tpu.memory_space<vmem_shared>>) offsets(%dma_start3A_89 : memref<64xi32, #tpu.memory_space<vmem>>) semaphore(%run_scoped3A_87 : memref<!tpu.dma_semaphore, #tpu.memory_space<semaphore_mem>>) {add = true}
      %dma_wait3A = arith.constant 0 : i32
      %dma_wait3A_93 = tpu.memref_slice %arg6[%run_scoped3A_79, %dma_wait3A] : memref<80x64xi32, #tpu.memory_space<vmem>> -> memref<1x64xi32, #tpu.memory_space<vmem>>
      %dma_wait3A_94 = tpu.memref_squeeze %dma_wait3A_93 : memref<1x64xi32, #tpu.memory_space<vmem>> -> memref<64xi32, #tpu.memory_space<vmem>>
      %dma_wait3A_95 = arith.constant 0 : i32
      %dma_wait3A_96 = arith.constant 0 : i32
      %dma_wait3A_97 = tpu.memref_slice %arg8[%dma_wait3A_95, %dma_wait3A_96] : memref<10112x128xf32, #tpu.memory_space<vmem_shared>> -> memref<10112x128xf32, #tpu.memory_space<vmem_shared>>
      tpu.wait_indirect_dma semaphore(%run_scoped3A_87 : memref<!tpu.dma_semaphore, #tpu.memory_space<semaphore_mem>>) src(%arg7 : memref<64x128xf32, #tpu.memory_space<vmem>>) dst(%dma_wait3A_97 : memref<10112x128xf32, #tpu.memory_space<vmem_shared>>)
      tpu.yield
    }) : () -> ()
    %run_scoped3A_80 = arith.constant 78 : i32
    "tpu.region"() ({
      %run_scoped3A_87 = tpu.sem_alloc : memref<!tpu.dma_semaphore, #tpu.memory_space<semaphore_mem>>
      %dma_start3A = arith.constant 0 : i32
      %dma_start3A_88 = tpu.memref_slice %arg6[%run_scoped3A_80, %dma_start3A] : memref<80x64xi32, #tpu.memory_space<vmem>> -> memref<1x64xi32, #tpu.memory_space<vmem>>
      %dma_start3A_89 = tpu.memref_squeeze %dma_start3A_88 : memref<1x64xi32, #tpu.memory_space<vmem>> -> memref<64xi32, #tpu.memory_space<vmem>>
      %dma_start3A_90 = arith.constant 0 : i32
      %dma_start3A_91 = arith.constant 0 : i32
      %dma_start3A_92 = tpu.memref_slice %arg8[%dma_start3A_90, %dma_start3A_91] : memref<10112x128xf32, #tpu.memory_space<vmem_shared>> -> memref<10112x128xf32, #tpu.memory_space<vmem_shared>>
      tpu.enqueue_indirect_dma source(%arg7 : memref<64x128xf32, #tpu.memory_space<vmem>>) target(%dma_start3A_92 : memref<10112x128xf32, #tpu.memory_space<vmem_shared>>) offsets(%dma_start3A_89 : memref<64xi32, #tpu.memory_space<vmem>>) semaphore(%run_scoped3A_87 : memref<!tpu.dma_semaphore, #tpu.memory_space<semaphore_mem>>) {add = true}
      %dma_wait3A = arith.constant 0 : i32
      %dma_wait3A_93 = tpu.memref_slice %arg6[%run_scoped3A_80, %dma_wait3A] : memref<80x64xi32, #tpu.memory_space<vmem>> -> memref<1x64xi32, #tpu.memory_space<vmem>>
      %dma_wait3A_94 = tpu.memref_squeeze %dma_wait3A_93 : memref<1x64xi32, #tpu.memory_space<vmem>> -> memref<64xi32, #tpu.memory_space<vmem>>
      %dma_wait3A_95 = arith.constant 0 : i32
      %dma_wait3A_96 = arith.constant 0 : i32
      %dma_wait3A_97 = tpu.memref_slice %arg8[%dma_wait3A_95, %dma_wait3A_96] : memref<10112x128xf32, #tpu.memory_space<vmem_shared>> -> memref<10112x128xf32, #tpu.memory_space<vmem_shared>>
      tpu.wait_indirect_dma semaphore(%run_scoped3A_87 : memref<!tpu.dma_semaphore, #tpu.memory_space<semaphore_mem>>) src(%arg7 : memref<64x128xf32, #tpu.memory_space<vmem>>) dst(%dma_wait3A_97 : memref<10112x128xf32, #tpu.memory_space<vmem_shared>>)
      tpu.yield
    }) : () -> ()
    %run_scoped3A_81 = arith.constant 79 : i32
    "tpu.region"() ({
      %run_scoped3A_87 = tpu.sem_alloc : memref<!tpu.dma_semaphore, #tpu.memory_space<semaphore_mem>>
      %dma_start3A = arith.constant 0 : i32
      %dma_start3A_88 = tpu.memref_slice %arg6[%run_scoped3A_81, %dma_start3A] : memref<80x64xi32, #tpu.memory_space<vmem>> -> memref<1x64xi32, #tpu.memory_space<vmem>>
      %dma_start3A_89 = tpu.memref_squeeze %dma_start3A_88 : memref<1x64xi32, #tpu.memory_space<vmem>> -> memref<64xi32, #tpu.memory_space<vmem>>
      %dma_start3A_90 = arith.constant 0 : i32
      %dma_start3A_91 = arith.constant 0 : i32
      %dma_start3A_92 = tpu.memref_slice %arg8[%dma_start3A_90, %dma_start3A_91] : memref<10112x128xf32, #tpu.memory_space<vmem_shared>> -> memref<10112x128xf32, #tpu.memory_space<vmem_shared>>
      tpu.enqueue_indirect_dma source(%arg7 : memref<64x128xf32, #tpu.memory_space<vmem>>) target(%dma_start3A_92 : memref<10112x128xf32, #tpu.memory_space<vmem_shared>>) offsets(%dma_start3A_89 : memref<64xi32, #tpu.memory_space<vmem>>) semaphore(%run_scoped3A_87 : memref<!tpu.dma_semaphore, #tpu.memory_space<semaphore_mem>>) {add = true}
      %dma_wait3A = arith.constant 0 : i32
      %dma_wait3A_93 = tpu.memref_slice %arg6[%run_scoped3A_81, %dma_wait3A] : memref<80x64xi32, #tpu.memory_space<vmem>> -> memref<1x64xi32, #tpu.memory_space<vmem>>
      %dma_wait3A_94 = tpu.memref_squeeze %dma_wait3A_93 : memref<1x64xi32, #tpu.memory_space<vmem>> -> memref<64xi32, #tpu.memory_space<vmem>>
      %dma_wait3A_95 = arith.constant 0 : i32
      %dma_wait3A_96 = arith.constant 0 : i32
      %dma_wait3A_97 = tpu.memref_slice %arg8[%dma_wait3A_95, %dma_wait3A_96] : memref<10112x128xf32, #tpu.memory_space<vmem_shared>> -> memref<10112x128xf32, #tpu.memory_space<vmem_shared>>
      tpu.wait_indirect_dma semaphore(%run_scoped3A_87 : memref<!tpu.dma_semaphore, #tpu.memory_space<semaphore_mem>>) src(%arg7 : memref<64x128xf32, #tpu.memory_space<vmem>>) dst(%dma_wait3A_97 : memref<10112x128xf32, #tpu.memory_space<vmem_shared>>)
      tpu.yield
    }) : () -> ()
    %barrier3A_82 = arith.constant 0 : index
    tpu.barrier barrier_id(%barrier3A_82)
    %mul3A_83 = arith.constant 632 : i32
    %mul3A_84 = arith.muli %arg1, %mul3A_83 : i32
    %mul3A_85 = arith.constant 632 : i32
    %mul3A_86 = arith.muli %arg1, %mul3A_85 : i32
    "tpu.region"() ({
      %run_scoped3A_87 = tpu.sem_alloc : memref<!tpu.dma_semaphore, #tpu.memory_space<semaphore_mem>>
      %dma_start3A = arith.constant 0 : i32
      %dma_start3A_88 = tpu.memref_slice %arg5[%arg0, %mul3A_86, %dma_start3A] : memref<2x10112x128xf32, #tpu.memory_space<hbm>> -> memref<1x632x128xf32, #tpu.memory_space<hbm>>
      %dma_start3A_89 = tpu.memref_squeeze %dma_start3A_88 : memref<1x632x128xf32, #tpu.memory_space<hbm>> -> memref<632x128xf32, #tpu.memory_space<hbm>>
      %dma_start3A_90 = arith.constant 0 : i32
      %dma_start3A_91 = tpu.memref_slice %arg8[%mul3A_84, %dma_start3A_90] : memref<10112x128xf32, #tpu.memory_space<vmem_shared>> -> memref<632x128xf32, #tpu.memory_space<vmem_shared>>
      tpu.enqueue_dma source(%dma_start3A_91 : memref<632x128xf32, #tpu.memory_space<vmem_shared>>) target(%dma_start3A_89 : memref<632x128xf32, #tpu.memory_space<hbm>>) target_semaphore(%run_scoped3A_87 : memref<!tpu.dma_semaphore, #tpu.memory_space<semaphore_mem>>)
      %dma_wait3A = arith.constant 0 : i32
      %dma_wait3A_92 = tpu.memref_slice %arg5[%arg0, %mul3A_86, %dma_wait3A] : memref<2x10112x128xf32, #tpu.memory_space<hbm>> -> memref<1x632x128xf32, #tpu.memory_space<hbm>>
      %dma_wait3A_93 = tpu.memref_squeeze %dma_wait3A_92 : memref<1x632x128xf32, #tpu.memory_space<hbm>> -> memref<632x128xf32, #tpu.memory_space<hbm>>
      %dma_wait3A_94 = arith.constant 0 : i32
      %dma_wait3A_95 = tpu.memref_slice %arg8[%mul3A_84, %dma_wait3A_94] : memref<10112x128xf32, #tpu.memory_space<vmem_shared>> -> memref<632x128xf32, #tpu.memory_space<vmem_shared>>
      tpu.wait_dma2 semaphore(%run_scoped3A_87 : memref<!tpu.dma_semaphore, #tpu.memory_space<semaphore_mem>>) src(%dma_wait3A_95 : memref<632x128xf32, #tpu.memory_space<vmem_shared>>) dst(%dma_wait3A_93 : memref<632x128xf32, #tpu.memory_space<hbm>>)
      tpu.yield
    }) : () -> ()
    return
  }
}

#map = affine_map<(d0, d1) -> (0, 0)>
#map1 = affine_map<(d0, d1) -> (0, 0, 0)>
#map2 = affine_map<(d0, d1) -> (0, 0, 0, 0)>
module attributes {stable_mosaic.version = 14 : i64} {
  func.func @mp_kernel(%arg0: i32, %arg1: i32, %arg2: memref<40000x128xf32, #tpu.memory_space<hbm>>, %arg3: memref<32x4x8000xi32, #tpu.memory_space<hbm>>, %arg4: memref<32x125x64xi32, #tpu.memory_space<hbm>>, %arg5: memref<64x128xf32, #tpu.memory_space<hbm>>, %arg6: memref<2x4x10112x128xf32, #tpu.memory_space<hbm>>, %arg7: memref<8000xi32, #tpu.memory_space<vmem>>, %arg8: memref<5x64xi32, #tpu.memory_space<vmem>>, %arg9: memref<64x128xf32, #tpu.memory_space<vmem>>, %arg10: memref<64x128xf32, #tpu.memory_space<vmem>>, %arg11: memref<64x128xf32, #tpu.memory_space<vmem>>, %arg12: memref<64x128xf32, #tpu.memory_space<vmem>>, %arg13: memref<64x128xf32, #tpu.memory_space<vmem>>, %arg14: memref<10112x128xf32, #tpu.memory_space<vmem_shared>>, %arg15: memref<!tpu.dma_semaphore, #tpu.memory_space<semaphore_mem>>, %arg16: memref<!tpu.dma_semaphore, #tpu.memory_space<semaphore_mem>>, %arg17: memref<!tpu.dma_semaphore, #tpu.memory_space<semaphore_mem>>, %arg18: memref<!tpu.dma_semaphore, #tpu.memory_space<semaphore_mem>>, %arg19: memref<!tpu.dma_semaphore, #tpu.memory_space<semaphore_mem>>, %arg20: memref<!tpu.dma_semaphore, #tpu.memory_space<semaphore_mem>>, %arg21: memref<!tpu.dma_semaphore, #tpu.memory_space<semaphore_mem>>, %arg22: memref<!tpu.dma_semaphore, #tpu.memory_space<semaphore_mem>>, %arg23: memref<!tpu.dma_semaphore, #tpu.memory_space<semaphore_mem>>, %arg24: memref<!tpu.dma_semaphore, #tpu.memory_space<semaphore_mem>>) attributes {dimension_semantics = [#tpu.dimension_semantics<core_parallel>, #tpu.dimension_semantics<subcore_parallel>], iteration_bounds = array<i64: 2, 16>, scalar_prefetch = 0 : i64, scratch_operands = 18 : i64, tpu.core_type = #tpu.core_type<sc_vector_subcore>, window_params = [{transform_indices = #map}, {transform_indices = #map1}, {transform_indices = #map1}, {transform_indices = #map}, {transform_indices = #map2}]} {
    %mul3A = arith.constant 16 : i32
    %mul3A_0 = arith.muli %arg0, %mul3A : i32
    %add3A = arith.addi %mul3A_0, %arg1 : i32
    %eq3A = arith.constant 0 : i32
    %eq3A_1 = arith.cmpi eq, %arg0, %eq3A : i32
    %jit3A = arith.constant 125 : i32
    %jit3A_2 = arith.constant 35 : i32
    %select_n3A = arith.select %eq3A_1, %jit3A, %jit3A_2 : i32
    %scan3A = arith.constant 0 : i32
    %scan3A_3 = arith.constant 4 : i32
    %scan3A_4 = arith.addi %scan3A, %scan3A_3 : i32
    %scan3A_5 = arith.constant 1 : i32
    scf.for %scan3A_7 = %scan3A to %scan3A_4 step %scan3A_5  : i32 {
      %mul3A_8 = arith.constant 1 : i32
      %mul3A_9 = arith.muli %scan3A_7, %mul3A_8 : i32
      %add3A_10 = arith.constant 0 : i32
      %add3A_11 = arith.addi %add3A_10, %mul3A_9 : i32
      "tpu.region"() ({
        %run_scoped3A_270 = tpu.sem_alloc : memref<!tpu.dma_semaphore, #tpu.memory_space<semaphore_mem>>
        tpu.enqueue_dma source(%arg5 : memref<64x128xf32, #tpu.memory_space<hbm>>) target(%arg9 : memref<64x128xf32, #tpu.memory_space<vmem>>) target_semaphore(%run_scoped3A_270 : memref<!tpu.dma_semaphore, #tpu.memory_space<semaphore_mem>>)
        tpu.wait_dma2 semaphore(%run_scoped3A_270 : memref<!tpu.dma_semaphore, #tpu.memory_space<semaphore_mem>>) src(%arg5 : memref<64x128xf32, #tpu.memory_space<hbm>>) dst(%arg9 : memref<64x128xf32, #tpu.memory_space<vmem>>)
        tpu.yield
      }) : () -> ()
      %mul3A_12 = arith.constant 632 : i32
      %mul3A_13 = arith.muli %arg1, %mul3A_12 : i32
      %add3A_14 = arith.constant 0 : i32
      %add3A_15 = arith.addi %mul3A_13, %add3A_14 : i32
      "tpu.region"() ({
        %run_scoped3A_270 = tpu.sem_alloc : memref<!tpu.dma_semaphore, #tpu.memory_space<semaphore_mem>>
        %dma_start3A_271 = arith.constant 0 : i32
        %dma_start3A_272 = tpu.memref_slice %arg14[%add3A_15, %dma_start3A_271] : memref<10112x128xf32, #tpu.memory_space<vmem_shared>> -> memref<64x128xf32, #tpu.memory_space<vmem_shared>>
        %dma_start3A_273 = arith.constant 0 : i32
        %dma_start3A_274 = tpu.memref_slice %arg14[%add3A_15, %dma_start3A_273] : memref<10112x128xf32, #tpu.memory_space<vmem_shared>> -> memref<64x128xf32, #tpu.memory_space<vmem_shared>>
        tpu.enqueue_dma source(%arg9 : memref<64x128xf32, #tpu.memory_space<vmem>>) target(%dma_start3A_274 : memref<64x128xf32, #tpu.memory_space<vmem_shared>>) target_semaphore(%run_scoped3A_270 : memref<!tpu.dma_semaphore, #tpu.memory_space<semaphore_mem>>)
        %dma_wait3A_275 = arith.constant 0 : i32
        %dma_wait3A_276 = tpu.memref_slice %arg14[%add3A_15, %dma_wait3A_275] : memref<10112x128xf32, #tpu.memory_space<vmem_shared>> -> memref<64x128xf32, #tpu.memory_space<vmem_shared>>
        %dma_wait3A_277 = arith.constant 0 : i32
        %dma_wait3A_278 = tpu.memref_slice %arg14[%add3A_15, %dma_wait3A_277] : memref<10112x128xf32, #tpu.memory_space<vmem_shared>> -> memref<64x128xf32, #tpu.memory_space<vmem_shared>>
        tpu.wait_dma2 semaphore(%run_scoped3A_270 : memref<!tpu.dma_semaphore, #tpu.memory_space<semaphore_mem>>) src(%arg9 : memref<64x128xf32, #tpu.memory_space<vmem>>) dst(%dma_wait3A_278 : memref<64x128xf32, #tpu.memory_space<vmem_shared>>)
        tpu.yield
      }) : () -> ()
      %mul3A_16 = arith.constant 632 : i32
      %mul3A_17 = arith.muli %arg1, %mul3A_16 : i32
      %add3A_18 = arith.constant 64 : i32
      %add3A_19 = arith.addi %mul3A_17, %add3A_18 : i32
      "tpu.region"() ({
        %run_scoped3A_270 = tpu.sem_alloc : memref<!tpu.dma_semaphore, #tpu.memory_space<semaphore_mem>>
        %dma_start3A_271 = arith.constant 0 : i32
        %dma_start3A_272 = tpu.memref_slice %arg14[%add3A_19, %dma_start3A_271] : memref<10112x128xf32, #tpu.memory_space<vmem_shared>> -> memref<64x128xf32, #tpu.memory_space<vmem_shared>>
        %dma_start3A_273 = arith.constant 0 : i32
        %dma_start3A_274 = tpu.memref_slice %arg14[%add3A_19, %dma_start3A_273] : memref<10112x128xf32, #tpu.memory_space<vmem_shared>> -> memref<64x128xf32, #tpu.memory_space<vmem_shared>>
        tpu.enqueue_dma source(%arg9 : memref<64x128xf32, #tpu.memory_space<vmem>>) target(%dma_start3A_274 : memref<64x128xf32, #tpu.memory_space<vmem_shared>>) target_semaphore(%run_scoped3A_270 : memref<!tpu.dma_semaphore, #tpu.memory_space<semaphore_mem>>)
        %dma_wait3A_275 = arith.constant 0 : i32
        %dma_wait3A_276 = tpu.memref_slice %arg14[%add3A_19, %dma_wait3A_275] : memref<10112x128xf32, #tpu.memory_space<vmem_shared>> -> memref<64x128xf32, #tpu.memory_space<vmem_shared>>
        %dma_wait3A_277 = arith.constant 0 : i32
        %dma_wait3A_278 = tpu.memref_slice %arg14[%add3A_19, %dma_wait3A_277] : memref<10112x128xf32, #tpu.memory_space<vmem_shared>> -> memref<64x128xf32, #tpu.memory_space<vmem_shared>>
        tpu.wait_dma2 semaphore(%run_scoped3A_270 : memref<!tpu.dma_semaphore, #tpu.memory_space<semaphore_mem>>) src(%arg9 : memref<64x128xf32, #tpu.memory_space<vmem>>) dst(%dma_wait3A_278 : memref<64x128xf32, #tpu.memory_space<vmem_shared>>)
        tpu.yield
      }) : () -> ()
      %mul3A_20 = arith.constant 632 : i32
      %mul3A_21 = arith.muli %arg1, %mul3A_20 : i32
      %add3A_22 = arith.constant 128 : i32
      %add3A_23 = arith.addi %mul3A_21, %add3A_22 : i32
      "tpu.region"() ({
        %run_scoped3A_270 = tpu.sem_alloc : memref<!tpu.dma_semaphore, #tpu.memory_space<semaphore_mem>>
        %dma_start3A_271 = arith.constant 0 : i32
        %dma_start3A_272 = tpu.memref_slice %arg14[%add3A_23, %dma_start3A_271] : memref<10112x128xf32, #tpu.memory_space<vmem_shared>> -> memref<64x128xf32, #tpu.memory_space<vmem_shared>>
        %dma_start3A_273 = arith.constant 0 : i32
        %dma_start3A_274 = tpu.memref_slice %arg14[%add3A_23, %dma_start3A_273] : memref<10112x128xf32, #tpu.memory_space<vmem_shared>> -> memref<64x128xf32, #tpu.memory_space<vmem_shared>>
        tpu.enqueue_dma source(%arg9 : memref<64x128xf32, #tpu.memory_space<vmem>>) target(%dma_start3A_274 : memref<64x128xf32, #tpu.memory_space<vmem_shared>>) target_semaphore(%run_scoped3A_270 : memref<!tpu.dma_semaphore, #tpu.memory_space<semaphore_mem>>)
        %dma_wait3A_275 = arith.constant 0 : i32
        %dma_wait3A_276 = tpu.memref_slice %arg14[%add3A_23, %dma_wait3A_275] : memref<10112x128xf32, #tpu.memory_space<vmem_shared>> -> memref<64x128xf32, #tpu.memory_space<vmem_shared>>
        %dma_wait3A_277 = arith.constant 0 : i32
        %dma_wait3A_278 = tpu.memref_slice %arg14[%add3A_23, %dma_wait3A_277] : memref<10112x128xf32, #tpu.memory_space<vmem_shared>> -> memref<64x128xf32, #tpu.memory_space<vmem_shared>>
        tpu.wait_dma2 semaphore(%run_scoped3A_270 : memref<!tpu.dma_semaphore, #tpu.memory_space<semaphore_mem>>) src(%arg9 : memref<64x128xf32, #tpu.memory_space<vmem>>) dst(%dma_wait3A_278 : memref<64x128xf32, #tpu.memory_space<vmem_shared>>)
        tpu.yield
      }) : () -> ()
      %mul3A_24 = arith.constant 632 : i32
      %mul3A_25 = arith.muli %arg1, %mul3A_24 : i32
      %add3A_26 = arith.constant 192 : i32
      %add3A_27 = arith.addi %mul3A_25, %add3A_26 : i32
      "tpu.region"() ({
        %run_scoped3A_270 = tpu.sem_alloc : memref<!tpu.dma_semaphore, #tpu.memory_space<semaphore_mem>>
        %dma_start3A_271 = arith.constant 0 : i32
        %dma_start3A_272 = tpu.memref_slice %arg14[%add3A_27, %dma_start3A_271] : memref<10112x128xf32, #tpu.memory_space<vmem_shared>> -> memref<64x128xf32, #tpu.memory_space<vmem_shared>>
        %dma_start3A_273 = arith.constant 0 : i32
        %dma_start3A_274 = tpu.memref_slice %arg14[%add3A_27, %dma_start3A_273] : memref<10112x128xf32, #tpu.memory_space<vmem_shared>> -> memref<64x128xf32, #tpu.memory_space<vmem_shared>>
        tpu.enqueue_dma source(%arg9 : memref<64x128xf32, #tpu.memory_space<vmem>>) target(%dma_start3A_274 : memref<64x128xf32, #tpu.memory_space<vmem_shared>>) target_semaphore(%run_scoped3A_270 : memref<!tpu.dma_semaphore, #tpu.memory_space<semaphore_mem>>)
        %dma_wait3A_275 = arith.constant 0 : i32
        %dma_wait3A_276 = tpu.memref_slice %arg14[%add3A_27, %dma_wait3A_275] : memref<10112x128xf32, #tpu.memory_space<vmem_shared>> -> memref<64x128xf32, #tpu.memory_space<vmem_shared>>
        %dma_wait3A_277 = arith.constant 0 : i32
        %dma_wait3A_278 = tpu.memref_slice %arg14[%add3A_27, %dma_wait3A_277] : memref<10112x128xf32, #tpu.memory_space<vmem_shared>> -> memref<64x128xf32, #tpu.memory_space<vmem_shared>>
        tpu.wait_dma2 semaphore(%run_scoped3A_270 : memref<!tpu.dma_semaphore, #tpu.memory_space<semaphore_mem>>) src(%arg9 : memref<64x128xf32, #tpu.memory_space<vmem>>) dst(%dma_wait3A_278 : memref<64x128xf32, #tpu.memory_space<vmem_shared>>)
        tpu.yield
      }) : () -> ()
      %mul3A_28 = arith.constant 632 : i32
      %mul3A_29 = arith.muli %arg1, %mul3A_28 : i32
      %add3A_30 = arith.constant 256 : i32
      %add3A_31 = arith.addi %mul3A_29, %add3A_30 : i32
      "tpu.region"() ({
        %run_scoped3A_270 = tpu.sem_alloc : memref<!tpu.dma_semaphore, #tpu.memory_space<semaphore_mem>>
        %dma_start3A_271 = arith.constant 0 : i32
        %dma_start3A_272 = tpu.memref_slice %arg14[%add3A_31, %dma_start3A_271] : memref<10112x128xf32, #tpu.memory_space<vmem_shared>> -> memref<64x128xf32, #tpu.memory_space<vmem_shared>>
        %dma_start3A_273 = arith.constant 0 : i32
        %dma_start3A_274 = tpu.memref_slice %arg14[%add3A_31, %dma_start3A_273] : memref<10112x128xf32, #tpu.memory_space<vmem_shared>> -> memref<64x128xf32, #tpu.memory_space<vmem_shared>>
        tpu.enqueue_dma source(%arg9 : memref<64x128xf32, #tpu.memory_space<vmem>>) target(%dma_start3A_274 : memref<64x128xf32, #tpu.memory_space<vmem_shared>>) target_semaphore(%run_scoped3A_270 : memref<!tpu.dma_semaphore, #tpu.memory_space<semaphore_mem>>)
        %dma_wait3A_275 = arith.constant 0 : i32
        %dma_wait3A_276 = tpu.memref_slice %arg14[%add3A_31, %dma_wait3A_275] : memref<10112x128xf32, #tpu.memory_space<vmem_shared>> -> memref<64x128xf32, #tpu.memory_space<vmem_shared>>
        %dma_wait3A_277 = arith.constant 0 : i32
        %dma_wait3A_278 = tpu.memref_slice %arg14[%add3A_31, %dma_wait3A_277] : memref<10112x128xf32, #tpu.memory_space<vmem_shared>> -> memref<64x128xf32, #tpu.memory_space<vmem_shared>>
        tpu.wait_dma2 semaphore(%run_scoped3A_270 : memref<!tpu.dma_semaphore, #tpu.memory_space<semaphore_mem>>) src(%arg9 : memref<64x128xf32, #tpu.memory_space<vmem>>) dst(%dma_wait3A_278 : memref<64x128xf32, #tpu.memory_space<vmem_shared>>)
        tpu.yield
      }) : () -> ()
      %mul3A_32 = arith.constant 632 : i32
      %mul3A_33 = arith.muli %arg1, %mul3A_32 : i32
      %add3A_34 = arith.constant 320 : i32
      %add3A_35 = arith.addi %mul3A_33, %add3A_34 : i32
      "tpu.region"() ({
        %run_scoped3A_270 = tpu.sem_alloc : memref<!tpu.dma_semaphore, #tpu.memory_space<semaphore_mem>>
        %dma_start3A_271 = arith.constant 0 : i32
        %dma_start3A_272 = tpu.memref_slice %arg14[%add3A_35, %dma_start3A_271] : memref<10112x128xf32, #tpu.memory_space<vmem_shared>> -> memref<64x128xf32, #tpu.memory_space<vmem_shared>>
        %dma_start3A_273 = arith.constant 0 : i32
        %dma_start3A_274 = tpu.memref_slice %arg14[%add3A_35, %dma_start3A_273] : memref<10112x128xf32, #tpu.memory_space<vmem_shared>> -> memref<64x128xf32, #tpu.memory_space<vmem_shared>>
        tpu.enqueue_dma source(%arg9 : memref<64x128xf32, #tpu.memory_space<vmem>>) target(%dma_start3A_274 : memref<64x128xf32, #tpu.memory_space<vmem_shared>>) target_semaphore(%run_scoped3A_270 : memref<!tpu.dma_semaphore, #tpu.memory_space<semaphore_mem>>)
        %dma_wait3A_275 = arith.constant 0 : i32
        %dma_wait3A_276 = tpu.memref_slice %arg14[%add3A_35, %dma_wait3A_275] : memref<10112x128xf32, #tpu.memory_space<vmem_shared>> -> memref<64x128xf32, #tpu.memory_space<vmem_shared>>
        %dma_wait3A_277 = arith.constant 0 : i32
        %dma_wait3A_278 = tpu.memref_slice %arg14[%add3A_35, %dma_wait3A_277] : memref<10112x128xf32, #tpu.memory_space<vmem_shared>> -> memref<64x128xf32, #tpu.memory_space<vmem_shared>>
        tpu.wait_dma2 semaphore(%run_scoped3A_270 : memref<!tpu.dma_semaphore, #tpu.memory_space<semaphore_mem>>) src(%arg9 : memref<64x128xf32, #tpu.memory_space<vmem>>) dst(%dma_wait3A_278 : memref<64x128xf32, #tpu.memory_space<vmem_shared>>)
        tpu.yield
      }) : () -> ()
      %mul3A_36 = arith.constant 632 : i32
      %mul3A_37 = arith.muli %arg1, %mul3A_36 : i32
      %add3A_38 = arith.constant 384 : i32
      %add3A_39 = arith.addi %mul3A_37, %add3A_38 : i32
      "tpu.region"() ({
        %run_scoped3A_270 = tpu.sem_alloc : memref<!tpu.dma_semaphore, #tpu.memory_space<semaphore_mem>>
        %dma_start3A_271 = arith.constant 0 : i32
        %dma_start3A_272 = tpu.memref_slice %arg14[%add3A_39, %dma_start3A_271] : memref<10112x128xf32, #tpu.memory_space<vmem_shared>> -> memref<64x128xf32, #tpu.memory_space<vmem_shared>>
        %dma_start3A_273 = arith.constant 0 : i32
        %dma_start3A_274 = tpu.memref_slice %arg14[%add3A_39, %dma_start3A_273] : memref<10112x128xf32, #tpu.memory_space<vmem_shared>> -> memref<64x128xf32, #tpu.memory_space<vmem_shared>>
        tpu.enqueue_dma source(%arg9 : memref<64x128xf32, #tpu.memory_space<vmem>>) target(%dma_start3A_274 : memref<64x128xf32, #tpu.memory_space<vmem_shared>>) target_semaphore(%run_scoped3A_270 : memref<!tpu.dma_semaphore, #tpu.memory_space<semaphore_mem>>)
        %dma_wait3A_275 = arith.constant 0 : i32
        %dma_wait3A_276 = tpu.memref_slice %arg14[%add3A_39, %dma_wait3A_275] : memref<10112x128xf32, #tpu.memory_space<vmem_shared>> -> memref<64x128xf32, #tpu.memory_space<vmem_shared>>
        %dma_wait3A_277 = arith.constant 0 : i32
        %dma_wait3A_278 = tpu.memref_slice %arg14[%add3A_39, %dma_wait3A_277] : memref<10112x128xf32, #tpu.memory_space<vmem_shared>> -> memref<64x128xf32, #tpu.memory_space<vmem_shared>>
        tpu.wait_dma2 semaphore(%run_scoped3A_270 : memref<!tpu.dma_semaphore, #tpu.memory_space<semaphore_mem>>) src(%arg9 : memref<64x128xf32, #tpu.memory_space<vmem>>) dst(%dma_wait3A_278 : memref<64x128xf32, #tpu.memory_space<vmem_shared>>)
        tpu.yield
      }) : () -> ()
      %mul3A_40 = arith.constant 632 : i32
      %mul3A_41 = arith.muli %arg1, %mul3A_40 : i32
      %add3A_42 = arith.constant 448 : i32
      %add3A_43 = arith.addi %mul3A_41, %add3A_42 : i32
      "tpu.region"() ({
        %run_scoped3A_270 = tpu.sem_alloc : memref<!tpu.dma_semaphore, #tpu.memory_space<semaphore_mem>>
        %dma_start3A_271 = arith.constant 0 : i32
        %dma_start3A_272 = tpu.memref_slice %arg14[%add3A_43, %dma_start3A_271] : memref<10112x128xf32, #tpu.memory_space<vmem_shared>> -> memref<64x128xf32, #tpu.memory_space<vmem_shared>>
        %dma_start3A_273 = arith.constant 0 : i32
        %dma_start3A_274 = tpu.memref_slice %arg14[%add3A_43, %dma_start3A_273] : memref<10112x128xf32, #tpu.memory_space<vmem_shared>> -> memref<64x128xf32, #tpu.memory_space<vmem_shared>>
        tpu.enqueue_dma source(%arg9 : memref<64x128xf32, #tpu.memory_space<vmem>>) target(%dma_start3A_274 : memref<64x128xf32, #tpu.memory_space<vmem_shared>>) target_semaphore(%run_scoped3A_270 : memref<!tpu.dma_semaphore, #tpu.memory_space<semaphore_mem>>)
        %dma_wait3A_275 = arith.constant 0 : i32
        %dma_wait3A_276 = tpu.memref_slice %arg14[%add3A_43, %dma_wait3A_275] : memref<10112x128xf32, #tpu.memory_space<vmem_shared>> -> memref<64x128xf32, #tpu.memory_space<vmem_shared>>
        %dma_wait3A_277 = arith.constant 0 : i32
        %dma_wait3A_278 = tpu.memref_slice %arg14[%add3A_43, %dma_wait3A_277] : memref<10112x128xf32, #tpu.memory_space<vmem_shared>> -> memref<64x128xf32, #tpu.memory_space<vmem_shared>>
        tpu.wait_dma2 semaphore(%run_scoped3A_270 : memref<!tpu.dma_semaphore, #tpu.memory_space<semaphore_mem>>) src(%arg9 : memref<64x128xf32, #tpu.memory_space<vmem>>) dst(%dma_wait3A_278 : memref<64x128xf32, #tpu.memory_space<vmem_shared>>)
        tpu.yield
      }) : () -> ()
      %mul3A_44 = arith.constant 632 : i32
      %mul3A_45 = arith.muli %arg1, %mul3A_44 : i32
      %add3A_46 = arith.constant 512 : i32
      %add3A_47 = arith.addi %mul3A_45, %add3A_46 : i32
      "tpu.region"() ({
        %run_scoped3A_270 = tpu.sem_alloc : memref<!tpu.dma_semaphore, #tpu.memory_space<semaphore_mem>>
        %dma_start3A_271 = arith.constant 0 : i32
        %dma_start3A_272 = tpu.memref_slice %arg14[%add3A_47, %dma_start3A_271] : memref<10112x128xf32, #tpu.memory_space<vmem_shared>> -> memref<64x128xf32, #tpu.memory_space<vmem_shared>>
        %dma_start3A_273 = arith.constant 0 : i32
        %dma_start3A_274 = tpu.memref_slice %arg14[%add3A_47, %dma_start3A_273] : memref<10112x128xf32, #tpu.memory_space<vmem_shared>> -> memref<64x128xf32, #tpu.memory_space<vmem_shared>>
        tpu.enqueue_dma source(%arg9 : memref<64x128xf32, #tpu.memory_space<vmem>>) target(%dma_start3A_274 : memref<64x128xf32, #tpu.memory_space<vmem_shared>>) target_semaphore(%run_scoped3A_270 : memref<!tpu.dma_semaphore, #tpu.memory_space<semaphore_mem>>)
        %dma_wait3A_275 = arith.constant 0 : i32
        %dma_wait3A_276 = tpu.memref_slice %arg14[%add3A_47, %dma_wait3A_275] : memref<10112x128xf32, #tpu.memory_space<vmem_shared>> -> memref<64x128xf32, #tpu.memory_space<vmem_shared>>
        %dma_wait3A_277 = arith.constant 0 : i32
        %dma_wait3A_278 = tpu.memref_slice %arg14[%add3A_47, %dma_wait3A_277] : memref<10112x128xf32, #tpu.memory_space<vmem_shared>> -> memref<64x128xf32, #tpu.memory_space<vmem_shared>>
        tpu.wait_dma2 semaphore(%run_scoped3A_270 : memref<!tpu.dma_semaphore, #tpu.memory_space<semaphore_mem>>) src(%arg9 : memref<64x128xf32, #tpu.memory_space<vmem>>) dst(%dma_wait3A_278 : memref<64x128xf32, #tpu.memory_space<vmem_shared>>)
        tpu.yield
      }) : () -> ()
      %mul3A_48 = arith.constant 632 : i32
      %mul3A_49 = arith.muli %arg1, %mul3A_48 : i32
      %add3A_50 = arith.constant 632 : i32
      %add3A_51 = arith.addi %mul3A_49, %add3A_50 : i32
      %sub3A = arith.constant 56 : i32
      %sub3A_52 = arith.subi %add3A_51, %sub3A : i32
      "tpu.region"() ({
        %run_scoped3A_270 = tpu.sem_alloc : memref<!tpu.dma_semaphore, #tpu.memory_space<semaphore_mem>>
        %dma_start3A_271 = arith.constant 0 : i32
        %dma_start3A_272 = arith.constant 0 : i32
        %dma_start3A_273 = tpu.memref_slice %arg9[%dma_start3A_271, %dma_start3A_272] : memref<64x128xf32, #tpu.memory_space<vmem>> -> memref<56x128xf32, #tpu.memory_space<vmem>>
        %dma_start3A_274 = arith.constant 0 : i32
        %dma_start3A_275 = tpu.memref_slice %arg14[%sub3A_52, %dma_start3A_274] : memref<10112x128xf32, #tpu.memory_space<vmem_shared>> -> memref<56x128xf32, #tpu.memory_space<vmem_shared>>
        %dma_start3A_276 = arith.constant 0 : i32
        %dma_start3A_277 = tpu.memref_slice %arg14[%sub3A_52, %dma_start3A_276] : memref<10112x128xf32, #tpu.memory_space<vmem_shared>> -> memref<56x128xf32, #tpu.memory_space<vmem_shared>>
        %dma_start3A_278 = arith.constant 0 : i32
        %dma_start3A_279 = arith.constant 0 : i32
        %dma_start3A_280 = tpu.memref_slice %arg9[%dma_start3A_278, %dma_start3A_279] : memref<64x128xf32, #tpu.memory_space<vmem>> -> memref<56x128xf32, #tpu.memory_space<vmem>>
        tpu.enqueue_dma source(%dma_start3A_280 : memref<56x128xf32, #tpu.memory_space<vmem>>) target(%dma_start3A_277 : memref<56x128xf32, #tpu.memory_space<vmem_shared>>) target_semaphore(%run_scoped3A_270 : memref<!tpu.dma_semaphore, #tpu.memory_space<semaphore_mem>>)
        %dma_wait3A_281 = arith.constant 0 : i32
        %dma_wait3A_282 = arith.constant 0 : i32
        %dma_wait3A_283 = tpu.memref_slice %arg9[%dma_wait3A_281, %dma_wait3A_282] : memref<64x128xf32, #tpu.memory_space<vmem>> -> memref<56x128xf32, #tpu.memory_space<vmem>>
        %dma_wait3A_284 = arith.constant 0 : i32
        %dma_wait3A_285 = tpu.memref_slice %arg14[%sub3A_52, %dma_wait3A_284] : memref<10112x128xf32, #tpu.memory_space<vmem_shared>> -> memref<56x128xf32, #tpu.memory_space<vmem_shared>>
        %dma_wait3A_286 = arith.constant 0 : i32
        %dma_wait3A_287 = tpu.memref_slice %arg14[%sub3A_52, %dma_wait3A_286] : memref<10112x128xf32, #tpu.memory_space<vmem_shared>> -> memref<56x128xf32, #tpu.memory_space<vmem_shared>>
        %dma_wait3A_288 = arith.constant 0 : i32
        %dma_wait3A_289 = arith.constant 0 : i32
        %dma_wait3A_290 = tpu.memref_slice %arg9[%dma_wait3A_288, %dma_wait3A_289] : memref<64x128xf32, #tpu.memory_space<vmem>> -> memref<56x128xf32, #tpu.memory_space<vmem>>
        tpu.wait_dma2 semaphore(%run_scoped3A_270 : memref<!tpu.dma_semaphore, #tpu.memory_space<semaphore_mem>>) src(%dma_wait3A_290 : memref<56x128xf32, #tpu.memory_space<vmem>>) dst(%dma_wait3A_287 : memref<56x128xf32, #tpu.memory_space<vmem_shared>>)
        tpu.yield
      }) : () -> ()
      "tpu.region"() ({
        %run_scoped3A_270 = tpu.sem_alloc : memref<!tpu.dma_semaphore, #tpu.memory_space<semaphore_mem>>
        %dma_start3A_271 = arith.constant 0 : i32
        %dma_start3A_272 = tpu.memref_slice %arg3[%add3A, %add3A_11, %dma_start3A_271] : memref<32x4x8000xi32, #tpu.memory_space<hbm>> -> memref<1x1x8000xi32, #tpu.memory_space<hbm>>
        %dma_start3A_273 = tpu.memref_squeeze %dma_start3A_272 : memref<1x1x8000xi32, #tpu.memory_space<hbm>> -> memref<8000xi32, #tpu.memory_space<hbm>>
        %dma_start3A_274 = arith.constant 0 : i32
        %dma_start3A_275 = tpu.memref_slice %arg3[%add3A, %add3A_11, %dma_start3A_274] : memref<32x4x8000xi32, #tpu.memory_space<hbm>> -> memref<1x1x8000xi32, #tpu.memory_space<hbm>>
        %dma_start3A_276 = tpu.memref_squeeze %dma_start3A_275 : memref<1x1x8000xi32, #tpu.memory_space<hbm>> -> memref<8000xi32, #tpu.memory_space<hbm>>
        tpu.enqueue_dma source(%dma_start3A_276 : memref<8000xi32, #tpu.memory_space<hbm>>) target(%arg7 : memref<8000xi32, #tpu.memory_space<vmem>>) target_semaphore(%run_scoped3A_270 : memref<!tpu.dma_semaphore, #tpu.memory_space<semaphore_mem>>)
        %dma_wait3A_277 = arith.constant 0 : i32
        %dma_wait3A_278 = tpu.memref_slice %arg3[%add3A, %add3A_11, %dma_wait3A_277] : memref<32x4x8000xi32, #tpu.memory_space<hbm>> -> memref<1x1x8000xi32, #tpu.memory_space<hbm>>
        %dma_wait3A_279 = tpu.memref_squeeze %dma_wait3A_278 : memref<1x1x8000xi32, #tpu.memory_space<hbm>> -> memref<8000xi32, #tpu.memory_space<hbm>>
        %dma_wait3A_280 = arith.constant 0 : i32
        %dma_wait3A_281 = tpu.memref_slice %arg3[%add3A, %add3A_11, %dma_wait3A_280] : memref<32x4x8000xi32, #tpu.memory_space<hbm>> -> memref<1x1x8000xi32, #tpu.memory_space<hbm>>
        %dma_wait3A_282 = tpu.memref_squeeze %dma_wait3A_281 : memref<1x1x8000xi32, #tpu.memory_space<hbm>> -> memref<8000xi32, #tpu.memory_space<hbm>>
        tpu.wait_dma2 semaphore(%run_scoped3A_270 : memref<!tpu.dma_semaphore, #tpu.memory_space<semaphore_mem>>) src(%dma_wait3A_282 : memref<8000xi32, #tpu.memory_space<hbm>>) dst(%arg7 : memref<8000xi32, #tpu.memory_space<vmem>>)
        tpu.yield
      }) : () -> ()
      %barrier3A = arith.constant 0 : index
      tpu.barrier barrier_id(%barrier3A)
      %dma_start3A = arith.constant 0 : i32
      %dma_start3A_53 = tpu.memref_slice %arg7[%dma_start3A] : memref<8000xi32, #tpu.memory_space<vmem>> -> memref<64xi32, #tpu.memory_space<vmem>>
      %dma_start3A_54 = arith.constant 0 : i32
      %dma_start3A_55 = arith.constant 0 : i32
      %dma_start3A_56 = tpu.memref_slice %arg2[%dma_start3A_54, %dma_start3A_55] : memref<40000x128xf32, #tpu.memory_space<hbm>> -> memref<40000x128xf32, #tpu.memory_space<hbm>>
      tpu.enqueue_indirect_dma source(%dma_start3A_56 : memref<40000x128xf32, #tpu.memory_space<hbm>>) target(%arg9 : memref<64x128xf32, #tpu.memory_space<vmem>>) offsets(%dma_start3A_53 : memref<64xi32, #tpu.memory_space<vmem>>) semaphore(%arg15 : memref<!tpu.dma_semaphore, #tpu.memory_space<semaphore_mem>>)
      %dma_start3A_57 = arith.constant 0 : i32
      %dma_start3A_58 = arith.constant 0 : i32
      %dma_start3A_59 = arith.constant 0 : i32
      %dma_start3A_60 = tpu.memref_slice %arg8[%dma_start3A_58, %dma_start3A_59] : memref<5x64xi32, #tpu.memory_space<vmem>> -> memref<1x64xi32, #tpu.memory_space<vmem>>
      %dma_start3A_61 = tpu.memref_squeeze %dma_start3A_60 : memref<1x64xi32, #tpu.memory_space<vmem>> -> memref<64xi32, #tpu.memory_space<vmem>>
      %dma_start3A_62 = arith.constant 0 : i32
      %dma_start3A_63 = tpu.memref_slice %arg4[%add3A, %dma_start3A_57, %dma_start3A_62] : memref<32x125x64xi32, #tpu.memory_space<hbm>> -> memref<1x1x64xi32, #tpu.memory_space<hbm>>
      %dma_start3A_64 = tpu.memref_squeeze %dma_start3A_63 : memref<1x1x64xi32, #tpu.memory_space<hbm>> -> memref<64xi32, #tpu.memory_space<hbm>>
      %dma_start3A_65 = arith.constant 0 : i32
      %dma_start3A_66 = tpu.memref_slice %arg8[%dma_start3A_58, %dma_start3A_65] : memref<5x64xi32, #tpu.memory_space<vmem>> -> memref<1x64xi32, #tpu.memory_space<vmem>>
      %dma_start3A_67 = tpu.memref_squeeze %dma_start3A_66 : memref<1x64xi32, #tpu.memory_space<vmem>> -> memref<64xi32, #tpu.memory_space<vmem>>
      %dma_start3A_68 = arith.constant 0 : i32
      %dma_start3A_69 = tpu.memref_slice %arg4[%add3A, %dma_start3A_57, %dma_start3A_68] : memref<32x125x64xi32, #tpu.memory_space<hbm>> -> memref<1x1x64xi32, #tpu.memory_space<hbm>>
      %dma_start3A_70 = tpu.memref_squeeze %dma_start3A_69 : memref<1x1x64xi32, #tpu.memory_space<hbm>> -> memref<64xi32, #tpu.memory_space<hbm>>
      tpu.enqueue_dma source(%dma_start3A_70 : memref<64xi32, #tpu.memory_space<hbm>>) target(%dma_start3A_67 : memref<64xi32, #tpu.memory_space<vmem>>) target_semaphore(%arg20 : memref<!tpu.dma_semaphore, #tpu.memory_space<semaphore_mem>>)
      %dma_start3A_71 = arith.constant 64 : i32
      %dma_start3A_72 = tpu.memref_slice %arg7[%dma_start3A_71] : memref<8000xi32, #tpu.memory_space<vmem>> -> memref<64xi32, #tpu.memory_space<vmem>>
      %dma_start3A_73 = arith.constant 0 : i32
      %dma_start3A_74 = arith.constant 0 : i32
      %dma_start3A_75 = tpu.memref_slice %arg2[%dma_start3A_73, %dma_start3A_74] : memref<40000x128xf32, #tpu.memory_space<hbm>> -> memref<40000x128xf32, #tpu.memory_space<hbm>>
      tpu.enqueue_indirect_dma source(%dma_start3A_75 : memref<40000x128xf32, #tpu.memory_space<hbm>>) target(%arg10 : memref<64x128xf32, #tpu.memory_space<vmem>>) offsets(%dma_start3A_72 : memref<64xi32, #tpu.memory_space<vmem>>) semaphore(%arg16 : memref<!tpu.dma_semaphore, #tpu.memory_space<semaphore_mem>>)
      %dma_start3A_76 = arith.constant 1 : i32
      %dma_start3A_77 = arith.constant 1 : i32
      %dma_start3A_78 = arith.constant 0 : i32
      %dma_start3A_79 = tpu.memref_slice %arg8[%dma_start3A_77, %dma_start3A_78] : memref<5x64xi32, #tpu.memory_space<vmem>> -> memref<1x64xi32, #tpu.memory_space<vmem>>
      %dma_start3A_80 = tpu.memref_squeeze %dma_start3A_79 : memref<1x64xi32, #tpu.memory_space<vmem>> -> memref<64xi32, #tpu.memory_space<vmem>>
      %dma_start3A_81 = arith.constant 0 : i32
      %dma_start3A_82 = tpu.memref_slice %arg4[%add3A, %dma_start3A_76, %dma_start3A_81] : memref<32x125x64xi32, #tpu.memory_space<hbm>> -> memref<1x1x64xi32, #tpu.memory_space<hbm>>
      %dma_start3A_83 = tpu.memref_squeeze %dma_start3A_82 : memref<1x1x64xi32, #tpu.memory_space<hbm>> -> memref<64xi32, #tpu.memory_space<hbm>>
      %dma_start3A_84 = arith.constant 0 : i32
      %dma_start3A_85 = tpu.memref_slice %arg8[%dma_start3A_77, %dma_start3A_84] : memref<5x64xi32, #tpu.memory_space<vmem>> -> memref<1x64xi32, #tpu.memory_space<vmem>>
      %dma_start3A_86 = tpu.memref_squeeze %dma_start3A_85 : memref<1x64xi32, #tpu.memory_space<vmem>> -> memref<64xi32, #tpu.memory_space<vmem>>
      %dma_start3A_87 = arith.constant 0 : i32
      %dma_start3A_88 = tpu.memref_slice %arg4[%add3A, %dma_start3A_76, %dma_start3A_87] : memref<32x125x64xi32, #tpu.memory_space<hbm>> -> memref<1x1x64xi32, #tpu.memory_space<hbm>>
      %dma_start3A_89 = tpu.memref_squeeze %dma_start3A_88 : memref<1x1x64xi32, #tpu.memory_space<hbm>> -> memref<64xi32, #tpu.memory_space<hbm>>
      tpu.enqueue_dma source(%dma_start3A_89 : memref<64xi32, #tpu.memory_space<hbm>>) target(%dma_start3A_86 : memref<64xi32, #tpu.memory_space<vmem>>) target_semaphore(%arg21 : memref<!tpu.dma_semaphore, #tpu.memory_space<semaphore_mem>>)
      %dma_start3A_90 = arith.constant 128 : i32
      %dma_start3A_91 = tpu.memref_slice %arg7[%dma_start3A_90] : memref<8000xi32, #tpu.memory_space<vmem>> -> memref<64xi32, #tpu.memory_space<vmem>>
      %dma_start3A_92 = arith.constant 0 : i32
      %dma_start3A_93 = arith.constant 0 : i32
      %dma_start3A_94 = tpu.memref_slice %arg2[%dma_start3A_92, %dma_start3A_93] : memref<40000x128xf32, #tpu.memory_space<hbm>> -> memref<40000x128xf32, #tpu.memory_space<hbm>>
      tpu.enqueue_indirect_dma source(%dma_start3A_94 : memref<40000x128xf32, #tpu.memory_space<hbm>>) target(%arg11 : memref<64x128xf32, #tpu.memory_space<vmem>>) offsets(%dma_start3A_91 : memref<64xi32, #tpu.memory_space<vmem>>) semaphore(%arg17 : memref<!tpu.dma_semaphore, #tpu.memory_space<semaphore_mem>>)
      %dma_start3A_95 = arith.constant 2 : i32
      %dma_start3A_96 = arith.constant 2 : i32
      %dma_start3A_97 = arith.constant 0 : i32
      %dma_start3A_98 = tpu.memref_slice %arg8[%dma_start3A_96, %dma_start3A_97] : memref<5x64xi32, #tpu.memory_space<vmem>> -> memref<1x64xi32, #tpu.memory_space<vmem>>
      %dma_start3A_99 = tpu.memref_squeeze %dma_start3A_98 : memref<1x64xi32, #tpu.memory_space<vmem>> -> memref<64xi32, #tpu.memory_space<vmem>>
      %dma_start3A_100 = arith.constant 0 : i32
      %dma_start3A_101 = tpu.memref_slice %arg4[%add3A, %dma_start3A_95, %dma_start3A_100] : memref<32x125x64xi32, #tpu.memory_space<hbm>> -> memref<1x1x64xi32, #tpu.memory_space<hbm>>
      %dma_start3A_102 = tpu.memref_squeeze %dma_start3A_101 : memref<1x1x64xi32, #tpu.memory_space<hbm>> -> memref<64xi32, #tpu.memory_space<hbm>>
      %dma_start3A_103 = arith.constant 0 : i32
      %dma_start3A_104 = tpu.memref_slice %arg8[%dma_start3A_96, %dma_start3A_103] : memref<5x64xi32, #tpu.memory_space<vmem>> -> memref<1x64xi32, #tpu.memory_space<vmem>>
      %dma_start3A_105 = tpu.memref_squeeze %dma_start3A_104 : memref<1x64xi32, #tpu.memory_space<vmem>> -> memref<64xi32, #tpu.memory_space<vmem>>
      %dma_start3A_106 = arith.constant 0 : i32
      %dma_start3A_107 = tpu.memref_slice %arg4[%add3A, %dma_start3A_95, %dma_start3A_106] : memref<32x125x64xi32, #tpu.memory_space<hbm>> -> memref<1x1x64xi32, #tpu.memory_space<hbm>>
      %dma_start3A_108 = tpu.memref_squeeze %dma_start3A_107 : memref<1x1x64xi32, #tpu.memory_space<hbm>> -> memref<64xi32, #tpu.memory_space<hbm>>
      tpu.enqueue_dma source(%dma_start3A_108 : memref<64xi32, #tpu.memory_space<hbm>>) target(%dma_start3A_105 : memref<64xi32, #tpu.memory_space<vmem>>) target_semaphore(%arg22 : memref<!tpu.dma_semaphore, #tpu.memory_space<semaphore_mem>>)
      %dma_start3A_109 = arith.constant 192 : i32
      %dma_start3A_110 = tpu.memref_slice %arg7[%dma_start3A_109] : memref<8000xi32, #tpu.memory_space<vmem>> -> memref<64xi32, #tpu.memory_space<vmem>>
      %dma_start3A_111 = arith.constant 0 : i32
      %dma_start3A_112 = arith.constant 0 : i32
      %dma_start3A_113 = tpu.memref_slice %arg2[%dma_start3A_111, %dma_start3A_112] : memref<40000x128xf32, #tpu.memory_space<hbm>> -> memref<40000x128xf32, #tpu.memory_space<hbm>>
      tpu.enqueue_indirect_dma source(%dma_start3A_113 : memref<40000x128xf32, #tpu.memory_space<hbm>>) target(%arg12 : memref<64x128xf32, #tpu.memory_space<vmem>>) offsets(%dma_start3A_110 : memref<64xi32, #tpu.memory_space<vmem>>) semaphore(%arg18 : memref<!tpu.dma_semaphore, #tpu.memory_space<semaphore_mem>>)
      %dma_start3A_114 = arith.constant 3 : i32
      %dma_start3A_115 = arith.constant 3 : i32
      %dma_start3A_116 = arith.constant 0 : i32
      %dma_start3A_117 = tpu.memref_slice %arg8[%dma_start3A_115, %dma_start3A_116] : memref<5x64xi32, #tpu.memory_space<vmem>> -> memref<1x64xi32, #tpu.memory_space<vmem>>
      %dma_start3A_118 = tpu.memref_squeeze %dma_start3A_117 : memref<1x64xi32, #tpu.memory_space<vmem>> -> memref<64xi32, #tpu.memory_space<vmem>>
      %dma_start3A_119 = arith.constant 0 : i32
      %dma_start3A_120 = tpu.memref_slice %arg4[%add3A, %dma_start3A_114, %dma_start3A_119] : memref<32x125x64xi32, #tpu.memory_space<hbm>> -> memref<1x1x64xi32, #tpu.memory_space<hbm>>
      %dma_start3A_121 = tpu.memref_squeeze %dma_start3A_120 : memref<1x1x64xi32, #tpu.memory_space<hbm>> -> memref<64xi32, #tpu.memory_space<hbm>>
      %dma_start3A_122 = arith.constant 0 : i32
      %dma_start3A_123 = tpu.memref_slice %arg8[%dma_start3A_115, %dma_start3A_122] : memref<5x64xi32, #tpu.memory_space<vmem>> -> memref<1x64xi32, #tpu.memory_space<vmem>>
      %dma_start3A_124 = tpu.memref_squeeze %dma_start3A_123 : memref<1x64xi32, #tpu.memory_space<vmem>> -> memref<64xi32, #tpu.memory_space<vmem>>
      %dma_start3A_125 = arith.constant 0 : i32
      %dma_start3A_126 = tpu.memref_slice %arg4[%add3A, %dma_start3A_114, %dma_start3A_125] : memref<32x125x64xi32, #tpu.memory_space<hbm>> -> memref<1x1x64xi32, #tpu.memory_space<hbm>>
      %dma_start3A_127 = tpu.memref_squeeze %dma_start3A_126 : memref<1x1x64xi32, #tpu.memory_space<hbm>> -> memref<64xi32, #tpu.memory_space<hbm>>
      tpu.enqueue_dma source(%dma_start3A_127 : memref<64xi32, #tpu.memory_space<hbm>>) target(%dma_start3A_124 : memref<64xi32, #tpu.memory_space<vmem>>) target_semaphore(%arg23 : memref<!tpu.dma_semaphore, #tpu.memory_space<semaphore_mem>>)
      %dma_start3A_128 = arith.constant 256 : i32
      %dma_start3A_129 = tpu.memref_slice %arg7[%dma_start3A_128] : memref<8000xi32, #tpu.memory_space<vmem>> -> memref<64xi32, #tpu.memory_space<vmem>>
      %dma_start3A_130 = arith.constant 0 : i32
      %dma_start3A_131 = arith.constant 0 : i32
      %dma_start3A_132 = tpu.memref_slice %arg2[%dma_start3A_130, %dma_start3A_131] : memref<40000x128xf32, #tpu.memory_space<hbm>> -> memref<40000x128xf32, #tpu.memory_space<hbm>>
      tpu.enqueue_indirect_dma source(%dma_start3A_132 : memref<40000x128xf32, #tpu.memory_space<hbm>>) target(%arg13 : memref<64x128xf32, #tpu.memory_space<vmem>>) offsets(%dma_start3A_129 : memref<64xi32, #tpu.memory_space<vmem>>) semaphore(%arg19 : memref<!tpu.dma_semaphore, #tpu.memory_space<semaphore_mem>>)
      %dma_start3A_133 = arith.constant 4 : i32
      %dma_start3A_134 = arith.constant 4 : i32
      %dma_start3A_135 = arith.constant 0 : i32
      %dma_start3A_136 = tpu.memref_slice %arg8[%dma_start3A_134, %dma_start3A_135] : memref<5x64xi32, #tpu.memory_space<vmem>> -> memref<1x64xi32, #tpu.memory_space<vmem>>
      %dma_start3A_137 = tpu.memref_squeeze %dma_start3A_136 : memref<1x64xi32, #tpu.memory_space<vmem>> -> memref<64xi32, #tpu.memory_space<vmem>>
      %dma_start3A_138 = arith.constant 0 : i32
      %dma_start3A_139 = tpu.memref_slice %arg4[%add3A, %dma_start3A_133, %dma_start3A_138] : memref<32x125x64xi32, #tpu.memory_space<hbm>> -> memref<1x1x64xi32, #tpu.memory_space<hbm>>
      %dma_start3A_140 = tpu.memref_squeeze %dma_start3A_139 : memref<1x1x64xi32, #tpu.memory_space<hbm>> -> memref<64xi32, #tpu.memory_space<hbm>>
      %dma_start3A_141 = arith.constant 0 : i32
      %dma_start3A_142 = tpu.memref_slice %arg8[%dma_start3A_134, %dma_start3A_141] : memref<5x64xi32, #tpu.memory_space<vmem>> -> memref<1x64xi32, #tpu.memory_space<vmem>>
      %dma_start3A_143 = tpu.memref_squeeze %dma_start3A_142 : memref<1x64xi32, #tpu.memory_space<vmem>> -> memref<64xi32, #tpu.memory_space<vmem>>
      %dma_start3A_144 = arith.constant 0 : i32
      %dma_start3A_145 = tpu.memref_slice %arg4[%add3A, %dma_start3A_133, %dma_start3A_144] : memref<32x125x64xi32, #tpu.memory_space<hbm>> -> memref<1x1x64xi32, #tpu.memory_space<hbm>>
      %dma_start3A_146 = tpu.memref_squeeze %dma_start3A_145 : memref<1x1x64xi32, #tpu.memory_space<hbm>> -> memref<64xi32, #tpu.memory_space<hbm>>
      tpu.enqueue_dma source(%dma_start3A_146 : memref<64xi32, #tpu.memory_space<hbm>>) target(%dma_start3A_143 : memref<64xi32, #tpu.memory_space<vmem>>) target_semaphore(%arg24 : memref<!tpu.dma_semaphore, #tpu.memory_space<semaphore_mem>>)
      %sub3A_147 = arith.constant 5 : i32
      %sub3A_148 = arith.subi %select_n3A, %sub3A_147 : i32
      %sub3A_149 = arith.constant 0 : i32
      %sub3A_150 = arith.subi %sub3A_148, %sub3A_149 : i32
      %sub3A_151 = arith.constant 5 : i32
      %sub3A_152 = arith.constant 1 : i32
      %sub3A_153 = arith.subi %sub3A_151, %sub3A_152 : i32
      %add3A_154 = arith.addi %sub3A_150, %sub3A_153 : i32
      %div3A = arith.constant 5 : i32
      %div3A_155 = arith.divsi %add3A_154, %div3A : i32
      %while3A = arith.constant 5 : i32
      %while3A_156 = arith.constant 0 : i32
      %while3A_157 = arith.constant 0 : i32
      %while3A_158 = arith.subi %div3A_155, %while3A_157 : i32
      %while3A_159 = arith.addi %while3A_157, %while3A_158 : i32
      %while3A_160 = arith.constant 1 : i32
      %while3A_161 = arith.divsi %while3A_158, %while3A_160 : i32
      %while3A_162 = arith.muli %while3A_161, %while3A_160 : i32
      %while3A_163 = arith.addi %while3A_157, %while3A_162 : i32
      %while3A_164 = arith.constant 1 : i32
      scf.for %while3A_270 = %while3A_157 to %while3A_163 step %while3A_164  : i32 {
        %mul3A_271 = arith.muli %while3A_270, %while3A : i32
        %add3A_272 = arith.addi %while3A_156, %mul3A_271 : i32
        %dma_wait3A_273 = arith.constant 0 : i32
        %dma_wait3A_274 = tpu.memref_slice %arg7[%dma_wait3A_273] : memref<8000xi32, #tpu.memory_space<vmem>> -> memref<64xi32, #tpu.memory_space<vmem>>
        %dma_wait3A_275 = arith.constant 0 : i32
        %dma_wait3A_276 = arith.constant 0 : i32
        %dma_wait3A_277 = tpu.memref_slice %arg2[%dma_wait3A_275, %dma_wait3A_276] : memref<40000x128xf32, #tpu.memory_space<hbm>> -> memref<40000x128xf32, #tpu.memory_space<hbm>>
        tpu.wait_indirect_dma semaphore(%arg15 : memref<!tpu.dma_semaphore, #tpu.memory_space<semaphore_mem>>) src(%dma_wait3A_277 : memref<40000x128xf32, #tpu.memory_space<hbm>>) dst(%arg9 : memref<64x128xf32, #tpu.memory_space<vmem>>)
        %dma_wait3A_278 = arith.constant 0 : i32
        %dma_wait3A_279 = arith.constant 0 : i32
        %dma_wait3A_280 = arith.constant 0 : i32
        %dma_wait3A_281 = tpu.memref_slice %arg8[%dma_wait3A_279, %dma_wait3A_280] : memref<5x64xi32, #tpu.memory_space<vmem>> -> memref<1x64xi32, #tpu.memory_space<vmem>>
        %dma_wait3A_282 = tpu.memref_squeeze %dma_wait3A_281 : memref<1x64xi32, #tpu.memory_space<vmem>> -> memref<64xi32, #tpu.memory_space<vmem>>
        %dma_wait3A_283 = arith.constant 0 : i32
        %dma_wait3A_284 = tpu.memref_slice %arg4[%add3A, %dma_wait3A_278, %dma_wait3A_283] : memref<32x125x64xi32, #tpu.memory_space<hbm>> -> memref<1x1x64xi32, #tpu.memory_space<hbm>>
        %dma_wait3A_285 = tpu.memref_squeeze %dma_wait3A_284 : memref<1x1x64xi32, #tpu.memory_space<hbm>> -> memref<64xi32, #tpu.memory_space<hbm>>
        %dma_wait3A_286 = arith.constant 0 : i32
        %dma_wait3A_287 = tpu.memref_slice %arg8[%dma_wait3A_279, %dma_wait3A_286] : memref<5x64xi32, #tpu.memory_space<vmem>> -> memref<1x64xi32, #tpu.memory_space<vmem>>
        %dma_wait3A_288 = tpu.memref_squeeze %dma_wait3A_287 : memref<1x64xi32, #tpu.memory_space<vmem>> -> memref<64xi32, #tpu.memory_space<vmem>>
        %dma_wait3A_289 = arith.constant 0 : i32
        %dma_wait3A_290 = tpu.memref_slice %arg4[%add3A, %dma_wait3A_278, %dma_wait3A_289] : memref<32x125x64xi32, #tpu.memory_space<hbm>> -> memref<1x1x64xi32, #tpu.memory_space<hbm>>
        %dma_wait3A_291 = tpu.memref_squeeze %dma_wait3A_290 : memref<1x1x64xi32, #tpu.memory_space<hbm>> -> memref<64xi32, #tpu.memory_space<hbm>>
        tpu.wait_dma2 semaphore(%arg20 : memref<!tpu.dma_semaphore, #tpu.memory_space<semaphore_mem>>) src(%dma_wait3A_291 : memref<64xi32, #tpu.memory_space<hbm>>) dst(%dma_wait3A_288 : memref<64xi32, #tpu.memory_space<vmem>>)
        %run_scoped3A_292 = arith.constant 0 : i32
        "tpu.region"() ({
          %run_scoped3A_508 = tpu.sem_alloc : memref<!tpu.dma_semaphore, #tpu.memory_space<semaphore_mem>>
          %dma_start3A_509 = arith.constant 0 : i32
          %dma_start3A_510 = tpu.memref_slice %arg8[%run_scoped3A_292, %dma_start3A_509] : memref<5x64xi32, #tpu.memory_space<vmem>> -> memref<1x64xi32, #tpu.memory_space<vmem>>
          %dma_start3A_511 = tpu.memref_squeeze %dma_start3A_510 : memref<1x64xi32, #tpu.memory_space<vmem>> -> memref<64xi32, #tpu.memory_space<vmem>>
          %dma_start3A_512 = arith.constant 0 : i32
          %dma_start3A_513 = arith.constant 0 : i32
          %dma_start3A_514 = tpu.memref_slice %arg14[%dma_start3A_512, %dma_start3A_513] : memref<10112x128xf32, #tpu.memory_space<vmem_shared>> -> memref<10112x128xf32, #tpu.memory_space<vmem_shared>>
          tpu.enqueue_indirect_dma source(%arg9 : memref<64x128xf32, #tpu.memory_space<vmem>>) target(%dma_start3A_514 : memref<10112x128xf32, #tpu.memory_space<vmem_shared>>) offsets(%dma_start3A_511 : memref<64xi32, #tpu.memory_space<vmem>>) semaphore(%run_scoped3A_508 : memref<!tpu.dma_semaphore, #tpu.memory_space<semaphore_mem>>) {add = true}
          %dma_wait3A_515 = arith.constant 0 : i32
          %dma_wait3A_516 = tpu.memref_slice %arg8[%run_scoped3A_292, %dma_wait3A_515] : memref<5x64xi32, #tpu.memory_space<vmem>> -> memref<1x64xi32, #tpu.memory_space<vmem>>
          %dma_wait3A_517 = tpu.memref_squeeze %dma_wait3A_516 : memref<1x64xi32, #tpu.memory_space<vmem>> -> memref<64xi32, #tpu.memory_space<vmem>>
          %dma_wait3A_518 = arith.constant 0 : i32
          %dma_wait3A_519 = arith.constant 0 : i32
          %dma_wait3A_520 = tpu.memref_slice %arg14[%dma_wait3A_518, %dma_wait3A_519] : memref<10112x128xf32, #tpu.memory_space<vmem_shared>> -> memref<10112x128xf32, #tpu.memory_space<vmem_shared>>
          tpu.wait_indirect_dma semaphore(%run_scoped3A_508 : memref<!tpu.dma_semaphore, #tpu.memory_space<semaphore_mem>>) src(%arg9 : memref<64x128xf32, #tpu.memory_space<vmem>>) dst(%dma_wait3A_520 : memref<10112x128xf32, #tpu.memory_space<vmem_shared>>)
          tpu.yield
        }) : () -> ()
        %add3A_293 = arith.constant 5 : i32
        %add3A_294 = arith.addi %add3A_272, %add3A_293 : i32
        %add3A_295 = arith.constant 0 : i32
        %add3A_296 = arith.addi %add3A_294, %add3A_295 : i32
        %mul3A_297 = arith.constant 64 : i32
        %mul3A_298 = arith.muli %add3A_296, %mul3A_297 : i32
        %dma_start3A_299 = tpu.memref_slice %arg7[%mul3A_298] : memref<8000xi32, #tpu.memory_space<vmem>> -> memref<64xi32, #tpu.memory_space<vmem>>
        %dma_start3A_300 = arith.constant 0 : i32
        %dma_start3A_301 = arith.constant 0 : i32
        %dma_start3A_302 = tpu.memref_slice %arg2[%dma_start3A_300, %dma_start3A_301] : memref<40000x128xf32, #tpu.memory_space<hbm>> -> memref<40000x128xf32, #tpu.memory_space<hbm>>
        tpu.enqueue_indirect_dma source(%dma_start3A_302 : memref<40000x128xf32, #tpu.memory_space<hbm>>) target(%arg9 : memref<64x128xf32, #tpu.memory_space<vmem>>) offsets(%dma_start3A_299 : memref<64xi32, #tpu.memory_space<vmem>>) semaphore(%arg15 : memref<!tpu.dma_semaphore, #tpu.memory_space<semaphore_mem>>)
        %add3A_303 = arith.constant 5 : i32
        %add3A_304 = arith.addi %add3A_272, %add3A_303 : i32
        %add3A_305 = arith.constant 0 : i32
        %add3A_306 = arith.addi %add3A_304, %add3A_305 : i32
        %dma_start3A_307 = arith.constant 0 : i32
        %dma_start3A_308 = arith.constant 0 : i32
        %dma_start3A_309 = tpu.memref_slice %arg8[%dma_start3A_307, %dma_start3A_308] : memref<5x64xi32, #tpu.memory_space<vmem>> -> memref<1x64xi32, #tpu.memory_space<vmem>>
        %dma_start3A_310 = tpu.memref_squeeze %dma_start3A_309 : memref<1x64xi32, #tpu.memory_space<vmem>> -> memref<64xi32, #tpu.memory_space<vmem>>
        %dma_start3A_311 = arith.constant 0 : i32
        %dma_start3A_312 = tpu.memref_slice %arg4[%add3A, %add3A_306, %dma_start3A_311] : memref<32x125x64xi32, #tpu.memory_space<hbm>> -> memref<1x1x64xi32, #tpu.memory_space<hbm>>
        %dma_start3A_313 = tpu.memref_squeeze %dma_start3A_312 : memref<1x1x64xi32, #tpu.memory_space<hbm>> -> memref<64xi32, #tpu.memory_space<hbm>>
        %dma_start3A_314 = arith.constant 0 : i32
        %dma_start3A_315 = tpu.memref_slice %arg8[%dma_start3A_307, %dma_start3A_314] : memref<5x64xi32, #tpu.memory_space<vmem>> -> memref<1x64xi32, #tpu.memory_space<vmem>>
        %dma_start3A_316 = tpu.memref_squeeze %dma_start3A_315 : memref<1x64xi32, #tpu.memory_space<vmem>> -> memref<64xi32, #tpu.memory_space<vmem>>
        %dma_start3A_317 = arith.constant 0 : i32
        %dma_start3A_318 = tpu.memref_slice %arg4[%add3A, %add3A_306, %dma_start3A_317] : memref<32x125x64xi32, #tpu.memory_space<hbm>> -> memref<1x1x64xi32, #tpu.memory_space<hbm>>
        %dma_start3A_319 = tpu.memref_squeeze %dma_start3A_318 : memref<1x1x64xi32, #tpu.memory_space<hbm>> -> memref<64xi32, #tpu.memory_space<hbm>>
        tpu.enqueue_dma source(%dma_start3A_319 : memref<64xi32, #tpu.memory_space<hbm>>) target(%dma_start3A_316 : memref<64xi32, #tpu.memory_space<vmem>>) target_semaphore(%arg20 : memref<!tpu.dma_semaphore, #tpu.memory_space<semaphore_mem>>)
        %dma_wait3A_320 = arith.constant 0 : i32
        %dma_wait3A_321 = tpu.memref_slice %arg7[%dma_wait3A_320] : memref<8000xi32, #tpu.memory_space<vmem>> -> memref<64xi32, #tpu.memory_space<vmem>>
        %dma_wait3A_322 = arith.constant 0 : i32
        %dma_wait3A_323 = arith.constant 0 : i32
        %dma_wait3A_324 = tpu.memref_slice %arg2[%dma_wait3A_322, %dma_wait3A_323] : memref<40000x128xf32, #tpu.memory_space<hbm>> -> memref<40000x128xf32, #tpu.memory_space<hbm>>
        tpu.wait_indirect_dma semaphore(%arg16 : memref<!tpu.dma_semaphore, #tpu.memory_space<semaphore_mem>>) src(%dma_wait3A_324 : memref<40000x128xf32, #tpu.memory_space<hbm>>) dst(%arg10 : memref<64x128xf32, #tpu.memory_space<vmem>>)
        %dma_wait3A_325 = arith.constant 0 : i32
        %dma_wait3A_326 = arith.constant 1 : i32
        %dma_wait3A_327 = arith.constant 0 : i32
        %dma_wait3A_328 = tpu.memref_slice %arg8[%dma_wait3A_326, %dma_wait3A_327] : memref<5x64xi32, #tpu.memory_space<vmem>> -> memref<1x64xi32, #tpu.memory_space<vmem>>
        %dma_wait3A_329 = tpu.memref_squeeze %dma_wait3A_328 : memref<1x64xi32, #tpu.memory_space<vmem>> -> memref<64xi32, #tpu.memory_space<vmem>>
        %dma_wait3A_330 = arith.constant 0 : i32
        %dma_wait3A_331 = tpu.memref_slice %arg4[%add3A, %dma_wait3A_325, %dma_wait3A_330] : memref<32x125x64xi32, #tpu.memory_space<hbm>> -> memref<1x1x64xi32, #tpu.memory_space<hbm>>
        %dma_wait3A_332 = tpu.memref_squeeze %dma_wait3A_331 : memref<1x1x64xi32, #tpu.memory_space<hbm>> -> memref<64xi32, #tpu.memory_space<hbm>>
        %dma_wait3A_333 = arith.constant 0 : i32
        %dma_wait3A_334 = tpu.memref_slice %arg8[%dma_wait3A_326, %dma_wait3A_333] : memref<5x64xi32, #tpu.memory_space<vmem>> -> memref<1x64xi32, #tpu.memory_space<vmem>>
        %dma_wait3A_335 = tpu.memref_squeeze %dma_wait3A_334 : memref<1x64xi32, #tpu.memory_space<vmem>> -> memref<64xi32, #tpu.memory_space<vmem>>
        %dma_wait3A_336 = arith.constant 0 : i32
        %dma_wait3A_337 = tpu.memref_slice %arg4[%add3A, %dma_wait3A_325, %dma_wait3A_336] : memref<32x125x64xi32, #tpu.memory_space<hbm>> -> memref<1x1x64xi32, #tpu.memory_space<hbm>>
        %dma_wait3A_338 = tpu.memref_squeeze %dma_wait3A_337 : memref<1x1x64xi32, #tpu.memory_space<hbm>> -> memref<64xi32, #tpu.memory_space<hbm>>
        tpu.wait_dma2 semaphore(%arg21 : memref<!tpu.dma_semaphore, #tpu.memory_space<semaphore_mem>>) src(%dma_wait3A_338 : memref<64xi32, #tpu.memory_space<hbm>>) dst(%dma_wait3A_335 : memref<64xi32, #tpu.memory_space<vmem>>)
        %run_scoped3A_339 = arith.constant 1 : i32
        "tpu.region"() ({
          %run_scoped3A_508 = tpu.sem_alloc : memref<!tpu.dma_semaphore, #tpu.memory_space<semaphore_mem>>
          %dma_start3A_509 = arith.constant 0 : i32
          %dma_start3A_510 = tpu.memref_slice %arg8[%run_scoped3A_339, %dma_start3A_509] : memref<5x64xi32, #tpu.memory_space<vmem>> -> memref<1x64xi32, #tpu.memory_space<vmem>>
          %dma_start3A_511 = tpu.memref_squeeze %dma_start3A_510 : memref<1x64xi32, #tpu.memory_space<vmem>> -> memref<64xi32, #tpu.memory_space<vmem>>
          %dma_start3A_512 = arith.constant 0 : i32
          %dma_start3A_513 = arith.constant 0 : i32
          %dma_start3A_514 = tpu.memref_slice %arg14[%dma_start3A_512, %dma_start3A_513] : memref<10112x128xf32, #tpu.memory_space<vmem_shared>> -> memref<10112x128xf32, #tpu.memory_space<vmem_shared>>
          tpu.enqueue_indirect_dma source(%arg10 : memref<64x128xf32, #tpu.memory_space<vmem>>) target(%dma_start3A_514 : memref<10112x128xf32, #tpu.memory_space<vmem_shared>>) offsets(%dma_start3A_511 : memref<64xi32, #tpu.memory_space<vmem>>) semaphore(%run_scoped3A_508 : memref<!tpu.dma_semaphore, #tpu.memory_space<semaphore_mem>>) {add = true}
          %dma_wait3A_515 = arith.constant 0 : i32
          %dma_wait3A_516 = tpu.memref_slice %arg8[%run_scoped3A_339, %dma_wait3A_515] : memref<5x64xi32, #tpu.memory_space<vmem>> -> memref<1x64xi32, #tpu.memory_space<vmem>>
          %dma_wait3A_517 = tpu.memref_squeeze %dma_wait3A_516 : memref<1x64xi32, #tpu.memory_space<vmem>> -> memref<64xi32, #tpu.memory_space<vmem>>
          %dma_wait3A_518 = arith.constant 0 : i32
          %dma_wait3A_519 = arith.constant 0 : i32
          %dma_wait3A_520 = tpu.memref_slice %arg14[%dma_wait3A_518, %dma_wait3A_519] : memref<10112x128xf32, #tpu.memory_space<vmem_shared>> -> memref<10112x128xf32, #tpu.memory_space<vmem_shared>>
          tpu.wait_indirect_dma semaphore(%run_scoped3A_508 : memref<!tpu.dma_semaphore, #tpu.memory_space<semaphore_mem>>) src(%arg10 : memref<64x128xf32, #tpu.memory_space<vmem>>) dst(%dma_wait3A_520 : memref<10112x128xf32, #tpu.memory_space<vmem_shared>>)
          tpu.yield
        }) : () -> ()
        %add3A_340 = arith.constant 5 : i32
        %add3A_341 = arith.addi %add3A_272, %add3A_340 : i32
        %add3A_342 = arith.constant 1 : i32
        %add3A_343 = arith.addi %add3A_341, %add3A_342 : i32
        %mul3A_344 = arith.constant 64 : i32
        %mul3A_345 = arith.muli %add3A_343, %mul3A_344 : i32
        %dma_start3A_346 = tpu.memref_slice %arg7[%mul3A_345] : memref<8000xi32, #tpu.memory_space<vmem>> -> memref<64xi32, #tpu.memory_space<vmem>>
        %dma_start3A_347 = arith.constant 0 : i32
        %dma_start3A_348 = arith.constant 0 : i32
        %dma_start3A_349 = tpu.memref_slice %arg2[%dma_start3A_347, %dma_start3A_348] : memref<40000x128xf32, #tpu.memory_space<hbm>> -> memref<40000x128xf32, #tpu.memory_space<hbm>>
        tpu.enqueue_indirect_dma source(%dma_start3A_349 : memref<40000x128xf32, #tpu.memory_space<hbm>>) target(%arg10 : memref<64x128xf32, #tpu.memory_space<vmem>>) offsets(%dma_start3A_346 : memref<64xi32, #tpu.memory_space<vmem>>) semaphore(%arg16 : memref<!tpu.dma_semaphore, #tpu.memory_space<semaphore_mem>>)
        %add3A_350 = arith.constant 5 : i32
        %add3A_351 = arith.addi %add3A_272, %add3A_350 : i32
        %add3A_352 = arith.constant 1 : i32
        %add3A_353 = arith.addi %add3A_351, %add3A_352 : i32
        %dma_start3A_354 = arith.constant 1 : i32
        %dma_start3A_355 = arith.constant 0 : i32
        %dma_start3A_356 = tpu.memref_slice %arg8[%dma_start3A_354, %dma_start3A_355] : memref<5x64xi32, #tpu.memory_space<vmem>> -> memref<1x64xi32, #tpu.memory_space<vmem>>
        %dma_start3A_357 = tpu.memref_squeeze %dma_start3A_356 : memref<1x64xi32, #tpu.memory_space<vmem>> -> memref<64xi32, #tpu.memory_space<vmem>>
        %dma_start3A_358 = arith.constant 0 : i32
        %dma_start3A_359 = tpu.memref_slice %arg4[%add3A, %add3A_353, %dma_start3A_358] : memref<32x125x64xi32, #tpu.memory_space<hbm>> -> memref<1x1x64xi32, #tpu.memory_space<hbm>>
        %dma_start3A_360 = tpu.memref_squeeze %dma_start3A_359 : memref<1x1x64xi32, #tpu.memory_space<hbm>> -> memref<64xi32, #tpu.memory_space<hbm>>
        %dma_start3A_361 = arith.constant 0 : i32
        %dma_start3A_362 = tpu.memref_slice %arg8[%dma_start3A_354, %dma_start3A_361] : memref<5x64xi32, #tpu.memory_space<vmem>> -> memref<1x64xi32, #tpu.memory_space<vmem>>
        %dma_start3A_363 = tpu.memref_squeeze %dma_start3A_362 : memref<1x64xi32, #tpu.memory_space<vmem>> -> memref<64xi32, #tpu.memory_space<vmem>>
        %dma_start3A_364 = arith.constant 0 : i32
        %dma_start3A_365 = tpu.memref_slice %arg4[%add3A, %add3A_353, %dma_start3A_364] : memref<32x125x64xi32, #tpu.memory_space<hbm>> -> memref<1x1x64xi32, #tpu.memory_space<hbm>>
        %dma_start3A_366 = tpu.memref_squeeze %dma_start3A_365 : memref<1x1x64xi32, #tpu.memory_space<hbm>> -> memref<64xi32, #tpu.memory_space<hbm>>
        tpu.enqueue_dma source(%dma_start3A_366 : memref<64xi32, #tpu.memory_space<hbm>>) target(%dma_start3A_363 : memref<64xi32, #tpu.memory_space<vmem>>) target_semaphore(%arg21 : memref<!tpu.dma_semaphore, #tpu.memory_space<semaphore_mem>>)
        %dma_wait3A_367 = arith.constant 0 : i32
        %dma_wait3A_368 = tpu.memref_slice %arg7[%dma_wait3A_367] : memref<8000xi32, #tpu.memory_space<vmem>> -> memref<64xi32, #tpu.memory_space<vmem>>
        %dma_wait3A_369 = arith.constant 0 : i32
        %dma_wait3A_370 = arith.constant 0 : i32
        %dma_wait3A_371 = tpu.memref_slice %arg2[%dma_wait3A_369, %dma_wait3A_370] : memref<40000x128xf32, #tpu.memory_space<hbm>> -> memref<40000x128xf32, #tpu.memory_space<hbm>>
        tpu.wait_indirect_dma semaphore(%arg17 : memref<!tpu.dma_semaphore, #tpu.memory_space<semaphore_mem>>) src(%dma_wait3A_371 : memref<40000x128xf32, #tpu.memory_space<hbm>>) dst(%arg11 : memref<64x128xf32, #tpu.memory_space<vmem>>)
        %dma_wait3A_372 = arith.constant 0 : i32
        %dma_wait3A_373 = arith.constant 2 : i32
        %dma_wait3A_374 = arith.constant 0 : i32
        %dma_wait3A_375 = tpu.memref_slice %arg8[%dma_wait3A_373, %dma_wait3A_374] : memref<5x64xi32, #tpu.memory_space<vmem>> -> memref<1x64xi32, #tpu.memory_space<vmem>>
        %dma_wait3A_376 = tpu.memref_squeeze %dma_wait3A_375 : memref<1x64xi32, #tpu.memory_space<vmem>> -> memref<64xi32, #tpu.memory_space<vmem>>
        %dma_wait3A_377 = arith.constant 0 : i32
        %dma_wait3A_378 = tpu.memref_slice %arg4[%add3A, %dma_wait3A_372, %dma_wait3A_377] : memref<32x125x64xi32, #tpu.memory_space<hbm>> -> memref<1x1x64xi32, #tpu.memory_space<hbm>>
        %dma_wait3A_379 = tpu.memref_squeeze %dma_wait3A_378 : memref<1x1x64xi32, #tpu.memory_space<hbm>> -> memref<64xi32, #tpu.memory_space<hbm>>
        %dma_wait3A_380 = arith.constant 0 : i32
        %dma_wait3A_381 = tpu.memref_slice %arg8[%dma_wait3A_373, %dma_wait3A_380] : memref<5x64xi32, #tpu.memory_space<vmem>> -> memref<1x64xi32, #tpu.memory_space<vmem>>
        %dma_wait3A_382 = tpu.memref_squeeze %dma_wait3A_381 : memref<1x64xi32, #tpu.memory_space<vmem>> -> memref<64xi32, #tpu.memory_space<vmem>>
        %dma_wait3A_383 = arith.constant 0 : i32
        %dma_wait3A_384 = tpu.memref_slice %arg4[%add3A, %dma_wait3A_372, %dma_wait3A_383] : memref<32x125x64xi32, #tpu.memory_space<hbm>> -> memref<1x1x64xi32, #tpu.memory_space<hbm>>
        %dma_wait3A_385 = tpu.memref_squeeze %dma_wait3A_384 : memref<1x1x64xi32, #tpu.memory_space<hbm>> -> memref<64xi32, #tpu.memory_space<hbm>>
        tpu.wait_dma2 semaphore(%arg22 : memref<!tpu.dma_semaphore, #tpu.memory_space<semaphore_mem>>) src(%dma_wait3A_385 : memref<64xi32, #tpu.memory_space<hbm>>) dst(%dma_wait3A_382 : memref<64xi32, #tpu.memory_space<vmem>>)
        %run_scoped3A_386 = arith.constant 2 : i32
        "tpu.region"() ({
          %run_scoped3A_508 = tpu.sem_alloc : memref<!tpu.dma_semaphore, #tpu.memory_space<semaphore_mem>>
          %dma_start3A_509 = arith.constant 0 : i32
          %dma_start3A_510 = tpu.memref_slice %arg8[%run_scoped3A_386, %dma_start3A_509] : memref<5x64xi32, #tpu.memory_space<vmem>> -> memref<1x64xi32, #tpu.memory_space<vmem>>
          %dma_start3A_511 = tpu.memref_squeeze %dma_start3A_510 : memref<1x64xi32, #tpu.memory_space<vmem>> -> memref<64xi32, #tpu.memory_space<vmem>>
          %dma_start3A_512 = arith.constant 0 : i32
          %dma_start3A_513 = arith.constant 0 : i32
          %dma_start3A_514 = tpu.memref_slice %arg14[%dma_start3A_512, %dma_start3A_513] : memref<10112x128xf32, #tpu.memory_space<vmem_shared>> -> memref<10112x128xf32, #tpu.memory_space<vmem_shared>>
          tpu.enqueue_indirect_dma source(%arg11 : memref<64x128xf32, #tpu.memory_space<vmem>>) target(%dma_start3A_514 : memref<10112x128xf32, #tpu.memory_space<vmem_shared>>) offsets(%dma_start3A_511 : memref<64xi32, #tpu.memory_space<vmem>>) semaphore(%run_scoped3A_508 : memref<!tpu.dma_semaphore, #tpu.memory_space<semaphore_mem>>) {add = true}
          %dma_wait3A_515 = arith.constant 0 : i32
          %dma_wait3A_516 = tpu.memref_slice %arg8[%run_scoped3A_386, %dma_wait3A_515] : memref<5x64xi32, #tpu.memory_space<vmem>> -> memref<1x64xi32, #tpu.memory_space<vmem>>
          %dma_wait3A_517 = tpu.memref_squeeze %dma_wait3A_516 : memref<1x64xi32, #tpu.memory_space<vmem>> -> memref<64xi32, #tpu.memory_space<vmem>>
          %dma_wait3A_518 = arith.constant 0 : i32
          %dma_wait3A_519 = arith.constant 0 : i32
          %dma_wait3A_520 = tpu.memref_slice %arg14[%dma_wait3A_518, %dma_wait3A_519] : memref<10112x128xf32, #tpu.memory_space<vmem_shared>> -> memref<10112x128xf32, #tpu.memory_space<vmem_shared>>
          tpu.wait_indirect_dma semaphore(%run_scoped3A_508 : memref<!tpu.dma_semaphore, #tpu.memory_space<semaphore_mem>>) src(%arg11 : memref<64x128xf32, #tpu.memory_space<vmem>>) dst(%dma_wait3A_520 : memref<10112x128xf32, #tpu.memory_space<vmem_shared>>)
          tpu.yield
        }) : () -> ()
        %add3A_387 = arith.constant 5 : i32
        %add3A_388 = arith.addi %add3A_272, %add3A_387 : i32
        %add3A_389 = arith.constant 2 : i32
        %add3A_390 = arith.addi %add3A_388, %add3A_389 : i32
        %mul3A_391 = arith.constant 64 : i32
        %mul3A_392 = arith.muli %add3A_390, %mul3A_391 : i32
        %dma_start3A_393 = tpu.memref_slice %arg7[%mul3A_392] : memref<8000xi32, #tpu.memory_space<vmem>> -> memref<64xi32, #tpu.memory_space<vmem>>
        %dma_start3A_394 = arith.constant 0 : i32
        %dma_start3A_395 = arith.constant 0 : i32
        %dma_start3A_396 = tpu.memref_slice %arg2[%dma_start3A_394, %dma_start3A_395] : memref<40000x128xf32, #tpu.memory_space<hbm>> -> memref<40000x128xf32, #tpu.memory_space<hbm>>
        tpu.enqueue_indirect_dma source(%dma_start3A_396 : memref<40000x128xf32, #tpu.memory_space<hbm>>) target(%arg11 : memref<64x128xf32, #tpu.memory_space<vmem>>) offsets(%dma_start3A_393 : memref<64xi32, #tpu.memory_space<vmem>>) semaphore(%arg17 : memref<!tpu.dma_semaphore, #tpu.memory_space<semaphore_mem>>)
        %add3A_397 = arith.constant 5 : i32
        %add3A_398 = arith.addi %add3A_272, %add3A_397 : i32
        %add3A_399 = arith.constant 2 : i32
        %add3A_400 = arith.addi %add3A_398, %add3A_399 : i32
        %dma_start3A_401 = arith.constant 2 : i32
        %dma_start3A_402 = arith.constant 0 : i32
        %dma_start3A_403 = tpu.memref_slice %arg8[%dma_start3A_401, %dma_start3A_402] : memref<5x64xi32, #tpu.memory_space<vmem>> -> memref<1x64xi32, #tpu.memory_space<vmem>>
        %dma_start3A_404 = tpu.memref_squeeze %dma_start3A_403 : memref<1x64xi32, #tpu.memory_space<vmem>> -> memref<64xi32, #tpu.memory_space<vmem>>
        %dma_start3A_405 = arith.constant 0 : i32
        %dma_start3A_406 = tpu.memref_slice %arg4[%add3A, %add3A_400, %dma_start3A_405] : memref<32x125x64xi32, #tpu.memory_space<hbm>> -> memref<1x1x64xi32, #tpu.memory_space<hbm>>
        %dma_start3A_407 = tpu.memref_squeeze %dma_start3A_406 : memref<1x1x64xi32, #tpu.memory_space<hbm>> -> memref<64xi32, #tpu.memory_space<hbm>>
        %dma_start3A_408 = arith.constant 0 : i32
        %dma_start3A_409 = tpu.memref_slice %arg8[%dma_start3A_401, %dma_start3A_408] : memref<5x64xi32, #tpu.memory_space<vmem>> -> memref<1x64xi32, #tpu.memory_space<vmem>>
        %dma_start3A_410 = tpu.memref_squeeze %dma_start3A_409 : memref<1x64xi32, #tpu.memory_space<vmem>> -> memref<64xi32, #tpu.memory_space<vmem>>
        %dma_start3A_411 = arith.constant 0 : i32
        %dma_start3A_412 = tpu.memref_slice %arg4[%add3A, %add3A_400, %dma_start3A_411] : memref<32x125x64xi32, #tpu.memory_space<hbm>> -> memref<1x1x64xi32, #tpu.memory_space<hbm>>
        %dma_start3A_413 = tpu.memref_squeeze %dma_start3A_412 : memref<1x1x64xi32, #tpu.memory_space<hbm>> -> memref<64xi32, #tpu.memory_space<hbm>>
        tpu.enqueue_dma source(%dma_start3A_413 : memref<64xi32, #tpu.memory_space<hbm>>) target(%dma_start3A_410 : memref<64xi32, #tpu.memory_space<vmem>>) target_semaphore(%arg22 : memref<!tpu.dma_semaphore, #tpu.memory_space<semaphore_mem>>)
        %dma_wait3A_414 = arith.constant 0 : i32
        %dma_wait3A_415 = tpu.memref_slice %arg7[%dma_wait3A_414] : memref<8000xi32, #tpu.memory_space<vmem>> -> memref<64xi32, #tpu.memory_space<vmem>>
        %dma_wait3A_416 = arith.constant 0 : i32
        %dma_wait3A_417 = arith.constant 0 : i32
        %dma_wait3A_418 = tpu.memref_slice %arg2[%dma_wait3A_416, %dma_wait3A_417] : memref<40000x128xf32, #tpu.memory_space<hbm>> -> memref<40000x128xf32, #tpu.memory_space<hbm>>
        tpu.wait_indirect_dma semaphore(%arg18 : memref<!tpu.dma_semaphore, #tpu.memory_space<semaphore_mem>>) src(%dma_wait3A_418 : memref<40000x128xf32, #tpu.memory_space<hbm>>) dst(%arg12 : memref<64x128xf32, #tpu.memory_space<vmem>>)
        %dma_wait3A_419 = arith.constant 0 : i32
        %dma_wait3A_420 = arith.constant 3 : i32
        %dma_wait3A_421 = arith.constant 0 : i32
        %dma_wait3A_422 = tpu.memref_slice %arg8[%dma_wait3A_420, %dma_wait3A_421] : memref<5x64xi32, #tpu.memory_space<vmem>> -> memref<1x64xi32, #tpu.memory_space<vmem>>
        %dma_wait3A_423 = tpu.memref_squeeze %dma_wait3A_422 : memref<1x64xi32, #tpu.memory_space<vmem>> -> memref<64xi32, #tpu.memory_space<vmem>>
        %dma_wait3A_424 = arith.constant 0 : i32
        %dma_wait3A_425 = tpu.memref_slice %arg4[%add3A, %dma_wait3A_419, %dma_wait3A_424] : memref<32x125x64xi32, #tpu.memory_space<hbm>> -> memref<1x1x64xi32, #tpu.memory_space<hbm>>
        %dma_wait3A_426 = tpu.memref_squeeze %dma_wait3A_425 : memref<1x1x64xi32, #tpu.memory_space<hbm>> -> memref<64xi32, #tpu.memory_space<hbm>>
        %dma_wait3A_427 = arith.constant 0 : i32
        %dma_wait3A_428 = tpu.memref_slice %arg8[%dma_wait3A_420, %dma_wait3A_427] : memref<5x64xi32, #tpu.memory_space<vmem>> -> memref<1x64xi32, #tpu.memory_space<vmem>>
        %dma_wait3A_429 = tpu.memref_squeeze %dma_wait3A_428 : memref<1x64xi32, #tpu.memory_space<vmem>> -> memref<64xi32, #tpu.memory_space<vmem>>
        %dma_wait3A_430 = arith.constant 0 : i32
        %dma_wait3A_431 = tpu.memref_slice %arg4[%add3A, %dma_wait3A_419, %dma_wait3A_430] : memref<32x125x64xi32, #tpu.memory_space<hbm>> -> memref<1x1x64xi32, #tpu.memory_space<hbm>>
        %dma_wait3A_432 = tpu.memref_squeeze %dma_wait3A_431 : memref<1x1x64xi32, #tpu.memory_space<hbm>> -> memref<64xi32, #tpu.memory_space<hbm>>
        tpu.wait_dma2 semaphore(%arg23 : memref<!tpu.dma_semaphore, #tpu.memory_space<semaphore_mem>>) src(%dma_wait3A_432 : memref<64xi32, #tpu.memory_space<hbm>>) dst(%dma_wait3A_429 : memref<64xi32, #tpu.memory_space<vmem>>)
        %run_scoped3A_433 = arith.constant 3 : i32
        "tpu.region"() ({
          %run_scoped3A_508 = tpu.sem_alloc : memref<!tpu.dma_semaphore, #tpu.memory_space<semaphore_mem>>
          %dma_start3A_509 = arith.constant 0 : i32
          %dma_start3A_510 = tpu.memref_slice %arg8[%run_scoped3A_433, %dma_start3A_509] : memref<5x64xi32, #tpu.memory_space<vmem>> -> memref<1x64xi32, #tpu.memory_space<vmem>>
          %dma_start3A_511 = tpu.memref_squeeze %dma_start3A_510 : memref<1x64xi32, #tpu.memory_space<vmem>> -> memref<64xi32, #tpu.memory_space<vmem>>
          %dma_start3A_512 = arith.constant 0 : i32
          %dma_start3A_513 = arith.constant 0 : i32
          %dma_start3A_514 = tpu.memref_slice %arg14[%dma_start3A_512, %dma_start3A_513] : memref<10112x128xf32, #tpu.memory_space<vmem_shared>> -> memref<10112x128xf32, #tpu.memory_space<vmem_shared>>
          tpu.enqueue_indirect_dma source(%arg12 : memref<64x128xf32, #tpu.memory_space<vmem>>) target(%dma_start3A_514 : memref<10112x128xf32, #tpu.memory_space<vmem_shared>>) offsets(%dma_start3A_511 : memref<64xi32, #tpu.memory_space<vmem>>) semaphore(%run_scoped3A_508 : memref<!tpu.dma_semaphore, #tpu.memory_space<semaphore_mem>>) {add = true}
          %dma_wait3A_515 = arith.constant 0 : i32
          %dma_wait3A_516 = tpu.memref_slice %arg8[%run_scoped3A_433, %dma_wait3A_515] : memref<5x64xi32, #tpu.memory_space<vmem>> -> memref<1x64xi32, #tpu.memory_space<vmem>>
          %dma_wait3A_517 = tpu.memref_squeeze %dma_wait3A_516 : memref<1x64xi32, #tpu.memory_space<vmem>> -> memref<64xi32, #tpu.memory_space<vmem>>
          %dma_wait3A_518 = arith.constant 0 : i32
          %dma_wait3A_519 = arith.constant 0 : i32
          %dma_wait3A_520 = tpu.memref_slice %arg14[%dma_wait3A_518, %dma_wait3A_519] : memref<10112x128xf32, #tpu.memory_space<vmem_shared>> -> memref<10112x128xf32, #tpu.memory_space<vmem_shared>>
          tpu.wait_indirect_dma semaphore(%run_scoped3A_508 : memref<!tpu.dma_semaphore, #tpu.memory_space<semaphore_mem>>) src(%arg12 : memref<64x128xf32, #tpu.memory_space<vmem>>) dst(%dma_wait3A_520 : memref<10112x128xf32, #tpu.memory_space<vmem_shared>>)
          tpu.yield
        }) : () -> ()
        %add3A_434 = arith.constant 5 : i32
        %add3A_435 = arith.addi %add3A_272, %add3A_434 : i32
        %add3A_436 = arith.constant 3 : i32
        %add3A_437 = arith.addi %add3A_435, %add3A_436 : i32
        %mul3A_438 = arith.constant 64 : i32
        %mul3A_439 = arith.muli %add3A_437, %mul3A_438 : i32
        %dma_start3A_440 = tpu.memref_slice %arg7[%mul3A_439] : memref<8000xi32, #tpu.memory_space<vmem>> -> memref<64xi32, #tpu.memory_space<vmem>>
        %dma_start3A_441 = arith.constant 0 : i32
        %dma_start3A_442 = arith.constant 0 : i32
        %dma_start3A_443 = tpu.memref_slice %arg2[%dma_start3A_441, %dma_start3A_442] : memref<40000x128xf32, #tpu.memory_space<hbm>> -> memref<40000x128xf32, #tpu.memory_space<hbm>>
        tpu.enqueue_indirect_dma source(%dma_start3A_443 : memref<40000x128xf32, #tpu.memory_space<hbm>>) target(%arg12 : memref<64x128xf32, #tpu.memory_space<vmem>>) offsets(%dma_start3A_440 : memref<64xi32, #tpu.memory_space<vmem>>) semaphore(%arg18 : memref<!tpu.dma_semaphore, #tpu.memory_space<semaphore_mem>>)
        %add3A_444 = arith.constant 5 : i32
        %add3A_445 = arith.addi %add3A_272, %add3A_444 : i32
        %add3A_446 = arith.constant 3 : i32
        %add3A_447 = arith.addi %add3A_445, %add3A_446 : i32
        %dma_start3A_448 = arith.constant 3 : i32
        %dma_start3A_449 = arith.constant 0 : i32
        %dma_start3A_450 = tpu.memref_slice %arg8[%dma_start3A_448, %dma_start3A_449] : memref<5x64xi32, #tpu.memory_space<vmem>> -> memref<1x64xi32, #tpu.memory_space<vmem>>
        %dma_start3A_451 = tpu.memref_squeeze %dma_start3A_450 : memref<1x64xi32, #tpu.memory_space<vmem>> -> memref<64xi32, #tpu.memory_space<vmem>>
        %dma_start3A_452 = arith.constant 0 : i32
        %dma_start3A_453 = tpu.memref_slice %arg4[%add3A, %add3A_447, %dma_start3A_452] : memref<32x125x64xi32, #tpu.memory_space<hbm>> -> memref<1x1x64xi32, #tpu.memory_space<hbm>>
        %dma_start3A_454 = tpu.memref_squeeze %dma_start3A_453 : memref<1x1x64xi32, #tpu.memory_space<hbm>> -> memref<64xi32, #tpu.memory_space<hbm>>
        %dma_start3A_455 = arith.constant 0 : i32
        %dma_start3A_456 = tpu.memref_slice %arg8[%dma_start3A_448, %dma_start3A_455] : memref<5x64xi32, #tpu.memory_space<vmem>> -> memref<1x64xi32, #tpu.memory_space<vmem>>
        %dma_start3A_457 = tpu.memref_squeeze %dma_start3A_456 : memref<1x64xi32, #tpu.memory_space<vmem>> -> memref<64xi32, #tpu.memory_space<vmem>>
        %dma_start3A_458 = arith.constant 0 : i32
        %dma_start3A_459 = tpu.memref_slice %arg4[%add3A, %add3A_447, %dma_start3A_458] : memref<32x125x64xi32, #tpu.memory_space<hbm>> -> memref<1x1x64xi32, #tpu.memory_space<hbm>>
        %dma_start3A_460 = tpu.memref_squeeze %dma_start3A_459 : memref<1x1x64xi32, #tpu.memory_space<hbm>> -> memref<64xi32, #tpu.memory_space<hbm>>
        tpu.enqueue_dma source(%dma_start3A_460 : memref<64xi32, #tpu.memory_space<hbm>>) target(%dma_start3A_457 : memref<64xi32, #tpu.memory_space<vmem>>) target_semaphore(%arg23 : memref<!tpu.dma_semaphore, #tpu.memory_space<semaphore_mem>>)
        %dma_wait3A_461 = arith.constant 0 : i32
        %dma_wait3A_462 = tpu.memref_slice %arg7[%dma_wait3A_461] : memref<8000xi32, #tpu.memory_space<vmem>> -> memref<64xi32, #tpu.memory_space<vmem>>
        %dma_wait3A_463 = arith.constant 0 : i32
        %dma_wait3A_464 = arith.constant 0 : i32
        %dma_wait3A_465 = tpu.memref_slice %arg2[%dma_wait3A_463, %dma_wait3A_464] : memref<40000x128xf32, #tpu.memory_space<hbm>> -> memref<40000x128xf32, #tpu.memory_space<hbm>>
        tpu.wait_indirect_dma semaphore(%arg19 : memref<!tpu.dma_semaphore, #tpu.memory_space<semaphore_mem>>) src(%dma_wait3A_465 : memref<40000x128xf32, #tpu.memory_space<hbm>>) dst(%arg13 : memref<64x128xf32, #tpu.memory_space<vmem>>)
        %dma_wait3A_466 = arith.constant 0 : i32
        %dma_wait3A_467 = arith.constant 4 : i32
        %dma_wait3A_468 = arith.constant 0 : i32
        %dma_wait3A_469 = tpu.memref_slice %arg8[%dma_wait3A_467, %dma_wait3A_468] : memref<5x64xi32, #tpu.memory_space<vmem>> -> memref<1x64xi32, #tpu.memory_space<vmem>>
        %dma_wait3A_470 = tpu.memref_squeeze %dma_wait3A_469 : memref<1x64xi32, #tpu.memory_space<vmem>> -> memref<64xi32, #tpu.memory_space<vmem>>
        %dma_wait3A_471 = arith.constant 0 : i32
        %dma_wait3A_472 = tpu.memref_slice %arg4[%add3A, %dma_wait3A_466, %dma_wait3A_471] : memref<32x125x64xi32, #tpu.memory_space<hbm>> -> memref<1x1x64xi32, #tpu.memory_space<hbm>>
        %dma_wait3A_473 = tpu.memref_squeeze %dma_wait3A_472 : memref<1x1x64xi32, #tpu.memory_space<hbm>> -> memref<64xi32, #tpu.memory_space<hbm>>
        %dma_wait3A_474 = arith.constant 0 : i32
        %dma_wait3A_475 = tpu.memref_slice %arg8[%dma_wait3A_467, %dma_wait3A_474] : memref<5x64xi32, #tpu.memory_space<vmem>> -> memref<1x64xi32, #tpu.memory_space<vmem>>
        %dma_wait3A_476 = tpu.memref_squeeze %dma_wait3A_475 : memref<1x64xi32, #tpu.memory_space<vmem>> -> memref<64xi32, #tpu.memory_space<vmem>>
        %dma_wait3A_477 = arith.constant 0 : i32
        %dma_wait3A_478 = tpu.memref_slice %arg4[%add3A, %dma_wait3A_466, %dma_wait3A_477] : memref<32x125x64xi32, #tpu.memory_space<hbm>> -> memref<1x1x64xi32, #tpu.memory_space<hbm>>
        %dma_wait3A_479 = tpu.memref_squeeze %dma_wait3A_478 : memref<1x1x64xi32, #tpu.memory_space<hbm>> -> memref<64xi32, #tpu.memory_space<hbm>>
        tpu.wait_dma2 semaphore(%arg24 : memref<!tpu.dma_semaphore, #tpu.memory_space<semaphore_mem>>) src(%dma_wait3A_479 : memref<64xi32, #tpu.memory_space<hbm>>) dst(%dma_wait3A_476 : memref<64xi32, #tpu.memory_space<vmem>>)
        %run_scoped3A_480 = arith.constant 4 : i32
        "tpu.region"() ({
          %run_scoped3A_508 = tpu.sem_alloc : memref<!tpu.dma_semaphore, #tpu.memory_space<semaphore_mem>>
          %dma_start3A_509 = arith.constant 0 : i32
          %dma_start3A_510 = tpu.memref_slice %arg8[%run_scoped3A_480, %dma_start3A_509] : memref<5x64xi32, #tpu.memory_space<vmem>> -> memref<1x64xi32, #tpu.memory_space<vmem>>
          %dma_start3A_511 = tpu.memref_squeeze %dma_start3A_510 : memref<1x64xi32, #tpu.memory_space<vmem>> -> memref<64xi32, #tpu.memory_space<vmem>>
          %dma_start3A_512 = arith.constant 0 : i32
          %dma_start3A_513 = arith.constant 0 : i32
          %dma_start3A_514 = tpu.memref_slice %arg14[%dma_start3A_512, %dma_start3A_513] : memref<10112x128xf32, #tpu.memory_space<vmem_shared>> -> memref<10112x128xf32, #tpu.memory_space<vmem_shared>>
          tpu.enqueue_indirect_dma source(%arg13 : memref<64x128xf32, #tpu.memory_space<vmem>>) target(%dma_start3A_514 : memref<10112x128xf32, #tpu.memory_space<vmem_shared>>) offsets(%dma_start3A_511 : memref<64xi32, #tpu.memory_space<vmem>>) semaphore(%run_scoped3A_508 : memref<!tpu.dma_semaphore, #tpu.memory_space<semaphore_mem>>) {add = true}
          %dma_wait3A_515 = arith.constant 0 : i32
          %dma_wait3A_516 = tpu.memref_slice %arg8[%run_scoped3A_480, %dma_wait3A_515] : memref<5x64xi32, #tpu.memory_space<vmem>> -> memref<1x64xi32, #tpu.memory_space<vmem>>
          %dma_wait3A_517 = tpu.memref_squeeze %dma_wait3A_516 : memref<1x64xi32, #tpu.memory_space<vmem>> -> memref<64xi32, #tpu.memory_space<vmem>>
          %dma_wait3A_518 = arith.constant 0 : i32
          %dma_wait3A_519 = arith.constant 0 : i32
          %dma_wait3A_520 = tpu.memref_slice %arg14[%dma_wait3A_518, %dma_wait3A_519] : memref<10112x128xf32, #tpu.memory_space<vmem_shared>> -> memref<10112x128xf32, #tpu.memory_space<vmem_shared>>
          tpu.wait_indirect_dma semaphore(%run_scoped3A_508 : memref<!tpu.dma_semaphore, #tpu.memory_space<semaphore_mem>>) src(%arg13 : memref<64x128xf32, #tpu.memory_space<vmem>>) dst(%dma_wait3A_520 : memref<10112x128xf32, #tpu.memory_space<vmem_shared>>)
          tpu.yield
        }) : () -> ()
        %add3A_481 = arith.constant 5 : i32
        %add3A_482 = arith.addi %add3A_272, %add3A_481 : i32
        %add3A_483 = arith.constant 4 : i32
        %add3A_484 = arith.addi %add3A_482, %add3A_483 : i32
        %mul3A_485 = arith.constant 64 : i32
        %mul3A_486 = arith.muli %add3A_484, %mul3A_485 : i32
        %dma_start3A_487 = tpu.memref_slice %arg7[%mul3A_486] : memref<8000xi32, #tpu.memory_space<vmem>> -> memref<64xi32, #tpu.memory_space<vmem>>
        %dma_start3A_488 = arith.constant 0 : i32
        %dma_start3A_489 = arith.constant 0 : i32
        %dma_start3A_490 = tpu.memref_slice %arg2[%dma_start3A_488, %dma_start3A_489] : memref<40000x128xf32, #tpu.memory_space<hbm>> -> memref<40000x128xf32, #tpu.memory_space<hbm>>
        tpu.enqueue_indirect_dma source(%dma_start3A_490 : memref<40000x128xf32, #tpu.memory_space<hbm>>) target(%arg13 : memref<64x128xf32, #tpu.memory_space<vmem>>) offsets(%dma_start3A_487 : memref<64xi32, #tpu.memory_space<vmem>>) semaphore(%arg19 : memref<!tpu.dma_semaphore, #tpu.memory_space<semaphore_mem>>)
        %add3A_491 = arith.constant 5 : i32
        %add3A_492 = arith.addi %add3A_272, %add3A_491 : i32
        %add3A_493 = arith.constant 4 : i32
        %add3A_494 = arith.addi %add3A_492, %add3A_493 : i32
        %dma_start3A_495 = arith.constant 4 : i32
        %dma_start3A_496 = arith.constant 0 : i32
        %dma_start3A_497 = tpu.memref_slice %arg8[%dma_start3A_495, %dma_start3A_496] : memref<5x64xi32, #tpu.memory_space<vmem>> -> memref<1x64xi32, #tpu.memory_space<vmem>>
        %dma_start3A_498 = tpu.memref_squeeze %dma_start3A_497 : memref<1x64xi32, #tpu.memory_space<vmem>> -> memref<64xi32, #tpu.memory_space<vmem>>
        %dma_start3A_499 = arith.constant 0 : i32
        %dma_start3A_500 = tpu.memref_slice %arg4[%add3A, %add3A_494, %dma_start3A_499] : memref<32x125x64xi32, #tpu.memory_space<hbm>> -> memref<1x1x64xi32, #tpu.memory_space<hbm>>
        %dma_start3A_501 = tpu.memref_squeeze %dma_start3A_500 : memref<1x1x64xi32, #tpu.memory_space<hbm>> -> memref<64xi32, #tpu.memory_space<hbm>>
        %dma_start3A_502 = arith.constant 0 : i32
        %dma_start3A_503 = tpu.memref_slice %arg8[%dma_start3A_495, %dma_start3A_502] : memref<5x64xi32, #tpu.memory_space<vmem>> -> memref<1x64xi32, #tpu.memory_space<vmem>>
        %dma_start3A_504 = tpu.memref_squeeze %dma_start3A_503 : memref<1x64xi32, #tpu.memory_space<vmem>> -> memref<64xi32, #tpu.memory_space<vmem>>
        %dma_start3A_505 = arith.constant 0 : i32
        %dma_start3A_506 = tpu.memref_slice %arg4[%add3A, %add3A_494, %dma_start3A_505] : memref<32x125x64xi32, #tpu.memory_space<hbm>> -> memref<1x1x64xi32, #tpu.memory_space<hbm>>
        %dma_start3A_507 = tpu.memref_squeeze %dma_start3A_506 : memref<1x1x64xi32, #tpu.memory_space<hbm>> -> memref<64xi32, #tpu.memory_space<hbm>>
        tpu.enqueue_dma source(%dma_start3A_507 : memref<64xi32, #tpu.memory_space<hbm>>) target(%dma_start3A_504 : memref<64xi32, #tpu.memory_space<vmem>>) target_semaphore(%arg24 : memref<!tpu.dma_semaphore, #tpu.memory_space<semaphore_mem>>)
      }
      %while3A_165 = arith.constant 1 : i32
      scf.for %while3A_270 = %while3A_163 to %while3A_159 step %while3A_165  : i32 {
        %mul3A_271 = arith.muli %while3A_270, %while3A : i32
        %add3A_272 = arith.addi %while3A_156, %mul3A_271 : i32
        %dma_wait3A_273 = arith.constant 0 : i32
        %dma_wait3A_274 = tpu.memref_slice %arg7[%dma_wait3A_273] : memref<8000xi32, #tpu.memory_space<vmem>> -> memref<64xi32, #tpu.memory_space<vmem>>
        %dma_wait3A_275 = arith.constant 0 : i32
        %dma_wait3A_276 = arith.constant 0 : i32
        %dma_wait3A_277 = tpu.memref_slice %arg2[%dma_wait3A_275, %dma_wait3A_276] : memref<40000x128xf32, #tpu.memory_space<hbm>> -> memref<40000x128xf32, #tpu.memory_space<hbm>>
        tpu.wait_indirect_dma semaphore(%arg15 : memref<!tpu.dma_semaphore, #tpu.memory_space<semaphore_mem>>) src(%dma_wait3A_277 : memref<40000x128xf32, #tpu.memory_space<hbm>>) dst(%arg9 : memref<64x128xf32, #tpu.memory_space<vmem>>)
        %dma_wait3A_278 = arith.constant 0 : i32
        %dma_wait3A_279 = arith.constant 0 : i32
        %dma_wait3A_280 = arith.constant 0 : i32
        %dma_wait3A_281 = tpu.memref_slice %arg8[%dma_wait3A_279, %dma_wait3A_280] : memref<5x64xi32, #tpu.memory_space<vmem>> -> memref<1x64xi32, #tpu.memory_space<vmem>>
        %dma_wait3A_282 = tpu.memref_squeeze %dma_wait3A_281 : memref<1x64xi32, #tpu.memory_space<vmem>> -> memref<64xi32, #tpu.memory_space<vmem>>
        %dma_wait3A_283 = arith.constant 0 : i32
        %dma_wait3A_284 = tpu.memref_slice %arg4[%add3A, %dma_wait3A_278, %dma_wait3A_283] : memref<32x125x64xi32, #tpu.memory_space<hbm>> -> memref<1x1x64xi32, #tpu.memory_space<hbm>>
        %dma_wait3A_285 = tpu.memref_squeeze %dma_wait3A_284 : memref<1x1x64xi32, #tpu.memory_space<hbm>> -> memref<64xi32, #tpu.memory_space<hbm>>
        %dma_wait3A_286 = arith.constant 0 : i32
        %dma_wait3A_287 = tpu.memref_slice %arg8[%dma_wait3A_279, %dma_wait3A_286] : memref<5x64xi32, #tpu.memory_space<vmem>> -> memref<1x64xi32, #tpu.memory_space<vmem>>
        %dma_wait3A_288 = tpu.memref_squeeze %dma_wait3A_287 : memref<1x64xi32, #tpu.memory_space<vmem>> -> memref<64xi32, #tpu.memory_space<vmem>>
        %dma_wait3A_289 = arith.constant 0 : i32
        %dma_wait3A_290 = tpu.memref_slice %arg4[%add3A, %dma_wait3A_278, %dma_wait3A_289] : memref<32x125x64xi32, #tpu.memory_space<hbm>> -> memref<1x1x64xi32, #tpu.memory_space<hbm>>
        %dma_wait3A_291 = tpu.memref_squeeze %dma_wait3A_290 : memref<1x1x64xi32, #tpu.memory_space<hbm>> -> memref<64xi32, #tpu.memory_space<hbm>>
        tpu.wait_dma2 semaphore(%arg20 : memref<!tpu.dma_semaphore, #tpu.memory_space<semaphore_mem>>) src(%dma_wait3A_291 : memref<64xi32, #tpu.memory_space<hbm>>) dst(%dma_wait3A_288 : memref<64xi32, #tpu.memory_space<vmem>>)
        %run_scoped3A_292 = arith.constant 0 : i32
        "tpu.region"() ({
          %run_scoped3A_508 = tpu.sem_alloc : memref<!tpu.dma_semaphore, #tpu.memory_space<semaphore_mem>>
          %dma_start3A_509 = arith.constant 0 : i32
          %dma_start3A_510 = tpu.memref_slice %arg8[%run_scoped3A_292, %dma_start3A_509] : memref<5x64xi32, #tpu.memory_space<vmem>> -> memref<1x64xi32, #tpu.memory_space<vmem>>
          %dma_start3A_511 = tpu.memref_squeeze %dma_start3A_510 : memref<1x64xi32, #tpu.memory_space<vmem>> -> memref<64xi32, #tpu.memory_space<vmem>>
          %dma_start3A_512 = arith.constant 0 : i32
          %dma_start3A_513 = arith.constant 0 : i32
          %dma_start3A_514 = tpu.memref_slice %arg14[%dma_start3A_512, %dma_start3A_513] : memref<10112x128xf32, #tpu.memory_space<vmem_shared>> -> memref<10112x128xf32, #tpu.memory_space<vmem_shared>>
          tpu.enqueue_indirect_dma source(%arg9 : memref<64x128xf32, #tpu.memory_space<vmem>>) target(%dma_start3A_514 : memref<10112x128xf32, #tpu.memory_space<vmem_shared>>) offsets(%dma_start3A_511 : memref<64xi32, #tpu.memory_space<vmem>>) semaphore(%run_scoped3A_508 : memref<!tpu.dma_semaphore, #tpu.memory_space<semaphore_mem>>) {add = true}
          %dma_wait3A_515 = arith.constant 0 : i32
          %dma_wait3A_516 = tpu.memref_slice %arg8[%run_scoped3A_292, %dma_wait3A_515] : memref<5x64xi32, #tpu.memory_space<vmem>> -> memref<1x64xi32, #tpu.memory_space<vmem>>
          %dma_wait3A_517 = tpu.memref_squeeze %dma_wait3A_516 : memref<1x64xi32, #tpu.memory_space<vmem>> -> memref<64xi32, #tpu.memory_space<vmem>>
          %dma_wait3A_518 = arith.constant 0 : i32
          %dma_wait3A_519 = arith.constant 0 : i32
          %dma_wait3A_520 = tpu.memref_slice %arg14[%dma_wait3A_518, %dma_wait3A_519] : memref<10112x128xf32, #tpu.memory_space<vmem_shared>> -> memref<10112x128xf32, #tpu.memory_space<vmem_shared>>
          tpu.wait_indirect_dma semaphore(%run_scoped3A_508 : memref<!tpu.dma_semaphore, #tpu.memory_space<semaphore_mem>>) src(%arg9 : memref<64x128xf32, #tpu.memory_space<vmem>>) dst(%dma_wait3A_520 : memref<10112x128xf32, #tpu.memory_space<vmem_shared>>)
          tpu.yield
        }) : () -> ()
        %add3A_293 = arith.constant 5 : i32
        %add3A_294 = arith.addi %add3A_272, %add3A_293 : i32
        %add3A_295 = arith.constant 0 : i32
        %add3A_296 = arith.addi %add3A_294, %add3A_295 : i32
        %mul3A_297 = arith.constant 64 : i32
        %mul3A_298 = arith.muli %add3A_296, %mul3A_297 : i32
        %dma_start3A_299 = tpu.memref_slice %arg7[%mul3A_298] : memref<8000xi32, #tpu.memory_space<vmem>> -> memref<64xi32, #tpu.memory_space<vmem>>
        %dma_start3A_300 = arith.constant 0 : i32
        %dma_start3A_301 = arith.constant 0 : i32
        %dma_start3A_302 = tpu.memref_slice %arg2[%dma_start3A_300, %dma_start3A_301] : memref<40000x128xf32, #tpu.memory_space<hbm>> -> memref<40000x128xf32, #tpu.memory_space<hbm>>
        tpu.enqueue_indirect_dma source(%dma_start3A_302 : memref<40000x128xf32, #tpu.memory_space<hbm>>) target(%arg9 : memref<64x128xf32, #tpu.memory_space<vmem>>) offsets(%dma_start3A_299 : memref<64xi32, #tpu.memory_space<vmem>>) semaphore(%arg15 : memref<!tpu.dma_semaphore, #tpu.memory_space<semaphore_mem>>)
        %add3A_303 = arith.constant 5 : i32
        %add3A_304 = arith.addi %add3A_272, %add3A_303 : i32
        %add3A_305 = arith.constant 0 : i32
        %add3A_306 = arith.addi %add3A_304, %add3A_305 : i32
        %dma_start3A_307 = arith.constant 0 : i32
        %dma_start3A_308 = arith.constant 0 : i32
        %dma_start3A_309 = tpu.memref_slice %arg8[%dma_start3A_307, %dma_start3A_308] : memref<5x64xi32, #tpu.memory_space<vmem>> -> memref<1x64xi32, #tpu.memory_space<vmem>>
        %dma_start3A_310 = tpu.memref_squeeze %dma_start3A_309 : memref<1x64xi32, #tpu.memory_space<vmem>> -> memref<64xi32, #tpu.memory_space<vmem>>
        %dma_start3A_311 = arith.constant 0 : i32
        %dma_start3A_312 = tpu.memref_slice %arg4[%add3A, %add3A_306, %dma_start3A_311] : memref<32x125x64xi32, #tpu.memory_space<hbm>> -> memref<1x1x64xi32, #tpu.memory_space<hbm>>
        %dma_start3A_313 = tpu.memref_squeeze %dma_start3A_312 : memref<1x1x64xi32, #tpu.memory_space<hbm>> -> memref<64xi32, #tpu.memory_space<hbm>>
        %dma_start3A_314 = arith.constant 0 : i32
        %dma_start3A_315 = tpu.memref_slice %arg8[%dma_start3A_307, %dma_start3A_314] : memref<5x64xi32, #tpu.memory_space<vmem>> -> memref<1x64xi32, #tpu.memory_space<vmem>>
        %dma_start3A_316 = tpu.memref_squeeze %dma_start3A_315 : memref<1x64xi32, #tpu.memory_space<vmem>> -> memref<64xi32, #tpu.memory_space<vmem>>
        %dma_start3A_317 = arith.constant 0 : i32
        %dma_start3A_318 = tpu.memref_slice %arg4[%add3A, %add3A_306, %dma_start3A_317] : memref<32x125x64xi32, #tpu.memory_space<hbm>> -> memref<1x1x64xi32, #tpu.memory_space<hbm>>
        %dma_start3A_319 = tpu.memref_squeeze %dma_start3A_318 : memref<1x1x64xi32, #tpu.memory_space<hbm>> -> memref<64xi32, #tpu.memory_space<hbm>>
        tpu.enqueue_dma source(%dma_start3A_319 : memref<64xi32, #tpu.memory_space<hbm>>) target(%dma_start3A_316 : memref<64xi32, #tpu.memory_space<vmem>>) target_semaphore(%arg20 : memref<!tpu.dma_semaphore, #tpu.memory_space<semaphore_mem>>)
        %dma_wait3A_320 = arith.constant 0 : i32
        %dma_wait3A_321 = tpu.memref_slice %arg7[%dma_wait3A_320] : memref<8000xi32, #tpu.memory_space<vmem>> -> memref<64xi32, #tpu.memory_space<vmem>>
        %dma_wait3A_322 = arith.constant 0 : i32
        %dma_wait3A_323 = arith.constant 0 : i32
        %dma_wait3A_324 = tpu.memref_slice %arg2[%dma_wait3A_322, %dma_wait3A_323] : memref<40000x128xf32, #tpu.memory_space<hbm>> -> memref<40000x128xf32, #tpu.memory_space<hbm>>
        tpu.wait_indirect_dma semaphore(%arg16 : memref<!tpu.dma_semaphore, #tpu.memory_space<semaphore_mem>>) src(%dma_wait3A_324 : memref<40000x128xf32, #tpu.memory_space<hbm>>) dst(%arg10 : memref<64x128xf32, #tpu.memory_space<vmem>>)
        %dma_wait3A_325 = arith.constant 0 : i32
        %dma_wait3A_326 = arith.constant 1 : i32
        %dma_wait3A_327 = arith.constant 0 : i32
        %dma_wait3A_328 = tpu.memref_slice %arg8[%dma_wait3A_326, %dma_wait3A_327] : memref<5x64xi32, #tpu.memory_space<vmem>> -> memref<1x64xi32, #tpu.memory_space<vmem>>
        %dma_wait3A_329 = tpu.memref_squeeze %dma_wait3A_328 : memref<1x64xi32, #tpu.memory_space<vmem>> -> memref<64xi32, #tpu.memory_space<vmem>>
        %dma_wait3A_330 = arith.constant 0 : i32
        %dma_wait3A_331 = tpu.memref_slice %arg4[%add3A, %dma_wait3A_325, %dma_wait3A_330] : memref<32x125x64xi32, #tpu.memory_space<hbm>> -> memref<1x1x64xi32, #tpu.memory_space<hbm>>
        %dma_wait3A_332 = tpu.memref_squeeze %dma_wait3A_331 : memref<1x1x64xi32, #tpu.memory_space<hbm>> -> memref<64xi32, #tpu.memory_space<hbm>>
        %dma_wait3A_333 = arith.constant 0 : i32
        %dma_wait3A_334 = tpu.memref_slice %arg8[%dma_wait3A_326, %dma_wait3A_333] : memref<5x64xi32, #tpu.memory_space<vmem>> -> memref<1x64xi32, #tpu.memory_space<vmem>>
        %dma_wait3A_335 = tpu.memref_squeeze %dma_wait3A_334 : memref<1x64xi32, #tpu.memory_space<vmem>> -> memref<64xi32, #tpu.memory_space<vmem>>
        %dma_wait3A_336 = arith.constant 0 : i32
        %dma_wait3A_337 = tpu.memref_slice %arg4[%add3A, %dma_wait3A_325, %dma_wait3A_336] : memref<32x125x64xi32, #tpu.memory_space<hbm>> -> memref<1x1x64xi32, #tpu.memory_space<hbm>>
        %dma_wait3A_338 = tpu.memref_squeeze %dma_wait3A_337 : memref<1x1x64xi32, #tpu.memory_space<hbm>> -> memref<64xi32, #tpu.memory_space<hbm>>
        tpu.wait_dma2 semaphore(%arg21 : memref<!tpu.dma_semaphore, #tpu.memory_space<semaphore_mem>>) src(%dma_wait3A_338 : memref<64xi32, #tpu.memory_space<hbm>>) dst(%dma_wait3A_335 : memref<64xi32, #tpu.memory_space<vmem>>)
        %run_scoped3A_339 = arith.constant 1 : i32
        "tpu.region"() ({
          %run_scoped3A_508 = tpu.sem_alloc : memref<!tpu.dma_semaphore, #tpu.memory_space<semaphore_mem>>
          %dma_start3A_509 = arith.constant 0 : i32
          %dma_start3A_510 = tpu.memref_slice %arg8[%run_scoped3A_339, %dma_start3A_509] : memref<5x64xi32, #tpu.memory_space<vmem>> -> memref<1x64xi32, #tpu.memory_space<vmem>>
          %dma_start3A_511 = tpu.memref_squeeze %dma_start3A_510 : memref<1x64xi32, #tpu.memory_space<vmem>> -> memref<64xi32, #tpu.memory_space<vmem>>
          %dma_start3A_512 = arith.constant 0 : i32
          %dma_start3A_513 = arith.constant 0 : i32
          %dma_start3A_514 = tpu.memref_slice %arg14[%dma_start3A_512, %dma_start3A_513] : memref<10112x128xf32, #tpu.memory_space<vmem_shared>> -> memref<10112x128xf32, #tpu.memory_space<vmem_shared>>
          tpu.enqueue_indirect_dma source(%arg10 : memref<64x128xf32, #tpu.memory_space<vmem>>) target(%dma_start3A_514 : memref<10112x128xf32, #tpu.memory_space<vmem_shared>>) offsets(%dma_start3A_511 : memref<64xi32, #tpu.memory_space<vmem>>) semaphore(%run_scoped3A_508 : memref<!tpu.dma_semaphore, #tpu.memory_space<semaphore_mem>>) {add = true}
          %dma_wait3A_515 = arith.constant 0 : i32
          %dma_wait3A_516 = tpu.memref_slice %arg8[%run_scoped3A_339, %dma_wait3A_515] : memref<5x64xi32, #tpu.memory_space<vmem>> -> memref<1x64xi32, #tpu.memory_space<vmem>>
          %dma_wait3A_517 = tpu.memref_squeeze %dma_wait3A_516 : memref<1x64xi32, #tpu.memory_space<vmem>> -> memref<64xi32, #tpu.memory_space<vmem>>
          %dma_wait3A_518 = arith.constant 0 : i32
          %dma_wait3A_519 = arith.constant 0 : i32
          %dma_wait3A_520 = tpu.memref_slice %arg14[%dma_wait3A_518, %dma_wait3A_519] : memref<10112x128xf32, #tpu.memory_space<vmem_shared>> -> memref<10112x128xf32, #tpu.memory_space<vmem_shared>>
          tpu.wait_indirect_dma semaphore(%run_scoped3A_508 : memref<!tpu.dma_semaphore, #tpu.memory_space<semaphore_mem>>) src(%arg10 : memref<64x128xf32, #tpu.memory_space<vmem>>) dst(%dma_wait3A_520 : memref<10112x128xf32, #tpu.memory_space<vmem_shared>>)
          tpu.yield
        }) : () -> ()
        %add3A_340 = arith.constant 5 : i32
        %add3A_341 = arith.addi %add3A_272, %add3A_340 : i32
        %add3A_342 = arith.constant 1 : i32
        %add3A_343 = arith.addi %add3A_341, %add3A_342 : i32
        %mul3A_344 = arith.constant 64 : i32
        %mul3A_345 = arith.muli %add3A_343, %mul3A_344 : i32
        %dma_start3A_346 = tpu.memref_slice %arg7[%mul3A_345] : memref<8000xi32, #tpu.memory_space<vmem>> -> memref<64xi32, #tpu.memory_space<vmem>>
        %dma_start3A_347 = arith.constant 0 : i32
        %dma_start3A_348 = arith.constant 0 : i32
        %dma_start3A_349 = tpu.memref_slice %arg2[%dma_start3A_347, %dma_start3A_348] : memref<40000x128xf32, #tpu.memory_space<hbm>> -> memref<40000x128xf32, #tpu.memory_space<hbm>>
        tpu.enqueue_indirect_dma source(%dma_start3A_349 : memref<40000x128xf32, #tpu.memory_space<hbm>>) target(%arg10 : memref<64x128xf32, #tpu.memory_space<vmem>>) offsets(%dma_start3A_346 : memref<64xi32, #tpu.memory_space<vmem>>) semaphore(%arg16 : memref<!tpu.dma_semaphore, #tpu.memory_space<semaphore_mem>>)
        %add3A_350 = arith.constant 5 : i32
        %add3A_351 = arith.addi %add3A_272, %add3A_350 : i32
        %add3A_352 = arith.constant 1 : i32
        %add3A_353 = arith.addi %add3A_351, %add3A_352 : i32
        %dma_start3A_354 = arith.constant 1 : i32
        %dma_start3A_355 = arith.constant 0 : i32
        %dma_start3A_356 = tpu.memref_slice %arg8[%dma_start3A_354, %dma_start3A_355] : memref<5x64xi32, #tpu.memory_space<vmem>> -> memref<1x64xi32, #tpu.memory_space<vmem>>
        %dma_start3A_357 = tpu.memref_squeeze %dma_start3A_356 : memref<1x64xi32, #tpu.memory_space<vmem>> -> memref<64xi32, #tpu.memory_space<vmem>>
        %dma_start3A_358 = arith.constant 0 : i32
        %dma_start3A_359 = tpu.memref_slice %arg4[%add3A, %add3A_353, %dma_start3A_358] : memref<32x125x64xi32, #tpu.memory_space<hbm>> -> memref<1x1x64xi32, #tpu.memory_space<hbm>>
        %dma_start3A_360 = tpu.memref_squeeze %dma_start3A_359 : memref<1x1x64xi32, #tpu.memory_space<hbm>> -> memref<64xi32, #tpu.memory_space<hbm>>
        %dma_start3A_361 = arith.constant 0 : i32
        %dma_start3A_362 = tpu.memref_slice %arg8[%dma_start3A_354, %dma_start3A_361] : memref<5x64xi32, #tpu.memory_space<vmem>> -> memref<1x64xi32, #tpu.memory_space<vmem>>
        %dma_start3A_363 = tpu.memref_squeeze %dma_start3A_362 : memref<1x64xi32, #tpu.memory_space<vmem>> -> memref<64xi32, #tpu.memory_space<vmem>>
        %dma_start3A_364 = arith.constant 0 : i32
        %dma_start3A_365 = tpu.memref_slice %arg4[%add3A, %add3A_353, %dma_start3A_364] : memref<32x125x64xi32, #tpu.memory_space<hbm>> -> memref<1x1x64xi32, #tpu.memory_space<hbm>>
        %dma_start3A_366 = tpu.memref_squeeze %dma_start3A_365 : memref<1x1x64xi32, #tpu.memory_space<hbm>> -> memref<64xi32, #tpu.memory_space<hbm>>
        tpu.enqueue_dma source(%dma_start3A_366 : memref<64xi32, #tpu.memory_space<hbm>>) target(%dma_start3A_363 : memref<64xi32, #tpu.memory_space<vmem>>) target_semaphore(%arg21 : memref<!tpu.dma_semaphore, #tpu.memory_space<semaphore_mem>>)
        %dma_wait3A_367 = arith.constant 0 : i32
        %dma_wait3A_368 = tpu.memref_slice %arg7[%dma_wait3A_367] : memref<8000xi32, #tpu.memory_space<vmem>> -> memref<64xi32, #tpu.memory_space<vmem>>
        %dma_wait3A_369 = arith.constant 0 : i32
        %dma_wait3A_370 = arith.constant 0 : i32
        %dma_wait3A_371 = tpu.memref_slice %arg2[%dma_wait3A_369, %dma_wait3A_370] : memref<40000x128xf32, #tpu.memory_space<hbm>> -> memref<40000x128xf32, #tpu.memory_space<hbm>>
        tpu.wait_indirect_dma semaphore(%arg17 : memref<!tpu.dma_semaphore, #tpu.memory_space<semaphore_mem>>) src(%dma_wait3A_371 : memref<40000x128xf32, #tpu.memory_space<hbm>>) dst(%arg11 : memref<64x128xf32, #tpu.memory_space<vmem>>)
        %dma_wait3A_372 = arith.constant 0 : i32
        %dma_wait3A_373 = arith.constant 2 : i32
        %dma_wait3A_374 = arith.constant 0 : i32
        %dma_wait3A_375 = tpu.memref_slice %arg8[%dma_wait3A_373, %dma_wait3A_374] : memref<5x64xi32, #tpu.memory_space<vmem>> -> memref<1x64xi32, #tpu.memory_space<vmem>>
        %dma_wait3A_376 = tpu.memref_squeeze %dma_wait3A_375 : memref<1x64xi32, #tpu.memory_space<vmem>> -> memref<64xi32, #tpu.memory_space<vmem>>
        %dma_wait3A_377 = arith.constant 0 : i32
        %dma_wait3A_378 = tpu.memref_slice %arg4[%add3A, %dma_wait3A_372, %dma_wait3A_377] : memref<32x125x64xi32, #tpu.memory_space<hbm>> -> memref<1x1x64xi32, #tpu.memory_space<hbm>>
        %dma_wait3A_379 = tpu.memref_squeeze %dma_wait3A_378 : memref<1x1x64xi32, #tpu.memory_space<hbm>> -> memref<64xi32, #tpu.memory_space<hbm>>
        %dma_wait3A_380 = arith.constant 0 : i32
        %dma_wait3A_381 = tpu.memref_slice %arg8[%dma_wait3A_373, %dma_wait3A_380] : memref<5x64xi32, #tpu.memory_space<vmem>> -> memref<1x64xi32, #tpu.memory_space<vmem>>
        %dma_wait3A_382 = tpu.memref_squeeze %dma_wait3A_381 : memref<1x64xi32, #tpu.memory_space<vmem>> -> memref<64xi32, #tpu.memory_space<vmem>>
        %dma_wait3A_383 = arith.constant 0 : i32
        %dma_wait3A_384 = tpu.memref_slice %arg4[%add3A, %dma_wait3A_372, %dma_wait3A_383] : memref<32x125x64xi32, #tpu.memory_space<hbm>> -> memref<1x1x64xi32, #tpu.memory_space<hbm>>
        %dma_wait3A_385 = tpu.memref_squeeze %dma_wait3A_384 : memref<1x1x64xi32, #tpu.memory_space<hbm>> -> memref<64xi32, #tpu.memory_space<hbm>>
        tpu.wait_dma2 semaphore(%arg22 : memref<!tpu.dma_semaphore, #tpu.memory_space<semaphore_mem>>) src(%dma_wait3A_385 : memref<64xi32, #tpu.memory_space<hbm>>) dst(%dma_wait3A_382 : memref<64xi32, #tpu.memory_space<vmem>>)
        %run_scoped3A_386 = arith.constant 2 : i32
        "tpu.region"() ({
          %run_scoped3A_508 = tpu.sem_alloc : memref<!tpu.dma_semaphore, #tpu.memory_space<semaphore_mem>>
          %dma_start3A_509 = arith.constant 0 : i32
          %dma_start3A_510 = tpu.memref_slice %arg8[%run_scoped3A_386, %dma_start3A_509] : memref<5x64xi32, #tpu.memory_space<vmem>> -> memref<1x64xi32, #tpu.memory_space<vmem>>
          %dma_start3A_511 = tpu.memref_squeeze %dma_start3A_510 : memref<1x64xi32, #tpu.memory_space<vmem>> -> memref<64xi32, #tpu.memory_space<vmem>>
          %dma_start3A_512 = arith.constant 0 : i32
          %dma_start3A_513 = arith.constant 0 : i32
          %dma_start3A_514 = tpu.memref_slice %arg14[%dma_start3A_512, %dma_start3A_513] : memref<10112x128xf32, #tpu.memory_space<vmem_shared>> -> memref<10112x128xf32, #tpu.memory_space<vmem_shared>>
          tpu.enqueue_indirect_dma source(%arg11 : memref<64x128xf32, #tpu.memory_space<vmem>>) target(%dma_start3A_514 : memref<10112x128xf32, #tpu.memory_space<vmem_shared>>) offsets(%dma_start3A_511 : memref<64xi32, #tpu.memory_space<vmem>>) semaphore(%run_scoped3A_508 : memref<!tpu.dma_semaphore, #tpu.memory_space<semaphore_mem>>) {add = true}
          %dma_wait3A_515 = arith.constant 0 : i32
          %dma_wait3A_516 = tpu.memref_slice %arg8[%run_scoped3A_386, %dma_wait3A_515] : memref<5x64xi32, #tpu.memory_space<vmem>> -> memref<1x64xi32, #tpu.memory_space<vmem>>
          %dma_wait3A_517 = tpu.memref_squeeze %dma_wait3A_516 : memref<1x64xi32, #tpu.memory_space<vmem>> -> memref<64xi32, #tpu.memory_space<vmem>>
          %dma_wait3A_518 = arith.constant 0 : i32
          %dma_wait3A_519 = arith.constant 0 : i32
          %dma_wait3A_520 = tpu.memref_slice %arg14[%dma_wait3A_518, %dma_wait3A_519] : memref<10112x128xf32, #tpu.memory_space<vmem_shared>> -> memref<10112x128xf32, #tpu.memory_space<vmem_shared>>
          tpu.wait_indirect_dma semaphore(%run_scoped3A_508 : memref<!tpu.dma_semaphore, #tpu.memory_space<semaphore_mem>>) src(%arg11 : memref<64x128xf32, #tpu.memory_space<vmem>>) dst(%dma_wait3A_520 : memref<10112x128xf32, #tpu.memory_space<vmem_shared>>)
          tpu.yield
        }) : () -> ()
        %add3A_387 = arith.constant 5 : i32
        %add3A_388 = arith.addi %add3A_272, %add3A_387 : i32
        %add3A_389 = arith.constant 2 : i32
        %add3A_390 = arith.addi %add3A_388, %add3A_389 : i32
        %mul3A_391 = arith.constant 64 : i32
        %mul3A_392 = arith.muli %add3A_390, %mul3A_391 : i32
        %dma_start3A_393 = tpu.memref_slice %arg7[%mul3A_392] : memref<8000xi32, #tpu.memory_space<vmem>> -> memref<64xi32, #tpu.memory_space<vmem>>
        %dma_start3A_394 = arith.constant 0 : i32
        %dma_start3A_395 = arith.constant 0 : i32
        %dma_start3A_396 = tpu.memref_slice %arg2[%dma_start3A_394, %dma_start3A_395] : memref<40000x128xf32, #tpu.memory_space<hbm>> -> memref<40000x128xf32, #tpu.memory_space<hbm>>
        tpu.enqueue_indirect_dma source(%dma_start3A_396 : memref<40000x128xf32, #tpu.memory_space<hbm>>) target(%arg11 : memref<64x128xf32, #tpu.memory_space<vmem>>) offsets(%dma_start3A_393 : memref<64xi32, #tpu.memory_space<vmem>>) semaphore(%arg17 : memref<!tpu.dma_semaphore, #tpu.memory_space<semaphore_mem>>)
        %add3A_397 = arith.constant 5 : i32
        %add3A_398 = arith.addi %add3A_272, %add3A_397 : i32
        %add3A_399 = arith.constant 2 : i32
        %add3A_400 = arith.addi %add3A_398, %add3A_399 : i32
        %dma_start3A_401 = arith.constant 2 : i32
        %dma_start3A_402 = arith.constant 0 : i32
        %dma_start3A_403 = tpu.memref_slice %arg8[%dma_start3A_401, %dma_start3A_402] : memref<5x64xi32, #tpu.memory_space<vmem>> -> memref<1x64xi32, #tpu.memory_space<vmem>>
        %dma_start3A_404 = tpu.memref_squeeze %dma_start3A_403 : memref<1x64xi32, #tpu.memory_space<vmem>> -> memref<64xi32, #tpu.memory_space<vmem>>
        %dma_start3A_405 = arith.constant 0 : i32
        %dma_start3A_406 = tpu.memref_slice %arg4[%add3A, %add3A_400, %dma_start3A_405] : memref<32x125x64xi32, #tpu.memory_space<hbm>> -> memref<1x1x64xi32, #tpu.memory_space<hbm>>
        %dma_start3A_407 = tpu.memref_squeeze %dma_start3A_406 : memref<1x1x64xi32, #tpu.memory_space<hbm>> -> memref<64xi32, #tpu.memory_space<hbm>>
        %dma_start3A_408 = arith.constant 0 : i32
        %dma_start3A_409 = tpu.memref_slice %arg8[%dma_start3A_401, %dma_start3A_408] : memref<5x64xi32, #tpu.memory_space<vmem>> -> memref<1x64xi32, #tpu.memory_space<vmem>>
        %dma_start3A_410 = tpu.memref_squeeze %dma_start3A_409 : memref<1x64xi32, #tpu.memory_space<vmem>> -> memref<64xi32, #tpu.memory_space<vmem>>
        %dma_start3A_411 = arith.constant 0 : i32
        %dma_start3A_412 = tpu.memref_slice %arg4[%add3A, %add3A_400, %dma_start3A_411] : memref<32x125x64xi32, #tpu.memory_space<hbm>> -> memref<1x1x64xi32, #tpu.memory_space<hbm>>
        %dma_start3A_413 = tpu.memref_squeeze %dma_start3A_412 : memref<1x1x64xi32, #tpu.memory_space<hbm>> -> memref<64xi32, #tpu.memory_space<hbm>>
        tpu.enqueue_dma source(%dma_start3A_413 : memref<64xi32, #tpu.memory_space<hbm>>) target(%dma_start3A_410 : memref<64xi32, #tpu.memory_space<vmem>>) target_semaphore(%arg22 : memref<!tpu.dma_semaphore, #tpu.memory_space<semaphore_mem>>)
        %dma_wait3A_414 = arith.constant 0 : i32
        %dma_wait3A_415 = tpu.memref_slice %arg7[%dma_wait3A_414] : memref<8000xi32, #tpu.memory_space<vmem>> -> memref<64xi32, #tpu.memory_space<vmem>>
        %dma_wait3A_416 = arith.constant 0 : i32
        %dma_wait3A_417 = arith.constant 0 : i32
        %dma_wait3A_418 = tpu.memref_slice %arg2[%dma_wait3A_416, %dma_wait3A_417] : memref<40000x128xf32, #tpu.memory_space<hbm>> -> memref<40000x128xf32, #tpu.memory_space<hbm>>
        tpu.wait_indirect_dma semaphore(%arg18 : memref<!tpu.dma_semaphore, #tpu.memory_space<semaphore_mem>>) src(%dma_wait3A_418 : memref<40000x128xf32, #tpu.memory_space<hbm>>) dst(%arg12 : memref<64x128xf32, #tpu.memory_space<vmem>>)
        %dma_wait3A_419 = arith.constant 0 : i32
        %dma_wait3A_420 = arith.constant 3 : i32
        %dma_wait3A_421 = arith.constant 0 : i32
        %dma_wait3A_422 = tpu.memref_slice %arg8[%dma_wait3A_420, %dma_wait3A_421] : memref<5x64xi32, #tpu.memory_space<vmem>> -> memref<1x64xi32, #tpu.memory_space<vmem>>
        %dma_wait3A_423 = tpu.memref_squeeze %dma_wait3A_422 : memref<1x64xi32, #tpu.memory_space<vmem>> -> memref<64xi32, #tpu.memory_space<vmem>>
        %dma_wait3A_424 = arith.constant 0 : i32
        %dma_wait3A_425 = tpu.memref_slice %arg4[%add3A, %dma_wait3A_419, %dma_wait3A_424] : memref<32x125x64xi32, #tpu.memory_space<hbm>> -> memref<1x1x64xi32, #tpu.memory_space<hbm>>
        %dma_wait3A_426 = tpu.memref_squeeze %dma_wait3A_425 : memref<1x1x64xi32, #tpu.memory_space<hbm>> -> memref<64xi32, #tpu.memory_space<hbm>>
        %dma_wait3A_427 = arith.constant 0 : i32
        %dma_wait3A_428 = tpu.memref_slice %arg8[%dma_wait3A_420, %dma_wait3A_427] : memref<5x64xi32, #tpu.memory_space<vmem>> -> memref<1x64xi32, #tpu.memory_space<vmem>>
        %dma_wait3A_429 = tpu.memref_squeeze %dma_wait3A_428 : memref<1x64xi32, #tpu.memory_space<vmem>> -> memref<64xi32, #tpu.memory_space<vmem>>
        %dma_wait3A_430 = arith.constant 0 : i32
        %dma_wait3A_431 = tpu.memref_slice %arg4[%add3A, %dma_wait3A_419, %dma_wait3A_430] : memref<32x125x64xi32, #tpu.memory_space<hbm>> -> memref<1x1x64xi32, #tpu.memory_space<hbm>>
        %dma_wait3A_432 = tpu.memref_squeeze %dma_wait3A_431 : memref<1x1x64xi32, #tpu.memory_space<hbm>> -> memref<64xi32, #tpu.memory_space<hbm>>
        tpu.wait_dma2 semaphore(%arg23 : memref<!tpu.dma_semaphore, #tpu.memory_space<semaphore_mem>>) src(%dma_wait3A_432 : memref<64xi32, #tpu.memory_space<hbm>>) dst(%dma_wait3A_429 : memref<64xi32, #tpu.memory_space<vmem>>)
        %run_scoped3A_433 = arith.constant 3 : i32
        "tpu.region"() ({
          %run_scoped3A_508 = tpu.sem_alloc : memref<!tpu.dma_semaphore, #tpu.memory_space<semaphore_mem>>
          %dma_start3A_509 = arith.constant 0 : i32
          %dma_start3A_510 = tpu.memref_slice %arg8[%run_scoped3A_433, %dma_start3A_509] : memref<5x64xi32, #tpu.memory_space<vmem>> -> memref<1x64xi32, #tpu.memory_space<vmem>>
          %dma_start3A_511 = tpu.memref_squeeze %dma_start3A_510 : memref<1x64xi32, #tpu.memory_space<vmem>> -> memref<64xi32, #tpu.memory_space<vmem>>
          %dma_start3A_512 = arith.constant 0 : i32
          %dma_start3A_513 = arith.constant 0 : i32
          %dma_start3A_514 = tpu.memref_slice %arg14[%dma_start3A_512, %dma_start3A_513] : memref<10112x128xf32, #tpu.memory_space<vmem_shared>> -> memref<10112x128xf32, #tpu.memory_space<vmem_shared>>
          tpu.enqueue_indirect_dma source(%arg12 : memref<64x128xf32, #tpu.memory_space<vmem>>) target(%dma_start3A_514 : memref<10112x128xf32, #tpu.memory_space<vmem_shared>>) offsets(%dma_start3A_511 : memref<64xi32, #tpu.memory_space<vmem>>) semaphore(%run_scoped3A_508 : memref<!tpu.dma_semaphore, #tpu.memory_space<semaphore_mem>>) {add = true}
          %dma_wait3A_515 = arith.constant 0 : i32
          %dma_wait3A_516 = tpu.memref_slice %arg8[%run_scoped3A_433, %dma_wait3A_515] : memref<5x64xi32, #tpu.memory_space<vmem>> -> memref<1x64xi32, #tpu.memory_space<vmem>>
          %dma_wait3A_517 = tpu.memref_squeeze %dma_wait3A_516 : memref<1x64xi32, #tpu.memory_space<vmem>> -> memref<64xi32, #tpu.memory_space<vmem>>
          %dma_wait3A_518 = arith.constant 0 : i32
          %dma_wait3A_519 = arith.constant 0 : i32
          %dma_wait3A_520 = tpu.memref_slice %arg14[%dma_wait3A_518, %dma_wait3A_519] : memref<10112x128xf32, #tpu.memory_space<vmem_shared>> -> memref<10112x128xf32, #tpu.memory_space<vmem_shared>>
          tpu.wait_indirect_dma semaphore(%run_scoped3A_508 : memref<!tpu.dma_semaphore, #tpu.memory_space<semaphore_mem>>) src(%arg12 : memref<64x128xf32, #tpu.memory_space<vmem>>) dst(%dma_wait3A_520 : memref<10112x128xf32, #tpu.memory_space<vmem_shared>>)
          tpu.yield
        }) : () -> ()
        %add3A_434 = arith.constant 5 : i32
        %add3A_435 = arith.addi %add3A_272, %add3A_434 : i32
        %add3A_436 = arith.constant 3 : i32
        %add3A_437 = arith.addi %add3A_435, %add3A_436 : i32
        %mul3A_438 = arith.constant 64 : i32
        %mul3A_439 = arith.muli %add3A_437, %mul3A_438 : i32
        %dma_start3A_440 = tpu.memref_slice %arg7[%mul3A_439] : memref<8000xi32, #tpu.memory_space<vmem>> -> memref<64xi32, #tpu.memory_space<vmem>>
        %dma_start3A_441 = arith.constant 0 : i32
        %dma_start3A_442 = arith.constant 0 : i32
        %dma_start3A_443 = tpu.memref_slice %arg2[%dma_start3A_441, %dma_start3A_442] : memref<40000x128xf32, #tpu.memory_space<hbm>> -> memref<40000x128xf32, #tpu.memory_space<hbm>>
        tpu.enqueue_indirect_dma source(%dma_start3A_443 : memref<40000x128xf32, #tpu.memory_space<hbm>>) target(%arg12 : memref<64x128xf32, #tpu.memory_space<vmem>>) offsets(%dma_start3A_440 : memref<64xi32, #tpu.memory_space<vmem>>) semaphore(%arg18 : memref<!tpu.dma_semaphore, #tpu.memory_space<semaphore_mem>>)
        %add3A_444 = arith.constant 5 : i32
        %add3A_445 = arith.addi %add3A_272, %add3A_444 : i32
        %add3A_446 = arith.constant 3 : i32
        %add3A_447 = arith.addi %add3A_445, %add3A_446 : i32
        %dma_start3A_448 = arith.constant 3 : i32
        %dma_start3A_449 = arith.constant 0 : i32
        %dma_start3A_450 = tpu.memref_slice %arg8[%dma_start3A_448, %dma_start3A_449] : memref<5x64xi32, #tpu.memory_space<vmem>> -> memref<1x64xi32, #tpu.memory_space<vmem>>
        %dma_start3A_451 = tpu.memref_squeeze %dma_start3A_450 : memref<1x64xi32, #tpu.memory_space<vmem>> -> memref<64xi32, #tpu.memory_space<vmem>>
        %dma_start3A_452 = arith.constant 0 : i32
        %dma_start3A_453 = tpu.memref_slice %arg4[%add3A, %add3A_447, %dma_start3A_452] : memref<32x125x64xi32, #tpu.memory_space<hbm>> -> memref<1x1x64xi32, #tpu.memory_space<hbm>>
        %dma_start3A_454 = tpu.memref_squeeze %dma_start3A_453 : memref<1x1x64xi32, #tpu.memory_space<hbm>> -> memref<64xi32, #tpu.memory_space<hbm>>
        %dma_start3A_455 = arith.constant 0 : i32
        %dma_start3A_456 = tpu.memref_slice %arg8[%dma_start3A_448, %dma_start3A_455] : memref<5x64xi32, #tpu.memory_space<vmem>> -> memref<1x64xi32, #tpu.memory_space<vmem>>
        %dma_start3A_457 = tpu.memref_squeeze %dma_start3A_456 : memref<1x64xi32, #tpu.memory_space<vmem>> -> memref<64xi32, #tpu.memory_space<vmem>>
        %dma_start3A_458 = arith.constant 0 : i32
        %dma_start3A_459 = tpu.memref_slice %arg4[%add3A, %add3A_447, %dma_start3A_458] : memref<32x125x64xi32, #tpu.memory_space<hbm>> -> memref<1x1x64xi32, #tpu.memory_space<hbm>>
        %dma_start3A_460 = tpu.memref_squeeze %dma_start3A_459 : memref<1x1x64xi32, #tpu.memory_space<hbm>> -> memref<64xi32, #tpu.memory_space<hbm>>
        tpu.enqueue_dma source(%dma_start3A_460 : memref<64xi32, #tpu.memory_space<hbm>>) target(%dma_start3A_457 : memref<64xi32, #tpu.memory_space<vmem>>) target_semaphore(%arg23 : memref<!tpu.dma_semaphore, #tpu.memory_space<semaphore_mem>>)
        %dma_wait3A_461 = arith.constant 0 : i32
        %dma_wait3A_462 = tpu.memref_slice %arg7[%dma_wait3A_461] : memref<8000xi32, #tpu.memory_space<vmem>> -> memref<64xi32, #tpu.memory_space<vmem>>
        %dma_wait3A_463 = arith.constant 0 : i32
        %dma_wait3A_464 = arith.constant 0 : i32
        %dma_wait3A_465 = tpu.memref_slice %arg2[%dma_wait3A_463, %dma_wait3A_464] : memref<40000x128xf32, #tpu.memory_space<hbm>> -> memref<40000x128xf32, #tpu.memory_space<hbm>>
        tpu.wait_indirect_dma semaphore(%arg19 : memref<!tpu.dma_semaphore, #tpu.memory_space<semaphore_mem>>) src(%dma_wait3A_465 : memref<40000x128xf32, #tpu.memory_space<hbm>>) dst(%arg13 : memref<64x128xf32, #tpu.memory_space<vmem>>)
        %dma_wait3A_466 = arith.constant 0 : i32
        %dma_wait3A_467 = arith.constant 4 : i32
        %dma_wait3A_468 = arith.constant 0 : i32
        %dma_wait3A_469 = tpu.memref_slice %arg8[%dma_wait3A_467, %dma_wait3A_468] : memref<5x64xi32, #tpu.memory_space<vmem>> -> memref<1x64xi32, #tpu.memory_space<vmem>>
        %dma_wait3A_470 = tpu.memref_squeeze %dma_wait3A_469 : memref<1x64xi32, #tpu.memory_space<vmem>> -> memref<64xi32, #tpu.memory_space<vmem>>
        %dma_wait3A_471 = arith.constant 0 : i32
        %dma_wait3A_472 = tpu.memref_slice %arg4[%add3A, %dma_wait3A_466, %dma_wait3A_471] : memref<32x125x64xi32, #tpu.memory_space<hbm>> -> memref<1x1x64xi32, #tpu.memory_space<hbm>>
        %dma_wait3A_473 = tpu.memref_squeeze %dma_wait3A_472 : memref<1x1x64xi32, #tpu.memory_space<hbm>> -> memref<64xi32, #tpu.memory_space<hbm>>
        %dma_wait3A_474 = arith.constant 0 : i32
        %dma_wait3A_475 = tpu.memref_slice %arg8[%dma_wait3A_467, %dma_wait3A_474] : memref<5x64xi32, #tpu.memory_space<vmem>> -> memref<1x64xi32, #tpu.memory_space<vmem>>
        %dma_wait3A_476 = tpu.memref_squeeze %dma_wait3A_475 : memref<1x64xi32, #tpu.memory_space<vmem>> -> memref<64xi32, #tpu.memory_space<vmem>>
        %dma_wait3A_477 = arith.constant 0 : i32
        %dma_wait3A_478 = tpu.memref_slice %arg4[%add3A, %dma_wait3A_466, %dma_wait3A_477] : memref<32x125x64xi32, #tpu.memory_space<hbm>> -> memref<1x1x64xi32, #tpu.memory_space<hbm>>
        %dma_wait3A_479 = tpu.memref_squeeze %dma_wait3A_478 : memref<1x1x64xi32, #tpu.memory_space<hbm>> -> memref<64xi32, #tpu.memory_space<hbm>>
        tpu.wait_dma2 semaphore(%arg24 : memref<!tpu.dma_semaphore, #tpu.memory_space<semaphore_mem>>) src(%dma_wait3A_479 : memref<64xi32, #tpu.memory_space<hbm>>) dst(%dma_wait3A_476 : memref<64xi32, #tpu.memory_space<vmem>>)
        %run_scoped3A_480 = arith.constant 4 : i32
        "tpu.region"() ({
          %run_scoped3A_508 = tpu.sem_alloc : memref<!tpu.dma_semaphore, #tpu.memory_space<semaphore_mem>>
          %dma_start3A_509 = arith.constant 0 : i32
          %dma_start3A_510 = tpu.memref_slice %arg8[%run_scoped3A_480, %dma_start3A_509] : memref<5x64xi32, #tpu.memory_space<vmem>> -> memref<1x64xi32, #tpu.memory_space<vmem>>
          %dma_start3A_511 = tpu.memref_squeeze %dma_start3A_510 : memref<1x64xi32, #tpu.memory_space<vmem>> -> memref<64xi32, #tpu.memory_space<vmem>>
          %dma_start3A_512 = arith.constant 0 : i32
          %dma_start3A_513 = arith.constant 0 : i32
          %dma_start3A_514 = tpu.memref_slice %arg14[%dma_start3A_512, %dma_start3A_513] : memref<10112x128xf32, #tpu.memory_space<vmem_shared>> -> memref<10112x128xf32, #tpu.memory_space<vmem_shared>>
          tpu.enqueue_indirect_dma source(%arg13 : memref<64x128xf32, #tpu.memory_space<vmem>>) target(%dma_start3A_514 : memref<10112x128xf32, #tpu.memory_space<vmem_shared>>) offsets(%dma_start3A_511 : memref<64xi32, #tpu.memory_space<vmem>>) semaphore(%run_scoped3A_508 : memref<!tpu.dma_semaphore, #tpu.memory_space<semaphore_mem>>) {add = true}
          %dma_wait3A_515 = arith.constant 0 : i32
          %dma_wait3A_516 = tpu.memref_slice %arg8[%run_scoped3A_480, %dma_wait3A_515] : memref<5x64xi32, #tpu.memory_space<vmem>> -> memref<1x64xi32, #tpu.memory_space<vmem>>
          %dma_wait3A_517 = tpu.memref_squeeze %dma_wait3A_516 : memref<1x64xi32, #tpu.memory_space<vmem>> -> memref<64xi32, #tpu.memory_space<vmem>>
          %dma_wait3A_518 = arith.constant 0 : i32
          %dma_wait3A_519 = arith.constant 0 : i32
          %dma_wait3A_520 = tpu.memref_slice %arg14[%dma_wait3A_518, %dma_wait3A_519] : memref<10112x128xf32, #tpu.memory_space<vmem_shared>> -> memref<10112x128xf32, #tpu.memory_space<vmem_shared>>
          tpu.wait_indirect_dma semaphore(%run_scoped3A_508 : memref<!tpu.dma_semaphore, #tpu.memory_space<semaphore_mem>>) src(%arg13 : memref<64x128xf32, #tpu.memory_space<vmem>>) dst(%dma_wait3A_520 : memref<10112x128xf32, #tpu.memory_space<vmem_shared>>)
          tpu.yield
        }) : () -> ()
        %add3A_481 = arith.constant 5 : i32
        %add3A_482 = arith.addi %add3A_272, %add3A_481 : i32
        %add3A_483 = arith.constant 4 : i32
        %add3A_484 = arith.addi %add3A_482, %add3A_483 : i32
        %mul3A_485 = arith.constant 64 : i32
        %mul3A_486 = arith.muli %add3A_484, %mul3A_485 : i32
        %dma_start3A_487 = tpu.memref_slice %arg7[%mul3A_486] : memref<8000xi32, #tpu.memory_space<vmem>> -> memref<64xi32, #tpu.memory_space<vmem>>
        %dma_start3A_488 = arith.constant 0 : i32
        %dma_start3A_489 = arith.constant 0 : i32
        %dma_start3A_490 = tpu.memref_slice %arg2[%dma_start3A_488, %dma_start3A_489] : memref<40000x128xf32, #tpu.memory_space<hbm>> -> memref<40000x128xf32, #tpu.memory_space<hbm>>
        tpu.enqueue_indirect_dma source(%dma_start3A_490 : memref<40000x128xf32, #tpu.memory_space<hbm>>) target(%arg13 : memref<64x128xf32, #tpu.memory_space<vmem>>) offsets(%dma_start3A_487 : memref<64xi32, #tpu.memory_space<vmem>>) semaphore(%arg19 : memref<!tpu.dma_semaphore, #tpu.memory_space<semaphore_mem>>)
        %add3A_491 = arith.constant 5 : i32
        %add3A_492 = arith.addi %add3A_272, %add3A_491 : i32
        %add3A_493 = arith.constant 4 : i32
        %add3A_494 = arith.addi %add3A_492, %add3A_493 : i32
        %dma_start3A_495 = arith.constant 4 : i32
        %dma_start3A_496 = arith.constant 0 : i32
        %dma_start3A_497 = tpu.memref_slice %arg8[%dma_start3A_495, %dma_start3A_496] : memref<5x64xi32, #tpu.memory_space<vmem>> -> memref<1x64xi32, #tpu.memory_space<vmem>>
        %dma_start3A_498 = tpu.memref_squeeze %dma_start3A_497 : memref<1x64xi32, #tpu.memory_space<vmem>> -> memref<64xi32, #tpu.memory_space<vmem>>
        %dma_start3A_499 = arith.constant 0 : i32
        %dma_start3A_500 = tpu.memref_slice %arg4[%add3A, %add3A_494, %dma_start3A_499] : memref<32x125x64xi32, #tpu.memory_space<hbm>> -> memref<1x1x64xi32, #tpu.memory_space<hbm>>
        %dma_start3A_501 = tpu.memref_squeeze %dma_start3A_500 : memref<1x1x64xi32, #tpu.memory_space<hbm>> -> memref<64xi32, #tpu.memory_space<hbm>>
        %dma_start3A_502 = arith.constant 0 : i32
        %dma_start3A_503 = tpu.memref_slice %arg8[%dma_start3A_495, %dma_start3A_502] : memref<5x64xi32, #tpu.memory_space<vmem>> -> memref<1x64xi32, #tpu.memory_space<vmem>>
        %dma_start3A_504 = tpu.memref_squeeze %dma_start3A_503 : memref<1x64xi32, #tpu.memory_space<vmem>> -> memref<64xi32, #tpu.memory_space<vmem>>
        %dma_start3A_505 = arith.constant 0 : i32
        %dma_start3A_506 = tpu.memref_slice %arg4[%add3A, %add3A_494, %dma_start3A_505] : memref<32x125x64xi32, #tpu.memory_space<hbm>> -> memref<1x1x64xi32, #tpu.memory_space<hbm>>
        %dma_start3A_507 = tpu.memref_squeeze %dma_start3A_506 : memref<1x1x64xi32, #tpu.memory_space<hbm>> -> memref<64xi32, #tpu.memory_space<hbm>>
        tpu.enqueue_dma source(%dma_start3A_507 : memref<64xi32, #tpu.memory_space<hbm>>) target(%dma_start3A_504 : memref<64xi32, #tpu.memory_space<vmem>>) target_semaphore(%arg24 : memref<!tpu.dma_semaphore, #tpu.memory_space<semaphore_mem>>)
      }
      %dma_wait3A = arith.constant 0 : i32
      %dma_wait3A_166 = tpu.memref_slice %arg7[%dma_wait3A] : memref<8000xi32, #tpu.memory_space<vmem>> -> memref<64xi32, #tpu.memory_space<vmem>>
      %dma_wait3A_167 = arith.constant 0 : i32
      %dma_wait3A_168 = arith.constant 0 : i32
      %dma_wait3A_169 = tpu.memref_slice %arg2[%dma_wait3A_167, %dma_wait3A_168] : memref<40000x128xf32, #tpu.memory_space<hbm>> -> memref<40000x128xf32, #tpu.memory_space<hbm>>
      tpu.wait_indirect_dma semaphore(%arg15 : memref<!tpu.dma_semaphore, #tpu.memory_space<semaphore_mem>>) src(%dma_wait3A_169 : memref<40000x128xf32, #tpu.memory_space<hbm>>) dst(%arg9 : memref<64x128xf32, #tpu.memory_space<vmem>>)
      %dma_wait3A_170 = arith.constant 0 : i32
      %dma_wait3A_171 = arith.constant 0 : i32
      %dma_wait3A_172 = arith.constant 0 : i32
      %dma_wait3A_173 = tpu.memref_slice %arg8[%dma_wait3A_171, %dma_wait3A_172] : memref<5x64xi32, #tpu.memory_space<vmem>> -> memref<1x64xi32, #tpu.memory_space<vmem>>
      %dma_wait3A_174 = tpu.memref_squeeze %dma_wait3A_173 : memref<1x64xi32, #tpu.memory_space<vmem>> -> memref<64xi32, #tpu.memory_space<vmem>>
      %dma_wait3A_175 = arith.constant 0 : i32
      %dma_wait3A_176 = tpu.memref_slice %arg4[%add3A, %dma_wait3A_170, %dma_wait3A_175] : memref<32x125x64xi32, #tpu.memory_space<hbm>> -> memref<1x1x64xi32, #tpu.memory_space<hbm>>
      %dma_wait3A_177 = tpu.memref_squeeze %dma_wait3A_176 : memref<1x1x64xi32, #tpu.memory_space<hbm>> -> memref<64xi32, #tpu.memory_space<hbm>>
      %dma_wait3A_178 = arith.constant 0 : i32
      %dma_wait3A_179 = tpu.memref_slice %arg8[%dma_wait3A_171, %dma_wait3A_178] : memref<5x64xi32, #tpu.memory_space<vmem>> -> memref<1x64xi32, #tpu.memory_space<vmem>>
      %dma_wait3A_180 = tpu.memref_squeeze %dma_wait3A_179 : memref<1x64xi32, #tpu.memory_space<vmem>> -> memref<64xi32, #tpu.memory_space<vmem>>
      %dma_wait3A_181 = arith.constant 0 : i32
      %dma_wait3A_182 = tpu.memref_slice %arg4[%add3A, %dma_wait3A_170, %dma_wait3A_181] : memref<32x125x64xi32, #tpu.memory_space<hbm>> -> memref<1x1x64xi32, #tpu.memory_space<hbm>>
      %dma_wait3A_183 = tpu.memref_squeeze %dma_wait3A_182 : memref<1x1x64xi32, #tpu.memory_space<hbm>> -> memref<64xi32, #tpu.memory_space<hbm>>
      tpu.wait_dma2 semaphore(%arg20 : memref<!tpu.dma_semaphore, #tpu.memory_space<semaphore_mem>>) src(%dma_wait3A_183 : memref<64xi32, #tpu.memory_space<hbm>>) dst(%dma_wait3A_180 : memref<64xi32, #tpu.memory_space<vmem>>)
      %run_scoped3A = arith.constant 0 : i32
      "tpu.region"() ({
        %run_scoped3A_270 = tpu.sem_alloc : memref<!tpu.dma_semaphore, #tpu.memory_space<semaphore_mem>>
        %dma_start3A_271 = arith.constant 0 : i32
        %dma_start3A_272 = tpu.memref_slice %arg8[%run_scoped3A, %dma_start3A_271] : memref<5x64xi32, #tpu.memory_space<vmem>> -> memref<1x64xi32, #tpu.memory_space<vmem>>
        %dma_start3A_273 = tpu.memref_squeeze %dma_start3A_272 : memref<1x64xi32, #tpu.memory_space<vmem>> -> memref<64xi32, #tpu.memory_space<vmem>>
        %dma_start3A_274 = arith.constant 0 : i32
        %dma_start3A_275 = arith.constant 0 : i32
        %dma_start3A_276 = tpu.memref_slice %arg14[%dma_start3A_274, %dma_start3A_275] : memref<10112x128xf32, #tpu.memory_space<vmem_shared>> -> memref<10112x128xf32, #tpu.memory_space<vmem_shared>>
        tpu.enqueue_indirect_dma source(%arg9 : memref<64x128xf32, #tpu.memory_space<vmem>>) target(%dma_start3A_276 : memref<10112x128xf32, #tpu.memory_space<vmem_shared>>) offsets(%dma_start3A_273 : memref<64xi32, #tpu.memory_space<vmem>>) semaphore(%run_scoped3A_270 : memref<!tpu.dma_semaphore, #tpu.memory_space<semaphore_mem>>) {add = true}
        %dma_wait3A_277 = arith.constant 0 : i32
        %dma_wait3A_278 = tpu.memref_slice %arg8[%run_scoped3A, %dma_wait3A_277] : memref<5x64xi32, #tpu.memory_space<vmem>> -> memref<1x64xi32, #tpu.memory_space<vmem>>
        %dma_wait3A_279 = tpu.memref_squeeze %dma_wait3A_278 : memref<1x64xi32, #tpu.memory_space<vmem>> -> memref<64xi32, #tpu.memory_space<vmem>>
        %dma_wait3A_280 = arith.constant 0 : i32
        %dma_wait3A_281 = arith.constant 0 : i32
        %dma_wait3A_282 = tpu.memref_slice %arg14[%dma_wait3A_280, %dma_wait3A_281] : memref<10112x128xf32, #tpu.memory_space<vmem_shared>> -> memref<10112x128xf32, #tpu.memory_space<vmem_shared>>
        tpu.wait_indirect_dma semaphore(%run_scoped3A_270 : memref<!tpu.dma_semaphore, #tpu.memory_space<semaphore_mem>>) src(%arg9 : memref<64x128xf32, #tpu.memory_space<vmem>>) dst(%dma_wait3A_282 : memref<10112x128xf32, #tpu.memory_space<vmem_shared>>)
        tpu.yield
      }) : () -> ()
      %dma_wait3A_184 = arith.constant 0 : i32
      %dma_wait3A_185 = tpu.memref_slice %arg7[%dma_wait3A_184] : memref<8000xi32, #tpu.memory_space<vmem>> -> memref<64xi32, #tpu.memory_space<vmem>>
      %dma_wait3A_186 = arith.constant 0 : i32
      %dma_wait3A_187 = arith.constant 0 : i32
      %dma_wait3A_188 = tpu.memref_slice %arg2[%dma_wait3A_186, %dma_wait3A_187] : memref<40000x128xf32, #tpu.memory_space<hbm>> -> memref<40000x128xf32, #tpu.memory_space<hbm>>
      tpu.wait_indirect_dma semaphore(%arg16 : memref<!tpu.dma_semaphore, #tpu.memory_space<semaphore_mem>>) src(%dma_wait3A_188 : memref<40000x128xf32, #tpu.memory_space<hbm>>) dst(%arg10 : memref<64x128xf32, #tpu.memory_space<vmem>>)
      %dma_wait3A_189 = arith.constant 0 : i32
      %dma_wait3A_190 = arith.constant 1 : i32
      %dma_wait3A_191 = arith.constant 0 : i32
      %dma_wait3A_192 = tpu.memref_slice %arg8[%dma_wait3A_190, %dma_wait3A_191] : memref<5x64xi32, #tpu.memory_space<vmem>> -> memref<1x64xi32, #tpu.memory_space<vmem>>
      %dma_wait3A_193 = tpu.memref_squeeze %dma_wait3A_192 : memref<1x64xi32, #tpu.memory_space<vmem>> -> memref<64xi32, #tpu.memory_space<vmem>>
      %dma_wait3A_194 = arith.constant 0 : i32
      %dma_wait3A_195 = tpu.memref_slice %arg4[%add3A, %dma_wait3A_189, %dma_wait3A_194] : memref<32x125x64xi32, #tpu.memory_space<hbm>> -> memref<1x1x64xi32, #tpu.memory_space<hbm>>
      %dma_wait3A_196 = tpu.memref_squeeze %dma_wait3A_195 : memref<1x1x64xi32, #tpu.memory_space<hbm>> -> memref<64xi32, #tpu.memory_space<hbm>>
      %dma_wait3A_197 = arith.constant 0 : i32
      %dma_wait3A_198 = tpu.memref_slice %arg8[%dma_wait3A_190, %dma_wait3A_197] : memref<5x64xi32, #tpu.memory_space<vmem>> -> memref<1x64xi32, #tpu.memory_space<vmem>>
      %dma_wait3A_199 = tpu.memref_squeeze %dma_wait3A_198 : memref<1x64xi32, #tpu.memory_space<vmem>> -> memref<64xi32, #tpu.memory_space<vmem>>
      %dma_wait3A_200 = arith.constant 0 : i32
      %dma_wait3A_201 = tpu.memref_slice %arg4[%add3A, %dma_wait3A_189, %dma_wait3A_200] : memref<32x125x64xi32, #tpu.memory_space<hbm>> -> memref<1x1x64xi32, #tpu.memory_space<hbm>>
      %dma_wait3A_202 = tpu.memref_squeeze %dma_wait3A_201 : memref<1x1x64xi32, #tpu.memory_space<hbm>> -> memref<64xi32, #tpu.memory_space<hbm>>
      tpu.wait_dma2 semaphore(%arg21 : memref<!tpu.dma_semaphore, #tpu.memory_space<semaphore_mem>>) src(%dma_wait3A_202 : memref<64xi32, #tpu.memory_space<hbm>>) dst(%dma_wait3A_199 : memref<64xi32, #tpu.memory_space<vmem>>)
      %run_scoped3A_203 = arith.constant 1 : i32
      "tpu.region"() ({
        %run_scoped3A_270 = tpu.sem_alloc : memref<!tpu.dma_semaphore, #tpu.memory_space<semaphore_mem>>
        %dma_start3A_271 = arith.constant 0 : i32
        %dma_start3A_272 = tpu.memref_slice %arg8[%run_scoped3A_203, %dma_start3A_271] : memref<5x64xi32, #tpu.memory_space<vmem>> -> memref<1x64xi32, #tpu.memory_space<vmem>>
        %dma_start3A_273 = tpu.memref_squeeze %dma_start3A_272 : memref<1x64xi32, #tpu.memory_space<vmem>> -> memref<64xi32, #tpu.memory_space<vmem>>
        %dma_start3A_274 = arith.constant 0 : i32
        %dma_start3A_275 = arith.constant 0 : i32
        %dma_start3A_276 = tpu.memref_slice %arg14[%dma_start3A_274, %dma_start3A_275] : memref<10112x128xf32, #tpu.memory_space<vmem_shared>> -> memref<10112x128xf32, #tpu.memory_space<vmem_shared>>
        tpu.enqueue_indirect_dma source(%arg10 : memref<64x128xf32, #tpu.memory_space<vmem>>) target(%dma_start3A_276 : memref<10112x128xf32, #tpu.memory_space<vmem_shared>>) offsets(%dma_start3A_273 : memref<64xi32, #tpu.memory_space<vmem>>) semaphore(%run_scoped3A_270 : memref<!tpu.dma_semaphore, #tpu.memory_space<semaphore_mem>>) {add = true}
        %dma_wait3A_277 = arith.constant 0 : i32
        %dma_wait3A_278 = tpu.memref_slice %arg8[%run_scoped3A_203, %dma_wait3A_277] : memref<5x64xi32, #tpu.memory_space<vmem>> -> memref<1x64xi32, #tpu.memory_space<vmem>>
        %dma_wait3A_279 = tpu.memref_squeeze %dma_wait3A_278 : memref<1x64xi32, #tpu.memory_space<vmem>> -> memref<64xi32, #tpu.memory_space<vmem>>
        %dma_wait3A_280 = arith.constant 0 : i32
        %dma_wait3A_281 = arith.constant 0 : i32
        %dma_wait3A_282 = tpu.memref_slice %arg14[%dma_wait3A_280, %dma_wait3A_281] : memref<10112x128xf32, #tpu.memory_space<vmem_shared>> -> memref<10112x128xf32, #tpu.memory_space<vmem_shared>>
        tpu.wait_indirect_dma semaphore(%run_scoped3A_270 : memref<!tpu.dma_semaphore, #tpu.memory_space<semaphore_mem>>) src(%arg10 : memref<64x128xf32, #tpu.memory_space<vmem>>) dst(%dma_wait3A_282 : memref<10112x128xf32, #tpu.memory_space<vmem_shared>>)
        tpu.yield
      }) : () -> ()
      %dma_wait3A_204 = arith.constant 0 : i32
      %dma_wait3A_205 = tpu.memref_slice %arg7[%dma_wait3A_204] : memref<8000xi32, #tpu.memory_space<vmem>> -> memref<64xi32, #tpu.memory_space<vmem>>
      %dma_wait3A_206 = arith.constant 0 : i32
      %dma_wait3A_207 = arith.constant 0 : i32
      %dma_wait3A_208 = tpu.memref_slice %arg2[%dma_wait3A_206, %dma_wait3A_207] : memref<40000x128xf32, #tpu.memory_space<hbm>> -> memref<40000x128xf32, #tpu.memory_space<hbm>>
      tpu.wait_indirect_dma semaphore(%arg17 : memref<!tpu.dma_semaphore, #tpu.memory_space<semaphore_mem>>) src(%dma_wait3A_208 : memref<40000x128xf32, #tpu.memory_space<hbm>>) dst(%arg11 : memref<64x128xf32, #tpu.memory_space<vmem>>)
      %dma_wait3A_209 = arith.constant 0 : i32
      %dma_wait3A_210 = arith.constant 2 : i32
      %dma_wait3A_211 = arith.constant 0 : i32
      %dma_wait3A_212 = tpu.memref_slice %arg8[%dma_wait3A_210, %dma_wait3A_211] : memref<5x64xi32, #tpu.memory_space<vmem>> -> memref<1x64xi32, #tpu.memory_space<vmem>>
      %dma_wait3A_213 = tpu.memref_squeeze %dma_wait3A_212 : memref<1x64xi32, #tpu.memory_space<vmem>> -> memref<64xi32, #tpu.memory_space<vmem>>
      %dma_wait3A_214 = arith.constant 0 : i32
      %dma_wait3A_215 = tpu.memref_slice %arg4[%add3A, %dma_wait3A_209, %dma_wait3A_214] : memref<32x125x64xi32, #tpu.memory_space<hbm>> -> memref<1x1x64xi32, #tpu.memory_space<hbm>>
      %dma_wait3A_216 = tpu.memref_squeeze %dma_wait3A_215 : memref<1x1x64xi32, #tpu.memory_space<hbm>> -> memref<64xi32, #tpu.memory_space<hbm>>
      %dma_wait3A_217 = arith.constant 0 : i32
      %dma_wait3A_218 = tpu.memref_slice %arg8[%dma_wait3A_210, %dma_wait3A_217] : memref<5x64xi32, #tpu.memory_space<vmem>> -> memref<1x64xi32, #tpu.memory_space<vmem>>
      %dma_wait3A_219 = tpu.memref_squeeze %dma_wait3A_218 : memref<1x64xi32, #tpu.memory_space<vmem>> -> memref<64xi32, #tpu.memory_space<vmem>>
      %dma_wait3A_220 = arith.constant 0 : i32
      %dma_wait3A_221 = tpu.memref_slice %arg4[%add3A, %dma_wait3A_209, %dma_wait3A_220] : memref<32x125x64xi32, #tpu.memory_space<hbm>> -> memref<1x1x64xi32, #tpu.memory_space<hbm>>
      %dma_wait3A_222 = tpu.memref_squeeze %dma_wait3A_221 : memref<1x1x64xi32, #tpu.memory_space<hbm>> -> memref<64xi32, #tpu.memory_space<hbm>>
      tpu.wait_dma2 semaphore(%arg22 : memref<!tpu.dma_semaphore, #tpu.memory_space<semaphore_mem>>) src(%dma_wait3A_222 : memref<64xi32, #tpu.memory_space<hbm>>) dst(%dma_wait3A_219 : memref<64xi32, #tpu.memory_space<vmem>>)
      %run_scoped3A_223 = arith.constant 2 : i32
      "tpu.region"() ({
        %run_scoped3A_270 = tpu.sem_alloc : memref<!tpu.dma_semaphore, #tpu.memory_space<semaphore_mem>>
        %dma_start3A_271 = arith.constant 0 : i32
        %dma_start3A_272 = tpu.memref_slice %arg8[%run_scoped3A_223, %dma_start3A_271] : memref<5x64xi32, #tpu.memory_space<vmem>> -> memref<1x64xi32, #tpu.memory_space<vmem>>
        %dma_start3A_273 = tpu.memref_squeeze %dma_start3A_272 : memref<1x64xi32, #tpu.memory_space<vmem>> -> memref<64xi32, #tpu.memory_space<vmem>>
        %dma_start3A_274 = arith.constant 0 : i32
        %dma_start3A_275 = arith.constant 0 : i32
        %dma_start3A_276 = tpu.memref_slice %arg14[%dma_start3A_274, %dma_start3A_275] : memref<10112x128xf32, #tpu.memory_space<vmem_shared>> -> memref<10112x128xf32, #tpu.memory_space<vmem_shared>>
        tpu.enqueue_indirect_dma source(%arg11 : memref<64x128xf32, #tpu.memory_space<vmem>>) target(%dma_start3A_276 : memref<10112x128xf32, #tpu.memory_space<vmem_shared>>) offsets(%dma_start3A_273 : memref<64xi32, #tpu.memory_space<vmem>>) semaphore(%run_scoped3A_270 : memref<!tpu.dma_semaphore, #tpu.memory_space<semaphore_mem>>) {add = true}
        %dma_wait3A_277 = arith.constant 0 : i32
        %dma_wait3A_278 = tpu.memref_slice %arg8[%run_scoped3A_223, %dma_wait3A_277] : memref<5x64xi32, #tpu.memory_space<vmem>> -> memref<1x64xi32, #tpu.memory_space<vmem>>
        %dma_wait3A_279 = tpu.memref_squeeze %dma_wait3A_278 : memref<1x64xi32, #tpu.memory_space<vmem>> -> memref<64xi32, #tpu.memory_space<vmem>>
        %dma_wait3A_280 = arith.constant 0 : i32
        %dma_wait3A_281 = arith.constant 0 : i32
        %dma_wait3A_282 = tpu.memref_slice %arg14[%dma_wait3A_280, %dma_wait3A_281] : memref<10112x128xf32, #tpu.memory_space<vmem_shared>> -> memref<10112x128xf32, #tpu.memory_space<vmem_shared>>
        tpu.wait_indirect_dma semaphore(%run_scoped3A_270 : memref<!tpu.dma_semaphore, #tpu.memory_space<semaphore_mem>>) src(%arg11 : memref<64x128xf32, #tpu.memory_space<vmem>>) dst(%dma_wait3A_282 : memref<10112x128xf32, #tpu.memory_space<vmem_shared>>)
        tpu.yield
      }) : () -> ()
      %dma_wait3A_224 = arith.constant 0 : i32
      %dma_wait3A_225 = tpu.memref_slice %arg7[%dma_wait3A_224] : memref<8000xi32, #tpu.memory_space<vmem>> -> memref<64xi32, #tpu.memory_space<vmem>>
      %dma_wait3A_226 = arith.constant 0 : i32
      %dma_wait3A_227 = arith.constant 0 : i32
      %dma_wait3A_228 = tpu.memref_slice %arg2[%dma_wait3A_226, %dma_wait3A_227] : memref<40000x128xf32, #tpu.memory_space<hbm>> -> memref<40000x128xf32, #tpu.memory_space<hbm>>
      tpu.wait_indirect_dma semaphore(%arg18 : memref<!tpu.dma_semaphore, #tpu.memory_space<semaphore_mem>>) src(%dma_wait3A_228 : memref<40000x128xf32, #tpu.memory_space<hbm>>) dst(%arg12 : memref<64x128xf32, #tpu.memory_space<vmem>>)
      %dma_wait3A_229 = arith.constant 0 : i32
      %dma_wait3A_230 = arith.constant 3 : i32
      %dma_wait3A_231 = arith.constant 0 : i32
      %dma_wait3A_232 = tpu.memref_slice %arg8[%dma_wait3A_230, %dma_wait3A_231] : memref<5x64xi32, #tpu.memory_space<vmem>> -> memref<1x64xi32, #tpu.memory_space<vmem>>
      %dma_wait3A_233 = tpu.memref_squeeze %dma_wait3A_232 : memref<1x64xi32, #tpu.memory_space<vmem>> -> memref<64xi32, #tpu.memory_space<vmem>>
      %dma_wait3A_234 = arith.constant 0 : i32
      %dma_wait3A_235 = tpu.memref_slice %arg4[%add3A, %dma_wait3A_229, %dma_wait3A_234] : memref<32x125x64xi32, #tpu.memory_space<hbm>> -> memref<1x1x64xi32, #tpu.memory_space<hbm>>
      %dma_wait3A_236 = tpu.memref_squeeze %dma_wait3A_235 : memref<1x1x64xi32, #tpu.memory_space<hbm>> -> memref<64xi32, #tpu.memory_space<hbm>>
      %dma_wait3A_237 = arith.constant 0 : i32
      %dma_wait3A_238 = tpu.memref_slice %arg8[%dma_wait3A_230, %dma_wait3A_237] : memref<5x64xi32, #tpu.memory_space<vmem>> -> memref<1x64xi32, #tpu.memory_space<vmem>>
      %dma_wait3A_239 = tpu.memref_squeeze %dma_wait3A_238 : memref<1x64xi32, #tpu.memory_space<vmem>> -> memref<64xi32, #tpu.memory_space<vmem>>
      %dma_wait3A_240 = arith.constant 0 : i32
      %dma_wait3A_241 = tpu.memref_slice %arg4[%add3A, %dma_wait3A_229, %dma_wait3A_240] : memref<32x125x64xi32, #tpu.memory_space<hbm>> -> memref<1x1x64xi32, #tpu.memory_space<hbm>>
      %dma_wait3A_242 = tpu.memref_squeeze %dma_wait3A_241 : memref<1x1x64xi32, #tpu.memory_space<hbm>> -> memref<64xi32, #tpu.memory_space<hbm>>
      tpu.wait_dma2 semaphore(%arg23 : memref<!tpu.dma_semaphore, #tpu.memory_space<semaphore_mem>>) src(%dma_wait3A_242 : memref<64xi32, #tpu.memory_space<hbm>>) dst(%dma_wait3A_239 : memref<64xi32, #tpu.memory_space<vmem>>)
      %run_scoped3A_243 = arith.constant 3 : i32
      "tpu.region"() ({
        %run_scoped3A_270 = tpu.sem_alloc : memref<!tpu.dma_semaphore, #tpu.memory_space<semaphore_mem>>
        %dma_start3A_271 = arith.constant 0 : i32
        %dma_start3A_272 = tpu.memref_slice %arg8[%run_scoped3A_243, %dma_start3A_271] : memref<5x64xi32, #tpu.memory_space<vmem>> -> memref<1x64xi32, #tpu.memory_space<vmem>>
        %dma_start3A_273 = tpu.memref_squeeze %dma_start3A_272 : memref<1x64xi32, #tpu.memory_space<vmem>> -> memref<64xi32, #tpu.memory_space<vmem>>
        %dma_start3A_274 = arith.constant 0 : i32
        %dma_start3A_275 = arith.constant 0 : i32
        %dma_start3A_276 = tpu.memref_slice %arg14[%dma_start3A_274, %dma_start3A_275] : memref<10112x128xf32, #tpu.memory_space<vmem_shared>> -> memref<10112x128xf32, #tpu.memory_space<vmem_shared>>
        tpu.enqueue_indirect_dma source(%arg12 : memref<64x128xf32, #tpu.memory_space<vmem>>) target(%dma_start3A_276 : memref<10112x128xf32, #tpu.memory_space<vmem_shared>>) offsets(%dma_start3A_273 : memref<64xi32, #tpu.memory_space<vmem>>) semaphore(%run_scoped3A_270 : memref<!tpu.dma_semaphore, #tpu.memory_space<semaphore_mem>>) {add = true}
        %dma_wait3A_277 = arith.constant 0 : i32
        %dma_wait3A_278 = tpu.memref_slice %arg8[%run_scoped3A_243, %dma_wait3A_277] : memref<5x64xi32, #tpu.memory_space<vmem>> -> memref<1x64xi32, #tpu.memory_space<vmem>>
        %dma_wait3A_279 = tpu.memref_squeeze %dma_wait3A_278 : memref<1x64xi32, #tpu.memory_space<vmem>> -> memref<64xi32, #tpu.memory_space<vmem>>
        %dma_wait3A_280 = arith.constant 0 : i32
        %dma_wait3A_281 = arith.constant 0 : i32
        %dma_wait3A_282 = tpu.memref_slice %arg14[%dma_wait3A_280, %dma_wait3A_281] : memref<10112x128xf32, #tpu.memory_space<vmem_shared>> -> memref<10112x128xf32, #tpu.memory_space<vmem_shared>>
        tpu.wait_indirect_dma semaphore(%run_scoped3A_270 : memref<!tpu.dma_semaphore, #tpu.memory_space<semaphore_mem>>) src(%arg12 : memref<64x128xf32, #tpu.memory_space<vmem>>) dst(%dma_wait3A_282 : memref<10112x128xf32, #tpu.memory_space<vmem_shared>>)
        tpu.yield
      }) : () -> ()
      %dma_wait3A_244 = arith.constant 0 : i32
      %dma_wait3A_245 = tpu.memref_slice %arg7[%dma_wait3A_244] : memref<8000xi32, #tpu.memory_space<vmem>> -> memref<64xi32, #tpu.memory_space<vmem>>
      %dma_wait3A_246 = arith.constant 0 : i32
      %dma_wait3A_247 = arith.constant 0 : i32
      %dma_wait3A_248 = tpu.memref_slice %arg2[%dma_wait3A_246, %dma_wait3A_247] : memref<40000x128xf32, #tpu.memory_space<hbm>> -> memref<40000x128xf32, #tpu.memory_space<hbm>>
      tpu.wait_indirect_dma semaphore(%arg19 : memref<!tpu.dma_semaphore, #tpu.memory_space<semaphore_mem>>) src(%dma_wait3A_248 : memref<40000x128xf32, #tpu.memory_space<hbm>>) dst(%arg13 : memref<64x128xf32, #tpu.memory_space<vmem>>)
      %dma_wait3A_249 = arith.constant 0 : i32
      %dma_wait3A_250 = arith.constant 4 : i32
      %dma_wait3A_251 = arith.constant 0 : i32
      %dma_wait3A_252 = tpu.memref_slice %arg8[%dma_wait3A_250, %dma_wait3A_251] : memref<5x64xi32, #tpu.memory_space<vmem>> -> memref<1x64xi32, #tpu.memory_space<vmem>>
      %dma_wait3A_253 = tpu.memref_squeeze %dma_wait3A_252 : memref<1x64xi32, #tpu.memory_space<vmem>> -> memref<64xi32, #tpu.memory_space<vmem>>
      %dma_wait3A_254 = arith.constant 0 : i32
      %dma_wait3A_255 = tpu.memref_slice %arg4[%add3A, %dma_wait3A_249, %dma_wait3A_254] : memref<32x125x64xi32, #tpu.memory_space<hbm>> -> memref<1x1x64xi32, #tpu.memory_space<hbm>>
      %dma_wait3A_256 = tpu.memref_squeeze %dma_wait3A_255 : memref<1x1x64xi32, #tpu.memory_space<hbm>> -> memref<64xi32, #tpu.memory_space<hbm>>
      %dma_wait3A_257 = arith.constant 0 : i32
      %dma_wait3A_258 = tpu.memref_slice %arg8[%dma_wait3A_250, %dma_wait3A_257] : memref<5x64xi32, #tpu.memory_space<vmem>> -> memref<1x64xi32, #tpu.memory_space<vmem>>
      %dma_wait3A_259 = tpu.memref_squeeze %dma_wait3A_258 : memref<1x64xi32, #tpu.memory_space<vmem>> -> memref<64xi32, #tpu.memory_space<vmem>>
      %dma_wait3A_260 = arith.constant 0 : i32
      %dma_wait3A_261 = tpu.memref_slice %arg4[%add3A, %dma_wait3A_249, %dma_wait3A_260] : memref<32x125x64xi32, #tpu.memory_space<hbm>> -> memref<1x1x64xi32, #tpu.memory_space<hbm>>
      %dma_wait3A_262 = tpu.memref_squeeze %dma_wait3A_261 : memref<1x1x64xi32, #tpu.memory_space<hbm>> -> memref<64xi32, #tpu.memory_space<hbm>>
      tpu.wait_dma2 semaphore(%arg24 : memref<!tpu.dma_semaphore, #tpu.memory_space<semaphore_mem>>) src(%dma_wait3A_262 : memref<64xi32, #tpu.memory_space<hbm>>) dst(%dma_wait3A_259 : memref<64xi32, #tpu.memory_space<vmem>>)
      %run_scoped3A_263 = arith.constant 4 : i32
      "tpu.region"() ({
        %run_scoped3A_270 = tpu.sem_alloc : memref<!tpu.dma_semaphore, #tpu.memory_space<semaphore_mem>>
        %dma_start3A_271 = arith.constant 0 : i32
        %dma_start3A_272 = tpu.memref_slice %arg8[%run_scoped3A_263, %dma_start3A_271] : memref<5x64xi32, #tpu.memory_space<vmem>> -> memref<1x64xi32, #tpu.memory_space<vmem>>
        %dma_start3A_273 = tpu.memref_squeeze %dma_start3A_272 : memref<1x64xi32, #tpu.memory_space<vmem>> -> memref<64xi32, #tpu.memory_space<vmem>>
        %dma_start3A_274 = arith.constant 0 : i32
        %dma_start3A_275 = arith.constant 0 : i32
        %dma_start3A_276 = tpu.memref_slice %arg14[%dma_start3A_274, %dma_start3A_275] : memref<10112x128xf32, #tpu.memory_space<vmem_shared>> -> memref<10112x128xf32, #tpu.memory_space<vmem_shared>>
        tpu.enqueue_indirect_dma source(%arg13 : memref<64x128xf32, #tpu.memory_space<vmem>>) target(%dma_start3A_276 : memref<10112x128xf32, #tpu.memory_space<vmem_shared>>) offsets(%dma_start3A_273 : memref<64xi32, #tpu.memory_space<vmem>>) semaphore(%run_scoped3A_270 : memref<!tpu.dma_semaphore, #tpu.memory_space<semaphore_mem>>) {add = true}
        %dma_wait3A_277 = arith.constant 0 : i32
        %dma_wait3A_278 = tpu.memref_slice %arg8[%run_scoped3A_263, %dma_wait3A_277] : memref<5x64xi32, #tpu.memory_space<vmem>> -> memref<1x64xi32, #tpu.memory_space<vmem>>
        %dma_wait3A_279 = tpu.memref_squeeze %dma_wait3A_278 : memref<1x64xi32, #tpu.memory_space<vmem>> -> memref<64xi32, #tpu.memory_space<vmem>>
        %dma_wait3A_280 = arith.constant 0 : i32
        %dma_wait3A_281 = arith.constant 0 : i32
        %dma_wait3A_282 = tpu.memref_slice %arg14[%dma_wait3A_280, %dma_wait3A_281] : memref<10112x128xf32, #tpu.memory_space<vmem_shared>> -> memref<10112x128xf32, #tpu.memory_space<vmem_shared>>
        tpu.wait_indirect_dma semaphore(%run_scoped3A_270 : memref<!tpu.dma_semaphore, #tpu.memory_space<semaphore_mem>>) src(%arg13 : memref<64x128xf32, #tpu.memory_space<vmem>>) dst(%dma_wait3A_282 : memref<10112x128xf32, #tpu.memory_space<vmem_shared>>)
        tpu.yield
      }) : () -> ()
      %barrier3A_264 = arith.constant 0 : index
      tpu.barrier barrier_id(%barrier3A_264)
      %mul3A_265 = arith.constant 632 : i32
      %mul3A_266 = arith.muli %arg1, %mul3A_265 : i32
      %mul3A_267 = arith.constant 632 : i32
      %mul3A_268 = arith.muli %arg1, %mul3A_267 : i32
      "tpu.region"() ({
        %run_scoped3A_270 = tpu.sem_alloc : memref<!tpu.dma_semaphore, #tpu.memory_space<semaphore_mem>>
        %dma_start3A_271 = arith.constant 0 : i32
        %dma_start3A_272 = tpu.memref_slice %arg6[%arg0, %add3A_11, %mul3A_268, %dma_start3A_271] : memref<2x4x10112x128xf32, #tpu.memory_space<hbm>> -> memref<1x1x632x128xf32, #tpu.memory_space<hbm>>
        %dma_start3A_273 = tpu.memref_squeeze %dma_start3A_272 : memref<1x1x632x128xf32, #tpu.memory_space<hbm>> -> memref<632x128xf32, #tpu.memory_space<hbm>>
        %dma_start3A_274 = arith.constant 0 : i32
        %dma_start3A_275 = tpu.memref_slice %arg14[%mul3A_266, %dma_start3A_274] : memref<10112x128xf32, #tpu.memory_space<vmem_shared>> -> memref<632x128xf32, #tpu.memory_space<vmem_shared>>
        tpu.enqueue_dma source(%dma_start3A_275 : memref<632x128xf32, #tpu.memory_space<vmem_shared>>) target(%dma_start3A_273 : memref<632x128xf32, #tpu.memory_space<hbm>>) target_semaphore(%run_scoped3A_270 : memref<!tpu.dma_semaphore, #tpu.memory_space<semaphore_mem>>)
        %dma_wait3A_276 = arith.constant 0 : i32
        %dma_wait3A_277 = tpu.memref_slice %arg6[%arg0, %add3A_11, %mul3A_268, %dma_wait3A_276] : memref<2x4x10112x128xf32, #tpu.memory_space<hbm>> -> memref<1x1x632x128xf32, #tpu.memory_space<hbm>>
        %dma_wait3A_278 = tpu.memref_squeeze %dma_wait3A_277 : memref<1x1x632x128xf32, #tpu.memory_space<hbm>> -> memref<632x128xf32, #tpu.memory_space<hbm>>
        %dma_wait3A_279 = arith.constant 0 : i32
        %dma_wait3A_280 = tpu.memref_slice %arg14[%mul3A_266, %dma_wait3A_279] : memref<10112x128xf32, #tpu.memory_space<vmem_shared>> -> memref<632x128xf32, #tpu.memory_space<vmem_shared>>
        tpu.wait_dma2 semaphore(%run_scoped3A_270 : memref<!tpu.dma_semaphore, #tpu.memory_space<semaphore_mem>>) src(%dma_wait3A_280 : memref<632x128xf32, #tpu.memory_space<vmem_shared>>) dst(%dma_wait3A_278 : memref<632x128xf32, #tpu.memory_space<hbm>>)
        tpu.yield
      }) : () -> ()
      %barrier3A_269 = arith.constant 0 : index
      tpu.barrier barrier_id(%barrier3A_269)
    }
    %scan3A_6 = arith.constant 4 : i32
    return
  }
}

module attributes {stable_mosaic.version = 14 : i64} {
  func.func @_tc1_body(%arg0: i32, %arg1: i32, %arg2: memref<1x1000x128xf32, #tpu.memory_space<vmem>>, %arg3: memref<1x1000x64xf32, #tpu.memory_space<vmem>>, %arg4: memref<192x256xf32, #tpu.memory_space<vmem>>, %arg5: memref<2x1000x128xf32, #tpu.memory_space<vmem>>, %arg6: memref<2x1000x128xf32, #tpu.memory_space<vmem>>) attributes {dimension_semantics = [#tpu.dimension_semantics<arbitrary>, #tpu.dimension_semantics<arbitrary>], iteration_bounds = array<i64: 2, 10>, scalar_prefetch = 0 : i64, scratch_operands = 0 : i64, tpu.core_type = #tpu.core_type<tc>, window_params = [{transform_indices = @transform_0, window_bounds = array<i64: 1, 1000, 128>}, {transform_indices = @transform_1, window_bounds = array<i64: 1, 1000, 64>}, {pipeline_mode = #tpu.pipeline_mode<synchronous>, transform_indices = @transform_2, window_bounds = array<i64: 192, 256>}, {transform_indices = @transform_3, window_bounds = array<i64: 2, 1000, 128>}, {transform_indices = @transform_4, window_bounds = array<i64: 2, 1000, 128>}]} {
    %get3A = arith.constant 0 : index
    %get3A_0 = arith.constant 0 : index
    %get3A_1 = arith.constant 0 : index
    %get3A_2 = vector.load %arg2[%get3A, %get3A_0, %get3A_1] : memref<1x1000x128xf32, #tpu.memory_space<vmem>>, vector<1x1000x128xf32>
    %get3A_3 = vector.shape_cast %get3A_2 : vector<1x1000x128xf32> to vector<1000x128xf32>
    %get3A_4 = arith.constant 0 : index
    %get3A_5 = arith.constant 0 : index
    %get3A_6 = arith.constant 0 : index
    %get3A_7 = vector.load %arg3[%get3A_4, %get3A_5, %get3A_6] : memref<1x1000x64xf32, #tpu.memory_space<vmem>>, vector<1x1000x64xf32>
    %get3A_8 = vector.shape_cast %get3A_7 : vector<1x1000x64xf32> to vector<1000x64xf32>
    %get3A_9 = arith.constant 0 : index
    %get3A_10 = arith.constant 0 : index
    %get3A_11 = vector.load %arg4[%get3A_9, %get3A_10] : memref<192x256xf32, #tpu.memory_space<vmem>>, vector<128x256xf32>
    %dot_general3A = arith.constant dense<0.000000e+00> : vector<1000x256xf32>
    %dot_general3A_12 = tpu.matmul %get3A_3, %get3A_11, %dot_general3A {dimension_numbers = #tpu.dot_dimension_numbers<[1], [0], [0], [1], [0, 0, 1, 1], [], []>, transpose_lhs_hint = false} : vector<1000x128xf32>, vector<128x256xf32>, vector<1000x256xf32> -> vector<1000x256xf32>
    %get3A_13 = arith.constant 128 : index
    %get3A_14 = arith.constant 0 : index
    %get3A_15 = vector.load %arg4[%get3A_13, %get3A_14] : memref<192x256xf32, #tpu.memory_space<vmem>>, vector<64x256xf32>
    %dot_general3A_16 = arith.constant dense<0.000000e+00> : vector<1000x256xf32>
    %dot_general3A_17 = tpu.matmul %get3A_8, %get3A_15, %dot_general3A_16 {dimension_numbers = #tpu.dot_dimension_numbers<[1], [0], [0], [1], [0, 0, 1, 1], [], []>, transpose_lhs_hint = false} : vector<1000x64xf32>, vector<64x256xf32>, vector<1000x256xf32> -> vector<1000x256xf32>
    %add3A = arith.addf %dot_general3A_12, %dot_general3A_17 : vector<1000x256xf32>
    %get3A_18 = arith.constant 0 : index
    %get3A_19 = arith.constant 0 : index
    %get3A_20 = arith.constant 0 : index
    %get3A_21 = vector.load %arg5[%get3A_18, %get3A_19, %get3A_20] : memref<2x1000x128xf32, #tpu.memory_space<vmem>>, vector<1x1000x1xf32>
    %get3A_22 = vector.shape_cast %get3A_21 : vector<1x1000x1xf32> to vector<1000xf32>
    %get3A_23 = arith.constant 1 : index
    %get3A_24 = arith.constant 0 : index
    %get3A_25 = arith.constant 0 : index
    %get3A_26 = vector.load %arg5[%get3A_23, %get3A_24, %get3A_25] : memref<2x1000x128xf32, #tpu.memory_space<vmem>>, vector<1x1000x1xf32>
    %get3A_27 = vector.shape_cast %get3A_26 : vector<1x1000x1xf32> to vector<1000xf32>
    %add3A_28 = arith.addf %get3A_22, %get3A_27 : vector<1000xf32>
    %add3A_29 = arith.constant 1.000000e+00 : f32
    %add3A_30 = vector.broadcast %add3A_29 : f32 to vector<1000xf32>
    %add3A_31 = arith.addf %add3A_28, %add3A_30 : vector<1000xf32>
    %rsqrt3A = math.rsqrt %add3A_31 : vector<1000xf32>
    %broadcast_in_dim3A = vector.shape_cast %rsqrt3A : vector<1000xf32> to vector<1000x1xf32>
    %mul3A = vector.broadcast %broadcast_in_dim3A : vector<1000x1xf32> to vector<1000x256xf32>
    %mul3A_32 = arith.mulf %add3A, %mul3A : vector<1000x256xf32>
    %slice3A = vector.extract_strided_slice %mul3A_32 {offsets = [0, 0], sizes = [1000, 128], strides = [1, 1]} : vector<1000x256xf32> to vector<1000x128xf32>
    %swap3A = arith.constant 0 : index
    %swap3A_33 = arith.constant 0 : index
    %swap3A_34 = arith.constant 0 : index
    %swap3A_35 = vector.load %arg6[%swap3A, %swap3A_33, %swap3A_34] : memref<2x1000x128xf32, #tpu.memory_space<vmem>>, vector<1x1000x128xf32>
    %swap3A_36 = vector.shape_cast %swap3A_35 : vector<1x1000x128xf32> to vector<1000x128xf32>
    %swap3A_37 = vector.shape_cast %slice3A : vector<1000x128xf32> to vector<1x1000x128xf32>
    tpu.vector_store %arg6[%swap3A, %swap3A_33, %swap3A_34], %swap3A_37 {strides = array<i32>} : memref<2x1000x128xf32, #tpu.memory_space<vmem>>, vector<1x1000x128xf32>,
    %slice3A_38 = vector.extract_strided_slice %mul3A_32 {offsets = [0, 128], sizes = [1000, 128], strides = [1, 1]} : vector<1000x256xf32> to vector<1000x128xf32>
    %swap3A_39 = arith.constant 1 : index
    %swap3A_40 = arith.constant 0 : index
    %swap3A_41 = arith.constant 0 : index
    %swap3A_42 = vector.load %arg6[%swap3A_39, %swap3A_40, %swap3A_41] : memref<2x1000x128xf32, #tpu.memory_space<vmem>>, vector<1x1000x128xf32>
    %swap3A_43 = vector.shape_cast %swap3A_42 : vector<1x1000x128xf32> to vector<1000x128xf32>
    %swap3A_44 = vector.shape_cast %slice3A_38 : vector<1000x128xf32> to vector<1x1000x128xf32>
    tpu.vector_store %arg6[%swap3A_39, %swap3A_40, %swap3A_41], %swap3A_44 {strides = array<i32>} : memref<2x1000x128xf32, #tpu.memory_space<vmem>>, vector<1x1000x128xf32>,
    return
  }
  func.func @transform_0(%arg0: i32, %arg1: i32) -> (i32, i32, i32) {
    %c0_i32 = arith.constant 0 : i32
    %c0_i32_0 = arith.constant 0 : i32
    return %arg0, %arg1, %c0_i32 : i32, i32, i32
  }
  func.func @transform_1(%arg0: i32, %arg1: i32) -> (i32, i32, i32) {
    %c0_i32 = arith.constant 0 : i32
    %c0_i32_0 = arith.constant 0 : i32
    return %arg0, %arg1, %c0_i32 : i32, i32, i32
  }
  func.func @transform_2(%arg0: i32, %arg1: i32) -> (i32, i32) {
    %c0_i32 = arith.constant 0 : i32
    %c0_i32_0 = arith.constant 0 : i32
    %c0_i32_1 = arith.constant 0 : i32
    return %c0_i32, %c0_i32_0 : i32, i32
  }
  func.func @transform_3(%arg0: i32, %arg1: i32) -> (i32, i32, i32) {
    %c0_i32 = arith.constant 0 : i32
    %c0_i32_0 = arith.constant 0 : i32
    %c0_i32_1 = arith.constant 0 : i32
    return %c0_i32, %arg1, %c0_i32_0 : i32, i32, i32
  }
  func.func @transform_4(%arg0: i32, %arg1: i32) -> (i32, i32, i32) {
    %c0_i32 = arith.constant 0 : i32
    %c0_i32_0 = arith.constant 0 : i32
    return %arg0, %arg1, %c0_i32 : i32, i32, i32
  }
}

module attributes {stable_mosaic.version = 14 : i64} {
  func.func @_tc2_body(%arg0: i32, %arg1: i32, %arg2: memref<2x2x1000x128xf32, #tpu.memory_space<vmem>>, %arg3: memref<2x1000x128xf32, #tpu.memory_space<vmem>>, %arg4: memref<2x1000x128xf32, #tpu.memory_space<vmem>>, %arg5: memref<1x1000x64xf32, #tpu.memory_space<vmem>>, %arg6: memref<2x128xf32, #tpu.memory_space<vmem>>, %arg7: memref<1x1000x64xf32, #tpu.memory_space<vmem>>, %arg8: memref<1x1000x64xf32, #tpu.memory_space<vmem>>) attributes {dimension_semantics = [#tpu.dimension_semantics<arbitrary>, #tpu.dimension_semantics<arbitrary>], iteration_bounds = array<i64: 2, 10>, scalar_prefetch = 0 : i64, scratch_operands = 0 : i64, tpu.core_type = #tpu.core_type<tc>, window_params = [{transform_indices = @transform_0, window_bounds = array<i64: 2, 2, 1000, 128>}, {transform_indices = @transform_1, window_bounds = array<i64: 2, 1000, 128>}, {transform_indices = @transform_2, window_bounds = array<i64: 2, 1000, 128>}, {transform_indices = @transform_3, window_bounds = array<i64: 1, 1000, 64>}, {pipeline_mode = #tpu.pipeline_mode<synchronous>, transform_indices = @transform_4, window_bounds = array<i64: 2, 128>}, {transform_indices = @transform_5, window_bounds = array<i64: 1, 1000, 64>}, {transform_indices = @transform_6, window_bounds = array<i64: 1, 1000, 64>}]} {
    %get3A = arith.constant 0 : index
    %get3A_0 = arith.constant 0 : index
    %get3A_1 = arith.constant 0 : index
    %get3A_2 = arith.constant 0 : index
    %get3A_3 = vector.load %arg2[%get3A, %get3A_0, %get3A_1, %get3A_2] : memref<2x2x1000x128xf32, #tpu.memory_space<vmem>>, vector<1x1x1000x128xf32>
    %get3A_4 = vector.shape_cast %get3A_3 : vector<1x1x1000x128xf32> to vector<1000x128xf32>
    %get3A_5 = arith.constant 1 : index
    %get3A_6 = arith.constant 0 : index
    %get3A_7 = arith.constant 0 : index
    %get3A_8 = arith.constant 0 : index
    %get3A_9 = vector.load %arg2[%get3A_5, %get3A_6, %get3A_7, %get3A_8] : memref<2x2x1000x128xf32, #tpu.memory_space<vmem>>, vector<1x1x1000x128xf32>
    %get3A_10 = vector.shape_cast %get3A_9 : vector<1x1x1000x128xf32> to vector<1000x128xf32>
    %add3A = arith.addf %get3A_4, %get3A_10 : vector<1000x128xf32>
    %get3A_11 = arith.constant 0 : index
    %get3A_12 = arith.constant 0 : index
    %get3A_13 = arith.constant 0 : index
    %get3A_14 = vector.load %arg3[%get3A_11, %get3A_12, %get3A_13] : memref<2x1000x128xf32, #tpu.memory_space<vmem>>, vector<1x1000x128xf32>
    %get3A_15 = vector.shape_cast %get3A_14 : vector<1x1000x128xf32> to vector<1000x128xf32>
    %add3A_16 = arith.addf %add3A, %get3A_15 : vector<1000x128xf32>
    %get3A_17 = arith.constant 0 : index
    %get3A_18 = arith.constant 1 : index
    %get3A_19 = arith.constant 0 : index
    %get3A_20 = arith.constant 0 : index
    %get3A_21 = vector.load %arg2[%get3A_17, %get3A_18, %get3A_19, %get3A_20] : memref<2x2x1000x128xf32, #tpu.memory_space<vmem>>, vector<1x1x1000x128xf32>
    %get3A_22 = vector.shape_cast %get3A_21 : vector<1x1x1000x128xf32> to vector<1000x128xf32>
    %get3A_23 = arith.constant 1 : index
    %get3A_24 = arith.constant 1 : index
    %get3A_25 = arith.constant 0 : index
    %get3A_26 = arith.constant 0 : index
    %get3A_27 = vector.load %arg2[%get3A_23, %get3A_24, %get3A_25, %get3A_26] : memref<2x2x1000x128xf32, #tpu.memory_space<vmem>>, vector<1x1x1000x128xf32>
    %get3A_28 = vector.shape_cast %get3A_27 : vector<1x1x1000x128xf32> to vector<1000x128xf32>
    %add3A_29 = arith.addf %get3A_22, %get3A_28 : vector<1000x128xf32>
    %get3A_30 = arith.constant 1 : index
    %get3A_31 = arith.constant 0 : index
    %get3A_32 = arith.constant 0 : index
    %get3A_33 = vector.load %arg3[%get3A_30, %get3A_31, %get3A_32] : memref<2x1000x128xf32, #tpu.memory_space<vmem>>, vector<1x1000x128xf32>
    %get3A_34 = vector.shape_cast %get3A_33 : vector<1x1000x128xf32> to vector<1000x128xf32>
    %add3A_35 = arith.addf %add3A_29, %get3A_34 : vector<1000x128xf32>
    %get3A_36 = arith.constant 0 : index
    %get3A_37 = arith.constant 0 : index
    %get3A_38 = arith.constant 0 : index
    %get3A_39 = vector.load %arg4[%get3A_36, %get3A_37, %get3A_38] : memref<2x1000x128xf32, #tpu.memory_space<vmem>>, vector<1x1000x1xf32>
    %get3A_40 = vector.shape_cast %get3A_39 : vector<1x1000x1xf32> to vector<1000xf32>
    %get3A_41 = arith.constant 1 : index
    %get3A_42 = arith.constant 0 : index
    %get3A_43 = arith.constant 0 : index
    %get3A_44 = vector.load %arg4[%get3A_41, %get3A_42, %get3A_43] : memref<2x1000x128xf32, #tpu.memory_space<vmem>>, vector<1x1000x1xf32>
    %get3A_45 = vector.shape_cast %get3A_44 : vector<1x1000x1xf32> to vector<1000xf32>
    %add3A_46 = arith.addf %get3A_40, %get3A_45 : vector<1000xf32>
    %add3A_47 = arith.constant 1.000000e+00 : f32
    %add3A_48 = vector.broadcast %add3A_47 : f32 to vector<1000xf32>
    %add3A_49 = arith.addf %add3A_46, %add3A_48 : vector<1000xf32>
    %rsqrt3A = math.rsqrt %add3A_49 : vector<1000xf32>
    %broadcast_in_dim3A = vector.shape_cast %rsqrt3A : vector<1000xf32> to vector<1000x1xf32>
    %mul3A = vector.broadcast %broadcast_in_dim3A : vector<1000x1xf32> to vector<1000x128xf32>
    %mul3A_50 = arith.mulf %add3A_16, %mul3A : vector<1000x128xf32>
    %get3A_51 = arith.constant 0 : index
    %get3A_52 = arith.constant 0 : index
    %get3A_53 = vector.load %arg6[%get3A_51, %get3A_52] : memref<2x128xf32, #tpu.memory_space<vmem>>, vector<1x128xf32>
    %add3A_54 = vector.broadcast %get3A_53 : vector<1x128xf32> to vector<1000x128xf32>
    %add3A_55 = arith.addf %mul3A_50, %add3A_54 : vector<1000x128xf32>
    %broadcast_in_dim3A_56 = vector.shape_cast %rsqrt3A : vector<1000xf32> to vector<1000x1xf32>
    %mul3A_57 = vector.broadcast %broadcast_in_dim3A_56 : vector<1000x1xf32> to vector<1000x128xf32>
    %mul3A_58 = arith.mulf %add3A_35, %mul3A_57 : vector<1000x128xf32>
    %get3A_59 = arith.constant 1 : index
    %get3A_60 = arith.constant 0 : index
    %get3A_61 = vector.load %arg6[%get3A_59, %get3A_60] : memref<2x128xf32, #tpu.memory_space<vmem>>, vector<1x128xf32>
    %add3A_62 = vector.broadcast %get3A_61 : vector<1x128xf32> to vector<1000x128xf32>
    %add3A_63 = arith.addf %mul3A_58, %add3A_62 : vector<1000x128xf32>
    %slice3A = vector.extract_strided_slice %add3A_55 {offsets = [0, 0], sizes = [1000, 64], strides = [1, 1]} : vector<1000x128xf32> to vector<1000x64xf32>
    %logistic3A = arith.negf %slice3A : vector<1000x64xf32>
    %logistic3A_64 = math.exp %logistic3A : vector<1000x64xf32>
    %logistic3A_65 = arith.constant 1.000000e+00 : f32
    %logistic3A_66 = vector.broadcast %logistic3A_65 : f32 to vector<1000x64xf32>
    %logistic3A_67 = arith.addf %logistic3A_66, %logistic3A_64 : vector<1000x64xf32>
    %logistic3A_68 = arith.divf %logistic3A_66, %logistic3A_67 : vector<1000x64xf32>
    %slice3A_69 = vector.extract_strided_slice %add3A_55 {offsets = [0, 64], sizes = [1000, 64], strides = [1, 1]} : vector<1000x128xf32> to vector<1000x64xf32>
    %logistic3A_70 = arith.negf %slice3A_69 : vector<1000x64xf32>
    %logistic3A_71 = math.exp %logistic3A_70 : vector<1000x64xf32>
    %logistic3A_72 = arith.constant 1.000000e+00 : f32
    %logistic3A_73 = vector.broadcast %logistic3A_72 : f32 to vector<1000x64xf32>
    %logistic3A_74 = arith.addf %logistic3A_73, %logistic3A_71 : vector<1000x64xf32>
    %logistic3A_75 = arith.divf %logistic3A_73, %logistic3A_74 : vector<1000x64xf32>
    %slice3A_76 = vector.extract_strided_slice %add3A_63 {offsets = [0, 0], sizes = [1000, 64], strides = [1, 1]} : vector<1000x128xf32> to vector<1000x64xf32>
    %logistic3A_77 = arith.negf %slice3A_76 : vector<1000x64xf32>
    %logistic3A_78 = math.exp %logistic3A_77 : vector<1000x64xf32>
    %logistic3A_79 = arith.constant 1.000000e+00 : f32
    %logistic3A_80 = vector.broadcast %logistic3A_79 : f32 to vector<1000x64xf32>
    %logistic3A_81 = arith.addf %logistic3A_80, %logistic3A_78 : vector<1000x64xf32>
    %logistic3A_82 = arith.divf %logistic3A_80, %logistic3A_81 : vector<1000x64xf32>
    %slice3A_83 = vector.extract_strided_slice %add3A_63 {offsets = [0, 64], sizes = [1000, 64], strides = [1, 1]} : vector<1000x128xf32> to vector<1000x64xf32>
    %tanh3A = math.tanh %slice3A_83 : vector<1000x64xf32>
    %get3A_84 = arith.constant 0 : index
    %get3A_85 = arith.constant 0 : index
    %get3A_86 = arith.constant 0 : index
    %get3A_87 = vector.load %arg5[%get3A_84, %get3A_85, %get3A_86] : memref<1x1000x64xf32, #tpu.memory_space<vmem>>, vector<1x1000x64xf32>
    %get3A_88 = vector.shape_cast %get3A_87 : vector<1x1000x64xf32> to vector<1000x64xf32>
    %mul3A_89 = arith.mulf %logistic3A_75, %get3A_88 : vector<1000x64xf32>
    %mul3A_90 = arith.mulf %logistic3A_68, %tanh3A : vector<1000x64xf32>
    %add3A_91 = arith.addf %mul3A_89, %mul3A_90 : vector<1000x64xf32>
    %swap3A = arith.constant 0 : index
    %swap3A_92 = arith.constant 0 : index
    %swap3A_93 = arith.constant 0 : index
    %swap3A_94 = vector.load %arg8[%swap3A, %swap3A_92, %swap3A_93] : memref<1x1000x64xf32, #tpu.memory_space<vmem>>, vector<1x1000x64xf32>
    %swap3A_95 = vector.shape_cast %swap3A_94 : vector<1x1000x64xf32> to vector<1000x64xf32>
    %swap3A_96 = vector.shape_cast %add3A_91 : vector<1000x64xf32> to vector<1x1000x64xf32>
    tpu.vector_store %arg8[%swap3A, %swap3A_92, %swap3A_93], %swap3A_96 {strides = array<i32>} : memref<1x1000x64xf32, #tpu.memory_space<vmem>>, vector<1x1000x64xf32>,
    %tanh3A_97 = math.tanh %add3A_91 : vector<1000x64xf32>
    %mul3A_98 = arith.mulf %logistic3A_82, %tanh3A_97 : vector<1000x64xf32>
    %swap3A_99 = arith.constant 0 : index
    %swap3A_100 = arith.constant 0 : index
    %swap3A_101 = arith.constant 0 : index
    %swap3A_102 = vector.load %arg7[%swap3A_99, %swap3A_100, %swap3A_101] : memref<1x1000x64xf32, #tpu.memory_space<vmem>>, vector<1x1000x64xf32>
    %swap3A_103 = vector.shape_cast %swap3A_102 : vector<1x1000x64xf32> to vector<1000x64xf32>
    %swap3A_104 = vector.shape_cast %mul3A_98 : vector<1000x64xf32> to vector<1x1000x64xf32>
    tpu.vector_store %arg7[%swap3A_99, %swap3A_100, %swap3A_101], %swap3A_104 {strides = array<i32>} : memref<1x1000x64xf32, #tpu.memory_space<vmem>>, vector<1x1000x64xf32>,
    return
  }
  func.func @transform_0(%arg0: i32, %arg1: i32) -> (i32, i32, i32, i32) {
    %c0_i32 = arith.constant 0 : i32
    %c0_i32_0 = arith.constant 0 : i32
    %c0_i32_1 = arith.constant 0 : i32
    return %c0_i32, %arg0, %arg1, %c0_i32_0 : i32, i32, i32, i32
  }
  func.func @transform_1(%arg0: i32, %arg1: i32) -> (i32, i32, i32) {
    %c0_i32 = arith.constant 0 : i32
    %c0_i32_0 = arith.constant 0 : i32
    return %arg0, %arg1, %c0_i32 : i32, i32, i32
  }
  func.func @transform_2(%arg0: i32, %arg1: i32) -> (i32, i32, i32) {
    %c0_i32 = arith.constant 0 : i32
    %c0_i32_0 = arith.constant 0 : i32
    %c0_i32_1 = arith.constant 0 : i32
    return %c0_i32, %arg1, %c0_i32_0 : i32, i32, i32
  }
  func.func @transform_3(%arg0: i32, %arg1: i32) -> (i32, i32, i32) {
    %c0_i32 = arith.constant 0 : i32
    %c0_i32_0 = arith.constant 0 : i32
    return %arg0, %arg1, %c0_i32 : i32, i32, i32
  }
  func.func @transform_4(%arg0: i32, %arg1: i32) -> (i32, i32) {
    %c0_i32 = arith.constant 0 : i32
    %c0_i32_0 = arith.constant 0 : i32
    %c0_i32_1 = arith.constant 0 : i32
    return %c0_i32, %c0_i32_0 : i32, i32
  }
  func.func @transform_5(%arg0: i32, %arg1: i32) -> (i32, i32, i32) {
    %c0_i32 = arith.constant 0 : i32
    %c0_i32_0 = arith.constant 0 : i32
    return %arg0, %arg1, %c0_i32 : i32, i32, i32
  }
  func.func @transform_6(%arg0: i32, %arg1: i32) -> (i32, i32, i32) {
    %c0_i32 = arith.constant 0 : i32
    %c0_i32_0 = arith.constant 0 : i32
    return %arg0, %arg1, %c0_i32 : i32, i32, i32
  }
}

</mosaic_0001>

<sc_bundles>
// kernel: kernel.6.cloned.1.call-start
scs
__scs_entry_jumppad:
0x0: {  	(pc) =	sbr.rel $0x88, $3  }
0x1: {  	(tag) =	ssettag $0x0;
	lr =	simm.s32 $0x1  }
0x2: {  	[smem:$0x3F9B] =	sst lr;
	_ =	strace $0xD0000000  }
0x3: {  	_ = 	snop  }
0x4: {  	_ = 	snop  }
0x5: {  	_ = 	snop  }
0x6: {  	_ = 	snop  }
0x7: {  	_ = 	snop  }
__scs_overlays_trampoline_lowered:
0x8: {  	[smem:$0x3FAA] =	sst s0  }
0x9: {  	[smem:$0x3FAB] =	sst s1  }
0xa: {  	[smem:$0x3FAC] =	sst s2  }
0xb: {  	[smem:$0x3FAD] =	sst s3  }
0xc: {  	[smem:$0x3FAE] =	sst s4  }
0xd: {  	[smem:$0x3FAF] =	sst s5  }
0xe: {  	[smem:$0x3FB0] =	sst s6  }
0xf: {  	[smem:$0x3FB1] =	sst s7  }
0x10: {  	[smem:$0x3FB2] =	sst s8  }
0x11: {  	[smem:$0x3FB3] =	sst s9;
	s0 =	simm.s32 @!p0 $0x0  }
0x12: {  	s1 =	sld [smem:$0x3F99];
	s0 =	simm.s32 @p0 $0x1  }
0x13: {  	[smem:$0x3FB4] =	sst s0;
	s0 =	simm.s32 @!p1 $0x0  }
0x14: {  	s2 =	sld [smem:$0x3F98];
	s0 =	simm.s32 @p1 $0x1  }
0x15: {  	[smem:$0x3FB5] =	sst s0;
	s0 =	simm.s32 @!p2 $0x0  }
0x16: {  	s3 =	sld [smem:$0x3FDB];
	s0 =	simm.s32 @p2 $0x1  }
0x17: {  	s4 =	simm.s32 $0x1BF5;
	[smem:$0x3FB7] =	sst s0  }
0x18: {  	s0 =	sld [smem:$0x3F9A];
	_ =	swait.ge [sflag:s4], $0x0  }
0x19: {  	s7 =	sld [smem:$0x3F9B]  }
0x1a: {  	s8 =	sadd.s32 $0xFFFFE003, lr  }
0x1b: {  	s9 =	sadd.s32 $0xFFFFFEF7, lr;
	s5 =	simm.s32 $0xFFFFFFFF;
	p2 =	slt.u32 s8, $0xFFFFF086  }
0x1c: {  	p1 =	slt.u32 s9, $0xF7A;
	s5 =	simm.s32 @!p2 $0x0  }
0x1d: {  	s5 =	simm.s32 @p1 $0x1;
	p0 =	seq.s32 s7, s2  }
0x1e: {  	s7 =	smul.u32 @!p0 $0xF7A, s2;
	p2 =	seq.s32 @!p0 s5, $0x0  }
0x1f: {  	s9 =	smul.u32 $0xF7A, s1;
	s8 =	simm.s32 @!p0 $0x1BF5;
	p2 =	por !p2, p0  }
0x20: {  	[sflag:s8] =	ssyncset.s32 @!p0 $0xFFFFF086;
	s6 =	sadd.s32 @!p0 s3, s7;
	s7 =	simm.s32 @!p0 $0x108  }
0x21: {  	s3 =	sadd.s32 s3, s9;
	s6 =	sadd.s32 @!p0 $0x88, s6;
	s7 =	simm.s32 @p2 $0x1082  }
0x22: {  	[simem:s7], [sflag:s8] =	dma.local @!p0 [hbm:s6], $0xF7A  }
0x23: {  	s9 =	sor.u32 $0xD0000000, s2;
	s6 =	simm.s32 $0x108;
	_ =	swait.ge @!p0 [sflag:s8], $0x0  }
0x24: {  	s3 =	sadd.s32 $0x88, s3;
	s6 =	simm.s32 @!p1 $0x1082;
	[sflag:s4] =	ssyncset.s32 $0xFFFFF086  }
0x25: {  	[simem:s6], [sflag:s4] =	dma.local [hbm:s3], $0xF7A  }
0x26: {  	[smem:$0x3F9B] =	sst s1;
	(tag) =	ssettag s2;
	_ =	strace s9  }
0x27: {  	s1 =	sld [smem:$0x3FAB]  }
0x28: {  	s2 =	sld [smem:$0x3FAC]  }
0x29: {  	s4 =	sld [smem:$0x3FAE]  }
0x2a: {  	p0 =	seq.s32 s5, $0x0;
	s5 =	sld [smem:$0x3FAF]  }
0x2b: {  	s6 =	sld [smem:$0x3FB0]  }
0x2c: {  	s7 =	sld [smem:$0x3FB1]  }
0x2d: {  	s3 =	simm.s32 $0x108;
	s8 =	sld [smem:$0x3FB2]  }
0x2e: {  	s3 =	simm.s32 @!p0 $0x1082;
	s9 =	sld [smem:$0x3FB3]  }
0x2f: {  	lr =	sadd.s32 s0, s3;
	s0 =	sld [smem:$0x3FAA]  }
0x30: {  	s3 =	sld [smem:$0x3FAD]  }
0x31: {  	[smem:$0x3FB6] =	sst s10  }
0x32: {  	s10 =	sld [smem:$0x3FB4];
	_ =	sdelay $0x3  }
0x33: {  	p0 =	seq.s32 s10, $0x1;
	s10 =	sld [smem:$0x3FB6];
	_ =	sdelay $0x3  }
0x34: {  	[smem:$0x3FB6] =	sst s10  }
0x35: {  	s10 =	sld [smem:$0x3FB5];
	_ =	sdelay $0x3  }
0x36: {  	p1 =	seq.s32 s10, $0x1;
	s10 =	sld [smem:$0x3FB6];
	_ =	sdelay $0x3  }
0x37: {  	[smem:$0x3FB6] =	sst s10  }
0x38: {  	s10 =	sld [smem:$0x3FB7]  }
0x39: {  	_ = 	snop;
	(pc) =	sbr.ind lr, $3  }
0x3a: {  	_ = 	snop  }
0x3b: {  	_ = 	snop  }
0x3c: {  	p2 =	seq.s32 s10, $0x1;
	s10 =	sld [smem:$0x3FB6]  }
0x3d: {  	_ =	shalt  }
0x3e: {  	_ =	shalt  }
0x3f: {  	_ =	shalt  }
0x40: {  	_ =	shalt  }
0x41: {  	_ =	shalt  }
0x42: {  	_ =	shalt  }
0x43: {  	_ =	shalt  }
0x44: {  	_ =	shalt  }
0x45: {  	_ =	shalt  }
0x46: {  	_ =	shalt  }
0x47: {  	_ =	shalt  }
0x48: {  	_ =	shalt  }
0x49: {  	_ =	shalt  }
0x4a: {  	_ =	shalt  }
0x4b: {  	_ =	shalt  }
0x4c: {  	_ =	shalt  }
0x4d: {  	_ =	shalt  }
0x4e: {  	_ =	shalt  }
0x4f: {  	_ =	shalt  }
0x50: {  	_ =	shalt  }
0x51: {  	_ =	shalt  }
0x52: {  	_ =	shalt  }
0x53: {  	_ =	shalt  }
0x54: {  	_ =	shalt  }
0x55: {  	_ =	shalt  }
0x56: {  	_ =	shalt  }
0x57: {  	_ =	shalt  }
0x58: {  	_ =	shalt  }
0x59: {  	_ =	shalt  }
0x5a: {  	_ =	shalt  }
0x5b: {  	_ =	shalt  }
0x5c: {  	_ =	shalt  }
0x5d: {  	_ =	shalt  }
0x5e: {  	_ =	shalt  }
0x5f: {  	_ =	shalt  }
0x60: {  	_ =	shalt  }
0x61: {  	_ =	shalt  }
0x62: {  	_ =	shalt  }
0x63: {  	_ =	shalt  }
0x64: {  	_ =	shalt  }
0x65: {  	_ =	shalt  }
0x66: {  	_ =	shalt  }
0x67: {  	_ =	shalt  }
0x68: {  	_ =	shalt  }
0x69: {  	_ =	shalt  }
0x6a: {  	_ =	shalt  }
0x6b: {  	_ =	shalt  }
0x6c: {  	_ =	shalt  }
0x6d: {  	_ =	shalt  }
0x6e: {  	_ =	shalt  }
0x6f: {  	_ =	shalt  }
0x70: {  	_ =	shalt  }
0x71: {  	_ =	shalt  }
0x72: {  	_ =	shalt  }
0x73: {  	_ =	shalt  }
0x74: {  	_ =	shalt  }
0x75: {  	_ =	shalt  }
0x76: {  	_ =	shalt  }
0x77: {  	_ =	shalt  }
0x78: {  	_ =	shalt  }
0x79: {  	_ =	shalt  }
0x7a: {  	_ =	shalt  }
0x7b: {  	_ =	shalt  }
0x7c: {  	_ =	shalt  }
0x7d: {  	_ =	shalt  }
0x7e: {  	_ =	shalt  }
0x7f: {  	_ =	shalt  }
0x80: {  	_ =	shalt  }
0x81: {  	_ =	shalt  }
0x82: {  	_ =	shalt  }
0x83: {  	_ =	shalt  }
0x84: {  	_ =	shalt  }
0x85: {  	_ =	shalt  }
0x86: {  	_ =	shalt  }
0x87: {  	_ =	shalt  }
.Lfunc_end0:
.L_simem_size_0:
called_computation_lowered:
.L_overlay_start_0:
0x88: {  	s2 =	sld [smem:$0x3FD9]  }
0x89: {  	s3 =	sld [smem:$0x3FFE];
	_ =	sdelay $0x1  }
0x8a: {  	s1 =	srdreg.scid  }
0x8b: {  	s0 =	sand.u32 $0x1, s1  }
0x8c: {  	s16 =	sshll.u32 s0, $0xA;
	s2 =	sadd.s32 s3, s2  }
0x8d: {  	s2 =	sadd.s32 s2, s16  }
0x8e: {  	[smem:$0x3FC2] =	sst s2  }
0x8f: {  	_ = 	snop  }
0x90: {  	(tm) =	ssettm $0x1  }
0x91: {  	s17 =	sld [smem:$0x3FFB];
	_ =	sdelay $0x3  }
0x92: {  	_ =	strace s17  }
0x93: {  	s2 =	sld [smem:$0x3FFC];
	_ =	sdelay $0x3  }
0x94: {  	_ =	strace s2  }
0x95: {  	s2 =	sld [smem:$0x3FFD];
	_ =	sdelay $0x3  }
0x96: {  	_ =	strace s2  }
0x97: {  	_ =	strace $0x8FFFFFFF  }
0x98: {  	s18 =	sld [smem:$0x3FDB];
	_ =	sdelay $0x1  }
0x99: {  	s19 =	simm.s32 $_scs_section_size  }
0x9a: {  	s4 =	simm.s32 $_size__tile_overlayer_lowered;
	s5 =	simm.s32 $_tile_overlayer_lowered  }
0x9b: {  	s22 =	simm.s32 $0x1BFF;
	s21 =	sshll.u32 s5, $0x1;
	s2 =	sadd.s32 s19, s18  }
0x9c: {  	s6 =	simm.s32 $0x0;
	s20 =	sshll.u32 s4, $0x1;
	s4 =	sadd.s32 s21, s2  }
0x9d: {  	[timem:s6], [sflag:s22] =	dma.local [hbm:s4], s20  }
0x9e: {  	_ =	swait.ge [sflag:s22], s20  }
0x9f: {  	s3 =	ssub.s32 $0x0, s20;
	[sflag:s22] =	ssyncset.done $0x0  }
0xa0: {  	[sflag:s22] =	ssyncadd.s32 s3;
	_ =	sdelay $0x1  }
0xa1: {  	s23 =	simm.s32 $0x1B8B  }
0xa2: {  	_ =	swait.ge [sflag:s23], $0x1  }
0xa3: {  	[sflag:s23] =	ssyncset.done $0x0  }
0xa4: {  	s25 =	simm.s32 $0x1B8E;
	s24 =	sld [smem:$0x3FFE];
	[sflag:s23] =	ssyncadd.s32 $0xFFFFFFFF  }
0xa5: {  	s26 =	simm.s32 $execute0_lowered;
	[smem:$0x3FD2] =	sst s25  }
0xa6: {  	s4 =	sshll.u32 s26, $0x1;
	_ =	strace $0x80000046;
	[dreg:$0x1] =	wrdreg $0xFFFFFFFF  }
0xa7: {  	s28 =	simm.s32 $_size_execute0_lowered;
	s2 =	sadd.s32 s2, s4;
	[dreg:$0x0] =	wrdreg $0x0  }
0xa8: {  	s4 =	sshll.u32 s28, $0x1;
	[dreg:$0x2] =	wrdreg s2  }
0xa9: {  	[dreg:$0x3] =	wrdreg s4  }
0xaa: {  	[dreg:$0x4] =	wrdreg $0xC0  }
0xab: {  	_ =	task [dreg:s6], $0x5FFFF  }
0xac: {  	[dreg:$0x1] =	wrdreg $0xFFFFFFFF  }
0xad: {  	[dreg:$0x0] =	wrdreg $0x60  }
0xae: {  	[dreg:$0x2] =	wrdreg s24  }
0xaf: {  	[dreg:$0x3] =	wrdreg $0x48000  }
0xb0: {  	[dreg:$0x4] =	wrdreg $0x9  }
0xb1: {  	_ =	task.clear_ibuf [dreg:s6], $0x5FFFF;
	_ =	strace $0x90000046  }
0xb2: {  	s29 =	simm.s32 $0x9;
	_ =	strace $0x80000048  }
0xb3: {  	_ =	swait.ge [sflag:s29], $0x1  }
0xb4: {  	[sflag:s29] =	ssyncadd.s32 $0xFFFFFFFF  }
0xb5: {  	_ =	strace $0x90000048  }
0xb6: {  	_ =	sfence  }
0xb7: {  	s30 =	sld [smem:$0x0];
	_ =	sdelay $0x2  }
0xb8: {  	s31 =	sshll.u32 s1, $0xD;
	s1 =	sshrl.u32 s1, $0x2  }
0xb9: {  	s3 =	sand.u32 $0x4000, s31;
	s1 =	sadd.s32 s1, s30  }
0xba: {  	s0 =	sor.u32 s3, s0;
	s1 =	sshll.u32 s1, $0x11  }
0xbb: {  	s0 =	sor.u32 s1, s0  }
0xbc: {  	s0 =	sadd.s32 $0x8F2B, s0  }
0xbd: {  	[sflag:s0] =	ssyncadd.remote.s32 $0x1  }
0xbe: {  	_ =	sfence.sel $0xFFFF  }
0xbf: {  	[dreg:$0x0] =	wrdreg $0xFFFFFFFF;
	(pc) =	sbr.abs _section_cstart, $3  }
0xc0: {  	[dreg:$0x1] =	wrdreg $0xFFFFFFFF  }
0xc1: {  	_ =	task.clear_ibuf [dreg:s6], $0x2FFFF;
	_ =	strace $0x9FFFFFFF  }
0xc2: {  	(tm) =	ssettm $0x7FFFFFFF  }
0xc3: {  	_ =	shalt  }
tec
execute0_lowered:
.L_overlay_start_1:
0x0: {  	(tag) =	ssettag $0x1  }
0x1: {  	s3 =	rddreg [dreg:$0x0]  }
0x2: {  	s2 =	rddreg [dreg:$0x1];
	s31 =	simm.s32 $0x0  }
0x3: {  	[smem:$0x7FF] =	sst s31;
	s6 =	sadd.s32 $0xBC00, s3  }
0x4: {  	s9 =	sadd.s32 $0xC000, s3;
	_ =	strace $0x80000047;
	[dreg:$0x3] =	wrdreg s6  }
0x5: {  	s11 =	simm.s32 $0x80;
	[dreg:$0x4] =	wrdreg s9  }
0x6: {  	s12 =	simm.s32 $0x100;
	[dreg:$0x7] =	wrdreg s11  }
0x7: {  	s13 =	simm.s32 $0x180;
	[dreg:$0x8] =	wrdreg s12  }
0x8: {  	s14 =	simm.s32 $0x200;
	[dreg:$0x9] =	wrdreg s13  }
0x9: {  	s15 =	simm.s32 $0x280;
	[dreg:$0xa] =	wrdreg s14  }
0xa: {  	s16 =	simm.s32 $0x300;
	[dreg:$0xb] =	wrdreg s15  }
0xb: {  	s17 =	simm.s32 $0x380;
	[dreg:$0xc] =	wrdreg s16  }
0xc: {  	s18 =	simm.s32 $0x400;
	[dreg:$0xd] =	wrdreg s17  }
0xd: {  	s19 =	simm.s32 $0x480;
	[dreg:$0xe] =	wrdreg s18  }
0xe: {  	s20 =	simm.s32 $0x500;
	[dreg:$0xf] =	wrdreg s19  }
0xf: {  	s21 =	simm.s32 $0x580;
	[dreg:$0x10] =	wrdreg s20  }
0x10: {  	s22 =	simm.s32 $0x600;
	[dreg:$0x11] =	wrdreg s21  }
0x11: {  	s23 =	simm.s32 $0x680;
	[dreg:$0x12] =	wrdreg s22  }
0x12: {  	s24 =	simm.s32 $0x700;
	[dreg:$0x13] =	wrdreg s23  }
0x13: {  	s25 =	simm.s32 $0x780;
	[dreg:$0x14] =	wrdreg s24  }
0x14: {  	s26 =	simm.s32 $0x800;
	[dreg:$0x15] =	wrdreg s25  }
0x15: {  	s8 =	simm.s32 $0xA80;
	[dreg:$0x16] =	wrdreg s26  }
0x16: {  	s6 =	simm.s32 $0xA00;
	[dreg:$0x1b] =	wrdreg s8  }
0x17: {  	s9 =	simm.s32 $0xB00;
	[dreg:$0x1a] =	wrdreg s6  }
0x18: {  	s11 =	simm.s32 $0xC00;
	[dreg:$0x1c] =	wrdreg s9  }
0x19: {  	s12 =	simm.s32 $0xC80;
	[dreg:$0x1e] =	wrdreg s11  }
0x1a: {  	s13 =	simm.s32 $0xD00;
	[dreg:$0x1f] =	wrdreg s12  }
0x1b: {  	s14 =	simm.s32 $0xD80;
	[smem:$0x7DE] =	sst s13  }
0x1c: {  	s15 =	simm.s32 $0xE00;
	[smem:$0x7DF] =	sst s14  }
0x1d: {  	s16 =	simm.s32 $0xE80;
	[smem:$0x7E0] =	sst s15  }
0x1e: {  	s17 =	simm.s32 $0xF00;
	[smem:$0x7E1] =	sst s16  }
0x1f: {  	s18 =	simm.s32 $0xF80;
	[smem:$0x7E2] =	sst s17  }
0x20: {  	s19 =	simm.s32 $0x1000;
	[smem:$0x7E3] =	sst s18  }
0x21: {  	s20 =	simm.s32 $0x1080;
	[smem:$0x7E4] =	sst s19  }
0x22: {  	s21 =	simm.s32 $0x1100;
	[smem:$0x7E5] =	sst s20  }
0x23: {  	s22 =	simm.s32 $0x1180;
	[smem:$0x7E6] =	sst s21  }
0x24: {  	s23 =	simm.s32 $0x1200;
	[smem:$0x7E7] =	sst s22  }
0x25: {  	s24 =	simm.s32 $0x1280;
	[smem:$0x7E8] =	sst s23  }
0x26: {  	s0 =	srdreg.scid;
	s25 =	simm.s32 $0x1300;
	[smem:$0x7E9] =	sst s24  }
0x27: {  	s7 =	stileid.u32;
	s26 =	simm.s32 $0x1380;
	[smem:$0x7EA] =	sst s25  }
0x28: {  	s30 =	simm.s32 $0x1D00;
	s8 =	simm.s32 $0x1600;
	[smem:$0x7EB] =	sst s26  }
0x29: {  	s29 =	simm.s32 $0x1D80;
	s6 =	simm.s32 $0x1580;
	[smem:$0x7F0] =	sst s8  }
0x2a: {  	s28 =	simm.s32 $0x1E00;
	s9 =	simm.s32 $0x1680;
	[smem:$0x7EF] =	sst s6  }
0x2b: {  	p0 =	por $0x0, $0x0;
	s11 =	simm.s32 $0x1700;
	[smem:$0x7F1] =	sst s9  }
0x2c: {  	s1 =	sand.u32 $0x1, s0;
	s13 =	simm.s32 $0x1780;
	[smem:$0x7F2] =	sst s11  }
0x2d: {  	s5 =	smul.u32 $0x13C00, s7;
	s14 =	simm.s32 $0x1800;
	[smem:$0x7F3] =	sst s13  }
0x2e: {  	s0 =	sshll.u32 s1, $0x4;
	s16 =	simm.s32 $0x1880;
	[smem:$0x7F4] =	sst s14  }
0x2f: {  	s4 =	smul.u32 $0x13C000, s1;
	s18 =	simm.s32 $0x1900;
	[smem:$0x7F5] =	sst s16  }
0x30: {  	s1 =	ssub.s32 $0x2, s1;
	s19 =	simm.s32 $0x1980;
	[smem:$0x7F6] =	sst s18  }
0x31: {  	s0 =	sor.u32 s7, s0;
	s20 =	simm.s32 $0x1A00;
	[smem:$0x7F7] =	sst s19  }
0x32: {  	s12 =	smul.u32 $0x4F000, s7;
	s21 =	simm.s32 $0x1A80;
	[smem:$0x7F8] =	sst s20  }
0x33: {  	s22 =	sshll.u32 s7, $0x6;
	s23 =	simm.s32 $0x1B00;
	[smem:$0x7F9] =	sst s21  }
0x34: {  	s24 =	simm.s32 $0x1B80;
	s25 =	simm.s32 $0x1C00;
	[smem:$0x7FA] =	sst s23  }
0x35: {  	s7 =	simm.s32 $0x40;
	s26 =	simm.s32 $0x1C80;
	[smem:$0x7FB] =	sst s24  }
0x36: {  	s8 =	simm.s32 $0x2780;
	s0 =	smul.u32 $0x500, s0;
	[smem:$0x7FC] =	sst s25  }
0x37: {  	s4 =	sadd.s32 s5, s4;
	s5 =	simm.s32 $0x980;
	[smem:$0x7FD] =	sst s26  }
0x38: {  	s26 =	simm.s32 $0x1E80;
	s25 =	simm.s32 $0x1F00;
	s24 =	simm.s32 $0x1F80  }
0x39: {  	s23 =	simm.s32 $0x2000;
	s21 =	simm.s32 $0x2100;
	s20 =	simm.s32 $0x2180  }
0x3a: {  	s19 =	simm.s32 $0x2200;
	s18 =	simm.s32 $0x2280;
	s16 =	simm.s32 $0x2380  }
0x3b: {  	s13 =	simm.s32 $0x2480;
	s14 =	simm.s32 $0x2500;
	s11 =	simm.s32 $0x2600  }
0x3c: {  	s9 =	simm.s32 $0x2700;
	s4 =	sshrl.u32 s4, $0x3;
	[dreg:$0x19] =	wrdreg s5  }
0x3d: {  	s5 =	simm.s32 $0x1500;
	s0 =	sadd.s32 s0, s3;
	s3 =	sadd.s32 s4, s3  }
0x3e: {  	s15 =	sshrl.u32 s12, $0x2;
	[smem:$0x7EE] =	sst s5;
	s10 =	sadd.s32 $0xE800, s3  }
0x3f: {  	s12 =	simm.s32 $0x2580;
	[dreg:$0x6] =	wrdreg s10;
	s10 =	simm.s32 $0xB80  }
0x40: {  	s4 =	simm.s32 $0x900;
	[dreg:$0x1d] =	wrdreg s10;
	s10 =	sshrl.u32 s1, $0x1  }
0x41: {  	s17 =	sadd.s32 s15, s2;
	s5 =	sor.u32 $0x1C01, s22;
	s1 =	ssub.s32 s1, s10  }
0x42: {  	s22 =	simm.s32 $0x2080;
	s15 =	simm.s32 $0x2400;
	s1 =	smax.u32 s1, $0x1  }
0x43: {  	s0 =	sadd.s32 $0x1C00, s0;
	[dreg:$0x18] =	wrdreg s4;
	p1 =	sne.s32 s1, $0x1  }
.Ltmp0:
0x44: {  	s3 =	simm.s32 $0x880;
	[dreg:$0x5] =	wrdreg s0;
	(pc) =	sbr.rel @!p1 .LBB2_3-.Ltmp0, $4  }
0x45: {  	s4 =	simm.s32 $0x1480;
	s6 =	sshrl.u32 s17, $0x3;
	[dreg:$0x17] =	wrdreg s3  }
0x46: {  	s17 =	simm.s32 $0x2300;
	s3 =	simm.s32 $0x1400;
	[smem:$0x7ED] =	sst s4  }
0x47: {  	s4 =	simm.s32 $0x2800;
	[smem:$0x7EC] =	sst s3;
	s3 =	simm.s32 $0x1  }
0x48: {  	s0 =	rddreg [dreg:$0x5];
	s10 =	simm.s32 $0x2680;
	s1 =	sadd.s32 $0xFFFFFFFF, s1  }
0x49: {  	[tilespmem:s31], [sflag:$0x1] =	stream.linear.gather [hbm4b:s0+s31], $0x2800, $0x38;
	[tilespmem:$0x18400] =	vst v63  }
0x4a: {  	_ =	swait.ge [sflag:s3], $0x2800  }
0x4b: {  	[sflag:s3] =	ssyncset.done $0x0  }
0x4c: {  	s0 =	rddreg [dreg:$0x3];
	[sflag:s3] =	ssyncadd.s32 $0xFFFFD800  }
0x4d: {  	[tilespmem:s4], [sflag:$0x1] =	stream.linear.gather [hbm4b:s0+s31], $0x2000, $0x38;
	[tilespmem:$0x18400] =	vst v63  }
0x4e: {  	_ =	swait.ge [sflag:s3], $0x2000  }
0x4f: {  	[sflag:s3] =	ssyncset.done $0x0  }
0x50: {  	s0 =	rddreg [dreg:$0x4];
	[sflag:s3] =	ssyncadd.s32 $0xFFFFE000  }
0x51: {  	[spmem:s6], [sflag:s5] =	dma.local [hbm:s0], $0x2780  }
0x52: {  	_ =	swait.ge [sflag:s3], $0x2780  }
0x53: {  	[sflag:s3] =	ssyncset.done $0x0  }
0x54: {  	[sflag:s3] =	ssyncadd.s32 $0xFFFFD880  }
0x55: {  	[bflag:$0x0] =	sbarrier.arrive $0xFFFF  }
0x56: {  	[spmem:s2] =	stream.indirect.scatter.add.f32 [tilespmem:s4], [sflag:$0x1], $0x80, s31, s7, $0xb8;
	[tilespmem:$0x18400] =	vst v63  }
0x57: {  	_ =	swait.ge [sflag:s3], $0x2000  }
0x58: {  	[sflag:s3] =	ssyncset.done $0x0  }
0x59: {  	s0 =	rddreg [dreg:$0x7];
	[sflag:s3] =	ssyncadd.s32 $0xFFFFE000  }
0x5a: {  	[spmem:s2] =	stream.indirect.scatter.add.f32 [tilespmem:s4], [sflag:$0x1], $0x80, s0, s7, $0xb8;
	[tilespmem:$0x18400] =	vst v63  }
0x5b: {  	_ =	swait.ge [sflag:s3], $0x2000  }
0x5c: {  	[sflag:s3] =	ssyncset.done $0x0  }
0x5d: {  	s0 =	rddreg [dreg:$0x8];
	[sflag:s3] =	ssyncadd.s32 $0xFFFFE000  }
0x5e: {  	[spmem:s2] =	stream.indirect.scatter.add.f32 [tilespmem:s4], [sflag:$0x1], $0x80, s0, s7, $0xb8;
	[tilespmem:$0x18400] =	vst v63  }
0x5f: {  	_ =	swait.ge [sflag:s3], $0x2000  }
0x60: {  	[sflag:s3] =	ssyncset.done $0x0  }
0x61: {  	s0 =	rddreg [dreg:$0x9];
	[sflag:s3] =	ssyncadd.s32 $0xFFFFE000  }
0x62: {  	[spmem:s2] =	stream.indirect.scatter.add.f32 [tilespmem:s4], [sflag:$0x1], $0x80, s0, s7, $0xb8;
	[tilespmem:$0x18400] =	vst v63  }
0x63: {  	_ =	swait.ge [sflag:s3], $0x2000  }
0x64: {  	[sflag:s3] =	ssyncset.done $0x0  }
0x65: {  	s0 =	rddreg [dreg:$0xa];
	[sflag:s3] =	ssyncadd.s32 $0xFFFFE000  }
0x66: {  	[spmem:s2] =	stream.indirect.scatter.add.f32 [tilespmem:s4], [sflag:$0x1], $0x80, s0, s7, $0xb8;
	[tilespmem:$0x18400] =	vst v63  }
0x67: {  	_ =	swait.ge [sflag:s3], $0x2000  }
0x68: {  	[sflag:s3] =	ssyncset.done $0x0  }
0x69: {  	s0 =	rddreg [dreg:$0xb];
	[sflag:s3] =	ssyncadd.s32 $0xFFFFE000  }
0x6a: {  	[spmem:s2] =	stream.indirect.scatter.add.f32 [tilespmem:s4], [sflag:$0x1], $0x80, s0, s7, $0xb8;
	[tilespmem:$0x18400] =	vst v63  }
0x6b: {  	_ =	swait.ge [sflag:s3], $0x2000  }
0x6c: {  	[sflag:s3] =	ssyncset.done $0x0  }
0x6d: {  	s0 =	rddreg [dreg:$0xc];
	[sflag:s3] =	ssyncadd.s32 $0xFFFFE000  }
0x6e: {  	[spmem:s2] =	stream.indirect.scatter.add.f32 [tilespmem:s4], [sflag:$0x1], $0x80, s0, s7, $0xb8;
	[tilespmem:$0x18400] =	vst v63  }
0x6f: {  	_ =	swait.ge [sflag:s3], $0x2000  }
0x70: {  	[sflag:s3] =	ssyncset.done $0x0  }
0x71: {  	s0 =	rddreg [dreg:$0xd];
	[sflag:s3] =	ssyncadd.s32 $0xFFFFE000  }
0x72: {  	[spmem:s2] =	stream.indirect.scatter.add.f32 [tilespmem:s4], [sflag:$0x1], $0x80, s0, s7, $0xb8;
	[tilespmem:$0x18400] =	vst v63  }
0x73: {  	_ =	swait.ge [sflag:s3], $0x2000  }
0x74: {  	[sflag:s3] =	ssyncset.done $0x0  }
0x75: {  	s0 =	rddreg [dreg:$0xe];
	[sflag:s3] =	ssyncadd.s32 $0xFFFFE000  }
0x76: {  	[spmem:s2] =	stream.indirect.scatter.add.f32 [tilespmem:s4], [sflag:$0x1], $0x80, s0, s7, $0xb8;
	[tilespmem:$0x18400] =	vst v63  }
0x77: {  	_ =	swait.ge [sflag:s3], $0x2000  }
0x78: {  	[sflag:s3] =	ssyncset.done $0x0  }
0x79: {  	s0 =	rddreg [dreg:$0xf];
	[sflag:s3] =	ssyncadd.s32 $0xFFFFE000  }
0x7a: {  	[spmem:s2] =	stream.indirect.scatter.add.f32 [tilespmem:s4], [sflag:$0x1], $0x80, s0, s7, $0xb8;
	[tilespmem:$0x18400] =	vst v63  }
0x7b: {  	_ =	swait.ge [sflag:s3], $0x2000  }
0x7c: {  	[sflag:s3] =	ssyncset.done $0x0  }
0x7d: {  	s0 =	rddreg [dreg:$0x10];
	[sflag:s3] =	ssyncadd.s32 $0xFFFFE000  }
0x7e: {  	[spmem:s2] =	stream.indirect.scatter.add.f32 [tilespmem:s4], [sflag:$0x1], $0x80, s0, s7, $0xb8;
	[tilespmem:$0x18400] =	vst v63  }
0x7f: {  	_ =	swait.ge [sflag:s3], $0x2000  }
0x80: {  	[sflag:s3] =	ssyncset.done $0x0  }
0x81: {  	s0 =	rddreg [dreg:$0x11];
	[sflag:s3] =	ssyncadd.s32 $0xFFFFE000  }
0x82: {  	[spmem:s2] =	stream.indirect.scatter.add.f32 [tilespmem:s4], [sflag:$0x1], $0x80, s0, s7, $0xb8;
	[tilespmem:$0x18400] =	vst v63  }
0x83: {  	_ =	swait.ge [sflag:s3], $0x2000  }
0x84: {  	[sflag:s3] =	ssyncset.done $0x0  }
0x85: {  	s0 =	rddreg [dreg:$0x12];
	[sflag:s3] =	ssyncadd.s32 $0xFFFFE000  }
0x86: {  	[spmem:s2] =	stream.indirect.scatter.add.f32 [tilespmem:s4], [sflag:$0x1], $0x80, s0, s7, $0xb8;
	[tilespmem:$0x18400] =	vst v63  }
0x87: {  	_ =	swait.ge [sflag:s3], $0x2000  }
0x88: {  	[sflag:s3] =	ssyncset.done $0x0  }
0x89: {  	s0 =	rddreg [dreg:$0x13];
	[sflag:s3] =	ssyncadd.s32 $0xFFFFE000  }
0x8a: {  	[spmem:s2] =	stream.indirect.scatter.add.f32 [tilespmem:s4], [sflag:$0x1], $0x80, s0, s7, $0xb8;
	[tilespmem:$0x18400] =	vst v63  }
0x8b: {  	_ =	swait.ge [sflag:s3], $0x2000  }
0x8c: {  	[sflag:s3] =	ssyncset.done $0x0  }
0x8d: {  	s0 =	rddreg [dreg:$0x14];
	[sflag:s3] =	ssyncadd.s32 $0xFFFFE000  }
0x8e: {  	[spmem:s2] =	stream.indirect.scatter.add.f32 [tilespmem:s4], [sflag:$0x1], $0x80, s0, s7, $0xb8;
	[tilespmem:$0x18400] =	vst v63  }
0x8f: {  	_ =	swait.ge [sflag:s3], $0x2000  }
0x90: {  	[sflag:s3] =	ssyncset.done $0x0  }
0x91: {  	s0 =	rddreg [dreg:$0x15];
	[sflag:s3] =	ssyncadd.s32 $0xFFFFE000  }
0x92: {  	[spmem:s2] =	stream.indirect.scatter.add.f32 [tilespmem:s4], [sflag:$0x1], $0x80, s0, s7, $0xb8;
	[tilespmem:$0x18400] =	vst v63  }
0x93: {  	_ =	swait.ge [sflag:s3], $0x2000  }
0x94: {  	[sflag:s3] =	ssyncset.done $0x0  }
0x95: {  	s0 =	rddreg [dreg:$0x16];
	[sflag:s3] =	ssyncadd.s32 $0xFFFFE000  }
0x96: {  	[spmem:s2] =	stream.indirect.scatter.add.f32 [tilespmem:s4], [sflag:$0x1], $0x80, s0, s7, $0xb8;
	[tilespmem:$0x18400] =	vst v63  }
0x97: {  	_ =	swait.ge [sflag:s3], $0x2000  }
0x98: {  	[sflag:s3] =	ssyncset.done $0x0  }
0x99: {  	s0 =	rddreg [dreg:$0x17];
	[sflag:s3] =	ssyncadd.s32 $0xFFFFE000  }
0x9a: {  	[spmem:s2] =	stream.indirect.scatter.add.f32 [tilespmem:s4], [sflag:$0x1], $0x80, s0, s7, $0xb8;
	[tilespmem:$0x18400] =	vst v63  }
0x9b: {  	_ =	swait.ge [sflag:s3], $0x2000  }
0x9c: {  	[sflag:s3] =	ssyncset.done $0x0  }
0x9d: {  	s0 =	rddreg [dreg:$0x18];
	[sflag:s3] =	ssyncadd.s32 $0xFFFFE000  }
0x9e: {  	[spmem:s2] =	stream.indirect.scatter.add.f32 [tilespmem:s4], [sflag:$0x1], $0x80, s0, s7, $0xb8;
	[tilespmem:$0x18400] =	vst v63  }
0x9f: {  	_ =	swait.ge [sflag:s3], $0x2000  }
0xa0: {  	[sflag:s3] =	ssyncset.done $0x0  }
0xa1: {  	s0 =	rddreg [dreg:$0x19];
	[sflag:s3] =	ssyncadd.s32 $0xFFFFE000  }
0xa2: {  	[spmem:s2] =	stream.indirect.scatter.add.f32 [tilespmem:s4], [sflag:$0x1], $0x80, s0, s7, $0xb8;
	[tilespmem:$0x18400] =	vst v63  }
0xa3: {  	_ =	swait.ge [sflag:s3], $0x2000  }
0xa4: {  	[sflag:s3] =	ssyncset.done $0x0  }
0xa5: {  	s0 =	rddreg [dreg:$0x1a];
	[sflag:s3] =	ssyncadd.s32 $0xFFFFE000  }
0xa6: {  	[spmem:s2] =	stream.indirect.scatter.add.f32 [tilespmem:s4], [sflag:$0x1], $0x80, s0, s7, $0xb8;
	[tilespmem:$0x18400] =	vst v63  }
0xa7: {  	_ =	swait.ge [sflag:s3], $0x2000  }
0xa8: {  	[sflag:s3] =	ssyncset.done $0x0  }
0xa9: {  	s0 =	rddreg [dreg:$0x1b];
	[sflag:s3] =	ssyncadd.s32 $0xFFFFE000  }
0xaa: {  	[spmem:s2] =	stream.indirect.scatter.add.f32 [tilespmem:s4], [sflag:$0x1], $0x80, s0, s7, $0xb8;
	[tilespmem:$0x18400] =	vst v63  }
0xab: {  	_ =	swait.ge [sflag:s3], $0x2000  }
0xac: {  	[sflag:s3] =	ssyncset.done $0x0  }
0xad: {  	s0 =	rddreg [dreg:$0x1c];
	[sflag:s3] =	ssyncadd.s32 $0xFFFFE000  }
0xae: {  	[spmem:s2] =	stream.indirect.scatter.add.f32 [tilespmem:s4], [sflag:$0x1], $0x80, s0, s7, $0xb8;
	[tilespmem:$0x18400] =	vst v63  }
0xaf: {  	_ =	swait.ge [sflag:s3], $0x2000  }
0xb0: {  	[sflag:s3] =	ssyncset.done $0x0  }
0xb1: {  	s0 =	rddreg [dreg:$0x1d];
	[sflag:s3] =	ssyncadd.s32 $0xFFFFE000  }
0xb2: {  	[spmem:s2] =	stream.indirect.scatter.add.f32 [tilespmem:s4], [sflag:$0x1], $0x80, s0, s7, $0xb8;
	[tilespmem:$0x18400] =	vst v63  }
0xb3: {  	_ =	swait.ge [sflag:s3], $0x2000  }
0xb4: {  	[sflag:s3] =	ssyncset.done $0x0  }
0xb5: {  	s0 =	rddreg [dreg:$0x1e];
	[sflag:s3] =	ssyncadd.s32 $0xFFFFE000  }
0xb6: {  	[spmem:s2] =	stream.indirect.scatter.add.f32 [tilespmem:s4], [sflag:$0x1], $0x80, s0, s7, $0xb8;
	[tilespmem:$0x18400] =	vst v63  }
0xb7: {  	_ =	swait.ge [sflag:s3], $0x2000  }
0xb8: {  	[sflag:s3] =	ssyncset.done $0x0  }
0xb9: {  	s0 =	rddreg [dreg:$0x1f];
	[sflag:s3] =	ssyncadd.s32 $0xFFFFE000  }
0xba: {  	[spmem:s2] =	stream.indirect.scatter.add.f32 [tilespmem:s4], [sflag:$0x1], $0x80, s0, s7, $0xb8;
	[tilespmem:$0x18400] =	vst v63  }
0xbb: {  	_ =	swait.ge [sflag:s3], $0x2000  }
0xbc: {  	s0 =	sld [smem:$0x7DE]  }
0xbd: {  	[sflag:s3] =	ssyncset.done $0x0  }
0xbe: {  	[sflag:s3] =	ssyncadd.s32 $0xFFFFE000  }
0xbf: {  	[spmem:s2] =	stream.indirect.scatter.add.f32 [tilespmem:s4], [sflag:$0x1], $0x80, s0, s7, $0xb8;
	[tilespmem:$0x18400] =	vst v63  }
0xc0: {  	_ =	swait.ge [sflag:s3], $0x2000  }
0xc1: {  	s0 =	sld [smem:$0x7DF]  }
0xc2: {  	[sflag:s3] =	ssyncset.done $0x0  }
0xc3: {  	[sflag:s3] =	ssyncadd.s32 $0xFFFFE000  }
0xc4: {  	[spmem:s2] =	stream.indirect.scatter.add.f32 [tilespmem:s4], [sflag:$0x1], $0x80, s0, s7, $0xb8;
	[tilespmem:$0x18400] =	vst v63  }
0xc5: {  	_ =	swait.ge [sflag:s3], $0x2000  }
0xc6: {  	s0 =	sld [smem:$0x7E0]  }
0xc7: {  	[sflag:s3] =	ssyncset.done $0x0  }
0xc8: {  	[sflag:s3] =	ssyncadd.s32 $0xFFFFE000  }
0xc9: {  	[spmem:s2] =	stream.indirect.scatter.add.f32 [tilespmem:s4], [sflag:$0x1], $0x80, s0, s7, $0xb8;
	[tilespmem:$0x18400] =	vst v63  }
0xca: {  	_ =	swait.ge [sflag:s3], $0x2000  }
0xcb: {  	s0 =	sld [smem:$0x7E1]  }
0xcc: {  	[sflag:s3] =	ssyncset.done $0x0  }
0xcd: {  	[sflag:s3] =	ssyncadd.s32 $0xFFFFE000  }
0xce: {  	[spmem:s2] =	stream.indirect.scatter.add.f32 [tilespmem:s4], [sflag:$0x1], $0x80, s0, s7, $0xb8;
	[tilespmem:$0x18400] =	vst v63  }
0xcf: {  	_ =	swait.ge [sflag:s3], $0x2000  }
0xd0: {  	s0 =	sld [smem:$0x7E2]  }
0xd1: {  	[sflag:s3] =	ssyncset.done $0x0  }
0xd2: {  	[sflag:s3] =	ssyncadd.s32 $0xFFFFE000  }
0xd3: {  	[spmem:s2] =	stream.indirect.scatter.add.f32 [tilespmem:s4], [sflag:$0x1], $0x80, s0, s7, $0xb8;
	[tilespmem:$0x18400] =	vst v63  }
0xd4: {  	_ =	swait.ge [sflag:s3], $0x2000  }
0xd5: {  	s0 =	sld [smem:$0x7E3]  }
0xd6: {  	[sflag:s3] =	ssyncset.done $0x0  }
0xd7: {  	[sflag:s3] =	ssyncadd.s32 $0xFFFFE000  }
0xd8: {  	[spmem:s2] =	stream.indirect.scatter.add.f32 [tilespmem:s4], [sflag:$0x1], $0x80, s0, s7, $0xb8;
	[tilespmem:$0x18400] =	vst v63  }
0xd9: {  	_ =	swait.ge [sflag:s3], $0x2000  }
0xda: {  	s0 =	sld [smem:$0x7E4]  }
0xdb: {  	[sflag:s3] =	ssyncset.done $0x0  }
0xdc: {  	[sflag:s3] =	ssyncadd.s32 $0xFFFFE000  }
0xdd: {  	[spmem:s2] =	stream.indirect.scatter.add.f32 [tilespmem:s4], [sflag:$0x1], $0x80, s0, s7, $0xb8;
	[tilespmem:$0x18400] =	vst v63  }
0xde: {  	_ =	swait.ge [sflag:s3], $0x2000  }
0xdf: {  	s0 =	sld [smem:$0x7E5]  }
0xe0: {  	[sflag:s3] =	ssyncset.done $0x0  }
0xe1: {  	[sflag:s3] =	ssyncadd.s32 $0xFFFFE000  }
0xe2: {  	[spmem:s2] =	stream.indirect.scatter.add.f32 [tilespmem:s4], [sflag:$0x1], $0x80, s0, s7, $0xb8;
	[tilespmem:$0x18400] =	vst v63  }
0xe3: {  	_ =	swait.ge [sflag:s3], $0x2000  }
0xe4: {  	s0 =	sld [smem:$0x7E6]  }
0xe5: {  	[sflag:s3] =	ssyncset.done $0x0  }
0xe6: {  	[sflag:s3] =	ssyncadd.s32 $0xFFFFE000  }
0xe7: {  	[spmem:s2] =	stream.indirect.scatter.add.f32 [tilespmem:s4], [sflag:$0x1], $0x80, s0, s7, $0xb8;
	[tilespmem:$0x18400] =	vst v63  }
0xe8: {  	_ =	swait.ge [sflag:s3], $0x2000  }
0xe9: {  	s0 =	sld [smem:$0x7E7]  }
0xea: {  	[sflag:s3] =	ssyncset.done $0x0  }
0xeb: {  	[sflag:s3] =	ssyncadd.s32 $0xFFFFE000  }
0xec: {  	[spmem:s2] =	stream.indirect.scatter.add.f32 [tilespmem:s4], [sflag:$0x1], $0x80, s0, s7, $0xb8;
	[tilespmem:$0x18400] =	vst v63  }
0xed: {  	_ =	swait.ge [sflag:s3], $0x2000  }
0xee: {  	s0 =	sld [smem:$0x7E8]  }
0xef: {  	[sflag:s3] =	ssyncset.done $0x0  }
0xf0: {  	[sflag:s3] =	ssyncadd.s32 $0xFFFFE000  }
0xf1: {  	[spmem:s2] =	stream.indirect.scatter.add.f32 [tilespmem:s4], [sflag:$0x1], $0x80, s0, s7, $0xb8;
	[tilespmem:$0x18400] =	vst v63  }
0xf2: {  	_ =	swait.ge [sflag:s3], $0x2000  }
0xf3: {  	s0 =	sld [smem:$0x7E9]  }
0xf4: {  	[sflag:s3] =	ssyncset.done $0x0  }
0xf5: {  	[sflag:s3] =	ssyncadd.s32 $0xFFFFE000  }
0xf6: {  	[spmem:s2] =	stream.indirect.scatter.add.f32 [tilespmem:s4], [sflag:$0x1], $0x80, s0, s7, $0xb8;
	[tilespmem:$0x18400] =	vst v63  }
0xf7: {  	_ =	swait.ge [sflag:s3], $0x2000  }
0xf8: {  	s0 =	sld [smem:$0x7EA]  }
0xf9: {  	[sflag:s3] =	ssyncset.done $0x0  }
0xfa: {  	[sflag:s3] =	ssyncadd.s32 $0xFFFFE000  }
0xfb: {  	[spmem:s2] =	stream.indirect.scatter.add.f32 [tilespmem:s4], [sflag:$0x1], $0x80, s0, s7, $0xb8;
	[tilespmem:$0x18400] =	vst v63  }
0xfc: {  	_ =	swait.ge [sflag:s3], $0x2000  }
0xfd: {  	s0 =	sld [smem:$0x7EB]  }
0xfe: {  	[sflag:s3] =	ssyncset.done $0x0  }
0xff: {  	[sflag:s3] =	ssyncadd.s32 $0xFFFFE000  }
0x100: {  	[spmem:s2] =	stream.indirect.scatter.add.f32 [tilespmem:s4], [sflag:$0x1], $0x80, s0, s7, $0xb8;
	[tilespmem:$0x18400] =	vst v63  }
0x101: {  	_ =	swait.ge [sflag:s3], $0x2000  }
0x102: {  	s0 =	sld [smem:$0x7EC]  }
0x103: {  	[sflag:s3] =	ssyncset.done $0x0  }
0x104: {  	[sflag:s3] =	ssyncadd.s32 $0xFFFFE000  }
0x105: {  	[spmem:s2] =	stream.indirect.scatter.add.f32 [tilespmem:s4], [sflag:$0x1], $0x80, s0, s7, $0xb8;
	[tilespmem:$0x18400] =	vst v63  }
0x106: {  	_ =	swait.ge [sflag:s3], $0x2000  }
0x107: {  	s0 =	sld [smem:$0x7ED]  }
0x108: {  	[sflag:s3] =	ssyncset.done $0x0  }
0x109: {  	[sflag:s3] =	ssyncadd.s32 $0xFFFFE000  }
0x10a: {  	[spmem:s2] =	stream.indirect.scatter.add.f32 [tilespmem:s4], [sflag:$0x1], $0x80, s0, s7, $0xb8;
	[tilespmem:$0x18400] =	vst v63  }
0x10b: {  	_ =	swait.ge [sflag:s3], $0x2000  }
0x10c: {  	s0 =	sld [smem:$0x7EE]  }
0x10d: {  	[sflag:s3] =	ssyncset.done $0x0  }
0x10e: {  	[sflag:s3] =	ssyncadd.s32 $0xFFFFE000  }
0x10f: {  	[spmem:s2] =	stream.indirect.scatter.add.f32 [tilespmem:s4], [sflag:$0x1], $0x80, s0, s7, $0xb8;
	[tilespmem:$0x18400] =	vst v63  }
0x110: {  	_ =	swait.ge [sflag:s3], $0x2000  }
0x111: {  	s0 =	sld [smem:$0x7EF]  }
0x112: {  	[sflag:s3] =	ssyncset.done $0x0  }
0x113: {  	[sflag:s3] =	ssyncadd.s32 $0xFFFFE000  }
0x114: {  	[spmem:s2] =	stream.indirect.scatter.add.f32 [tilespmem:s4], [sflag:$0x1], $0x80, s0, s7, $0xb8;
	[tilespmem:$0x18400] =	vst v63  }
0x115: {  	_ =	swait.ge [sflag:s3], $0x2000  }
0x116: {  	s0 =	sld [smem:$0x7F0]  }
0x117: {  	[sflag:s3] =	ssyncset.done $0x0  }
0x118: {  	[sflag:s3] =	ssyncadd.s32 $0xFFFFE000  }
0x119: {  	[spmem:s2] =	stream.indirect.scatter.add.f32 [tilespmem:s4], [sflag:$0x1], $0x80, s0, s7, $0xb8;
	[tilespmem:$0x18400] =	vst v63  }
0x11a: {  	_ =	swait.ge [sflag:s3], $0x2000  }
0x11b: {  	s0 =	sld [smem:$0x7F1]  }
0x11c: {  	[sflag:s3] =	ssyncset.done $0x0  }
0x11d: {  	[sflag:s3] =	ssyncadd.s32 $0xFFFFE000  }
0x11e: {  	[spmem:s2] =	stream.indirect.scatter.add.f32 [tilespmem:s4], [sflag:$0x1], $0x80, s0, s7, $0xb8;
	[tilespmem:$0x18400] =	vst v63  }
0x11f: {  	_ =	swait.ge [sflag:s3], $0x2000  }
0x120: {  	s0 =	sld [smem:$0x7F2]  }
0x121: {  	[sflag:s3] =	ssyncset.done $0x0  }
0x122: {  	[sflag:s3] =	ssyncadd.s32 $0xFFFFE000  }
0x123: {  	[spmem:s2] =	stream.indirect.scatter.add.f32 [tilespmem:s4], [sflag:$0x1], $0x80, s0, s7, $0xb8;
	[tilespmem:$0x18400] =	vst v63  }
0x124: {  	_ =	swait.ge [sflag:s3], $0x2000  }
0x125: {  	s0 =	sld [smem:$0x7F3]  }
0x126: {  	[sflag:s3] =	ssyncset.done $0x0  }
0x127: {  	[sflag:s3] =	ssyncadd.s32 $0xFFFFE000  }
0x128: {  	[spmem:s2] =	stream.indirect.scatter.add.f32 [tilespmem:s4], [sflag:$0x1], $0x80, s0, s7, $0xb8;
	[tilespmem:$0x18400] =	vst v63  }
0x129: {  	_ =	swait.ge [sflag:s3], $0x2000  }
0x12a: {  	s0 =	sld [smem:$0x7F4]  }
0x12b: {  	[sflag:s3] =	ssyncset.done $0x0  }
0x12c: {  	[sflag:s3] =	ssyncadd.s32 $0xFFFFE000  }
0x12d: {  	[spmem:s2] =	stream.indirect.scatter.add.f32 [tilespmem:s4], [sflag:$0x1], $0x80, s0, s7, $0xb8;
	[tilespmem:$0x18400] =	vst v63  }
0x12e: {  	_ =	swait.ge [sflag:s3], $0x2000  }
0x12f: {  	s0 =	sld [smem:$0x7F5]  }
0x130: {  	[sflag:s3] =	ssyncset.done $0x0  }
0x131: {  	[sflag:s3] =	ssyncadd.s32 $0xFFFFE000  }
0x132: {  	[spmem:s2] =	stream.indirect.scatter.add.f32 [tilespmem:s4], [sflag:$0x1], $0x80, s0, s7, $0xb8;
	[tilespmem:$0x18400] =	vst v63  }
0x133: {  	_ =	swait.ge [sflag:s3], $0x2000  }
0x134: {  	s0 =	sld [smem:$0x7F6]  }
0x135: {  	[sflag:s3] =	ssyncset.done $0x0  }
0x136: {  	[sflag:s3] =	ssyncadd.s32 $0xFFFFE000  }
0x137: {  	[spmem:s2] =	stream.indirect.scatter.add.f32 [tilespmem:s4], [sflag:$0x1], $0x80, s0, s7, $0xb8;
	[tilespmem:$0x18400] =	vst v63  }
0x138: {  	_ =	swait.ge [sflag:s3], $0x2000  }
0x139: {  	s0 =	sld [smem:$0x7F7]  }
0x13a: {  	[sflag:s3] =	ssyncset.done $0x0  }
0x13b: {  	[sflag:s3] =	ssyncadd.s32 $0xFFFFE000  }
0x13c: {  	[spmem:s2] =	stream.indirect.scatter.add.f32 [tilespmem:s4], [sflag:$0x1], $0x80, s0, s7, $0xb8;
	[tilespmem:$0x18400] =	vst v63  }
0x13d: {  	_ =	swait.ge [sflag:s3], $0x2000  }
0x13e: {  	s0 =	sld [smem:$0x7F8]  }
0x13f: {  	[sflag:s3] =	ssyncset.done $0x0  }
0x140: {  	[sflag:s3] =	ssyncadd.s32 $0xFFFFE000  }
0x141: {  	[spmem:s2] =	stream.indirect.scatter.add.f32 [tilespmem:s4], [sflag:$0x1], $0x80, s0, s7, $0xb8;
	[tilespmem:$0x18400] =	vst v63  }
0x142: {  	_ =	swait.ge [sflag:s3], $0x2000  }
0x143: {  	s0 =	sld [smem:$0x7F9]  }
0x144: {  	[sflag:s3] =	ssyncset.done $0x0  }
0x145: {  	[sflag:s3] =	ssyncadd.s32 $0xFFFFE000  }
0x146: {  	[spmem:s2] =	stream.indirect.scatter.add.f32 [tilespmem:s4], [sflag:$0x1], $0x80, s0, s7, $0xb8;
	[tilespmem:$0x18400] =	vst v63  }
0x147: {  	_ =	swait.ge [sflag:s3], $0x2000  }
0x148: {  	s0 =	sld [smem:$0x7FA]  }
0x149: {  	[sflag:s3] =	ssyncset.done $0x0  }
0x14a: {  	[sflag:s3] =	ssyncadd.s32 $0xFFFFE000  }
0x14b: {  	[spmem:s2] =	stream.indirect.scatter.add.f32 [tilespmem:s4], [sflag:$0x1], $0x80, s0, s7, $0xb8;
	[tilespmem:$0x18400] =	vst v63  }
0x14c: {  	_ =	swait.ge [sflag:s3], $0x2000  }
0x14d: {  	s0 =	sld [smem:$0x7FB]  }
0x14e: {  	[sflag:s3] =	ssyncset.done $0x0  }
0x14f: {  	[sflag:s3] =	ssyncadd.s32 $0xFFFFE000  }
0x150: {  	[spmem:s2] =	stream.indirect.scatter.add.f32 [tilespmem:s4], [sflag:$0x1], $0x80, s0, s7, $0xb8;
	[tilespmem:$0x18400] =	vst v63  }
0x151: {  	_ =	swait.ge [sflag:s3], $0x2000  }
0x152: {  	s0 =	sld [smem:$0x7FC]  }
0x153: {  	[sflag:s3] =	ssyncset.done $0x0  }
0x154: {  	[sflag:s3] =	ssyncadd.s32 $0xFFFFE000  }
0x155: {  	[spmem:s2] =	stream.indirect.scatter.add.f32 [tilespmem:s4], [sflag:$0x1], $0x80, s0, s7, $0xb8;
	[tilespmem:$0x18400] =	vst v63  }
0x156: {  	_ =	swait.ge [sflag:s3], $0x2000  }
0x157: {  	s0 =	sld [smem:$0x7FD]  }
0x158: {  	[sflag:s3] =	ssyncset.done $0x0  }
0x159: {  	[sflag:s3] =	ssyncadd.s32 $0xFFFFE000  }
0x15a: {  	[spmem:s2] =	stream.indirect.scatter.add.f32 [tilespmem:s4], [sflag:$0x1], $0x80, s0, s7, $0xb8;
	[tilespmem:$0x18400] =	vst v63  }
0x15b: {  	_ =	swait.ge [sflag:s3], $0x2000  }
0x15c: {  	[sflag:s3] =	ssyncset.done $0x0  }
0x15d: {  	[sflag:s3] =	ssyncadd.s32 $0xFFFFE000  }
0x15e: {  	[spmem:s2] =	stream.indirect.scatter.add.f32 [tilespmem:s4], [sflag:$0x1], $0x80, s30, s7, $0xb8;
	[tilespmem:$0x18400] =	vst v63  }
0x15f: {  	_ =	swait.ge [sflag:s3], $0x2000  }
0x160: {  	[sflag:s3] =	ssyncset.done $0x0  }
0x161: {  	[sflag:s3] =	ssyncadd.s32 $0xFFFFE000  }
0x162: {  	[spmem:s2] =	stream.indirect.scatter.add.f32 [tilespmem:s4], [sflag:$0x1], $0x80, s29, s7, $0xb8;
	[tilespmem:$0x18400] =	vst v63  }
0x163: {  	_ =	swait.ge [sflag:s3], $0x2000  }
0x164: {  	[sflag:s3] =	ssyncset.done $0x0  }
0x165: {  	[sflag:s3] =	ssyncadd.s32 $0xFFFFE000  }
0x166: {  	[spmem:s2] =	stream.indirect.scatter.add.f32 [tilespmem:s4], [sflag:$0x1], $0x80, s28, s7, $0xb8;
	[tilespmem:$0x18400] =	vst v63  }
0x167: {  	_ =	swait.ge [sflag:s3], $0x2000  }
0x168: {  	[sflag:s3] =	ssyncset.done $0x0  }
0x169: {  	[sflag:s3] =	ssyncadd.s32 $0xFFFFE000  }
0x16a: {  	[spmem:s2] =	stream.indirect.scatter.add.f32 [tilespmem:s4], [sflag:$0x1], $0x80, s26, s7, $0xb8;
	[tilespmem:$0x18400] =	vst v63  }
0x16b: {  	_ =	swait.ge [sflag:s3], $0x2000  }
0x16c: {  	[sflag:s3] =	ssyncset.done $0x0  }
0x16d: {  	[sflag:s3] =	ssyncadd.s32 $0xFFFFE000  }
0x16e: {  	[spmem:s2] =	stream.indirect.scatter.add.f32 [tilespmem:s4], [sflag:$0x1], $0x80, s25, s7, $0xb8;
	[tilespmem:$0x18400] =	vst v63  }
0x16f: {  	_ =	swait.ge [sflag:s3], $0x2000  }
0x170: {  	[sflag:s3] =	ssyncset.done $0x0  }
0x171: {  	[sflag:s3] =	ssyncadd.s32 $0xFFFFE000  }
0x172: {  	[spmem:s2] =	stream.indirect.scatter.add.f32 [tilespmem:s4], [sflag:$0x1], $0x80, s24, s7, $0xb8;
	[tilespmem:$0x18400] =	vst v63  }
0x173: {  	_ =	swait.ge [sflag:s3], $0x2000  }
0x174: {  	[sflag:s3] =	ssyncset.done $0x0  }
0x175: {  	[sflag:s3] =	ssyncadd.s32 $0xFFFFE000  }
0x176: {  	[spmem:s2] =	stream.indirect.scatter.add.f32 [tilespmem:s4], [sflag:$0x1], $0x80, s23, s7, $0xb8;
	[tilespmem:$0x18400] =	vst v63  }
0x177: {  	_ =	swait.ge [sflag:s3], $0x2000  }
0x178: {  	[sflag:s3] =	ssyncset.done $0x0  }
0x179: {  	[sflag:s3] =	ssyncadd.s32 $0xFFFFE000  }
0x17a: {  	[spmem:s2] =	stream.indirect.scatter.add.f32 [tilespmem:s4], [sflag:$0x1], $0x80, s22, s7, $0xb8;
	[tilespmem:$0x18400] =	vst v63  }
0x17b: {  	_ =	swait.ge [sflag:s3], $0x2000  }
0x17c: {  	[sflag:s3] =	ssyncset.done $0x0  }
0x17d: {  	[sflag:s3] =	ssyncadd.s32 $0xFFFFE000  }
0x17e: {  	[spmem:s2] =	stream.indirect.scatter.add.f32 [tilespmem:s4], [sflag:$0x1], $0x80, s21, s7, $0xb8;
	[tilespmem:$0x18400] =	vst v63  }
0x17f: {  	_ =	swait.ge [sflag:s3], $0x2000  }
0x180: {  	[sflag:s3] =	ssyncset.done $0x0  }
0x181: {  	[sflag:s3] =	ssyncadd.s32 $0xFFFFE000  }
0x182: {  	[spmem:s2] =	stream.indirect.scatter.add.f32 [tilespmem:s4], [sflag:$0x1], $0x80, s20, s7, $0xb8;
	[tilespmem:$0x18400] =	vst v63  }
0x183: {  	_ =	swait.ge [sflag:s3], $0x2000  }
0x184: {  	[sflag:s3] =	ssyncset.done $0x0  }
0x185: {  	[sflag:s3] =	ssyncadd.s32 $0xFFFFE000  }
0x186: {  	[spmem:s2] =	stream.indirect.scatter.add.f32 [tilespmem:s4], [sflag:$0x1], $0x80, s19, s7, $0xb8;
	[tilespmem:$0x18400] =	vst v63  }
0x187: {  	_ =	swait.ge [sflag:s3], $0x2000  }
0x188: {  	[sflag:s3] =	ssyncset.done $0x0  }
0x189: {  	[sflag:s3] =	ssyncadd.s32 $0xFFFFE000  }
0x18a: {  	[spmem:s2] =	stream.indirect.scatter.add.f32 [tilespmem:s4], [sflag:$0x1], $0x80, s18, s7, $0xb8;
	[tilespmem:$0x18400] =	vst v63  }
0x18b: {  	_ =	swait.ge [sflag:s3], $0x2000  }
0x18c: {  	[sflag:s3] =	ssyncset.done $0x0  }
0x18d: {  	[sflag:s3] =	ssyncadd.s32 $0xFFFFE000  }
0x18e: {  	[spmem:s2] =	stream.indirect.scatter.add.f32 [tilespmem:s4], [sflag:$0x1], $0x80, s17, s7, $0xb8;
	[tilespmem:$0x18400] =	vst v63  }
0x18f: {  	_ =	swait.ge [sflag:s3], $0x2000  }
0x190: {  	[sflag:s3] =	ssyncset.done $0x0  }
0x191: {  	[sflag:s3] =	ssyncadd.s32 $0xFFFFE000  }
0x192: {  	[spmem:s2] =	stream.indirect.scatter.add.f32 [tilespmem:s4], [sflag:$0x1], $0x80, s16, s7, $0xb8;
	[tilespmem:$0x18400] =	vst v63  }
0x193: {  	_ =	swait.ge [sflag:s3], $0x2000  }
0x194: {  	[sflag:s3] =	ssyncset.done $0x0  }
0x195: {  	[sflag:s3] =	ssyncadd.s32 $0xFFFFE000  }
0x196: {  	[spmem:s2] =	stream.indirect.scatter.add.f32 [tilespmem:s4], [sflag:$0x1], $0x80, s15, s7, $0xb8;
	[tilespmem:$0x18400] =	vst v63  }
0x197: {  	_ =	swait.ge [sflag:s3], $0x2000  }
0x198: {  	[sflag:s3] =	ssyncset.done $0x0  }
0x199: {  	[sflag:s3] =	ssyncadd.s32 $0xFFFFE000  }
0x19a: {  	[spmem:s2] =	stream.indirect.scatter.add.f32 [tilespmem:s4], [sflag:$0x1], $0x80, s13, s7, $0xb8;
	[tilespmem:$0x18400] =	vst v63  }
0x19b: {  	_ =	swait.ge [sflag:s3], $0x2000  }
0x19c: {  	[sflag:s3] =	ssyncset.done $0x0  }
0x19d: {  	[sflag:s3] =	ssyncadd.s32 $0xFFFFE000  }
0x19e: {  	[spmem:s2] =	stream.indirect.scatter.add.f32 [tilespmem:s4], [sflag:$0x1], $0x80, s14, s7, $0xb8;
	[tilespmem:$0x18400] =	vst v63  }
0x19f: {  	_ =	swait.ge [sflag:s3], $0x2000  }
0x1a0: {  	[sflag:s3] =	ssyncset.done $0x0  }
0x1a1: {  	[sflag:s3] =	ssyncadd.s32 $0xFFFFE000  }
0x1a2: {  	[spmem:s2] =	stream.indirect.scatter.add.f32 [tilespmem:s4], [sflag:$0x1], $0x80, s12, s7, $0xb8;
	[tilespmem:$0x18400] =	vst v63  }
0x1a3: {  	_ =	swait.ge [sflag:s3], $0x2000  }
0x1a4: {  	[sflag:s3] =	ssyncset.done $0x0  }
0x1a5: {  	[sflag:s3] =	ssyncadd.s32 $0xFFFFE000  }
0x1a6: {  	[spmem:s2] =	stream.indirect.scatter.add.f32 [tilespmem:s4], [sflag:$0x1], $0x80, s11, s7, $0xb8;
	[tilespmem:$0x18400] =	vst v63  }
0x1a7: {  	_ =	swait.ge [sflag:s3], $0x2000  }
0x1a8: {  	[sflag:s3] =	ssyncset.done $0x0  }
0x1a9: {  	[sflag:s3] =	ssyncadd.s32 $0xFFFFE000  }
0x1aa: {  	[spmem:s2] =	stream.indirect.scatter.add.f32 [tilespmem:s4], [sflag:$0x1], $0x80, s10, s7, $0xb8;
	[tilespmem:$0x18400] =	vst v63  }
0x1ab: {  	_ =	swait.ge [sflag:s3], $0x2000  }
0x1ac: {  	[sflag:s3] =	ssyncset.done $0x0  }
0x1ad: {  	[sflag:s3] =	ssyncadd.s32 $0xFFFFE000  }
0x1ae: {  	[spmem:s2] =	stream.indirect.scatter.add.f32 [tilespmem:s4], [sflag:$0x1], $0x80, s9, s7, $0xb8;
	[tilespmem:$0x18400] =	vst v63  }
0x1af: {  	_ =	swait.ge [sflag:s3], $0x2000  }
0x1b0: {  	[sflag:s3] =	ssyncset.done $0x0  }
0x1b1: {  	[sflag:s3] =	ssyncadd.s32 $0xFFFFE000  }
0x1b2: {  	[spmem:s2] =	stream.indirect.scatter.add.f32 [tilespmem:s4], [sflag:$0x1], $0x80, s8, s7, $0xb8;
	[tilespmem:$0x18400] =	vst v63  }
0x1b3: {  	_ =	swait.ge [sflag:s3], $0x2000  }
0x1b4: {  	[sflag:s3] =	ssyncset.done $0x0  }
0x1b5: {  	p1 =	sne.s32 s1, $0x1;
	[sflag:s3] =	ssyncadd.s32 $0xFFFFE000  }
.Ltmp1:
0x1b6: {  	[bflag:$0x0] =	sbarrier.arrive $0xFFFF;
	(pc) =	sbr.rel @!p1 .LBB2_3-.Ltmp1, $4  }
0x1b7: {  	s0 =	rddreg [dreg:$0x6]  }
0x1b8: {  	[hbm:s0], [sflag:s5] =	dma.local [spmem:s6], $0x2780  }
0x1b9: {  	s1 =	sadd.s32 $0xFFFFFFFF, s1;
	_ =	swait.ge [sflag:s3], $0x2780  }
0x1ba: {  	p0 =	por $0x1, $0x1;
	s0 =	rddreg [dreg:$0x5];
	[sflag:s3] =	ssyncset.done $0x0  }
.LBB2_2:
0x1bb: {  	[sflag:s3] =	ssyncadd.s32 $0xFFFFD880  }
0x1bc: {  	[tilespmem:s31], [sflag:$0x1] =	stream.linear.gather [hbm4b:s0+s31], $0x2800, $0x38;
	[tilespmem:$0x18400] =	vst v63  }
0x1bd: {  	_ =	swait.ge [sflag:s3], $0x2800  }
0x1be: {  	[sflag:s3] =	ssyncset.done $0x0  }
0x1bf: {  	s0 =	rddreg [dreg:$0x3];
	[sflag:s3] =	ssyncadd.s32 $0xFFFFD800  }
0x1c0: {  	[tilespmem:s4], [sflag:$0x1] =	stream.linear.gather [hbm4b:s0+s31], $0x2000, $0x38;
	[tilespmem:$0x18400] =	vst v63  }
0x1c1: {  	_ =	swait.ge [sflag:s3], $0x2000  }
0x1c2: {  	[sflag:s3] =	ssyncset.done $0x0  }
0x1c3: {  	s0 =	rddreg [dreg:$0x4];
	[sflag:s3] =	ssyncadd.s32 $0xFFFFE000  }
0x1c4: {  	[spmem:s6], [sflag:s5] =	dma.local [hbm:s0], $0x2780  }
0x1c5: {  	_ =	swait.ge [sflag:s3], $0x2780  }
0x1c6: {  	[sflag:s3] =	ssyncset.done $0x0  }
0x1c7: {  	[sflag:s3] =	ssyncadd.s32 $0xFFFFD880  }
0x1c8: {  	[bflag:$0x0] =	sbarrier.arrive $0xFFFF  }
0x1c9: {  	[spmem:s2] =	stream.indirect.scatter.add.f32 [tilespmem:s4], [sflag:$0x1], $0x80, s31, s7, $0xb8;
	[tilespmem:$0x18400] =	vst v63  }
0x1ca: {  	_ =	swait.ge [sflag:s3], $0x2000  }
0x1cb: {  	[sflag:s3] =	ssyncset.done $0x0  }
0x1cc: {  	s0 =	rddreg [dreg:$0x7];
	[sflag:s3] =	ssyncadd.s32 $0xFFFFE000  }
0x1cd: {  	[spmem:s2] =	stream.indirect.scatter.add.f32 [tilespmem:s4], [sflag:$0x1], $0x80, s0, s7, $0xb8;
	[tilespmem:$0x18400] =	vst v63  }
0x1ce: {  	_ =	swait.ge [sflag:s3], $0x2000  }
0x1cf: {  	[sflag:s3] =	ssyncset.done $0x0  }
0x1d0: {  	s0 =	rddreg [dreg:$0x8];
	[sflag:s3] =	ssyncadd.s32 $0xFFFFE000  }
0x1d1: {  	[spmem:s2] =	stream.indirect.scatter.add.f32 [tilespmem:s4], [sflag:$0x1], $0x80, s0, s7, $0xb8;
	[tilespmem:$0x18400] =	vst v63  }
0x1d2: {  	_ =	swait.ge [sflag:s3], $0x2000  }
0x1d3: {  	[sflag:s3] =	ssyncset.done $0x0  }
0x1d4: {  	s0 =	rddreg [dreg:$0x9];
	[sflag:s3] =	ssyncadd.s32 $0xFFFFE000  }
0x1d5: {  	[spmem:s2] =	stream.indirect.scatter.add.f32 [tilespmem:s4], [sflag:$0x1], $0x80, s0, s7, $0xb8;
	[tilespmem:$0x18400] =	vst v63  }
0x1d6: {  	_ =	swait.ge [sflag:s3], $0x2000  }
0x1d7: {  	[sflag:s3] =	ssyncset.done $0x0  }
0x1d8: {  	s0 =	rddreg [dreg:$0xa];
	[sflag:s3] =	ssyncadd.s32 $0xFFFFE000  }
0x1d9: {  	[spmem:s2] =	stream.indirect.scatter.add.f32 [tilespmem:s4], [sflag:$0x1], $0x80, s0, s7, $0xb8;
	[tilespmem:$0x18400] =	vst v63  }
0x1da: {  	_ =	swait.ge [sflag:s3], $0x2000  }
0x1db: {  	[sflag:s3] =	ssyncset.done $0x0  }
0x1dc: {  	s0 =	rddreg [dreg:$0xb];
	[sflag:s3] =	ssyncadd.s32 $0xFFFFE000  }
0x1dd: {  	[spmem:s2] =	stream.indirect.scatter.add.f32 [tilespmem:s4], [sflag:$0x1], $0x80, s0, s7, $0xb8;
	[tilespmem:$0x18400] =	vst v63  }
0x1de: {  	_ =	swait.ge [sflag:s3], $0x2000  }
0x1df: {  	[sflag:s3] =	ssyncset.done $0x0  }
0x1e0: {  	s0 =	rddreg [dreg:$0xc];
	[sflag:s3] =	ssyncadd.s32 $0xFFFFE000  }
0x1e1: {  	[spmem:s2] =	stream.indirect.scatter.add.f32 [tilespmem:s4], [sflag:$0x1], $0x80, s0, s7, $0xb8;
	[tilespmem:$0x18400] =	vst v63  }
0x1e2: {  	_ =	swait.ge [sflag:s3], $0x2000  }
0x1e3: {  	[sflag:s3] =	ssyncset.done $0x0  }
0x1e4: {  	s0 =	rddreg [dreg:$0xd];
	[sflag:s3] =	ssyncadd.s32 $0xFFFFE000  }
0x1e5: {  	[spmem:s2] =	stream.indirect.scatter.add.f32 [tilespmem:s4], [sflag:$0x1], $0x80, s0, s7, $0xb8;
	[tilespmem:$0x18400] =	vst v63  }
0x1e6: {  	_ =	swait.ge [sflag:s3], $0x2000  }
0x1e7: {  	[sflag:s3] =	ssyncset.done $0x0  }
0x1e8: {  	s0 =	rddreg [dreg:$0xe];
	[sflag:s3] =	ssyncadd.s32 $0xFFFFE000  }
0x1e9: {  	[spmem:s2] =	stream.indirect.scatter.add.f32 [tilespmem:s4], [sflag:$0x1], $0x80, s0, s7, $0xb8;
	[tilespmem:$0x18400] =	vst v63  }
0x1ea: {  	_ =	swait.ge [sflag:s3], $0x2000  }
0x1eb: {  	[sflag:s3] =	ssyncset.done $0x0  }
0x1ec: {  	s0 =	rddreg [dreg:$0xf];
	[sflag:s3] =	ssyncadd.s32 $0xFFFFE000  }
0x1ed: {  	[spmem:s2] =	stream.indirect.scatter.add.f32 [tilespmem:s4], [sflag:$0x1], $0x80, s0, s7, $0xb8;
	[tilespmem:$0x18400] =	vst v63  }
0x1ee: {  	_ =	swait.ge [sflag:s3], $0x2000  }
0x1ef: {  	[sflag:s3] =	ssyncset.done $0x0  }
0x1f0: {  	s0 =	rddreg [dreg:$0x10];
	[sflag:s3] =	ssyncadd.s32 $0xFFFFE000  }
0x1f1: {  	[spmem:s2] =	stream.indirect.scatter.add.f32 [tilespmem:s4], [sflag:$0x1], $0x80, s0, s7, $0xb8;
	[tilespmem:$0x18400] =	vst v63  }
0x1f2: {  	_ =	swait.ge [sflag:s3], $0x2000  }
0x1f3: {  	[sflag:s3] =	ssyncset.done $0x0  }
0x1f4: {  	s0 =	rddreg [dreg:$0x11];
	[sflag:s3] =	ssyncadd.s32 $0xFFFFE000  }
0x1f5: {  	[spmem:s2] =	stream.indirect.scatter.add.f32 [tilespmem:s4], [sflag:$0x1], $0x80, s0, s7, $0xb8;
	[tilespmem:$0x18400] =	vst v63  }
0x1f6: {  	_ =	swait.ge [sflag:s3], $0x2000  }
0x1f7: {  	[sflag:s3] =	ssyncset.done $0x0  }
0x1f8: {  	s0 =	rddreg [dreg:$0x12];
	[sflag:s3] =	ssyncadd.s32 $0xFFFFE000  }
0x1f9: {  	[spmem:s2] =	stream.indirect.scatter.add.f32 [tilespmem:s4], [sflag:$0x1], $0x80, s0, s7, $0xb8;
	[tilespmem:$0x18400] =	vst v63  }
0x1fa: {  	_ =	swait.ge [sflag:s3], $0x2000  }
0x1fb: {  	[sflag:s3] =	ssyncset.done $0x0  }
0x1fc: {  	s0 =	rddreg [dreg:$0x13];
	[sflag:s3] =	ssyncadd.s32 $0xFFFFE000  }
0x1fd: {  	[spmem:s2] =	stream.indirect.scatter.add.f32 [tilespmem:s4], [sflag:$0x1], $0x80, s0, s7, $0xb8;
	[tilespmem:$0x18400] =	vst v63  }
0x1fe: {  	_ =	swait.ge [sflag:s3], $0x2000  }
0x1ff: {  	[sflag:s3] =	ssyncset.done $0x0  }
0x200: {  	s0 =	rddreg [dreg:$0x14];
	[sflag:s3] =	ssyncadd.s32 $0xFFFFE000  }
0x201: {  	[spmem:s2] =	stream.indirect.scatter.add.f32 [tilespmem:s4], [sflag:$0x1], $0x80, s0, s7, $0xb8;
	[tilespmem:$0x18400] =	vst v63  }
0x202: {  	_ =	swait.ge [sflag:s3], $0x2000  }
0x203: {  	[sflag:s3] =	ssyncset.done $0x0  }
0x204: {  	s0 =	rddreg [dreg:$0x15];
	[sflag:s3] =	ssyncadd.s32 $0xFFFFE000  }
0x205: {  	[spmem:s2] =	stream.indirect.scatter.add.f32 [tilespmem:s4], [sflag:$0x1], $0x80, s0, s7, $0xb8;
	[tilespmem:$0x18400] =	vst v63  }
0x206: {  	_ =	swait.ge [sflag:s3], $0x2000  }
0x207: {  	[sflag:s3] =	ssyncset.done $0x0  }
0x208: {  	s0 =	rddreg [dreg:$0x16];
	[sflag:s3] =	ssyncadd.s32 $0xFFFFE000  }
0x209: {  	[spmem:s2] =	stream.indirect.scatter.add.f32 [tilespmem:s4], [sflag:$0x1], $0x80, s0, s7, $0xb8;
	[tilespmem:$0x18400] =	vst v63  }
0x20a: {  	_ =	swait.ge [sflag:s3], $0x2000  }
0x20b: {  	[sflag:s3] =	ssyncset.done $0x0  }
0x20c: {  	s0 =	rddreg [dreg:$0x17];
	[sflag:s3] =	ssyncadd.s32 $0xFFFFE000  }
0x20d: {  	[spmem:s2] =	stream.indirect.scatter.add.f32 [tilespmem:s4], [sflag:$0x1], $0x80, s0, s7, $0xb8;
	[tilespmem:$0x18400] =	vst v63  }
0x20e: {  	_ =	swait.ge [sflag:s3], $0x2000  }
0x20f: {  	[sflag:s3] =	ssyncset.done $0x0  }
0x210: {  	s0 =	rddreg [dreg:$0x18];
	[sflag:s3] =	ssyncadd.s32 $0xFFFFE000  }
0x211: {  	[spmem:s2] =	stream.indirect.scatter.add.f32 [tilespmem:s4], [sflag:$0x1], $0x80, s0, s7, $0xb8;
	[tilespmem:$0x18400] =	vst v63  }
0x212: {  	_ =	swait.ge [sflag:s3], $0x2000  }
0x213: {  	[sflag:s3] =	ssyncset.done $0x0  }
0x214: {  	s0 =	rddreg [dreg:$0x19];
	[sflag:s3] =	ssyncadd.s32 $0xFFFFE000  }
0x215: {  	[spmem:s2] =	stream.indirect.scatter.add.f32 [tilespmem:s4], [sflag:$0x1], $0x80, s0, s7, $0xb8;
	[tilespmem:$0x18400] =	vst v63  }
0x216: {  	_ =	swait.ge [sflag:s3], $0x2000  }
0x217: {  	[sflag:s3] =	ssyncset.done $0x0  }
0x218: {  	s0 =	rddreg [dreg:$0x1a];
	[sflag:s3] =	ssyncadd.s32 $0xFFFFE000  }
0x219: {  	[spmem:s2] =	stream.indirect.scatter.add.f32 [tilespmem:s4], [sflag:$0x1], $0x80, s0, s7, $0xb8;
	[tilespmem:$0x18400] =	vst v63  }
0x21a: {  	_ =	swait.ge [sflag:s3], $0x2000  }
0x21b: {  	[sflag:s3] =	ssyncset.done $0x0  }
0x21c: {  	s0 =	rddreg [dreg:$0x1b];
	[sflag:s3] =	ssyncadd.s32 $0xFFFFE000  }
0x21d: {  	[spmem:s2] =	stream.indirect.scatter.add.f32 [tilespmem:s4], [sflag:$0x1], $0x80, s0, s7, $0xb8;
	[tilespmem:$0x18400] =	vst v63  }
0x21e: {  	_ =	swait.ge [sflag:s3], $0x2000  }
0x21f: {  	[sflag:s3] =	ssyncset.done $0x0  }
0x220: {  	s0 =	rddreg [dreg:$0x1c];
	[sflag:s3] =	ssyncadd.s32 $0xFFFFE000  }
0x221: {  	[spmem:s2] =	stream.indirect.scatter.add.f32 [tilespmem:s4], [sflag:$0x1], $0x80, s0, s7, $0xb8;
	[tilespmem:$0x18400] =	vst v63  }
0x222: {  	_ =	swait.ge [sflag:s3], $0x2000  }
0x223: {  	[sflag:s3] =	ssyncset.done $0x0  }
0x224: {  	s0 =	rddreg [dreg:$0x1d];
	[sflag:s3] =	ssyncadd.s32 $0xFFFFE000  }
0x225: {  	[spmem:s2] =	stream.indirect.scatter.add.f32 [tilespmem:s4], [sflag:$0x1], $0x80, s0, s7, $0xb8;
	[tilespmem:$0x18400] =	vst v63  }
0x226: {  	_ =	swait.ge [sflag:s3], $0x2000  }
0x227: {  	[sflag:s3] =	ssyncset.done $0x0  }
0x228: {  	s0 =	rddreg [dreg:$0x1e];
	[sflag:s3] =	ssyncadd.s32 $0xFFFFE000  }
0x229: {  	[spmem:s2] =	stream.indirect.scatter.add.f32 [tilespmem:s4], [sflag:$0x1], $0x80, s0, s7, $0xb8;
	[tilespmem:$0x18400] =	vst v63  }
0x22a: {  	_ =	swait.ge [sflag:s3], $0x2000  }
0x22b: {  	[sflag:s3] =	ssyncset.done $0x0  }
0x22c: {  	s0 =	rddreg [dreg:$0x1f];
	[sflag:s3] =	ssyncadd.s32 $0xFFFFE000  }
0x22d: {  	[spmem:s2] =	stream.indirect.scatter.add.f32 [tilespmem:s4], [sflag:$0x1], $0x80, s0, s7, $0xb8;
	[tilespmem:$0x18400] =	vst v63  }
0x22e: {  	_ =	swait.ge [sflag:s3], $0x2000  }
0x22f: {  	s0 =	sld [smem:$0x7DE]  }
0x230: {  	[sflag:s3] =	ssyncset.done $0x0  }
0x231: {  	[sflag:s3] =	ssyncadd.s32 $0xFFFFE000  }
0x232: {  	[spmem:s2] =	stream.indirect.scatter.add.f32 [tilespmem:s4], [sflag:$0x1], $0x80, s0, s7, $0xb8;
	[tilespmem:$0x18400] =	vst v63  }
0x233: {  	_ =	swait.ge [sflag:s3], $0x2000  }
0x234: {  	s0 =	sld [smem:$0x7DF]  }
0x235: {  	[sflag:s3] =	ssyncset.done $0x0  }
0x236: {  	[sflag:s3] =	ssyncadd.s32 $0xFFFFE000  }
0x237: {  	[spmem:s2] =	stream.indirect.scatter.add.f32 [tilespmem:s4], [sflag:$0x1], $0x80, s0, s7, $0xb8;
	[tilespmem:$0x18400] =	vst v63  }
0x238: {  	_ =	swait.ge [sflag:s3], $0x2000  }
0x239: {  	s0 =	sld [smem:$0x7E0]  }
0x23a: {  	[sflag:s3] =	ssyncset.done $0x0  }
0x23b: {  	[sflag:s3] =	ssyncadd.s32 $0xFFFFE000  }
0x23c: {  	[spmem:s2] =	stream.indirect.scatter.add.f32 [tilespmem:s4], [sflag:$0x1], $0x80, s0, s7, $0xb8;
	[tilespmem:$0x18400] =	vst v63  }
0x23d: {  	_ =	swait.ge [sflag:s3], $0x2000  }
0x23e: {  	s0 =	sld [smem:$0x7E1]  }
0x23f: {  	[sflag:s3] =	ssyncset.done $0x0  }
0x240: {  	[sflag:s3] =	ssyncadd.s32 $0xFFFFE000  }
0x241: {  	[spmem:s2] =	stream.indirect.scatter.add.f32 [tilespmem:s4], [sflag:$0x1], $0x80, s0, s7, $0xb8;
	[tilespmem:$0x18400] =	vst v63  }
0x242: {  	_ =	swait.ge [sflag:s3], $0x2000  }
0x243: {  	s0 =	sld [smem:$0x7E2]  }
0x244: {  	[sflag:s3] =	ssyncset.done $0x0  }
0x245: {  	[sflag:s3] =	ssyncadd.s32 $0xFFFFE000  }
0x246: {  	[spmem:s2] =	stream.indirect.scatter.add.f32 [tilespmem:s4], [sflag:$0x1], $0x80, s0, s7, $0xb8;
	[tilespmem:$0x18400] =	vst v63  }
0x247: {  	_ =	swait.ge [sflag:s3], $0x2000  }
0x248: {  	s0 =	sld [smem:$0x7E3]  }
0x249: {  	[sflag:s3] =	ssyncset.done $0x0  }
0x24a: {  	[sflag:s3] =	ssyncadd.s32 $0xFFFFE000  }
0x24b: {  	[spmem:s2] =	stream.indirect.scatter.add.f32 [tilespmem:s4], [sflag:$0x1], $0x80, s0, s7, $0xb8;
	[tilespmem:$0x18400] =	vst v63  }
0x24c: {  	_ =	swait.ge [sflag:s3], $0x2000  }
0x24d: {  	s0 =	sld [smem:$0x7E4]  }
0x24e: {  	[sflag:s3] =	ssyncset.done $0x0  }
0x24f: {  	[sflag:s3] =	ssyncadd.s32 $0xFFFFE000  }
0x250: {  	[spmem:s2] =	stream.indirect.scatter.add.f32 [tilespmem:s4], [sflag:$0x1], $0x80, s0, s7, $0xb8;
	[tilespmem:$0x18400] =	vst v63  }
0x251: {  	_ =	swait.ge [sflag:s3], $0x2000  }
0x252: {  	s0 =	sld [smem:$0x7E5]  }
0x253: {  	[sflag:s3] =	ssyncset.done $0x0  }
0x254: {  	[sflag:s3] =	ssyncadd.s32 $0xFFFFE000  }
0x255: {  	[spmem:s2] =	stream.indirect.scatter.add.f32 [tilespmem:s4], [sflag:$0x1], $0x80, s0, s7, $0xb8;
	[tilespmem:$0x18400] =	vst v63  }
0x256: {  	_ =	swait.ge [sflag:s3], $0x2000  }
0x257: {  	s0 =	sld [smem:$0x7E6]  }
0x258: {  	[sflag:s3] =	ssyncset.done $0x0  }
0x259: {  	[sflag:s3] =	ssyncadd.s32 $0xFFFFE000  }
0x25a: {  	[spmem:s2] =	stream.indirect.scatter.add.f32 [tilespmem:s4], [sflag:$0x1], $0x80, s0, s7, $0xb8;
	[tilespmem:$0x18400] =	vst v63  }
0x25b: {  	_ =	swait.ge [sflag:s3], $0x2000  }
0x25c: {  	s0 =	sld [smem:$0x7E7]  }
0x25d: {  	[sflag:s3] =	ssyncset.done $0x0  }
0x25e: {  	[sflag:s3] =	ssyncadd.s32 $0xFFFFE000  }
0x25f: {  	[spmem:s2] =	stream.indirect.scatter.add.f32 [tilespmem:s4], [sflag:$0x1], $0x80, s0, s7, $0xb8;
	[tilespmem:$0x18400] =	vst v63  }
0x260: {  	_ =	swait.ge [sflag:s3], $0x2000  }
0x261: {  	s0 =	sld [smem:$0x7E8]  }
0x262: {  	[sflag:s3] =	ssyncset.done $0x0  }
0x263: {  	[sflag:s3] =	ssyncadd.s32 $0xFFFFE000  }
0x264: {  	[spmem:s2] =	stream.indirect.scatter.add.f32 [tilespmem:s4], [sflag:$0x1], $0x80, s0, s7, $0xb8;
	[tilespmem:$0x18400] =	vst v63  }
0x265: {  	_ =	swait.ge [sflag:s3], $0x2000  }
0x266: {  	s0 =	sld [smem:$0x7E9]  }
0x267: {  	[sflag:s3] =	ssyncset.done $0x0  }
0x268: {  	[sflag:s3] =	ssyncadd.s32 $0xFFFFE000  }
0x269: {  	[spmem:s2] =	stream.indirect.scatter.add.f32 [tilespmem:s4], [sflag:$0x1], $0x80, s0, s7, $0xb8;
	[tilespmem:$0x18400] =	vst v63  }
0x26a: {  	_ =	swait.ge [sflag:s3], $0x2000  }
0x26b: {  	s0 =	sld [smem:$0x7EA]  }
0x26c: {  	[sflag:s3] =	ssyncset.done $0x0  }
0x26d: {  	[sflag:s3] =	ssyncadd.s32 $0xFFFFE000  }
0x26e: {  	[spmem:s2] =	stream.indirect.scatter.add.f32 [tilespmem:s4], [sflag:$0x1], $0x80, s0, s7, $0xb8;
	[tilespmem:$0x18400] =	vst v63  }
0x26f: {  	_ =	swait.ge [sflag:s3], $0x2000  }
0x270: {  	s0 =	sld [smem:$0x7EB]  }
0x271: {  	[sflag:s3] =	ssyncset.done $0x0  }
0x272: {  	[sflag:s3] =	ssyncadd.s32 $0xFFFFE000  }
0x273: {  	[spmem:s2] =	stream.indirect.scatter.add.f32 [tilespmem:s4], [sflag:$0x1], $0x80, s0, s7, $0xb8;
	[tilespmem:$0x18400] =	vst v63  }
0x274: {  	_ =	swait.ge [sflag:s3], $0x2000  }
0x275: {  	s0 =	sld [smem:$0x7EC]  }
0x276: {  	[sflag:s3] =	ssyncset.done $0x0  }
0x277: {  	[sflag:s3] =	ssyncadd.s32 $0xFFFFE000  }
0x278: {  	[spmem:s2] =	stream.indirect.scatter.add.f32 [tilespmem:s4], [sflag:$0x1], $0x80, s0, s7, $0xb8;
	[tilespmem:$0x18400] =	vst v63  }
0x279: {  	_ =	swait.ge [sflag:s3], $0x2000  }
0x27a: {  	s0 =	sld [smem:$0x7ED]  }
0x27b: {  	[sflag:s3] =	ssyncset.done $0x0  }
0x27c: {  	[sflag:s3] =	ssyncadd.s32 $0xFFFFE000  }
0x27d: {  	[spmem:s2] =	stream.indirect.scatter.add.f32 [tilespmem:s4], [sflag:$0x1], $0x80, s0, s7, $0xb8;
	[tilespmem:$0x18400] =	vst v63  }
0x27e: {  	_ =	swait.ge [sflag:s3], $0x2000  }
0x27f: {  	s0 =	sld [smem:$0x7EE]  }
0x280: {  	[sflag:s3] =	ssyncset.done $0x0  }
0x281: {  	[sflag:s3] =	ssyncadd.s32 $0xFFFFE000  }
0x282: {  	[spmem:s2] =	stream.indirect.scatter.add.f32 [tilespmem:s4], [sflag:$0x1], $0x80, s0, s7, $0xb8;
	[tilespmem:$0x18400] =	vst v63  }
0x283: {  	_ =	swait.ge [sflag:s3], $0x2000  }
0x284: {  	s0 =	sld [smem:$0x7EF]  }
0x285: {  	[sflag:s3] =	ssyncset.done $0x0  }
0x286: {  	[sflag:s3] =	ssyncadd.s32 $0xFFFFE000  }
0x287: {  	[spmem:s2] =	stream.indirect.scatter.add.f32 [tilespmem:s4], [sflag:$0x1], $0x80, s0, s7, $0xb8;
	[tilespmem:$0x18400] =	vst v63  }
0x288: {  	_ =	swait.ge [sflag:s3], $0x2000  }
0x289: {  	s0 =	sld [smem:$0x7F0]  }
0x28a: {  	[sflag:s3] =	ssyncset.done $0x0  }
0x28b: {  	[sflag:s3] =	ssyncadd.s32 $0xFFFFE000  }
0x28c: {  	[spmem:s2] =	stream.indirect.scatter.add.f32 [tilespmem:s4], [sflag:$0x1], $0x80, s0, s7, $0xb8;
	[tilespmem:$0x18400] =	vst v63  }
0x28d: {  	_ =	swait.ge [sflag:s3], $0x2000  }
0x28e: {  	s0 =	sld [smem:$0x7F1]  }
0x28f: {  	[sflag:s3] =	ssyncset.done $0x0  }
0x290: {  	[sflag:s3] =	ssyncadd.s32 $0xFFFFE000  }
0x291: {  	[spmem:s2] =	stream.indirect.scatter.add.f32 [tilespmem:s4], [sflag:$0x1], $0x80, s0, s7, $0xb8;
	[tilespmem:$0x18400] =	vst v63  }
0x292: {  	_ =	swait.ge [sflag:s3], $0x2000  }
0x293: {  	s0 =	sld [smem:$0x7F2]  }
0x294: {  	[sflag:s3] =	ssyncset.done $0x0  }
0x295: {  	[sflag:s3] =	ssyncadd.s32 $0xFFFFE000  }
0x296: {  	[spmem:s2] =	stream.indirect.scatter.add.f32 [tilespmem:s4], [sflag:$0x1], $0x80, s0, s7, $0xb8;
	[tilespmem:$0x18400] =	vst v63  }
0x297: {  	_ =	swait.ge [sflag:s3], $0x2000  }
0x298: {  	s0 =	sld [smem:$0x7F3]  }
0x299: {  	[sflag:s3] =	ssyncset.done $0x0  }
0x29a: {  	[sflag:s3] =	ssyncadd.s32 $0xFFFFE000  }
0x29b: {  	[spmem:s2] =	stream.indirect.scatter.add.f32 [tilespmem:s4], [sflag:$0x1], $0x80, s0, s7, $0xb8;
	[tilespmem:$0x18400] =	vst v63  }
0x29c: {  	_ =	swait.ge [sflag:s3], $0x2000  }
0x29d: {  	s0 =	sld [smem:$0x7F4]  }
0x29e: {  	[sflag:s3] =	ssyncset.done $0x0  }
0x29f: {  	[sflag:s3] =	ssyncadd.s32 $0xFFFFE000  }
0x2a0: {  	[spmem:s2] =	stream.indirect.scatter.add.f32 [tilespmem:s4], [sflag:$0x1], $0x80, s0, s7, $0xb8;
	[tilespmem:$0x18400] =	vst v63  }
0x2a1: {  	_ =	swait.ge [sflag:s3], $0x2000  }
0x2a2: {  	s0 =	sld [smem:$0x7F5]  }
0x2a3: {  	[sflag:s3] =	ssyncset.done $0x0  }
0x2a4: {  	[sflag:s3] =	ssyncadd.s32 $0xFFFFE000  }
0x2a5: {  	[spmem:s2] =	stream.indirect.scatter.add.f32 [tilespmem:s4], [sflag:$0x1], $0x80, s0, s7, $0xb8;
	[tilespmem:$0x18400] =	vst v63  }
0x2a6: {  	_ =	swait.ge [sflag:s3], $0x2000  }
0x2a7: {  	s0 =	sld [smem:$0x7F6]  }
0x2a8: {  	[sflag:s3] =	ssyncset.done $0x0  }
0x2a9: {  	[sflag:s3] =	ssyncadd.s32 $0xFFFFE000  }
0x2aa: {  	[spmem:s2] =	stream.indirect.scatter.add.f32 [tilespmem:s4], [sflag:$0x1], $0x80, s0, s7, $0xb8;
	[tilespmem:$0x18400] =	vst v63  }
0x2ab: {  	_ =	swait.ge [sflag:s3], $0x2000  }
0x2ac: {  	s0 =	sld [smem:$0x7F7]  }
0x2ad: {  	[sflag:s3] =	ssyncset.done $0x0  }
0x2ae: {  	[sflag:s3] =	ssyncadd.s32 $0xFFFFE000  }
0x2af: {  	[spmem:s2] =	stream.indirect.scatter.add.f32 [tilespmem:s4], [sflag:$0x1], $0x80, s0, s7, $0xb8;
	[tilespmem:$0x18400] =	vst v63  }
0x2b0: {  	_ =	swait.ge [sflag:s3], $0x2000  }
0x2b1: {  	s0 =	sld [smem:$0x7F8]  }
0x2b2: {  	[sflag:s3] =	ssyncset.done $0x0  }
0x2b3: {  	[sflag:s3] =	ssyncadd.s32 $0xFFFFE000  }
0x2b4: {  	[spmem:s2] =	stream.indirect.scatter.add.f32 [tilespmem:s4], [sflag:$0x1], $0x80, s0, s7, $0xb8;
	[tilespmem:$0x18400] =	vst v63  }
0x2b5: {  	_ =	swait.ge [sflag:s3], $0x2000  }
0x2b6: {  	s0 =	sld [smem:$0x7F9]  }
0x2b7: {  	[sflag:s3] =	ssyncset.done $0x0  }
0x2b8: {  	[sflag:s3] =	ssyncadd.s32 $0xFFFFE000  }
0x2b9: {  	[spmem:s2] =	stream.indirect.scatter.add.f32 [tilespmem:s4], [sflag:$0x1], $0x80, s0, s7, $0xb8;
	[tilespmem:$0x18400] =	vst v63  }
0x2ba: {  	_ =	swait.ge [sflag:s3], $0x2000  }
0x2bb: {  	s0 =	sld [smem:$0x7FA]  }
0x2bc: {  	[sflag:s3] =	ssyncset.done $0x0  }
0x2bd: {  	[sflag:s3] =	ssyncadd.s32 $0xFFFFE000  }
0x2be: {  	[spmem:s2] =	stream.indirect.scatter.add.f32 [tilespmem:s4], [sflag:$0x1], $0x80, s0, s7, $0xb8;
	[tilespmem:$0x18400] =	vst v63  }
0x2bf: {  	_ =	swait.ge [sflag:s3], $0x2000  }
0x2c0: {  	s0 =	sld [smem:$0x7FB]  }
0x2c1: {  	[sflag:s3] =	ssyncset.done $0x0  }
0x2c2: {  	[sflag:s3] =	ssyncadd.s32 $0xFFFFE000  }
0x2c3: {  	[spmem:s2] =	stream.indirect.scatter.add.f32 [tilespmem:s4], [sflag:$0x1], $0x80, s0, s7, $0xb8;
	[tilespmem:$0x18400] =	vst v63  }
0x2c4: {  	_ =	swait.ge [sflag:s3], $0x2000  }
0x2c5: {  	s0 =	sld [smem:$0x7FC]  }
0x2c6: {  	[sflag:s3] =	ssyncset.done $0x0  }
0x2c7: {  	[sflag:s3] =	ssyncadd.s32 $0xFFFFE000  }
0x2c8: {  	[spmem:s2] =	stream.indirect.scatter.add.f32 [tilespmem:s4], [sflag:$0x1], $0x80, s0, s7, $0xb8;
	[tilespmem:$0x18400] =	vst v63  }
0x2c9: {  	_ =	swait.ge [sflag:s3], $0x2000  }
0x2ca: {  	s0 =	sld [smem:$0x7FD]  }
0x2cb: {  	[sflag:s3] =	ssyncset.done $0x0  }
0x2cc: {  	[sflag:s3] =	ssyncadd.s32 $0xFFFFE000  }
0x2cd: {  	[spmem:s2] =	stream.indirect.scatter.add.f32 [tilespmem:s4], [sflag:$0x1], $0x80, s0, s7, $0xb8;
	[tilespmem:$0x18400] =	vst v63  }
0x2ce: {  	_ =	swait.ge [sflag:s3], $0x2000  }
0x2cf: {  	[sflag:s3] =	ssyncset.done $0x0  }
0x2d0: {  	[sflag:s3] =	ssyncadd.s32 $0xFFFFE000  }
0x2d1: {  	[spmem:s2] =	stream.indirect.scatter.add.f32 [tilespmem:s4], [sflag:$0x1], $0x80, s30, s7, $0xb8;
	[tilespmem:$0x18400] =	vst v63  }
0x2d2: {  	_ =	swait.ge [sflag:s3], $0x2000  }
0x2d3: {  	[sflag:s3] =	ssyncset.done $0x0  }
0x2d4: {  	[sflag:s3] =	ssyncadd.s32 $0xFFFFE000  }
0x2d5: {  	[spmem:s2] =	stream.indirect.scatter.add.f32 [tilespmem:s4], [sflag:$0x1], $0x80, s29, s7, $0xb8;
	[tilespmem:$0x18400] =	vst v63  }
0x2d6: {  	_ =	swait.ge [sflag:s3], $0x2000  }
0x2d7: {  	[sflag:s3] =	ssyncset.done $0x0  }
0x2d8: {  	[sflag:s3] =	ssyncadd.s32 $0xFFFFE000  }
0x2d9: {  	[spmem:s2] =	stream.indirect.scatter.add.f32 [tilespmem:s4], [sflag:$0x1], $0x80, s28, s7, $0xb8;
	[tilespmem:$0x18400] =	vst v63  }
0x2da: {  	_ =	swait.ge [sflag:s3], $0x2000  }
0x2db: {  	[sflag:s3] =	ssyncset.done $0x0  }
0x2dc: {  	[sflag:s3] =	ssyncadd.s32 $0xFFFFE000  }
0x2dd: {  	[spmem:s2] =	stream.indirect.scatter.add.f32 [tilespmem:s4], [sflag:$0x1], $0x80, s26, s7, $0xb8;
	[tilespmem:$0x18400] =	vst v63  }
0x2de: {  	_ =	swait.ge [sflag:s3], $0x2000  }
0x2df: {  	[sflag:s3] =	ssyncset.done $0x0  }
0x2e0: {  	[sflag:s3] =	ssyncadd.s32 $0xFFFFE000  }
0x2e1: {  	[spmem:s2] =	stream.indirect.scatter.add.f32 [tilespmem:s4], [sflag:$0x1], $0x80, s25, s7, $0xb8;
	[tilespmem:$0x18400] =	vst v63  }
0x2e2: {  	_ =	swait.ge [sflag:s3], $0x2000  }
0x2e3: {  	[sflag:s3] =	ssyncset.done $0x0  }
0x2e4: {  	[sflag:s3] =	ssyncadd.s32 $0xFFFFE000  }
0x2e5: {  	[spmem:s2] =	stream.indirect.scatter.add.f32 [tilespmem:s4], [sflag:$0x1], $0x80, s24, s7, $0xb8;
	[tilespmem:$0x18400] =	vst v63  }
0x2e6: {  	_ =	swait.ge [sflag:s3], $0x2000  }
0x2e7: {  	[sflag:s3] =	ssyncset.done $0x0  }
0x2e8: {  	[sflag:s3] =	ssyncadd.s32 $0xFFFFE000  }
0x2e9: {  	[spmem:s2] =	stream.indirect.scatter.add.f32 [tilespmem:s4], [sflag:$0x1], $0x80, s23, s7, $0xb8;
	[tilespmem:$0x18400] =	vst v63  }
0x2ea: {  	_ =	swait.ge [sflag:s3], $0x2000  }
0x2eb: {  	[sflag:s3] =	ssyncset.done $0x0  }
0x2ec: {  	[sflag:s3] =	ssyncadd.s32 $0xFFFFE000  }
0x2ed: {  	[spmem:s2] =	stream.indirect.scatter.add.f32 [tilespmem:s4], [sflag:$0x1], $0x80, s22, s7, $0xb8;
	[tilespmem:$0x18400] =	vst v63  }
0x2ee: {  	_ =	swait.ge [sflag:s3], $0x2000  }
0x2ef: {  	[sflag:s3] =	ssyncset.done $0x0  }
0x2f0: {  	[sflag:s3] =	ssyncadd.s32 $0xFFFFE000  }
0x2f1: {  	[spmem:s2] =	stream.indirect.scatter.add.f32 [tilespmem:s4], [sflag:$0x1], $0x80, s21, s7, $0xb8;
	[tilespmem:$0x18400] =	vst v63  }
0x2f2: {  	_ =	swait.ge [sflag:s3], $0x2000  }
0x2f3: {  	[sflag:s3] =	ssyncset.done $0x0  }
0x2f4: {  	[sflag:s3] =	ssyncadd.s32 $0xFFFFE000  }
0x2f5: {  	[spmem:s2] =	stream.indirect.scatter.add.f32 [tilespmem:s4], [sflag:$0x1], $0x80, s20, s7, $0xb8;
	[tilespmem:$0x18400] =	vst v63  }
0x2f6: {  	_ =	swait.ge [sflag:s3], $0x2000  }
0x2f7: {  	[sflag:s3] =	ssyncset.done $0x0  }
0x2f8: {  	[sflag:s3] =	ssyncadd.s32 $0xFFFFE000  }
0x2f9: {  	[spmem:s2] =	stream.indirect.scatter.add.f32 [tilespmem:s4], [sflag:$0x1], $0x80, s19, s7, $0xb8;
	[tilespmem:$0x18400] =	vst v63  }
0x2fa: {  	_ =	swait.ge [sflag:s3], $0x2000  }
0x2fb: {  	[sflag:s3] =	ssyncset.done $0x0  }
0x2fc: {  	[sflag:s3] =	ssyncadd.s32 $0xFFFFE000  }
0x2fd: {  	[spmem:s2] =	stream.indirect.scatter.add.f32 [tilespmem:s4], [sflag:$0x1], $0x80, s18, s7, $0xb8;
	[tilespmem:$0x18400] =	vst v63  }
0x2fe: {  	_ =	swait.ge [sflag:s3], $0x2000  }
0x2ff: {  	[sflag:s3] =	ssyncset.done $0x0  }
0x300: {  	[sflag:s3] =	ssyncadd.s32 $0xFFFFE000  }
0x301: {  	[spmem:s2] =	stream.indirect.scatter.add.f32 [tilespmem:s4], [sflag:$0x1], $0x80, s17, s7, $0xb8;
	[tilespmem:$0x18400] =	vst v63  }
0x302: {  	_ =	swait.ge [sflag:s3], $0x2000  }
0x303: {  	[sflag:s3] =	ssyncset.done $0x0  }
0x304: {  	[sflag:s3] =	ssyncadd.s32 $0xFFFFE000  }
0x305: {  	[spmem:s2] =	stream.indirect.scatter.add.f32 [tilespmem:s4], [sflag:$0x1], $0x80, s16, s7, $0xb8;
	[tilespmem:$0x18400] =	vst v63  }
0x306: {  	_ =	swait.ge [sflag:s3], $0x2000  }
0x307: {  	[sflag:s3] =	ssyncset.done $0x0  }
0x308: {  	[sflag:s3] =	ssyncadd.s32 $0xFFFFE000  }
0x309: {  	[spmem:s2] =	stream.indirect.scatter.add.f32 [tilespmem:s4], [sflag:$0x1], $0x80, s15, s7, $0xb8;
	[tilespmem:$0x18400] =	vst v63  }
0x30a: {  	_ =	swait.ge [sflag:s3], $0x2000  }
0x30b: {  	[sflag:s3] =	ssyncset.done $0x0  }
0x30c: {  	[sflag:s3] =	ssyncadd.s32 $0xFFFFE000  }
0x30d: {  	[spmem:s2] =	stream.indirect.scatter.add.f32 [tilespmem:s4], [sflag:$0x1], $0x80, s13, s7, $0xb8;
	[tilespmem:$0x18400] =	vst v63  }
0x30e: {  	_ =	swait.ge [sflag:s3], $0x2000  }
0x30f: {  	[sflag:s3] =	ssyncset.done $0x0  }
0x310: {  	[sflag:s3] =	ssyncadd.s32 $0xFFFFE000  }
0x311: {  	[spmem:s2] =	stream.indirect.scatter.add.f32 [tilespmem:s4], [sflag:$0x1], $0x80, s14, s7, $0xb8;
	[tilespmem:$0x18400] =	vst v63  }
0x312: {  	_ =	swait.ge [sflag:s3], $0x2000  }
0x313: {  	[sflag:s3] =	ssyncset.done $0x0  }
0x314: {  	[sflag:s3] =	ssyncadd.s32 $0xFFFFE000  }
0x315: {  	[spmem:s2] =	stream.indirect.scatter.add.f32 [tilespmem:s4], [sflag:$0x1], $0x80, s12, s7, $0xb8;
	[tilespmem:$0x18400] =	vst v63  }
0x316: {  	_ =	swait.ge [sflag:s3], $0x2000  }
0x317: {  	[sflag:s3] =	ssyncset.done $0x0  }
0x318: {  	[sflag:s3] =	ssyncadd.s32 $0xFFFFE000  }
0x319: {  	[spmem:s2] =	stream.indirect.scatter.add.f32 [tilespmem:s4], [sflag:$0x1], $0x80, s11, s7, $0xb8;
	[tilespmem:$0x18400] =	vst v63  }
0x31a: {  	_ =	swait.ge [sflag:s3], $0x2000  }
0x31b: {  	[sflag:s3] =	ssyncset.done $0x0  }
0x31c: {  	[sflag:s3] =	ssyncadd.s32 $0xFFFFE000  }
0x31d: {  	[spmem:s2] =	stream.indirect.scatter.add.f32 [tilespmem:s4], [sflag:$0x1], $0x80, s10, s7, $0xb8;
	[tilespmem:$0x18400] =	vst v63  }
0x31e: {  	_ =	swait.ge [sflag:s3], $0x2000  }
0x31f: {  	[sflag:s3] =	ssyncset.done $0x0  }
0x320: {  	[sflag:s3] =	ssyncadd.s32 $0xFFFFE000  }
0x321: {  	[spmem:s2] =	stream.indirect.scatter.add.f32 [tilespmem:s4], [sflag:$0x1], $0x80, s9, s7, $0xb8;
	[tilespmem:$0x18400] =	vst v63  }
0x322: {  	_ =	swait.ge [sflag:s3], $0x2000  }
0x323: {  	[sflag:s3] =	ssyncset.done $0x0  }
0x324: {  	[sflag:s3] =	ssyncadd.s32 $0xFFFFE000  }
0x325: {  	[spmem:s2] =	stream.indirect.scatter.add.f32 [tilespmem:s4], [sflag:$0x1], $0x80, s8, s7, $0xb8;
	[tilespmem:$0x18400] =	vst v63  }
0x326: {  	_ =	swait.ge [sflag:s3], $0x2000  }
0x327: {  	[sflag:s3] =	ssyncset.done $0x0  }
0x328: {  	p1 =	sne.s32 s1, $0x1;
	[sflag:s3] =	ssyncadd.s32 $0xFFFFE000  }
.Ltmp2:
0x329: {  	[bflag:$0x0] =	sbarrier.arrive $0xFFFF;
	(pc) =	sbr.rel @p1 .LBB2_2-.Ltmp2, $4  }
0x32a: {  	s0 =	rddreg [dreg:$0x6]  }
0x32b: {  	[hbm:s0], [sflag:s5] =	dma.local [spmem:s6], $0x2780  }
0x32c: {  	_ =	swait.ge [sflag:s3], $0x2780  }
0x32d: {  	s1 =	sadd.s32 $0xFFFFFFFF, s1;
	s0 =	rddreg [dreg:$0x5];
	[sflag:s3] =	ssyncset.done $0x0  }
.LBB2_3:
0x32e: {  	[sflag:s3] =	ssyncadd.s32 @p0 $0xFFFFD880  }
0x32f: {  	[tilespmem:s31], [sflag:$0x1] =	stream.linear.gather [hbm4b:s0+s31], $0x2800, $0x38;
	[tilespmem:$0x18400] =	vst v63  }
0x330: {  	_ =	swait.ge [sflag:s3], $0x2800  }
0x331: {  	[sflag:s3] =	ssyncset.done $0x0  }
0x332: {  	s1 =	rddreg [dreg:$0x3];
	[sflag:s3] =	ssyncadd.s32 $0xFFFFD800  }
0x333: {  	[tilespmem:s4], [sflag:$0x1] =	stream.linear.gather [hbm4b:s1+s31], $0x2000, $0x38;
	[tilespmem:$0x18400] =	vst v63  }
0x334: {  	_ =	swait.ge [sflag:s3], $0x2000  }
0x335: {  	[sflag:s3] =	ssyncset.done $0x0  }
0x336: {  	s1 =	rddreg [dreg:$0x4];
	[sflag:s3] =	ssyncadd.s32 $0xFFFFE000  }
0x337: {  	[spmem:s6], [sflag:s5] =	dma.local [hbm:s1], $0x2780  }
0x338: {  	_ =	swait.ge [sflag:s3], $0x2780  }
0x339: {  	[sflag:s3] =	ssyncset.done $0x0  }
0x33a: {  	[sflag:s3] =	ssyncadd.s32 $0xFFFFD880  }
0x33b: {  	[bflag:$0x0] =	sbarrier.arrive $0xFFFF  }
0x33c: {  	[spmem:s2] =	stream.indirect.scatter.add.f32 [tilespmem:s4], [sflag:$0x1], $0x80, s31, s7, $0xb8;
	[tilespmem:$0x18400] =	vst v63  }
0x33d: {  	_ =	swait.ge [sflag:s3], $0x2000  }
0x33e: {  	[sflag:s3] =	ssyncset.done $0x0  }
0x33f: {  	s1 =	rddreg [dreg:$0x7];
	[sflag:s3] =	ssyncadd.s32 $0xFFFFE000  }
0x340: {  	[spmem:s2] =	stream.indirect.scatter.add.f32 [tilespmem:s4], [sflag:$0x1], $0x80, s1, s7, $0xb8;
	[tilespmem:$0x18400] =	vst v63  }
0x341: {  	_ =	swait.ge [sflag:s3], $0x2000  }
0x342: {  	[sflag:s3] =	ssyncset.done $0x0  }
0x343: {  	s31 =	rddreg [dreg:$0x8];
	[sflag:s3] =	ssyncadd.s32 $0xFFFFE000  }
0x344: {  	[spmem:s2] =	stream.indirect.scatter.add.f32 [tilespmem:s4], [sflag:$0x1], $0x80, s31, s7, $0xb8;
	[tilespmem:$0x18400] =	vst v63  }
0x345: {  	_ =	swait.ge [sflag:s3], $0x2000  }
0x346: {  	[sflag:s3] =	ssyncset.done $0x0  }
0x347: {  	s1 =	rddreg [dreg:$0x9];
	[sflag:s3] =	ssyncadd.s32 $0xFFFFE000  }
0x348: {  	[spmem:s2] =	stream.indirect.scatter.add.f32 [tilespmem:s4], [sflag:$0x1], $0x80, s1, s7, $0xb8;
	[tilespmem:$0x18400] =	vst v63  }
0x349: {  	_ =	swait.ge [sflag:s3], $0x2000  }
0x34a: {  	[sflag:s3] =	ssyncset.done $0x0  }
0x34b: {  	s31 =	rddreg [dreg:$0xa];
	[sflag:s3] =	ssyncadd.s32 $0xFFFFE000  }
0x34c: {  	[spmem:s2] =	stream.indirect.scatter.add.f32 [tilespmem:s4], [sflag:$0x1], $0x80, s31, s7, $0xb8;
	[tilespmem:$0x18400] =	vst v63  }
0x34d: {  	_ =	swait.ge [sflag:s3], $0x2000  }
0x34e: {  	[sflag:s3] =	ssyncset.done $0x0  }
0x34f: {  	s1 =	rddreg [dreg:$0xb];
	[sflag:s3] =	ssyncadd.s32 $0xFFFFE000  }
0x350: {  	[spmem:s2] =	stream.indirect.scatter.add.f32 [tilespmem:s4], [sflag:$0x1], $0x80, s1, s7, $0xb8;
	[tilespmem:$0x18400] =	vst v63  }
0x351: {  	_ =	swait.ge [sflag:s3], $0x2000  }
0x352: {  	[sflag:s3] =	ssyncset.done $0x0  }
0x353: {  	s31 =	rddreg [dreg:$0xc];
	[sflag:s3] =	ssyncadd.s32 $0xFFFFE000  }
0x354: {  	[spmem:s2] =	stream.indirect.scatter.add.f32 [tilespmem:s4], [sflag:$0x1], $0x80, s31, s7, $0xb8;
	[tilespmem:$0x18400] =	vst v63  }
0x355: {  	_ =	swait.ge [sflag:s3], $0x2000  }
0x356: {  	[sflag:s3] =	ssyncset.done $0x0  }
0x357: {  	s1 =	rddreg [dreg:$0xd];
	[sflag:s3] =	ssyncadd.s32 $0xFFFFE000  }
0x358: {  	[spmem:s2] =	stream.indirect.scatter.add.f32 [tilespmem:s4], [sflag:$0x1], $0x80, s1, s7, $0xb8;
	[tilespmem:$0x18400] =	vst v63  }
0x359: {  	_ =	swait.ge [sflag:s3], $0x2000  }
0x35a: {  	[sflag:s3] =	ssyncset.done $0x0  }
0x35b: {  	s31 =	rddreg [dreg:$0xe];
	[sflag:s3] =	ssyncadd.s32 $0xFFFFE000  }
0x35c: {  	[spmem:s2] =	stream.indirect.scatter.add.f32 [tilespmem:s4], [sflag:$0x1], $0x80, s31, s7, $0xb8;
	[tilespmem:$0x18400] =	vst v63  }
0x35d: {  	_ =	swait.ge [sflag:s3], $0x2000  }
0x35e: {  	[sflag:s3] =	ssyncset.done $0x0  }
0x35f: {  	s1 =	rddreg [dreg:$0xf];
	[sflag:s3] =	ssyncadd.s32 $0xFFFFE000  }
0x360: {  	[spmem:s2] =	stream.indirect.scatter.add.f32 [tilespmem:s4], [sflag:$0x1], $0x80, s1, s7, $0xb8;
	[tilespmem:$0x18400] =	vst v63  }
0x361: {  	_ =	swait.ge [sflag:s3], $0x2000  }
0x362: {  	[sflag:s3] =	ssyncset.done $0x0  }
0x363: {  	s31 =	rddreg [dreg:$0x10];
	[sflag:s3] =	ssyncadd.s32 $0xFFFFE000  }
0x364: {  	[spmem:s2] =	stream.indirect.scatter.add.f32 [tilespmem:s4], [sflag:$0x1], $0x80, s31, s7, $0xb8;
	[tilespmem:$0x18400] =	vst v63  }
0x365: {  	_ =	swait.ge [sflag:s3], $0x2000  }
0x366: {  	[sflag:s3] =	ssyncset.done $0x0  }
0x367: {  	s1 =	rddreg [dreg:$0x11];
	[sflag:s3] =	ssyncadd.s32 $0xFFFFE000  }
0x368: {  	[spmem:s2] =	stream.indirect.scatter.add.f32 [tilespmem:s4], [sflag:$0x1], $0x80, s1, s7, $0xb8;
	[tilespmem:$0x18400] =	vst v63  }
0x369: {  	_ =	swait.ge [sflag:s3], $0x2000  }
0x36a: {  	[sflag:s3] =	ssyncset.done $0x0  }
0x36b: {  	s31 =	rddreg [dreg:$0x12];
	[sflag:s3] =	ssyncadd.s32 $0xFFFFE000  }
0x36c: {  	[spmem:s2] =	stream.indirect.scatter.add.f32 [tilespmem:s4], [sflag:$0x1], $0x80, s31, s7, $0xb8;
	[tilespmem:$0x18400] =	vst v63  }
0x36d: {  	_ =	swait.ge [sflag:s3], $0x2000  }
0x36e: {  	[sflag:s3] =	ssyncset.done $0x0  }
0x36f: {  	s1 =	rddreg [dreg:$0x13];
	[sflag:s3] =	ssyncadd.s32 $0xFFFFE000  }
0x370: {  	[spmem:s2] =	stream.indirect.scatter.add.f32 [tilespmem:s4], [sflag:$0x1], $0x80, s1, s7, $0xb8;
	[tilespmem:$0x18400] =	vst v63  }
0x371: {  	_ =	swait.ge [sflag:s3], $0x2000  }
0x372: {  	[sflag:s3] =	ssyncset.done $0x0  }
0x373: {  	s31 =	rddreg [dreg:$0x14];
	[sflag:s3] =	ssyncadd.s32 $0xFFFFE000  }
0x374: {  	[spmem:s2] =	stream.indirect.scatter.add.f32 [tilespmem:s4], [sflag:$0x1], $0x80, s31, s7, $0xb8;
	[tilespmem:$0x18400] =	vst v63  }
0x375: {  	_ =	swait.ge [sflag:s3], $0x2000  }
0x376: {  	[sflag:s3] =	ssyncset.done $0x0  }
0x377: {  	s1 =	rddreg [dreg:$0x15];
	[sflag:s3] =	ssyncadd.s32 $0xFFFFE000  }
0x378: {  	[spmem:s2] =	stream.indirect.scatter.add.f32 [tilespmem:s4], [sflag:$0x1], $0x80, s1, s7, $0xb8;
	[tilespmem:$0x18400] =	vst v63  }
0x379: {  	_ =	swait.ge [sflag:s3], $0x2000  }
0x37a: {  	[sflag:s3] =	ssyncset.done $0x0  }
0x37b: {  	s31 =	rddreg [dreg:$0x16];
	[sflag:s3] =	ssyncadd.s32 $0xFFFFE000  }
0x37c: {  	[spmem:s2] =	stream.indirect.scatter.add.f32 [tilespmem:s4], [sflag:$0x1], $0x80, s31, s7, $0xb8;
	[tilespmem:$0x18400] =	vst v63  }
0x37d: {  	_ =	swait.ge [sflag:s3], $0x2000  }
0x37e: {  	[sflag:s3] =	ssyncset.done $0x0  }
0x37f: {  	s1 =	rddreg [dreg:$0x17];
	[sflag:s3] =	ssyncadd.s32 $0xFFFFE000  }
0x380: {  	[spmem:s2] =	stream.indirect.scatter.add.f32 [tilespmem:s4], [sflag:$0x1], $0x80, s1, s7, $0xb8;
	[tilespmem:$0x18400] =	vst v63  }
0x381: {  	_ =	swait.ge [sflag:s3], $0x2000  }
0x382: {  	[sflag:s3] =	ssyncset.done $0x0  }
0x383: {  	s31 =	rddreg [dreg:$0x18];
	[sflag:s3] =	ssyncadd.s32 $0xFFFFE000  }
0x384: {  	[spmem:s2] =	stream.indirect.scatter.add.f32 [tilespmem:s4], [sflag:$0x1], $0x80, s31, s7, $0xb8;
	[tilespmem:$0x18400] =	vst v63  }
0x385: {  	_ =	swait.ge [sflag:s3], $0x2000  }
0x386: {  	[sflag:s3] =	ssyncset.done $0x0  }
0x387: {  	s1 =	rddreg [dreg:$0x19];
	[sflag:s3] =	ssyncadd.s32 $0xFFFFE000  }
0x388: {  	[spmem:s2] =	stream.indirect.scatter.add.f32 [tilespmem:s4], [sflag:$0x1], $0x80, s1, s7, $0xb8;
	[tilespmem:$0x18400] =	vst v63  }
0x389: {  	_ =	swait.ge [sflag:s3], $0x2000  }
0x38a: {  	[sflag:s3] =	ssyncset.done $0x0  }
0x38b: {  	s31 =	rddreg [dreg:$0x1a];
	[sflag:s3] =	ssyncadd.s32 $0xFFFFE000  }
0x38c: {  	[spmem:s2] =	stream.indirect.scatter.add.f32 [tilespmem:s4], [sflag:$0x1], $0x80, s31, s7, $0xb8;
	[tilespmem:$0x18400] =	vst v63  }
0x38d: {  	_ =	swait.ge [sflag:s3], $0x2000  }
0x38e: {  	[sflag:s3] =	ssyncset.done $0x0  }
0x38f: {  	s1 =	rddreg [dreg:$0x1b];
	[sflag:s3] =	ssyncadd.s32 $0xFFFFE000  }
0x390: {  	[spmem:s2] =	stream.indirect.scatter.add.f32 [tilespmem:s4], [sflag:$0x1], $0x80, s1, s7, $0xb8;
	[tilespmem:$0x18400] =	vst v63  }
0x391: {  	_ =	swait.ge [sflag:s3], $0x2000  }
0x392: {  	[sflag:s3] =	ssyncset.done $0x0  }
0x393: {  	s31 =	rddreg [dreg:$0x1c];
	[sflag:s3] =	ssyncadd.s32 $0xFFFFE000  }
0x394: {  	[spmem:s2] =	stream.indirect.scatter.add.f32 [tilespmem:s4], [sflag:$0x1], $0x80, s31, s7, $0xb8;
	[tilespmem:$0x18400] =	vst v63  }
0x395: {  	_ =	swait.ge [sflag:s3], $0x2000  }
0x396: {  	[sflag:s3] =	ssyncset.done $0x0  }
0x397: {  	s1 =	rddreg [dreg:$0x1d];
	[sflag:s3] =	ssyncadd.s32 $0xFFFFE000  }
0x398: {  	[spmem:s2] =	stream.indirect.scatter.add.f32 [tilespmem:s4], [sflag:$0x1], $0x80, s1, s7, $0xb8;
	[tilespmem:$0x18400] =	vst v63  }
0x399: {  	_ =	swait.ge [sflag:s3], $0x2000  }
0x39a: {  	[sflag:s3] =	ssyncset.done $0x0  }
0x39b: {  	s31 =	rddreg [dreg:$0x1e];
	[sflag:s3] =	ssyncadd.s32 $0xFFFFE000  }
0x39c: {  	[spmem:s2] =	stream.indirect.scatter.add.f32 [tilespmem:s4], [sflag:$0x1], $0x80, s31, s7, $0xb8;
	[tilespmem:$0x18400] =	vst v63  }
0x39d: {  	_ =	swait.ge [sflag:s3], $0x2000  }
0x39e: {  	[sflag:s3] =	ssyncset.done $0x0  }
0x39f: {  	s1 =	rddreg [dreg:$0x1f];
	[sflag:s3] =	ssyncadd.s32 $0xFFFFE000  }
0x3a0: {  	[spmem:s2] =	stream.indirect.scatter.add.f32 [tilespmem:s4], [sflag:$0x1], $0x80, s1, s7, $0xb8;
	[tilespmem:$0x18400] =	vst v63  }
0x3a1: {  	_ =	swait.ge [sflag:s3], $0x2000  }
0x3a2: {  	s31 =	sld [smem:$0x7DE]  }
0x3a3: {  	[sflag:s3] =	ssyncset.done $0x0  }
0x3a4: {  	[sflag:s3] =	ssyncadd.s32 $0xFFFFE000  }
0x3a5: {  	[spmem:s2] =	stream.indirect.scatter.add.f32 [tilespmem:s4], [sflag:$0x1], $0x80, s31, s7, $0xb8;
	[tilespmem:$0x18400] =	vst v63  }
0x3a6: {  	_ =	swait.ge [sflag:s3], $0x2000  }
0x3a7: {  	s1 =	sld [smem:$0x7DF]  }
0x3a8: {  	[sflag:s3] =	ssyncset.done $0x0  }
0x3a9: {  	[sflag:s3] =	ssyncadd.s32 $0xFFFFE000  }
0x3aa: {  	[spmem:s2] =	stream.indirect.scatter.add.f32 [tilespmem:s4], [sflag:$0x1], $0x80, s1, s7, $0xb8;
	[tilespmem:$0x18400] =	vst v63  }
0x3ab: {  	_ =	swait.ge [sflag:s3], $0x2000  }
0x3ac: {  	s31 =	sld [smem:$0x7E0]  }
0x3ad: {  	[sflag:s3] =	ssyncset.done $0x0  }
0x3ae: {  	[sflag:s3] =	ssyncadd.s32 $0xFFFFE000  }
0x3af: {  	[spmem:s2] =	stream.indirect.scatter.add.f32 [tilespmem:s4], [sflag:$0x1], $0x80, s31, s7, $0xb8;
	[tilespmem:$0x18400] =	vst v63  }
0x3b0: {  	_ =	swait.ge [sflag:s3], $0x2000  }
0x3b1: {  	s1 =	sld [smem:$0x7E1]  }
0x3b2: {  	[sflag:s3] =	ssyncset.done $0x0  }
0x3b3: {  	[sflag:s3] =	ssyncadd.s32 $0xFFFFE000  }
0x3b4: {  	[spmem:s2] =	stream.indirect.scatter.add.f32 [tilespmem:s4], [sflag:$0x1], $0x80, s1, s7, $0xb8;
	[tilespmem:$0x18400] =	vst v63  }
0x3b5: {  	_ =	swait.ge [sflag:s3], $0x2000  }
0x3b6: {  	s31 =	sld [smem:$0x7E2]  }
0x3b7: {  	[sflag:s3] =	ssyncset.done $0x0  }
0x3b8: {  	[sflag:s3] =	ssyncadd.s32 $0xFFFFE000  }
0x3b9: {  	[spmem:s2] =	stream.indirect.scatter.add.f32 [tilespmem:s4], [sflag:$0x1], $0x80, s31, s7, $0xb8;
	[tilespmem:$0x18400] =	vst v63  }
0x3ba: {  	_ =	swait.ge [sflag:s3], $0x2000  }
0x3bb: {  	s1 =	sld [smem:$0x7E3]  }
0x3bc: {  	[sflag:s3] =	ssyncset.done $0x0  }
0x3bd: {  	[sflag:s3] =	ssyncadd.s32 $0xFFFFE000  }
0x3be: {  	[spmem:s2] =	stream.indirect.scatter.add.f32 [tilespmem:s4], [sflag:$0x1], $0x80, s1, s7, $0xb8;
	[tilespmem:$0x18400] =	vst v63  }
0x3bf: {  	_ =	swait.ge [sflag:s3], $0x2000  }
0x3c0: {  	s31 =	sld [smem:$0x7E4]  }
0x3c1: {  	[sflag:s3] =	ssyncset.done $0x0  }
0x3c2: {  	[sflag:s3] =	ssyncadd.s32 $0xFFFFE000  }
0x3c3: {  	[spmem:s2] =	stream.indirect.scatter.add.f32 [tilespmem:s4], [sflag:$0x1], $0x80, s31, s7, $0xb8;
	[tilespmem:$0x18400] =	vst v63  }
0x3c4: {  	_ =	swait.ge [sflag:s3], $0x2000  }
0x3c5: {  	s1 =	sld [smem:$0x7E5]  }
0x3c6: {  	[sflag:s3] =	ssyncset.done $0x0  }
0x3c7: {  	[sflag:s3] =	ssyncadd.s32 $0xFFFFE000  }
0x3c8: {  	[spmem:s2] =	stream.indirect.scatter.add.f32 [tilespmem:s4], [sflag:$0x1], $0x80, s1, s7, $0xb8;
	[tilespmem:$0x18400] =	vst v63  }
0x3c9: {  	_ =	swait.ge [sflag:s3], $0x2000  }
0x3ca: {  	s31 =	sld [smem:$0x7E6]  }
0x3cb: {  	[sflag:s3] =	ssyncset.done $0x0  }
0x3cc: {  	[sflag:s3] =	ssyncadd.s32 $0xFFFFE000  }
0x3cd: {  	[spmem:s2] =	stream.indirect.scatter.add.f32 [tilespmem:s4], [sflag:$0x1], $0x80, s31, s7, $0xb8;
	[tilespmem:$0x18400] =	vst v63  }
0x3ce: {  	_ =	swait.ge [sflag:s3], $0x2000  }
0x3cf: {  	s1 =	sld [smem:$0x7E7]  }
0x3d0: {  	[sflag:s3] =	ssyncset.done $0x0  }
0x3d1: {  	[sflag:s3] =	ssyncadd.s32 $0xFFFFE000  }
0x3d2: {  	[spmem:s2] =	stream.indirect.scatter.add.f32 [tilespmem:s4], [sflag:$0x1], $0x80, s1, s7, $0xb8;
	[tilespmem:$0x18400] =	vst v63  }
0x3d3: {  	_ =	swait.ge [sflag:s3], $0x2000  }
0x3d4: {  	s31 =	sld [smem:$0x7E8]  }
0x3d5: {  	[sflag:s3] =	ssyncset.done $0x0  }
0x3d6: {  	[sflag:s3] =	ssyncadd.s32 $0xFFFFE000  }
0x3d7: {  	[spmem:s2] =	stream.indirect.scatter.add.f32 [tilespmem:s4], [sflag:$0x1], $0x80, s31, s7, $0xb8;
	[tilespmem:$0x18400] =	vst v63  }
0x3d8: {  	_ =	swait.ge [sflag:s3], $0x2000  }
0x3d9: {  	s1 =	sld [smem:$0x7E9]  }
0x3da: {  	[sflag:s3] =	ssyncset.done $0x0  }
0x3db: {  	[sflag:s3] =	ssyncadd.s32 $0xFFFFE000  }
0x3dc: {  	[spmem:s2] =	stream.indirect.scatter.add.f32 [tilespmem:s4], [sflag:$0x1], $0x80, s1, s7, $0xb8;
	[tilespmem:$0x18400] =	vst v63  }
0x3dd: {  	_ =	swait.ge [sflag:s3], $0x2000  }
0x3de: {  	s31 =	sld [smem:$0x7EA]  }
0x3df: {  	[sflag:s3] =	ssyncset.done $0x0  }
0x3e0: {  	[sflag:s3] =	ssyncadd.s32 $0xFFFFE000  }
0x3e1: {  	[spmem:s2] =	stream.indirect.scatter.add.f32 [tilespmem:s4], [sflag:$0x1], $0x80, s31, s7, $0xb8;
	[tilespmem:$0x18400] =	vst v63  }
0x3e2: {  	_ =	swait.ge [sflag:s3], $0x2000  }
0x3e3: {  	s1 =	sld [smem:$0x7EB]  }
0x3e4: {  	[sflag:s3] =	ssyncset.done $0x0  }
0x3e5: {  	[sflag:s3] =	ssyncadd.s32 $0xFFFFE000  }
0x3e6: {  	[spmem:s2] =	stream.indirect.scatter.add.f32 [tilespmem:s4], [sflag:$0x1], $0x80, s1, s7, $0xb8;
	[tilespmem:$0x18400] =	vst v63  }
0x3e7: {  	_ =	swait.ge [sflag:s3], $0x2000  }
0x3e8: {  	s31 =	sld [smem:$0x7EC]  }
0x3e9: {  	[sflag:s3] =	ssyncset.done $0x0  }
0x3ea: {  	[sflag:s3] =	ssyncadd.s32 $0xFFFFE000  }
0x3eb: {  	[spmem:s2] =	stream.indirect.scatter.add.f32 [tilespmem:s4], [sflag:$0x1], $0x80, s31, s7, $0xb8;
	[tilespmem:$0x18400] =	vst v63  }
0x3ec: {  	_ =	swait.ge [sflag:s3], $0x2000  }
0x3ed: {  	s1 =	sld [smem:$0x7ED]  }
0x3ee: {  	[sflag:s3] =	ssyncset.done $0x0  }
0x3ef: {  	[sflag:s3] =	ssyncadd.s32 $0xFFFFE000  }
0x3f0: {  	[spmem:s2] =	stream.indirect.scatter.add.f32 [tilespmem:s4], [sflag:$0x1], $0x80, s1, s7, $0xb8;
	[tilespmem:$0x18400] =	vst v63  }
0x3f1: {  	_ =	swait.ge [sflag:s3], $0x2000  }
0x3f2: {  	s31 =	sld [smem:$0x7EE]  }
0x3f3: {  	[sflag:s3] =	ssyncset.done $0x0  }
0x3f4: {  	[sflag:s3] =	ssyncadd.s32 $0xFFFFE000  }
0x3f5: {  	[spmem:s2] =	stream.indirect.scatter.add.f32 [tilespmem:s4], [sflag:$0x1], $0x80, s31, s7, $0xb8;
	[tilespmem:$0x18400] =	vst v63  }
0x3f6: {  	_ =	swait.ge [sflag:s3], $0x2000  }
0x3f7: {  	s1 =	sld [smem:$0x7EF]  }
0x3f8: {  	[sflag:s3] =	ssyncset.done $0x0  }
0x3f9: {  	[sflag:s3] =	ssyncadd.s32 $0xFFFFE000  }
0x3fa: {  	[spmem:s2] =	stream.indirect.scatter.add.f32 [tilespmem:s4], [sflag:$0x1], $0x80, s1, s7, $0xb8;
	[tilespmem:$0x18400] =	vst v63  }
0x3fb: {  	_ =	swait.ge [sflag:s3], $0x2000  }
0x3fc: {  	s31 =	sld [smem:$0x7F0]  }
0x3fd: {  	[sflag:s3] =	ssyncset.done $0x0  }
0x3fe: {  	[sflag:s3] =	ssyncadd.s32 $0xFFFFE000  }
0x3ff: {  	[spmem:s2] =	stream.indirect.scatter.add.f32 [tilespmem:s4], [sflag:$0x1], $0x80, s31, s7, $0xb8;
	[tilespmem:$0x18400] =	vst v63  }
0x400: {  	_ =	swait.ge [sflag:s3], $0x2000  }
0x401: {  	s1 =	sld [smem:$0x7F1]  }
0x402: {  	[sflag:s3] =	ssyncset.done $0x0  }
0x403: {  	[sflag:s3] =	ssyncadd.s32 $0xFFFFE000  }
0x404: {  	[spmem:s2] =	stream.indirect.scatter.add.f32 [tilespmem:s4], [sflag:$0x1], $0x80, s1, s7, $0xb8;
	[tilespmem:$0x18400] =	vst v63  }
0x405: {  	_ =	swait.ge [sflag:s3], $0x2000  }
0x406: {  	s31 =	sld [smem:$0x7F2]  }
0x407: {  	[sflag:s3] =	ssyncset.done $0x0  }
0x408: {  	[sflag:s3] =	ssyncadd.s32 $0xFFFFE000  }
0x409: {  	[spmem:s2] =	stream.indirect.scatter.add.f32 [tilespmem:s4], [sflag:$0x1], $0x80, s31, s7, $0xb8;
	[tilespmem:$0x18400] =	vst v63  }
0x40a: {  	_ =	swait.ge [sflag:s3], $0x2000  }
0x40b: {  	s1 =	sld [smem:$0x7F3]  }
0x40c: {  	[sflag:s3] =	ssyncset.done $0x0  }
0x40d: {  	[sflag:s3] =	ssyncadd.s32 $0xFFFFE000  }
0x40e: {  	[spmem:s2] =	stream.indirect.scatter.add.f32 [tilespmem:s4], [sflag:$0x1], $0x80, s1, s7, $0xb8;
	[tilespmem:$0x18400] =	vst v63  }
0x40f: {  	_ =	swait.ge [sflag:s3], $0x2000  }
0x410: {  	s31 =	sld [smem:$0x7F4]  }
0x411: {  	[sflag:s3] =	ssyncset.done $0x0  }
0x412: {  	[sflag:s3] =	ssyncadd.s32 $0xFFFFE000  }
0x413: {  	[spmem:s2] =	stream.indirect.scatter.add.f32 [tilespmem:s4], [sflag:$0x1], $0x80, s31, s7, $0xb8;
	[tilespmem:$0x18400] =	vst v63  }
0x414: {  	_ =	swait.ge [sflag:s3], $0x2000  }
0x415: {  	s1 =	sld [smem:$0x7F5]  }
0x416: {  	[sflag:s3] =	ssyncset.done $0x0  }
0x417: {  	[sflag:s3] =	ssyncadd.s32 $0xFFFFE000  }
0x418: {  	[spmem:s2] =	stream.indirect.scatter.add.f32 [tilespmem:s4], [sflag:$0x1], $0x80, s1, s7, $0xb8;
	[tilespmem:$0x18400] =	vst v63  }
0x419: {  	_ =	swait.ge [sflag:s3], $0x2000  }
0x41a: {  	s31 =	sld [smem:$0x7F6]  }
0x41b: {  	[sflag:s3] =	ssyncset.done $0x0  }
0x41c: {  	[sflag:s3] =	ssyncadd.s32 $0xFFFFE000  }
0x41d: {  	[spmem:s2] =	stream.indirect.scatter.add.f32 [tilespmem:s4], [sflag:$0x1], $0x80, s31, s7, $0xb8;
	[tilespmem:$0x18400] =	vst v63  }
0x41e: {  	_ =	swait.ge [sflag:s3], $0x2000  }
0x41f: {  	s1 =	sld [smem:$0x7F7]  }
0x420: {  	[sflag:s3] =	ssyncset.done $0x0  }
0x421: {  	[sflag:s3] =	ssyncadd.s32 $0xFFFFE000  }
0x422: {  	[spmem:s2] =	stream.indirect.scatter.add.f32 [tilespmem:s4], [sflag:$0x1], $0x80, s1, s7, $0xb8;
	[tilespmem:$0x18400] =	vst v63  }
0x423: {  	_ =	swait.ge [sflag:s3], $0x2000  }
0x424: {  	s31 =	sld [smem:$0x7F8]  }
0x425: {  	[sflag:s3] =	ssyncset.done $0x0  }
0x426: {  	[sflag:s3] =	ssyncadd.s32 $0xFFFFE000  }
0x427: {  	[spmem:s2] =	stream.indirect.scatter.add.f32 [tilespmem:s4], [sflag:$0x1], $0x80, s31, s7, $0xb8;
	[tilespmem:$0x18400] =	vst v63  }
0x428: {  	_ =	swait.ge [sflag:s3], $0x2000  }
0x429: {  	s1 =	sld [smem:$0x7F9]  }
0x42a: {  	[sflag:s3] =	ssyncset.done $0x0  }
0x42b: {  	[sflag:s3] =	ssyncadd.s32 $0xFFFFE000  }
0x42c: {  	[spmem:s2] =	stream.indirect.scatter.add.f32 [tilespmem:s4], [sflag:$0x1], $0x80, s1, s7, $0xb8;
	[tilespmem:$0x18400] =	vst v63  }
0x42d: {  	_ =	swait.ge [sflag:s3], $0x2000  }
0x42e: {  	s31 =	sld [smem:$0x7FA]  }
0x42f: {  	[sflag:s3] =	ssyncset.done $0x0  }
0x430: {  	[sflag:s3] =	ssyncadd.s32 $0xFFFFE000  }
0x431: {  	[spmem:s2] =	stream.indirect.scatter.add.f32 [tilespmem:s4], [sflag:$0x1], $0x80, s31, s7, $0xb8;
	[tilespmem:$0x18400] =	vst v63  }
0x432: {  	_ =	swait.ge [sflag:s3], $0x2000  }
0x433: {  	s1 =	sld [smem:$0x7FB]  }
0x434: {  	[sflag:s3] =	ssyncset.done $0x0  }
0x435: {  	[sflag:s3] =	ssyncadd.s32 $0xFFFFE000  }
0x436: {  	[spmem:s2] =	stream.indirect.scatter.add.f32 [tilespmem:s4], [sflag:$0x1], $0x80, s1, s7, $0xb8;
	[tilespmem:$0x18400] =	vst v63  }
0x437: {  	_ =	swait.ge [sflag:s3], $0x2000  }
0x438: {  	s31 =	sld [smem:$0x7FC]  }
0x439: {  	[sflag:s3] =	ssyncset.done $0x0  }
0x43a: {  	[sflag:s3] =	ssyncadd.s32 $0xFFFFE000  }
0x43b: {  	[spmem:s2] =	stream.indirect.scatter.add.f32 [tilespmem:s4], [sflag:$0x1], $0x80, s31, s7, $0xb8;
	[tilespmem:$0x18400] =	vst v63  }
0x43c: {  	_ =	swait.ge [sflag:s3], $0x2000  }
0x43d: {  	s1 =	sld [smem:$0x7FD]  }
0x43e: {  	[sflag:s3] =	ssyncset.done $0x0  }
0x43f: {  	[sflag:s3] =	ssyncadd.s32 $0xFFFFE000  }
0x440: {  	[spmem:s2] =	stream.indirect.scatter.add.f32 [tilespmem:s4], [sflag:$0x1], $0x80, s1, s7, $0xb8;
	[tilespmem:$0x18400] =	vst v63  }
0x441: {  	_ =	swait.ge [sflag:s3], $0x2000  }
0x442: {  	[sflag:s3] =	ssyncset.done $0x0  }
0x443: {  	[sflag:s3] =	ssyncadd.s32 $0xFFFFE000  }
0x444: {  	[spmem:s2] =	stream.indirect.scatter.add.f32 [tilespmem:s4], [sflag:$0x1], $0x80, s30, s7, $0xb8;
	[tilespmem:$0x18400] =	vst v63  }
0x445: {  	_ =	swait.ge [sflag:s3], $0x2000  }
0x446: {  	[sflag:s3] =	ssyncset.done $0x0  }
0x447: {  	[sflag:s3] =	ssyncadd.s32 $0xFFFFE000  }
0x448: {  	[spmem:s2] =	stream.indirect.scatter.add.f32 [tilespmem:s4], [sflag:$0x1], $0x80, s29, s7, $0xb8;
	[tilespmem:$0x18400] =	vst v63  }
0x449: {  	_ =	swait.ge [sflag:s3], $0x2000  }
0x44a: {  	[sflag:s3] =	ssyncset.done $0x0  }
0x44b: {  	[sflag:s3] =	ssyncadd.s32 $0xFFFFE000  }
0x44c: {  	[spmem:s2] =	stream.indirect.scatter.add.f32 [tilespmem:s4], [sflag:$0x1], $0x80, s28, s7, $0xb8;
	[tilespmem:$0x18400] =	vst v63  }
0x44d: {  	_ =	swait.ge [sflag:s3], $0x2000  }
0x44e: {  	[sflag:s3] =	ssyncset.done $0x0  }
0x44f: {  	[sflag:s3] =	ssyncadd.s32 $0xFFFFE000  }
0x450: {  	[spmem:s2] =	stream.indirect.scatter.add.f32 [tilespmem:s4], [sflag:$0x1], $0x80, s26, s7, $0xb8;
	[tilespmem:$0x18400] =	vst v63  }
0x451: {  	_ =	swait.ge [sflag:s3], $0x2000  }
0x452: {  	[sflag:s3] =	ssyncset.done $0x0  }
0x453: {  	[sflag:s3] =	ssyncadd.s32 $0xFFFFE000  }
0x454: {  	[spmem:s2] =	stream.indirect.scatter.add.f32 [tilespmem:s4], [sflag:$0x1], $0x80, s25, s7, $0xb8;
	[tilespmem:$0x18400] =	vst v63  }
0x455: {  	_ =	swait.ge [sflag:s3], $0x2000  }
0x456: {  	[sflag:s3] =	ssyncset.done $0x0  }
0x457: {  	[sflag:s3] =	ssyncadd.s32 $0xFFFFE000  }
0x458: {  	[spmem:s2] =	stream.indirect.scatter.add.f32 [tilespmem:s4], [sflag:$0x1], $0x80, s24, s7, $0xb8;
	[tilespmem:$0x18400] =	vst v63  }
0x459: {  	_ =	swait.ge [sflag:s3], $0x2000  }
0x45a: {  	[sflag:s3] =	ssyncset.done $0x0  }
0x45b: {  	[sflag:s3] =	ssyncadd.s32 $0xFFFFE000  }
0x45c: {  	[spmem:s2] =	stream.indirect.scatter.add.f32 [tilespmem:s4], [sflag:$0x1], $0x80, s23, s7, $0xb8;
	[tilespmem:$0x18400] =	vst v63  }
0x45d: {  	_ =	swait.ge [sflag:s3], $0x2000  }
0x45e: {  	[sflag:s3] =	ssyncset.done $0x0  }
0x45f: {  	[sflag:s3] =	ssyncadd.s32 $0xFFFFE000  }
0x460: {  	[spmem:s2] =	stream.indirect.scatter.add.f32 [tilespmem:s4], [sflag:$0x1], $0x80, s22, s7, $0xb8;
	[tilespmem:$0x18400] =	vst v63  }
0x461: {  	_ =	swait.ge [sflag:s3], $0x2000  }
0x462: {  	[sflag:s3] =	ssyncset.done $0x0  }
0x463: {  	[sflag:s3] =	ssyncadd.s32 $0xFFFFE000  }
0x464: {  	[spmem:s2] =	stream.indirect.scatter.add.f32 [tilespmem:s4], [sflag:$0x1], $0x80, s21, s7, $0xb8;
	[tilespmem:$0x18400] =	vst v63  }
0x465: {  	_ =	swait.ge [sflag:s3], $0x2000  }
0x466: {  	[sflag:s3] =	ssyncset.done $0x0  }
0x467: {  	[sflag:s3] =	ssyncadd.s32 $0xFFFFE000  }
0x468: {  	[spmem:s2] =	stream.indirect.scatter.add.f32 [tilespmem:s4], [sflag:$0x1], $0x80, s20, s7, $0xb8;
	[tilespmem:$0x18400] =	vst v63  }
0x469: {  	_ =	swait.ge [sflag:s3], $0x2000  }
0x46a: {  	[sflag:s3] =	ssyncset.done $0x0  }
0x46b: {  	[sflag:s3] =	ssyncadd.s32 $0xFFFFE000  }
0x46c: {  	[spmem:s2] =	stream.indirect.scatter.add.f32 [tilespmem:s4], [sflag:$0x1], $0x80, s19, s7, $0xb8;
	[tilespmem:$0x18400] =	vst v63  }
0x46d: {  	_ =	swait.ge [sflag:s3], $0x2000  }
0x46e: {  	[sflag:s3] =	ssyncset.done $0x0  }
0x46f: {  	[sflag:s3] =	ssyncadd.s32 $0xFFFFE000  }
0x470: {  	[spmem:s2] =	stream.indirect.scatter.add.f32 [tilespmem:s4], [sflag:$0x1], $0x80, s18, s7, $0xb8;
	[tilespmem:$0x18400] =	vst v63  }
0x471: {  	_ =	swait.ge [sflag:s3], $0x2000  }
0x472: {  	[sflag:s3] =	ssyncset.done $0x0  }
0x473: {  	[sflag:s3] =	ssyncadd.s32 $0xFFFFE000  }
0x474: {  	[spmem:s2] =	stream.indirect.scatter.add.f32 [tilespmem:s4], [sflag:$0x1], $0x80, s17, s7, $0xb8;
	[tilespmem:$0x18400] =	vst v63  }
0x475: {  	_ =	swait.ge [sflag:s3], $0x2000  }
0x476: {  	[sflag:s3] =	ssyncset.done $0x0  }
0x477: {  	[sflag:s3] =	ssyncadd.s32 $0xFFFFE000  }
0x478: {  	[spmem:s2] =	stream.indirect.scatter.add.f32 [tilespmem:s4], [sflag:$0x1], $0x80, s16, s7, $0xb8;
	[tilespmem:$0x18400] =	vst v63  }
0x479: {  	_ =	swait.ge [sflag:s3], $0x2000  }
0x47a: {  	[sflag:s3] =	ssyncset.done $0x0  }
0x47b: {  	[sflag:s3] =	ssyncadd.s32 $0xFFFFE000  }
0x47c: {  	[spmem:s2] =	stream.indirect.scatter.add.f32 [tilespmem:s4], [sflag:$0x1], $0x80, s15, s7, $0xb8;
	[tilespmem:$0x18400] =	vst v63  }
0x47d: {  	_ =	swait.ge [sflag:s3], $0x2000  }
0x47e: {  	[sflag:s3] =	ssyncset.done $0x0  }
0x47f: {  	[sflag:s3] =	ssyncadd.s32 $0xFFFFE000  }
0x480: {  	[spmem:s2] =	stream.indirect.scatter.add.f32 [tilespmem:s4], [sflag:$0x1], $0x80, s13, s7, $0xb8;
	[tilespmem:$0x18400] =	vst v63  }
0x481: {  	_ =	swait.ge [sflag:s3], $0x2000  }
0x482: {  	[sflag:s3] =	ssyncset.done $0x0  }
0x483: {  	[sflag:s3] =	ssyncadd.s32 $0xFFFFE000  }
0x484: {  	[spmem:s2] =	stream.indirect.scatter.add.f32 [tilespmem:s4], [sflag:$0x1], $0x80, s14, s7, $0xb8;
	[tilespmem:$0x18400] =	vst v63  }
0x485: {  	_ =	swait.ge [sflag:s3], $0x2000  }
0x486: {  	[sflag:s3] =	ssyncset.done $0x0  }
0x487: {  	[sflag:s3] =	ssyncadd.s32 $0xFFFFE000  }
0x488: {  	[spmem:s2] =	stream.indirect.scatter.add.f32 [tilespmem:s4], [sflag:$0x1], $0x80, s12, s7, $0xb8;
	[tilespmem:$0x18400] =	vst v63  }
0x489: {  	_ =	swait.ge [sflag:s3], $0x2000  }
0x48a: {  	[sflag:s3] =	ssyncset.done $0x0  }
0x48b: {  	[sflag:s3] =	ssyncadd.s32 $0xFFFFE000  }
0x48c: {  	[spmem:s2] =	stream.indirect.scatter.add.f32 [tilespmem:s4], [sflag:$0x1], $0x80, s11, s7, $0xb8;
	[tilespmem:$0x18400] =	vst v63  }
0x48d: {  	_ =	swait.ge [sflag:s3], $0x2000  }
0x48e: {  	[sflag:s3] =	ssyncset.done $0x0  }
0x48f: {  	[sflag:s3] =	ssyncadd.s32 $0xFFFFE000  }
0x490: {  	[spmem:s2] =	stream.indirect.scatter.add.f32 [tilespmem:s4], [sflag:$0x1], $0x80, s10, s7, $0xb8;
	[tilespmem:$0x18400] =	vst v63  }
0x491: {  	_ =	swait.ge [sflag:s3], $0x2000  }
0x492: {  	[sflag:s3] =	ssyncset.done $0x0  }
0x493: {  	[sflag:s3] =	ssyncadd.s32 $0xFFFFE000  }
0x494: {  	[spmem:s2] =	stream.indirect.scatter.add.f32 [tilespmem:s4], [sflag:$0x1], $0x80, s9, s7, $0xb8;
	[tilespmem:$0x18400] =	vst v63  }
0x495: {  	_ =	swait.ge [sflag:s3], $0x2000  }
0x496: {  	[sflag:s3] =	ssyncset.done $0x0  }
0x497: {  	[sflag:s3] =	ssyncadd.s32 $0xFFFFE000  }
0x498: {  	[spmem:s2] =	stream.indirect.scatter.add.f32 [tilespmem:s4], [sflag:$0x1], $0x80, s8, s7, $0xb8;
	[tilespmem:$0x18400] =	vst v63  }
0x499: {  	_ =	swait.ge [sflag:s3], $0x2000  }
0x49a: {  	[sflag:s3] =	ssyncset.done $0x0  }
0x49b: {  	[sflag:s3] =	ssyncadd.s32 $0xFFFFE000  }
0x49c: {  	[bflag:$0x0] =	sbarrier.arrive $0xFFFF  }
0x49d: {  	s30 =	rddreg [dreg:$0x6]  }
0x49e: {  	[hbm:s30], [sflag:s5] =	dma.local [spmem:s6], $0x2780  }
0x49f: {  	_ =	swait.ge [sflag:s3], $0x2780  }
0x4a0: {  	[sflag:s3] =	ssyncset.done $0x0  }
0x4a1: {  	[sflag:s3] =	ssyncadd.s32 $0xFFFFD880  }
0x4a2: {  	_ =	sfence.sel $0x180000  }
0x4a3: {  	[bflag:$0x0] =	sbarrier.arrive $0xFFFF  }
0x4a4: {  	_ =	strace $0x90000047  }
0x4a5: {  	s31 =	stileid.u32;
	[bflag:$0x2] =	sbarrier.arrive $0xFFFF  }
0x4a6: {  	p0 =	sne.s32 s31, $0x0;
	s0 =	rddreg [dreg:$0x2]  }
0x4a7: {  	s0 =	sadd.s32 @!p0 $0x100000, s0  }
0x4a8: {  	[sflag:s0] =	ssyncadd.tile.s32 @!p0 $0x1;
	_ =	shalt  }
.Lfunc_end2:
_tile_overlayer_lowered:
.L_overlay_start_2:
0x4a9: {  	(tag) =	ssettag $0x2  }
0x4aa: {  	s0 =	rddreg [dreg:$0x0];
	s2 =	stileid.u32  }
0x4ab: {  	s1 =	rddreg [dreg:$0x1];
	p0 =	sne.s32 s2, $0x0  }
0x4ac: {  	s3 =	rddreg [dreg:$0x2];
	[bflag:$0x3] =	sbarrier.arrive $0xFFFF;
	s2 =	simm.s32 @!p0 $0x1C01  }
0x4ad: {  	[timem:s3], [sflag:s2] =	dma.local @!p0 [hbm:s0], s1  }
0x4ae: {  	s0 =	simm.s32 @!p0 $0x1  }
0x4af: {  	_ =	swait.ge @!p0 [sflag:s0], s1  }
0x4b0: {  	s1 =	ssub.s32 @!p0 $0x0, s1;
	[sflag:s0] =	ssyncset.done @!p0 $0x0  }
0x4b1: {  	[sflag:s0] =	ssyncadd.s32 @!p0 s1  }
0x4b2: {  	[bflag:$0x3] =	sbarrier.arrive $0xFFFF  }
0x4b3: {  	_ =	shalt  }

// kernel: kernel.9.cloned.1.call-start
scs
__scs_entry_jumppad:
0x0: {  	(pc) =	sbr.rel $0x88, $3  }
0x1: {  	(tag) =	ssettag $0x0;
	lr =	simm.s32 $0x1  }
0x2: {  	[smem:$0x3F9B] =	sst lr;
	_ =	strace $0xD0000000  }
0x3: {  	_ = 	snop  }
0x4: {  	_ = 	snop  }
0x5: {  	_ = 	snop  }
0x6: {  	_ = 	snop  }
0x7: {  	_ = 	snop  }
__scs_overlays_trampoline_lowered:
0x8: {  	[smem:$0x3FAA] =	sst s0  }
0x9: {  	[smem:$0x3FAB] =	sst s1  }
0xa: {  	[smem:$0x3FAC] =	sst s2  }
0xb: {  	[smem:$0x3FAD] =	sst s3  }
0xc: {  	[smem:$0x3FAE] =	sst s4  }
0xd: {  	[smem:$0x3FAF] =	sst s5  }
0xe: {  	[smem:$0x3FB0] =	sst s6  }
0xf: {  	[smem:$0x3FB1] =	sst s7  }
0x10: {  	[smem:$0x3FB2] =	sst s8  }
0x11: {  	[smem:$0x3FB3] =	sst s9;
	s0 =	simm.s32 @!p0 $0x0  }
0x12: {  	s1 =	sld [smem:$0x3F99];
	s0 =	simm.s32 @p0 $0x1  }
0x13: {  	[smem:$0x3FB4] =	sst s0;
	s0 =	simm.s32 @!p1 $0x0  }
0x14: {  	s2 =	sld [smem:$0x3F98];
	s0 =	simm.s32 @p1 $0x1  }
0x15: {  	[smem:$0x3FB5] =	sst s0;
	s0 =	simm.s32 @!p2 $0x0  }
0x16: {  	s3 =	sld [smem:$0x3FDB];
	s0 =	simm.s32 @p2 $0x1  }
0x17: {  	s4 =	simm.s32 $0x1BF5;
	[smem:$0x3FB7] =	sst s0  }
0x18: {  	s0 =	sld [smem:$0x3F9A];
	_ =	swait.ge [sflag:s4], $0x0  }
0x19: {  	s7 =	sld [smem:$0x3F9B]  }
0x1a: {  	s8 =	sadd.s32 $0xFFFFE003, lr  }
0x1b: {  	s9 =	sadd.s32 $0xFFFFFEF7, lr;
	s5 =	simm.s32 $0xFFFFFFFF;
	p2 =	slt.u32 s8, $0xFFFFF086  }
0x1c: {  	p1 =	slt.u32 s9, $0xF7A;
	s5 =	simm.s32 @!p2 $0x0  }
0x1d: {  	s5 =	simm.s32 @p1 $0x1;
	p0 =	seq.s32 s7, s2  }
0x1e: {  	s7 =	smul.u32 @!p0 $0xF7A, s2;
	p2 =	seq.s32 @!p0 s5, $0x0  }
0x1f: {  	s9 =	smul.u32 $0xF7A, s1;
	s8 =	simm.s32 @!p0 $0x1BF5;
	p2 =	por !p2, p0  }
0x20: {  	[sflag:s8] =	ssyncset.s32 @!p0 $0xFFFFF086;
	s6 =	sadd.s32 @!p0 s3, s7;
	s7 =	simm.s32 @!p0 $0x108  }
0x21: {  	s3 =	sadd.s32 s3, s9;
	s6 =	sadd.s32 @!p0 $0x88, s6;
	s7 =	simm.s32 @p2 $0x1082  }
0x22: {  	[simem:s7], [sflag:s8] =	dma.local @!p0 [hbm:s6], $0xF7A  }
0x23: {  	s9 =	sor.u32 $0xD0000000, s2;
	s6 =	simm.s32 $0x108;
	_ =	swait.ge @!p0 [sflag:s8], $0x0  }
0x24: {  	s3 =	sadd.s32 $0x88, s3;
	s6 =	simm.s32 @!p1 $0x1082;
	[sflag:s4] =	ssyncset.s32 $0xFFFFF086  }
0x25: {  	[simem:s6], [sflag:s4] =	dma.local [hbm:s3], $0xF7A  }
0x26: {  	[smem:$0x3F9B] =	sst s1;
	(tag) =	ssettag s2;
	_ =	strace s9  }
0x27: {  	s1 =	sld [smem:$0x3FAB]  }
0x28: {  	s2 =	sld [smem:$0x3FAC]  }
0x29: {  	s4 =	sld [smem:$0x3FAE]  }
0x2a: {  	p0 =	seq.s32 s5, $0x0;
	s5 =	sld [smem:$0x3FAF]  }
0x2b: {  	s6 =	sld [smem:$0x3FB0]  }
0x2c: {  	s7 =	sld [smem:$0x3FB1]  }
0x2d: {  	s3 =	simm.s32 $0x108;
	s8 =	sld [smem:$0x3FB2]  }
0x2e: {  	s3 =	simm.s32 @!p0 $0x1082;
	s9 =	sld [smem:$0x3FB3]  }
0x2f: {  	lr =	sadd.s32 s0, s3;
	s0 =	sld [smem:$0x3FAA]  }
0x30: {  	s3 =	sld [smem:$0x3FAD]  }
0x31: {  	[smem:$0x3FB6] =	sst s10  }
0x32: {  	s10 =	sld [smem:$0x3FB4];
	_ =	sdelay $0x3  }
0x33: {  	p0 =	seq.s32 s10, $0x1;
	s10 =	sld [smem:$0x3FB6];
	_ =	sdelay $0x3  }
0x34: {  	[smem:$0x3FB6] =	sst s10  }
0x35: {  	s10 =	sld [smem:$0x3FB5];
	_ =	sdelay $0x3  }
0x36: {  	p1 =	seq.s32 s10, $0x1;
	s10 =	sld [smem:$0x3FB6];
	_ =	sdelay $0x3  }
0x37: {  	[smem:$0x3FB6] =	sst s10  }
0x38: {  	s10 =	sld [smem:$0x3FB7]  }
0x39: {  	_ = 	snop;
	(pc) =	sbr.ind lr, $3  }
0x3a: {  	_ = 	snop  }
0x3b: {  	_ = 	snop  }
0x3c: {  	p2 =	seq.s32 s10, $0x1;
	s10 =	sld [smem:$0x3FB6]  }
0x3d: {  	_ =	shalt  }
0x3e: {  	_ =	shalt  }
0x3f: {  	_ =	shalt  }
0x40: {  	_ =	shalt  }
0x41: {  	_ =	shalt  }
0x42: {  	_ =	shalt  }
0x43: {  	_ =	shalt  }
0x44: {  	_ =	shalt  }
0x45: {  	_ =	shalt  }
0x46: {  	_ =	shalt  }
0x47: {  	_ =	shalt  }
0x48: {  	_ =	shalt  }
0x49: {  	_ =	shalt  }
0x4a: {  	_ =	shalt  }
0x4b: {  	_ =	shalt  }
0x4c: {  	_ =	shalt  }
0x4d: {  	_ =	shalt  }
0x4e: {  	_ =	shalt  }
0x4f: {  	_ =	shalt  }
0x50: {  	_ =	shalt  }
0x51: {  	_ =	shalt  }
0x52: {  	_ =	shalt  }
0x53: {  	_ =	shalt  }
0x54: {  	_ =	shalt  }
0x55: {  	_ =	shalt  }
0x56: {  	_ =	shalt  }
0x57: {  	_ =	shalt  }
0x58: {  	_ =	shalt  }
0x59: {  	_ =	shalt  }
0x5a: {  	_ =	shalt  }
0x5b: {  	_ =	shalt  }
0x5c: {  	_ =	shalt  }
0x5d: {  	_ =	shalt  }
0x5e: {  	_ =	shalt  }
0x5f: {  	_ =	shalt  }
0x60: {  	_ =	shalt  }
0x61: {  	_ =	shalt  }
0x62: {  	_ =	shalt  }
0x63: {  	_ =	shalt  }
0x64: {  	_ =	shalt  }
0x65: {  	_ =	shalt  }
0x66: {  	_ =	shalt  }
0x67: {  	_ =	shalt  }
0x68: {  	_ =	shalt  }
0x69: {  	_ =	shalt  }
0x6a: {  	_ =	shalt  }
0x6b: {  	_ =	shalt  }
0x6c: {  	_ =	shalt  }
0x6d: {  	_ =	shalt  }
0x6e: {  	_ =	shalt  }
0x6f: {  	_ =	shalt  }
0x70: {  	_ =	shalt  }
0x71: {  	_ =	shalt  }
0x72: {  	_ =	shalt  }
0x73: {  	_ =	shalt  }
0x74: {  	_ =	shalt  }
0x75: {  	_ =	shalt  }
0x76: {  	_ =	shalt  }
0x77: {  	_ =	shalt  }
0x78: {  	_ =	shalt  }
0x79: {  	_ =	shalt  }
0x7a: {  	_ =	shalt  }
0x7b: {  	_ =	shalt  }
0x7c: {  	_ =	shalt  }
0x7d: {  	_ =	shalt  }
0x7e: {  	_ =	shalt  }
0x7f: {  	_ =	shalt  }
0x80: {  	_ =	shalt  }
0x81: {  	_ =	shalt  }
0x82: {  	_ =	shalt  }
0x83: {  	_ =	shalt  }
0x84: {  	_ =	shalt  }
0x85: {  	_ =	shalt  }
0x86: {  	_ =	shalt  }
0x87: {  	_ =	shalt  }
.Lfunc_end0:
.L_simem_size_0:
called_computation.1_lowered:
.L_overlay_start_0:
0x88: {  	s2 =	sld [smem:$0x3FD9]  }
0x89: {  	s3 =	sld [smem:$0x3FFE];
	_ =	sdelay $0x1  }
0x8a: {  	s1 =	srdreg.scid  }
0x8b: {  	s0 =	sand.u32 $0x1, s1  }
0x8c: {  	s14 =	sshll.u32 s0, $0xA;
	s2 =	sadd.s32 s3, s2  }
0x8d: {  	s2 =	sadd.s32 s2, s14  }
0x8e: {  	[smem:$0x3FC2] =	sst s2  }
0x8f: {  	_ = 	snop  }
0x90: {  	s2 =	sld [smem:$0x3FD0];
	_ =	sdelay $0x2  }
0x91: {  	s15 =	simm.s32 $0xA;
	s4 =	simm.s32 $0x10  }
0x92: {  	[smem:s4], [sflag:s15] =	dma.local [hbm:s2], $0x1  }
0x93: {  	_ =	swait.eq [sflag:s15], $0x1  }
0x94: {  	[sflag:s15] =	ssyncset.done $0x0  }
0x95: {  	s16 =	sld [smem:$0x10];
	[sflag:s15] =	ssyncadd.s32 $0xFFFFFFFF  }
0x96: {  	s17 =	sld [smem:$0x11];
	(tm) =	ssettm $0x1  }
0x97: {  	s18 =	sld [smem:$0x3FFB];
	_ =	sdelay $0x3  }
0x98: {  	_ =	strace s18  }
0x99: {  	s4 =	sld [smem:$0x3FFC];
	_ =	sdelay $0x3  }
0x9a: {  	_ =	strace s4  }
0x9b: {  	s4 =	sld [smem:$0x3FFD];
	_ =	sdelay $0x3  }
0x9c: {  	_ =	strace s4  }
0x9d: {  	_ =	strace $0x8FFFFFFF  }
0x9e: {  	s19 =	sld [smem:$0x3FDB];
	_ =	sdelay $0x1  }
0x9f: {  	s5 =	simm.s32 $_scs_section_size  }
0xa0: {  	s6 =	simm.s32 $_size__tile_overlayer_lowered;
	s7 =	simm.s32 $_tile_overlayer_lowered  }
0xa1: {  	s22 =	simm.s32 $0x1BFF;
	s21 =	sshll.u32 s7, $0x1;
	s4 =	sadd.s32 s5, s19  }
0xa2: {  	s8 =	simm.s32 $0x0;
	s20 =	sshll.u32 s6, $0x1;
	s6 =	sadd.s32 s21, s4  }
0xa3: {  	[timem:s8], [sflag:s22] =	dma.local [hbm:s6], s20  }
0xa4: {  	_ =	swait.ge [sflag:s22], s20  }
0xa5: {  	s5 =	ssub.s32 $0x0, s20;
	[sflag:s22] =	ssyncset.done $0x0  }
0xa6: {  	[sflag:s22] =	ssyncadd.s32 s5;
	_ =	sdelay $0x1  }
0xa7: {  	s23 =	simm.s32 $0x1B8B  }
0xa8: {  	_ =	swait.ge [sflag:s23], $0x1  }
0xa9: {  	[sflag:s23] =	ssyncset.done $0x0  }
0xaa: {  	s25 =	simm.s32 $0x1B8E;
	s24 =	sld [smem:$0x3FFE];
	[sflag:s23] =	ssyncadd.s32 $0xFFFFFFFF  }
0xab: {  	s26 =	simm.s32 $execute0_lowered;
	[smem:$0x3FD2] =	sst s25  }
0xac: {  	s6 =	sshll.u32 s26, $0x1;
	_ =	strace $0x80000049;
	[dreg:$0x1] =	wrdreg $0xFFFFFFFF  }
0xad: {  	s28 =	simm.s32 $_size_execute0_lowered;
	s4 =	sadd.s32 s4, s6;
	[dreg:$0x0] =	wrdreg $0x0  }
0xae: {  	s6 =	sshll.u32 s28, $0x1;
	[dreg:$0x2] =	wrdreg s4  }
0xaf: {  	[dreg:$0x3] =	wrdreg s6  }
0xb0: {  	[dreg:$0x4] =	wrdreg $0xC0  }
0xb1: {  	_ =	task [dreg:s8], $0x5FFFF  }
0xb2: {  	[dreg:$0x1] =	wrdreg $0xFFFFFFFF  }
0xb3: {  	[dreg:$0x0] =	wrdreg $0x60  }
0xb4: {  	[dreg:$0x2] =	wrdreg s24  }
0xb5: {  	[dreg:$0x3] =	wrdreg s17  }
0xb6: {  	[dreg:$0x4] =	wrdreg s16  }
0xb7: {  	[dreg:$0x5] =	wrdreg $0xC3800  }
0xb8: {  	[dreg:$0x6] =	wrdreg $0x9  }
0xb9: {  	_ =	task.clear_ibuf [dreg:s8], $0x7FFFF;
	_ =	strace $0x90000049  }
0xba: {  	s29 =	simm.s32 $0x9;
	_ =	strace $0x8000004B  }
0xbb: {  	_ =	swait.ge [sflag:s29], $0x1  }
0xbc: {  	[sflag:s29] =	ssyncadd.s32 $0xFFFFFFFF  }
0xbd: {  	_ =	strace $0x9000004B  }
0xbe: {  	_ =	sfence  }
0xbf: {  	s30 =	sld [smem:$0x0];
	_ =	sdelay $0x2  }
0xc0: {  	s31 =	sshll.u32 s1, $0xD;
	s1 =	sshrl.u32 s1, $0x2  }
0xc1: {  	s3 =	sand.u32 $0x4000, s31;
	s1 =	sadd.s32 s1, s30  }
0xc2: {  	s0 =	sor.u32 s3, s0;
	s1 =	sshll.u32 s1, $0x11  }
0xc3: {  	s0 =	sor.u32 s1, s0  }
0xc4: {  	s0 =	sadd.s32 $0x8F2B, s0  }
0xc5: {  	[sflag:s0] =	ssyncadd.remote.s32 $0x1  }
0xc6: {  	_ =	sfence.sel $0xFFFF  }
0xc7: {  	[dreg:$0x0] =	wrdreg $0xFFFFFFFF;
	(pc) =	sbr.abs _section_cstart, $3  }
0xc8: {  	[dreg:$0x1] =	wrdreg $0xFFFFFFFF  }
0xc9: {  	_ =	task.clear_ibuf [dreg:s8], $0x2FFFF;
	_ =	strace $0x9FFFFFFF  }
0xca: {  	(tm) =	ssettm $0x7FFFFFFF  }
0xcb: {  	_ =	shalt  }
tec
execute0_lowered:
.L_overlay_start_1:
0x0: {  	(tag) =	ssettag $0x1  }
0x1: {  	s0 =	rddreg [dreg:$0x0]  }
0x2: {  	s3 =	rddreg [dreg:$0x2]  }
0x3: {  	s2 =	rddreg [dreg:$0x3];
	s5 =	simm.s32 $0x0  }
0x4: {  	s1 =	srdreg.scid;
	s9 =	stileid.u32;
	s31 =	simm.s32 $0xB  }
0x5: {  	s28 =	simm.s32 $0x9;
	s29 =	simm.s32 $0x5;
	[smem:$0x7FF] =	sst s5  }
0x6: {  	s6 =	sadd.s32 $0x5D800, s0;
	s1 =	sand.u32 $0x1, s1;
	s4 =	smul.u32 $0x4F000, s9  }
0x7: {  	s7 =	sadd.s32 $0x1C00, s0;
	s21 =	smul.u32 $0x13C00, s9;
	s10 =	ssub.s32 $0x2, s1  }
0x8: {  	s8 =	sshll.u32 s1, $0x4;
	p0 =	seq.s32 s1, $0x0;
	s1 =	smul.u32 $0x4F0000, s1  }
0x9: {  	s0 =	sadd.s32 $0xF9C00, s0;
	_ =	strace $0x8000004A;
	[dreg:$0x5] =	wrdreg s7  }
0xa: {  	[dreg:$0x6] =	wrdreg s0;
	s4 =	sshrl.u32 s4, $0x2;
	s1 =	sadd.s32 s1, s21  }
0xb: {  	s30 =	simm.s32 $0xA;
	s22 =	sadd.s32 s4, s2;
	[dreg:$0x14] =	wrdreg s1  }
0xc: {  	s11 =	sshrl.u32 s10, $0x1;
	s4 =	sadd.s32 $0x2000, s22;
	[dreg:$0x7] =	wrdreg s22  }
0xd: {  	s12 =	sor.u32 s9, s8;
	s13 =	sadd.s32 $0x4000, s22;
	[dreg:$0x8] =	wrdreg s4  }
0xe: {  	s0 =	ssub.s32 s10, s11;
	s14 =	sadd.s32 $0x6000, s22;
	[dreg:$0x9] =	wrdreg s13  }
0xf: {  	s8 =	smul.u32 $0x7E00, s12;
	s15 =	sadd.s32 $0x8000, s22;
	[dreg:$0xa] =	wrdreg s14  }
0x10: {  	s7 =	sshll.u32 s12, $0xB;
	s16 =	sadd.s32 $0xA000, s22;
	[dreg:$0xb] =	wrdreg s15  }
0x11: {  	s10 =	simm.s32 $0x4380;
	s17 =	sadd.s32 $0xC000, s22;
	[dreg:$0xc] =	wrdreg s16  }
0x12: {  	s11 =	simm.s32 $0x2000;
	s18 =	sadd.s32 $0xE000, s22;
	[dreg:$0xd] =	wrdreg s17  }
0x13: {  	s2 =	simm.s32 $0x2100;
	s19 =	sadd.s32 $0x10000, s22;
	[dreg:$0xe] =	wrdreg s18  }
0x14: {  	s21 =	simm.s32 $0x7;
	s20 =	sadd.s32 $0x12000, s22;
	[dreg:$0xf] =	wrdreg s19  }
0x15: {  	s7 =	sadd.s32 s3, s7;
	s0 =	smax.u32 s0, $0x1;
	[dreg:$0x10] =	wrdreg s20  }
0x16: {  	s1 =	simm.s32 $0x40;
	[dreg:$0x11] =	wrdreg s8;
	s20 =	sshll.u32 s12, $0xE  }
0x17: {  	s8 =	simm.s32 $0x18;
	s23 =	sadd.s32 $0x10, s7;
	[dreg:$0x16] =	wrdreg s0  }
0x18: {  	s24 =	sadd.s32 $0x20, s7;
	s25 =	sadd.s32 $0x30, s7;
	[dreg:$0x12] =	wrdreg s7  }
0x19: {  	s26 =	sadd.s32 $0x40, s7;
	s7 =	simm.s32 $0x2380;
	s12 =	simm.s32 $0x6380  }
0x1a: {  	s13 =	simm.s32 $0x2080;
	s14 =	simm.s32 $0x8380;
	[dreg:$0x15] =	wrdreg s23  }
0x1b: {  	s16 =	simm.s32 $0x2180;
	s17 =	simm.s32 $0x1;
	[dreg:$0x17] =	wrdreg s24  }
0x1c: {  	s18 =	simm.s32 $0x6;
	s19 =	simm.s32 $0x2;
	[dreg:$0x18] =	wrdreg s25  }
0x1d: {  	s4 =	simm.s32 $0x0;
	s8 =	simm.s32 @!p0 $0x6;
	[dreg:$0x19] =	wrdreg s26  }
0x1e: {  	s25 =	simm.s32 $0xA380;
	s23 =	simm.s32 $0x3;
	s24 =	simm.s32 $0x8  }
0x1f: {  	s26 =	simm.s32 $0x4;
	[dreg:$0x13] =	wrdreg s8;
	s8 =	simm.s32 $0x1F80  }
.LBB2_1:
0x20: {  	[dreg:$0x1a] =	wrdreg s4  }
0x21: {  	s4 =	simm.s32 $0x0;
	s15 =	rddreg [dreg:$0x3]  }
.LBB2_2:
0x22: {  	s9 =	simm.s32 $0x0;
	s0 =	rddreg [dreg:$0x5]  }
0x23: {  	[tilespmem:s7], [sflag:$0xB] =	stream.linear.gather [hbm4b:s0+s9], $0x2000, $0x38;
	[tilespmem:$0x1FF80] =	vst v63  }
0x24: {  	_ =	swait.ge [sflag:s31], $0x2000  }
0x25: {  	[sflag:s31] =	ssyncset.done $0x0  }
0x26: {  	[sflag:s31] =	ssyncadd.s32 $0xFFFFE000  }
0x27: {  	[spmem:s22] =	stream.linear.scatter [tilespmem:s7], [sflag:$0xB], $0x2000, $0x38;
	[tilespmem:$0x1FF80] =	vst v63  }
0x28: {  	_ =	swait.ge [sflag:s31], $0x2000  }
0x29: {  	[sflag:s31] =	ssyncset.done $0x0  }
0x2a: {  	s22 =	rddreg [dreg:$0x8];
	[sflag:s31] =	ssyncadd.s32 $0xFFFFE000  }
0x2b: {  	[spmem:s22] =	stream.linear.scatter [tilespmem:s7], [sflag:$0xB], $0x2000, $0x38;
	[tilespmem:$0x1FF80] =	vst v63  }
0x2c: {  	_ =	swait.ge [sflag:s31], $0x2000  }
0x2d: {  	[sflag:s31] =	ssyncset.done $0x0  }
0x2e: {  	s22 =	rddreg [dreg:$0x9];
	[sflag:s31] =	ssyncadd.s32 $0xFFFFE000  }
0x2f: {  	[spmem:s22] =	stream.linear.scatter [tilespmem:s7], [sflag:$0xB], $0x2000, $0x38;
	[tilespmem:$0x1FF80] =	vst v63  }
0x30: {  	_ =	swait.ge [sflag:s31], $0x2000  }
0x31: {  	[sflag:s31] =	ssyncset.done $0x0  }
0x32: {  	s22 =	rddreg [dreg:$0xa];
	[sflag:s31] =	ssyncadd.s32 $0xFFFFE000  }
0x33: {  	[spmem:s22] =	stream.linear.scatter [tilespmem:s7], [sflag:$0xB], $0x2000, $0x38;
	[tilespmem:$0x1FF80] =	vst v63  }
0x34: {  	_ =	swait.ge [sflag:s31], $0x2000  }
0x35: {  	[sflag:s31] =	ssyncset.done $0x0  }
0x36: {  	s22 =	rddreg [dreg:$0xb];
	[sflag:s31] =	ssyncadd.s32 $0xFFFFE000  }
0x37: {  	[spmem:s22] =	stream.linear.scatter [tilespmem:s7], [sflag:$0xB], $0x2000, $0x38;
	[tilespmem:$0x1FF80] =	vst v63  }
0x38: {  	_ =	swait.ge [sflag:s31], $0x2000  }
0x39: {  	[sflag:s31] =	ssyncset.done $0x0  }
0x3a: {  	s22 =	rddreg [dreg:$0xc];
	[sflag:s31] =	ssyncadd.s32 $0xFFFFE000  }
0x3b: {  	[spmem:s22] =	stream.linear.scatter [tilespmem:s7], [sflag:$0xB], $0x2000, $0x38;
	[tilespmem:$0x1FF80] =	vst v63  }
0x3c: {  	_ =	swait.ge [sflag:s31], $0x2000  }
0x3d: {  	[sflag:s31] =	ssyncset.done $0x0  }
0x3e: {  	s22 =	rddreg [dreg:$0xd];
	[sflag:s31] =	ssyncadd.s32 $0xFFFFE000  }
0x3f: {  	[spmem:s22] =	stream.linear.scatter [tilespmem:s7], [sflag:$0xB], $0x2000, $0x38;
	[tilespmem:$0x1FF80] =	vst v63  }
0x40: {  	_ =	swait.ge [sflag:s31], $0x2000  }
0x41: {  	[sflag:s31] =	ssyncset.done $0x0  }
0x42: {  	s22 =	rddreg [dreg:$0xe];
	[sflag:s31] =	ssyncadd.s32 $0xFFFFE000  }
0x43: {  	[spmem:s22] =	stream.linear.scatter [tilespmem:s7], [sflag:$0xB], $0x2000, $0x38;
	[tilespmem:$0x1FF80] =	vst v63  }
0x44: {  	_ =	swait.ge [sflag:s31], $0x2000  }
0x45: {  	[sflag:s31] =	ssyncset.done $0x0  }
0x46: {  	s22 =	rddreg [dreg:$0xf];
	[sflag:s31] =	ssyncadd.s32 $0xFFFFE000  }
0x47: {  	[spmem:s22] =	stream.linear.scatter [tilespmem:s7], [sflag:$0xB], $0x2000, $0x38;
	[tilespmem:$0x1FF80] =	vst v63  }
0x48: {  	_ =	swait.ge [sflag:s31], $0x2000  }
0x49: {  	[dreg:$0x1b] =	wrdreg s4;
	[sflag:s31] =	ssyncset.done $0x0  }
0x4a: {  	s22 =	rddreg [dreg:$0x10];
	[sflag:s31] =	ssyncadd.s32 $0xFFFFE000  }
0x4b: {  	[spmem:s22] =	stream.linear.scatter [tilespmem:s7], [sflag:$0xB], $0x1C00, $0x38;
	[tilespmem:$0x1FF80] =	vst v63  }
0x4c: {  	_ =	swait.ge [sflag:s31], $0x1C00  }
0x4d: {  	s4 =	sshll.u32 s4, $0x7;
	s22 =	rddreg [dreg:$0x11];
	[sflag:s31] =	ssyncset.done $0x0  }
0x4e: {  	s0 =	sadd.s32 s22, s4;
	[sflag:s31] =	ssyncadd.s32 $0xFFFFE400  }
0x4f: {  	s0 =	sshrl.u32 s0, $0x3;
	s22 =	rddreg [dreg:$0x1]  }
0x50: {  	s4 =	simm.s32 $0x80;
	s0 =	sadd.s32 s22, s0;
	s22 =	simm.s32 $0x200  }
0x51: {  	[tilespmem:s9], [sflag:$0xB] =	stream.strided.gather [hbm4b:s0+s4], $0x1F80, s22, s4, $0x38;
	[tilespmem:$0x1FF80] =	vst v63  }
0x52: {  	_ =	swait.ge [sflag:s31], $0x1F80  }
0x53: {  	[sflag:s31] =	ssyncset.done $0x0  }
0x54: {  	[sflag:s31] =	ssyncadd.s32 $0xFFFFE080  }
0x55: {  	[bflag:$0x0] =	sbarrier.arrive $0xFFFF  }
0x56: {  	[tilespmem:s7], [sflag:$0x1] =	stream.indirect.gather [hbm4b:s6+s1], $0x80, s9, s1, $0xb8;
	[tilespmem:$0x1FF80] =	vst v63  }
0x57: {  	s22 =	rddreg [dreg:$0x12]  }
0x58: {  	[tilespmem:s8], [sflag:$0x6] =	stream.linear.gather [hbm4b:s22+s9], $0x80, $0x38;
	[tilespmem:$0x1FF80] =	vst v63  }
0x59: {  	_ = 	snop  }
0x5a: {  	[tilespmem:s10], [sflag:$0x2] =	stream.indirect.gather [hbm4b:s6+s1], $0x80, s1, s1, $0xb8;
	[tilespmem:$0x1FF80] =	vst v63  }
0x5b: {  	s22 =	rddreg [dreg:$0x15]  }
0x5c: {  	[tilespmem:s11], [sflag:$0x7] =	stream.linear.gather [hbm4b:s22+s9], $0x80, $0x38;
	[tilespmem:$0x1FF80] =	vst v63  }
0x5d: {  	_ = 	snop  }
0x5e: {  	[tilespmem:s12], [sflag:$0x3] =	stream.indirect.gather [hbm4b:s6+s1], $0x80, s4, s1, $0xb8;
	[tilespmem:$0x1FF80] =	vst v63  }
0x5f: {  	s4 =	rddreg [dreg:$0x17]  }
0x60: {  	[tilespmem:s13], [sflag:$0x8] =	stream.linear.gather [hbm4b:s4+s9], $0x80, $0x38;
	[tilespmem:$0x1FF80] =	vst v63  }
0x61: {  	s22 =	simm.s32 $0xC0  }
0x62: {  	[tilespmem:s14], [sflag:$0x4] =	stream.indirect.gather [hbm4b:s6+s1], $0x80, s22, s1, $0xb8;
	[tilespmem:$0x1FF80] =	vst v63  }
0x63: {  	s4 =	rddreg [dreg:$0x18]  }
0x64: {  	[tilespmem:s2], [sflag:$0x9] =	stream.linear.gather [hbm4b:s4+s9], $0x80, $0x38;
	[tilespmem:$0x1FF80] =	vst v63  }
0x65: {  	s22 =	simm.s32 $0x100  }
0x66: {  	[tilespmem:s25], [sflag:$0x5] =	stream.indirect.gather [hbm4b:s6+s1], $0x80, s22, s1, $0xb8;
	[tilespmem:$0x1FF80] =	vst v63  }
0x67: {  	s4 =	rddreg [dreg:$0x19]  }
0x68: {  	[tilespmem:s16], [sflag:$0xA] =	stream.linear.gather [hbm4b:s4+s9], $0x80, $0x38;
	[tilespmem:$0x1FF80] =	vst v63  }
0x69: {  	_ =	swait.ge [sflag:s17], $0x2000  }
0x6a: {  	[sflag:s17] =	ssyncset.done $0x0  }
0x6b: {  	[sflag:s17] =	ssyncadd.s32 $0xFFFFE000  }
0x6c: {  	_ =	swait.ge [sflag:s18], $0x80  }
0x6d: {  	s0 =	simm.s32 $0x280;
	[sflag:s18] =	ssyncset.done $0x0  }
0x6e: {  	s22 =	sand.u32 $0xFFFFFC00, s0;
	[sflag:s18] =	ssyncadd.s32 $0xFFFFFF80  }
0x6f: {  	[spmem:s15] =	stream.indirect.scatter.add.f32 [tilespmem:s7], [sflag:$0xB], $0x80, s8, s1, $0xb8;
	[tilespmem:$0x1FF80] =	vst v63  }
0x70: {  	s4 =	sadd.s32 s20, s22;
	s17 =	sand.u32 $0x380, s0;
	_ =	swait.ge [sflag:s31], $0x2000  }
0x71: {  	s4 =	sor.u32 s17, s4;
	[sflag:s31] =	ssyncset.done $0x0  }
0x72: {  	s4 =	sshrl.u32 s4, $0x3;
	s18 =	simm.s32 $0x140;
	[sflag:s31] =	ssyncadd.s32 $0xFFFFE000  }
0x73: {  	[tilespmem:s7], [sflag:$0x1] =	stream.indirect.gather [hbm4b:s6+s1], $0x80, s18, s1, $0xb8;
	[tilespmem:$0x1FF80] =	vst v63  }
0x74: {  	s4 =	sadd.s32 s3, s4  }
0x75: {  	[tilespmem:s8], [sflag:$0x6] =	stream.linear.gather [hbm4b:s4+s5], $0x80, $0x38;
	[tilespmem:$0x1FF80] =	vst v63  }
0x76: {  	_ =	swait.ge [sflag:s19], $0x2000  }
0x77: {  	[sflag:s19] =	ssyncset.done $0x0  }
0x78: {  	[sflag:s19] =	ssyncadd.s32 $0xFFFFE000  }
0x79: {  	_ =	swait.ge [sflag:s21], $0x80  }
0x7a: {  	s19 =	simm.s32 $0x300;
	[sflag:s21] =	ssyncset.done $0x0  }
0x7b: {  	s8 =	sand.u32 $0xFFFFFC00, s19;
	[sflag:s21] =	ssyncadd.s32 $0xFFFFFF80  }
0x7c: {  	[spmem:s15] =	stream.indirect.scatter.add.f32 [tilespmem:s10], [sflag:$0xB], $0x80, s11, s1, $0xb8;
	[tilespmem:$0x1FF80] =	vst v63  }
0x7d: {  	s4 =	sand.u32 $0x380, s19;
	s22 =	sadd.s32 s20, s8;
	_ =	swait.ge [sflag:s31], $0x2000  }
0x7e: {  	s4 =	sor.u32 s4, s22;
	[sflag:s31] =	ssyncset.done $0x0  }
0x7f: {  	s17 =	simm.s32 $0x180;
	s4 =	sshrl.u32 s4, $0x3;
	[sflag:s31] =	ssyncadd.s32 $0xFFFFE000  }
0x80: {  	[tilespmem:s10], [sflag:$0x2] =	stream.indirect.gather [hbm4b:s6+s1], $0x80, s17, s1, $0xb8;
	[tilespmem:$0x1FF80] =	vst v63  }
0x81: {  	s4 =	sadd.s32 s3, s4  }
0x82: {  	[tilespmem:s11], [sflag:$0x7] =	stream.linear.gather [hbm4b:s4+s5], $0x80, $0x38;
	[tilespmem:$0x1FF80] =	vst v63  }
0x83: {  	_ =	swait.ge [sflag:s23], $0x2000  }
0x84: {  	[sflag:s23] =	ssyncset.done $0x0  }
0x85: {  	[sflag:s23] =	ssyncadd.s32 $0xFFFFE000  }
0x86: {  	_ =	swait.ge [sflag:s24], $0x80  }
0x87: {  	s18 =	simm.s32 $0x380;
	[sflag:s24] =	ssyncset.done $0x0  }
0x88: {  	s19 =	sand.u32 $0xFFFFFC00, s18;
	[sflag:s24] =	ssyncadd.s32 $0xFFFFFF80  }
0x89: {  	[spmem:s15] =	stream.indirect.scatter.add.f32 [tilespmem:s12], [sflag:$0xB], $0x80, s13, s1, $0xb8;
	[tilespmem:$0x1FF80] =	vst v63  }
0x8a: {  	s22 =	sadd.s32 s20, s19;
	s4 =	sand.u32 $0x380, s18;
	_ =	swait.ge [sflag:s31], $0x2000  }
0x8b: {  	s4 =	sor.u32 s4, s22;
	[sflag:s31] =	ssyncset.done $0x0  }
0x8c: {  	s21 =	simm.s32 $0x1C0;
	s4 =	sshrl.u32 s4, $0x3;
	[sflag:s31] =	ssyncadd.s32 $0xFFFFE000  }
0x8d: {  	[tilespmem:s12], [sflag:$0x3] =	stream.indirect.gather [hbm4b:s6+s1], $0x80, s21, s1, $0xb8;
	[tilespmem:$0x1FF80] =	vst v63  }
0x8e: {  	s4 =	sadd.s32 s3, s4  }
0x8f: {  	[tilespmem:s13], [sflag:$0x8] =	stream.linear.gather [hbm4b:s4+s5], $0x80, $0x38;
	[tilespmem:$0x1FF80] =	vst v63  }
0x90: {  	_ =	swait.ge [sflag:s26], $0x2000  }
0x91: {  	[sflag:s26] =	ssyncset.done $0x0  }
0x92: {  	[sflag:s26] =	ssyncadd.s32 $0xFFFFE000  }
0x93: {  	_ =	swait.ge [sflag:s28], $0x80  }
0x94: {  	s23 =	simm.s32 $0x400;
	[sflag:s28] =	ssyncset.done $0x0  }
0x95: {  	s4 =	sand.u32 $0xFFFFFC00, s23;
	[sflag:s28] =	ssyncadd.s32 $0xFFFFFF80  }
0x96: {  	[spmem:s15] =	stream.indirect.scatter.add.f32 [tilespmem:s14], [sflag:$0xB], $0x80, s2, s1, $0xb8;
	[tilespmem:$0x1FF80] =	vst v63  }
0x97: {  	s9 =	sand.u32 $0x380, s9;
	s4 =	sadd.s32 s20, s4;
	_ =	swait.ge [sflag:s31], $0x2000  }
0x98: {  	s8 =	simm.s32 $0x2080;
	s4 =	sor.u32 s9, s4;
	[sflag:s31] =	ssyncset.done $0x0  }
0x99: {  	s24 =	simm.s32 $0x200;
	s4 =	sshrl.u32 s4, $0x3;
	[sflag:s31] =	ssyncadd.s32 $0xFFFFE000  }
0x9a: {  	[tilespmem:s14], [sflag:$0x4] =	stream.indirect.gather [hbm4b:s6+s1], $0x80, s24, s1, $0xb8;
	[tilespmem:$0x1FF80] =	vst v63  }
0x9b: {  	s19 =	simm.s32 $0x2;
	s17 =	simm.s32 $0x1;
	s4 =	sadd.s32 s3, s4  }
0x9c: {  	[tilespmem:s2], [sflag:$0x9] =	stream.linear.gather [hbm4b:s4+s5], $0x80, $0x38;
	[tilespmem:$0x1FF80] =	vst v63  }
0x9d: {  	s10 =	smov.u32 s15;
	s18 =	simm.s32 $0x6;
	_ =	swait.ge [sflag:s29], $0x2000  }
0x9e: {  	s11 =	simm.s32 $0x6380;
	s12 =	simm.s32 $0x8380;
	[sflag:s29] =	ssyncset.done $0x0  }
0x9f: {  	s21 =	simm.s32 $0x7;
	s13 =	simm.s32 $0x2100;
	[sflag:s29] =	ssyncadd.s32 $0xFFFFE000  }
0xa0: {  	s23 =	simm.s32 $0x3;
	s9 =	simm.s32 $0x240;
	_ =	swait.ge [sflag:s30], $0x80  }
0xa1: {  	s28 =	simm.s32 $0x9;
	s24 =	simm.s32 $0x8;
	s26 =	rddreg [dreg:$0x13]  }
0xa2: {  	s14 =	simm.s32 $0x0;
	s2 =	simm.s32 $0x4380;
	p0 =	sne.s32 s26, $0x1  }
.Ltmp0:
0xa3: {  	s29 =	simm.s32 $0x480;
	[sflag:s30] =	ssyncset.done $0x0;
	(pc) =	sbr.rel @!p0 .LBB2_4-.Ltmp0, $4  }
0xa4: {  	s5 =	simm.s32 $0x2000;
	s4 =	sand.u32 $0xFFFFFC00, s29;
	[sflag:s30] =	ssyncadd.s32 $0xFFFFFF80  }
0xa5: {  	s22 =	sadd.s32 $0xFFFFFFFF, s26;
	s26 =	simm.s32 $0x4;
	s30 =	sand.u32 $0x380, s29  }
0xa6: {  	[spmem:s15] =	stream.indirect.scatter.add.f32 [tilespmem:s25], [sflag:$0xB], $0x80, s16, s1, $0xb8;
	[tilespmem:$0x1FF80] =	vst v63  }
0xa7: {  	s29 =	simm.s32 $0x240;
	s16 =	simm.s32 $0x1F80;
	_ =	swait.ge [sflag:s31], $0x2000  }
.LBB2_3:
0xa8: {  	[sflag:s31] =	ssyncset.done $0x0;
	s4 =	sadd.s32 s20, s4  }
0xa9: {  	[sflag:s31] =	ssyncadd.s32 $0xFFFFE000;
	s4 =	sor.u32 s30, s4  }
0xaa: {  	[tilespmem:s25], [sflag:$0x5] =	stream.indirect.gather [hbm4b:s6+s1], $0x80, s9, s1, $0xb8;
	[tilespmem:$0x1FF80] =	vst v63  }
0xab: {  	s4 =	sshrl.u32 s4, $0x3  }
0xac: {  	s15 =	simm.s32 $0x2180;
	s4 =	sadd.s32 s3, s4  }
0xad: {  	[tilespmem:s15], [sflag:$0xA] =	stream.linear.gather [hbm4b:s4+s14], $0x80, $0x38;
	[tilespmem:$0x1FF80] =	vst v63  }
0xae: {  	_ =	swait.ge [sflag:s17], $0x2000  }
0xaf: {  	[sflag:s17] =	ssyncset.done $0x0  }
0xb0: {  	[sflag:s17] =	ssyncadd.s32 $0xFFFFE000  }
0xb1: {  	_ =	swait.ge [sflag:s18], $0x80  }
0xb2: {  	s30 =	smov.u32 s0;
	s0 =	sadd.s32 $0x280, s0;
	[sflag:s18] =	ssyncset.done $0x0  }
0xb3: {  	s2 =	simm.s32 $0x1F80;
	s8 =	sand.u32 $0xFFFFFC00, s0;
	[sflag:s18] =	ssyncadd.s32 $0xFFFFFF80  }
0xb4: {  	[spmem:s10] =	stream.indirect.scatter.add.f32 [tilespmem:s7], [sflag:$0xB], $0x80, s2, s1, $0xb8;
	[tilespmem:$0x1FF80] =	vst v63  }
0xb5: {  	s11 =	sand.u32 $0x380, s0;
	s4 =	sadd.s32 s20, s8;
	_ =	swait.ge [sflag:s31], $0x2000  }
0xb6: {  	s29 =	sadd.s32 $0x140, s29;
	s4 =	sor.u32 s11, s4;
	[sflag:s31] =	ssyncset.done $0x0  }
0xb7: {  	s12 =	sadd.s32 $0xFFFFFF00, s29;
	s4 =	sshrl.u32 s4, $0x3;
	[sflag:s31] =	ssyncadd.s32 $0xFFFFE000  }
0xb8: {  	[tilespmem:s7], [sflag:$0x1] =	stream.indirect.gather [hbm4b:s6+s1], $0x80, s12, s1, $0xb8;
	[tilespmem:$0x1FF80] =	vst v63  }
0xb9: {  	s4 =	sadd.s32 s3, s4  }
0xba: {  	[tilespmem:s2], [sflag:$0x6] =	stream.linear.gather [hbm4b:s4+s14], $0x80, $0x38;
	[tilespmem:$0x1FF80] =	vst v63  }
0xbb: {  	_ =	swait.ge [sflag:s19], $0x2000  }
0xbc: {  	[sflag:s19] =	ssyncset.done $0x0  }
0xbd: {  	[sflag:s19] =	ssyncadd.s32 $0xFFFFE000  }
0xbe: {  	_ =	swait.ge [sflag:s21], $0x80  }
0xbf: {  	s5 =	simm.s32 $0x4380;
	s13 =	sadd.s32 $0x300, s30;
	[sflag:s21] =	ssyncset.done $0x0  }
0xc0: {  	s8 =	simm.s32 $0x2000;
	s2 =	sand.u32 $0xFFFFFC00, s13;
	[sflag:s21] =	ssyncadd.s32 $0xFFFFFF80  }
0xc1: {  	[spmem:s10] =	stream.indirect.scatter.add.f32 [tilespmem:s5], [sflag:$0xB], $0x80, s8, s1, $0xb8;
	[tilespmem:$0x1FF80] =	vst v63  }
0xc2: {  	s4 =	sand.u32 $0x380, s13;
	s25 =	sadd.s32 s20, s2;
	_ =	swait.ge [sflag:s31], $0x2000  }
0xc3: {  	s4 =	sor.u32 s4, s25;
	[sflag:s31] =	ssyncset.done $0x0  }
0xc4: {  	s4 =	sshrl.u32 s4, $0x3;
	s10 =	sadd.s32 $0xFFFFFF40, s29;
	[sflag:s31] =	ssyncadd.s32 $0xFFFFE000  }
0xc5: {  	[tilespmem:s5], [sflag:$0x2] =	stream.indirect.gather [hbm4b:s6+s1], $0x80, s10, s1, $0xb8;
	[tilespmem:$0x1FF80] =	vst v63  }
0xc6: {  	s4 =	sadd.s32 s3, s4  }
0xc7: {  	[tilespmem:s8], [sflag:$0x7] =	stream.linear.gather [hbm4b:s4+s14], $0x80, $0x38;
	[tilespmem:$0x1FF80] =	vst v63  }
0xc8: {  	_ =	swait.ge [sflag:s23], $0x2000  }
0xc9: {  	[sflag:s23] =	ssyncset.done $0x0  }
0xca: {  	[sflag:s23] =	ssyncadd.s32 $0xFFFFE000  }
0xcb: {  	s11 =	sadd.s32 $0x380, s30;
	_ =	swait.ge [sflag:s24], $0x80  }
0xcc: {  	s12 =	sand.u32 $0xFFFFFC00, s11;
	[sflag:s24] =	ssyncset.done $0x0  }
0xcd: {  	s25 =	sadd.s32 s20, s12;
	[sflag:s24] =	ssyncadd.s32 $0xFFFFFF80  }
0xce: {  	s12 =	simm.s32 $0x2080;
	s10 =	simm.s32 $0x6380;
	s13 =	rddreg [dreg:$0x3]  }
0xcf: {  	[spmem:s13] =	stream.indirect.scatter.add.f32 [tilespmem:s10], [sflag:$0xB], $0x80, s12, s1, $0xb8;
	[tilespmem:$0x1FF80] =	vst v63  }
0xd0: {  	s4 =	sand.u32 $0x380, s11;
	_ =	swait.ge [sflag:s31], $0x2000  }
0xd1: {  	s4 =	sor.u32 s4, s25;
	[sflag:s31] =	ssyncset.done $0x0  }
0xd2: {  	s8 =	sadd.s32 $0xFFFFFF80, s29;
	s4 =	sshrl.u32 s4, $0x3;
	[sflag:s31] =	ssyncadd.s32 $0xFFFFE000  }
0xd3: {  	[tilespmem:s10], [sflag:$0x3] =	stream.indirect.gather [hbm4b:s6+s1], $0x80, s8, s1, $0xb8;
	[tilespmem:$0x1FF80] =	vst v63  }
0xd4: {  	s4 =	sadd.s32 s3, s4  }
0xd5: {  	[tilespmem:s12], [sflag:$0x8] =	stream.linear.gather [hbm4b:s4+s14], $0x80, $0x38;
	[tilespmem:$0x1FF80] =	vst v63  }
0xd6: {  	_ =	swait.ge [sflag:s26], $0x2000  }
0xd7: {  	[sflag:s26] =	ssyncset.done $0x0  }
0xd8: {  	[sflag:s26] =	ssyncadd.s32 $0xFFFFE000  }
0xd9: {  	_ =	swait.ge [sflag:s28], $0x80  }
0xda: {  	[sflag:s28] =	ssyncset.done $0x0  }
0xdb: {  	s13 =	sadd.s32 $0x400, s30;
	s10 =	simm.s32 $0x2100;
	[sflag:s28] =	ssyncadd.s32 $0xFFFFFF80  }
0xdc: {  	s4 =	sand.u32 $0xFFFFFC00, s13;
	s13 =	simm.s32 $0x8380;
	s25 =	rddreg [dreg:$0x3]  }
0xdd: {  	[spmem:s25] =	stream.indirect.scatter.add.f32 [tilespmem:s13], [sflag:$0xB], $0x80, s10, s1, $0xb8;
	[tilespmem:$0x1FF80] =	vst v63  }
0xde: {  	s12 =	sand.u32 $0x380, s30;
	s4 =	sadd.s32 s20, s4;
	_ =	swait.ge [sflag:s31], $0x2000  }
0xdf: {  	s4 =	sor.u32 s12, s4;
	[sflag:s31] =	ssyncset.done $0x0  }
0xe0: {  	s4 =	sshrl.u32 s4, $0x3;
	s25 =	sadd.s32 $0xFFFFFFC0, s29;
	[sflag:s31] =	ssyncadd.s32 $0xFFFFE000  }
0xe1: {  	[tilespmem:s13], [sflag:$0x4] =	stream.indirect.gather [hbm4b:s6+s1], $0x80, s25, s1, $0xb8;
	[tilespmem:$0x1FF80] =	vst v63  }
0xe2: {  	p0 =	sne.s32 s22, $0x1;
	s7 =	simm.s32 $0x5;
	s4 =	sadd.s32 s3, s4  }
0xe3: {  	[tilespmem:s10], [sflag:$0x9] =	stream.linear.gather [hbm4b:s4+s14], $0x80, $0x38;
	[tilespmem:$0x1FF80] =	vst v63  }
0xe4: {  	s22 =	sadd.s32 $0xFFFFFFFF, s22;
	s10 =	rddreg [dreg:$0x3];
	_ =	swait.ge [sflag:s7], $0x2000  }
0xe5: {  	s16 =	simm.s32 $0x1F80;
	s9 =	smov.u32 s29;
	[sflag:s7] =	ssyncset.done $0x0  }
0xe6: {  	s2 =	simm.s32 $0x4380;
	[sflag:s7] =	ssyncadd.s32 $0xFFFFE000;
	s7 =	simm.s32 $0xA  }
0xe7: {  	s5 =	simm.s32 $0x2000;
	s11 =	simm.s32 $0x6380;
	_ =	swait.ge [sflag:s7], $0x80  }
.Ltmp1:
0xe8: {  	s8 =	simm.s32 $0x2080;
	[sflag:s7] =	ssyncset.done $0x0;
	(pc) =	sbr.rel @p0 .LBB2_3-.Ltmp1, $4  }
0xe9: {  	s25 =	simm.s32 $0xA380;
	[sflag:s7] =	ssyncadd.s32 $0xFFFFFF80;
	s7 =	sadd.s32 $0x480, s30  }
0xea: {  	[spmem:s10] =	stream.indirect.scatter.add.f32 [tilespmem:s25], [sflag:$0xB], $0x80, s15, s1, $0xb8;
	[tilespmem:$0x1FF80] =	vst v63  }
0xeb: {  	s12 =	simm.s32 $0x8380;
	s13 =	simm.s32 $0x2100;
	s4 =	sand.u32 $0xFFFFFC00, s7  }
0xec: {  	s30 =	sand.u32 $0x380, s7;
	s7 =	simm.s32 $0x2380;
	_ =	swait.ge [sflag:s31], $0x2000  }
.LBB2_4:
0xed: {  	[sflag:s31] =	ssyncset.done $0x0;
	s0 =	sadd.s32 s20, s4  }
0xee: {  	[sflag:s31] =	ssyncadd.s32 $0xFFFFE000;
	s0 =	sor.u32 s30, s0  }
0xef: {  	[tilespmem:s25], [sflag:$0x5] =	stream.indirect.gather [hbm4b:s6+s1], $0x80, s9, s1, $0xb8;
	[tilespmem:$0x1FF80] =	vst v63  }
0xf0: {  	s0 =	sshrl.u32 s0, $0x3  }
0xf1: {  	s15 =	simm.s32 $0x2180;
	s0 =	sadd.s32 s3, s0  }
0xf2: {  	[tilespmem:s15], [sflag:$0xA] =	stream.linear.gather [hbm4b:s0+s14], $0x80, $0x38;
	[tilespmem:$0x1FF80] =	vst v63  }
0xf3: {  	_ =	swait.ge [sflag:s17], $0x2000  }
0xf4: {  	[sflag:s17] =	ssyncset.done $0x0  }
0xf5: {  	[sflag:s17] =	ssyncadd.s32 $0xFFFFE000  }
0xf6: {  	_ =	swait.ge [sflag:s18], $0x80  }
0xf7: {  	[sflag:s18] =	ssyncset.done $0x0  }
0xf8: {  	[sflag:s18] =	ssyncadd.s32 $0xFFFFFF80  }
0xf9: {  	[spmem:s10] =	stream.indirect.scatter.add.f32 [tilespmem:s7], [sflag:$0xB], $0x80, s16, s1, $0xb8;
	[tilespmem:$0x1FF80] =	vst v63  }
0xfa: {  	_ =	swait.ge [sflag:s31], $0x2000  }
0xfb: {  	[sflag:s31] =	ssyncset.done $0x0  }
0xfc: {  	[sflag:s31] =	ssyncadd.s32 $0xFFFFE000  }
0xfd: {  	_ =	swait.ge [sflag:s19], $0x2000  }
0xfe: {  	[sflag:s19] =	ssyncset.done $0x0  }
0xff: {  	[sflag:s19] =	ssyncadd.s32 $0xFFFFE000  }
0x100: {  	_ =	swait.ge [sflag:s21], $0x80  }
0x101: {  	[sflag:s21] =	ssyncset.done $0x0  }
0x102: {  	[sflag:s21] =	ssyncadd.s32 $0xFFFFFF80  }
0x103: {  	[spmem:s10] =	stream.indirect.scatter.add.f32 [tilespmem:s2], [sflag:$0xB], $0x80, s5, s1, $0xb8;
	[tilespmem:$0x1FF80] =	vst v63  }
0x104: {  	_ =	swait.ge [sflag:s31], $0x2000  }
0x105: {  	[sflag:s31] =	ssyncset.done $0x0  }
0x106: {  	[sflag:s31] =	ssyncadd.s32 $0xFFFFE000  }
0x107: {  	_ =	swait.ge [sflag:s23], $0x2000  }
0x108: {  	[sflag:s23] =	ssyncset.done $0x0  }
0x109: {  	[sflag:s23] =	ssyncadd.s32 $0xFFFFE000  }
0x10a: {  	_ =	swait.ge [sflag:s24], $0x80  }
0x10b: {  	[sflag:s24] =	ssyncset.done $0x0  }
0x10c: {  	[sflag:s24] =	ssyncadd.s32 $0xFFFFFF80  }
0x10d: {  	[spmem:s10] =	stream.indirect.scatter.add.f32 [tilespmem:s11], [sflag:$0xB], $0x80, s8, s1, $0xb8;
	[tilespmem:$0x1FF80] =	vst v63  }
0x10e: {  	_ =	swait.ge [sflag:s31], $0x2000  }
0x10f: {  	[sflag:s31] =	ssyncset.done $0x0  }
0x110: {  	[sflag:s31] =	ssyncadd.s32 $0xFFFFE000  }
0x111: {  	_ =	swait.ge [sflag:s26], $0x2000  }
0x112: {  	[sflag:s26] =	ssyncset.done $0x0  }
0x113: {  	[sflag:s26] =	ssyncadd.s32 $0xFFFFE000  }
0x114: {  	_ =	swait.ge [sflag:s28], $0x80  }
0x115: {  	[sflag:s28] =	ssyncset.done $0x0  }
0x116: {  	[sflag:s28] =	ssyncadd.s32 $0xFFFFFF80  }
0x117: {  	[spmem:s10] =	stream.indirect.scatter.add.f32 [tilespmem:s12], [sflag:$0xB], $0x80, s13, s1, $0xb8;
	[tilespmem:$0x1FF80] =	vst v63  }
0x118: {  	_ =	swait.ge [sflag:s31], $0x2000  }
0x119: {  	[sflag:s31] =	ssyncset.done $0x0  }
0x11a: {  	s17 =	simm.s32 $0x5;
	[sflag:s31] =	ssyncadd.s32 $0xFFFFE000  }
0x11b: {  	_ =	swait.ge [sflag:s17], $0x2000  }
0x11c: {  	[sflag:s17] =	ssyncset.done $0x0  }
0x11d: {  	s18 =	simm.s32 $0xA;
	[sflag:s17] =	ssyncadd.s32 $0xFFFFE000  }
0x11e: {  	_ =	swait.ge [sflag:s18], $0x80  }
0x11f: {  	[sflag:s18] =	ssyncset.done $0x0  }
0x120: {  	s29 =	simm.s32 $0x5;
	s30 =	simm.s32 $0xA;
	[sflag:s18] =	ssyncadd.s32 $0xFFFFFF80  }
0x121: {  	[spmem:s10] =	stream.indirect.scatter.add.f32 [tilespmem:s25], [sflag:$0xB], $0x80, s15, s1, $0xb8;
	[tilespmem:$0x1FF80] =	vst v63  }
0x122: {  	s14 =	simm.s32 $0x8380;
	s7 =	simm.s32 $0x2380;
	_ =	swait.ge [sflag:s31], $0x2000  }
0x123: {  	s16 =	simm.s32 $0x2180;
	s19 =	rddreg [dreg:$0x1b];
	[sflag:s31] =	ssyncset.done $0x0  }
0x124: {  	s2 =	simm.s32 $0x2100;
	s21 =	smul.u32 $0x13C000, s19;
	[sflag:s31] =	ssyncadd.s32 $0xFFFFE000  }
0x125: {  	s5 =	simm.s32 $0x0;
	s22 =	rddreg [dreg:$0x14];
	[bflag:$0x0] =	sbarrier.arrive $0xFFFF  }
0x126: {  	s23 =	stileid.u32;
	s0 =	sadd.s32 s21, s22;
	s24 =	rddreg [dreg:$0x6]  }
0x127: {  	s4 =	sshll.u32 s23, $0x6;
	s22 =	rddreg [dreg:$0x7];
	s0 =	sshrl.u32 s0, $0x3  }
0x128: {  	s4 =	sor.u32 $0x1C0B, s4;
	s26 =	sshrl.u32 s22, $0x3;
	s0 =	sadd.s32 s24, s0  }
0x129: {  	[hbm:s0], [sflag:s4] =	dma.local [spmem:s26], $0x2780  }
0x12a: {  	s23 =	simm.s32 $0x3;
	s8 =	simm.s32 $0x1F80;
	s4 =	sadd.s32 $0x1, s19  }
0x12b: {  	s11 =	simm.s32 $0x2000;
	s28 =	simm.s32 $0x9;
	p0 =	sne.s32 s4, $0x4  }
.Ltmp2:
0x12c: {  	s12 =	simm.s32 $0x6380;
	_ =	swait.ge [sflag:s31], $0x2780;
	(pc) =	sbr.rel @p0 .LBB2_2-.Ltmp2, $4  }
0x12d: {  	s13 =	simm.s32 $0x2080;
	s17 =	simm.s32 $0x1;
	[sflag:s31] =	ssyncset.done $0x0  }
0x12e: {  	s18 =	simm.s32 $0x6;
	s15 =	smov.u32 s10;
	[sflag:s31] =	ssyncadd.s32 $0xFFFFD880  }
0x12f: {  	s10 =	simm.s32 $0x4380;
	s21 =	simm.s32 $0x7;
	[bflag:$0x0] =	sbarrier.arrive $0xFFFF  }
0x130: {  	s24 =	simm.s32 $0x8;
	s19 =	simm.s32 $0x2;
	s26 =	simm.s32 $0x4  }
0x131: {  	s4 =	rddreg [dreg:$0x1a]  }
0x132: {  	s0 =	rddreg [dreg:$0x16];
	s4 =	sadd.s32 $0x1, s4  }
0x133: {  	p0 =	sne.s32 s4, s0  }
.Ltmp3:
0x134: {  	_ = 	snop;
	(pc) =	sbr.rel @p0 .LBB2_1-.Ltmp3, $1  }
0x135: {  	_ =	sdelay $0x3  }
0x136: {  	_ =	sfence.sel $0x180000  }
0x137: {  	[bflag:$0x0] =	sbarrier.arrive $0xFFFF  }
0x138: {  	_ =	strace $0x9000004A  }
0x139: {  	s0 =	stileid.u32;
	[bflag:$0x2] =	sbarrier.arrive $0xFFFF  }
0x13a: {  	p0 =	sne.s32 s0, $0x0;
	s0 =	rddreg [dreg:$0x4]  }
0x13b: {  	s0 =	sadd.s32 @!p0 $0x100000, s0  }
0x13c: {  	[sflag:s0] =	ssyncadd.tile.s32 @!p0 $0x1;
	_ =	shalt  }
.Lfunc_end2:
_tile_overlayer_lowered:
.L_overlay_start_2:
0x13d: {  	(tag) =	ssettag $0x2  }
0x13e: {  	s0 =	rddreg [dreg:$0x0];
	s2 =	stileid.u32  }
0x13f: {  	s1 =	rddreg [dreg:$0x1];
	p0 =	sne.s32 s2, $0x0  }
0x140: {  	s3 =	rddreg [dreg:$0x2];
	[bflag:$0x3] =	sbarrier.arrive $0xFFFF;
	s2 =	simm.s32 @!p0 $0x1C0B  }
0x141: {  	[timem:s3], [sflag:s2] =	dma.local @!p0 [hbm:s0], s1  }
0x142: {  	s0 =	simm.s32 @!p0 $0xB  }
0x143: {  	_ =	swait.ge @!p0 [sflag:s0], s1  }
0x144: {  	s1 =	ssub.s32 @!p0 $0x0, s1;
	[sflag:s0] =	ssyncset.done @!p0 $0x0  }
0x145: {  	[sflag:s0] =	ssyncadd.s32 @!p0 s1  }
0x146: {  	[bflag:$0x3] =	sbarrier.arrive $0xFFFF  }
0x147: {  	_ =	shalt  }

</sc_bundles>
